<compile_context>
chip_gen: v7x
topology: tpu7x:2x2x1
jax: 0.10.2.dev20260603
libtpu: 0.0.44.dev20260713+nightly
codegen_flags: <defaults>
</compile_context>

<pallas_src>
import jax
import jax.numpy as jnp
from jax import lax
from jax.experimental import pallas as pl
from jax.experimental.pallas import tpu as pltpu
from jax.experimental.pallas import tpu_sc as plsc

B = 4096
L = 200
EMBED = 64
_HALF = L // 2
_NBUF = 4
_LOOK = 2

_info = plsc.get_sparse_core_info()
_NC, _NS = _info.num_cores, _info.num_subcores
_NW = _NC * _NS
_SEQ_PER_W = B // _NW


def _embed_body(x_hbm, tok_hbm, pos_hbm, out_hbm, idx_v, pos_v, rows_v,
                gsem, osem):
    wid = lax.axis_index("s") * _NC + lax.axis_index("c")
    base = wid * _SEQ_PER_W
    pltpu.sync_copy(x_hbm.at[pl.ds(base, _SEQ_PER_W)], idx_v)
    pltpu.sync_copy(pos_hbm.at[pl.ds(0, L)], pos_v)

    def issue_gather(s, b):
        pltpu.async_copy(tok_hbm.at[idx_v.at[s, 0]],
                         rows_v.at[b, pl.ds(0, _HALF)], gsem.at[b])
        pltpu.async_copy(tok_hbm.at[idx_v.at[s, 1]],
                         rows_v.at[b, pl.ds(_HALF, _HALF)], gsem.at[b])

    def wait_gather(s, b):
        pltpu.make_async_copy(tok_hbm.at[idx_v.at[s, 0]],
                              rows_v.at[b, pl.ds(0, _HALF)], gsem.at[b]).wait()
        pltpu.make_async_copy(tok_hbm.at[idx_v.at[s, 1]],
                              rows_v.at[b, pl.ds(_HALF, _HALF)],
                              gsem.at[b]).wait()

    def issue_out(s, b):
        pltpu.async_copy(rows_v.at[b], out_hbm.at[base + s], osem.at[b])

    def wait_out(b):
        pltpu.make_async_copy(rows_v.at[b], out_hbm.at[base], osem.at[b]).wait()

    def compute(b):
        def add_rows(r4, c):
            for u in range(4):
                r = r4 * 4 + u
                for d in range(EMBED // 16):
                    sl = pl.ds(d * 16, 16)
                    rows_v[b, r, sl] = rows_v[b, r, sl] + pos_v[r, sl]
            return c
        lax.fori_loop(0, L // 4, add_rows, 0)

    def step(s, b, skip_out_wait):
        nb = (b + _LOOK) % _NBUF
        if skip_out_wait:
            issue_gather(s + _LOOK, nb)
        else:
            @pl.when(s + _LOOK < _SEQ_PER_W)
            def _():
                wait_out(nb)
                issue_gather(s + _LOOK, nb)
        wait_gather(s, b)
        compute(b)
        issue_out(s, b)

    issue_gather(0, 0)
    issue_gather(1, 1)
    for b in range(_NBUF):
        step(b, b, skip_out_wait=(b < _LOOK))

    def group(g, c):
        for b in range(_NBUF):
            step(g * _NBUF + b, b, skip_out_wait=False)
        return c

    lax.fori_loop(1, _SEQ_PER_W // _NBUF, group, 0)

    for b in range(_NBUF):
        wait_out(b)


def kernel(x, tok_table, pos_table):
    x3 = x.astype(jnp.int32).reshape(B, 2, _HALF)
    mesh = plsc.VectorSubcoreMesh(core_axis_name="c", subcore_axis_name="s")
    f = pl.kernel(
        _embed_body,
        mesh=mesh,
        out_type=jax.ShapeDtypeStruct((B, L, EMBED), jnp.float32),
        scratch_types=[
            pltpu.VMEM((_SEQ_PER_W, 2, _HALF), jnp.int32),
            pltpu.VMEM((L, EMBED), jnp.float32),
            pltpu.VMEM((_NBUF, L, EMBED), jnp.float32),
            pltpu.SemaphoreType.DMA((_NBUF,)),
            pltpu.SemaphoreType.DMA((_NBUF,)),
        ],
        compiler_params=pltpu.CompilerParams(use_tc_tiling_on_sc=False),
    )
    return f(x3, tok_table, pos_table)

# --- scband reference (transcript-rebuilt; emitter-appended) ---
"""Pipeline reference for scband-embed-76081050681685 (READ-ONLY COPY).

The authoritative reference and input builder live on the scoring server;
editing this copy changes nothing except your own understanding.
"""

import jax, jax.numpy as jnp
import numpy as np

VOCAB = 1000000
EMBED = 64
MAX_CTX = 2048
B = 4096
L = 200

def setup_inputs(seed: int = 0) -> dict:
    key = jax.random.key(seed)
    k1, k2, k3 = jax.random.split(key, 3)
    x = jax.random.randint(k1, (B, L), 0, VOCAB, dtype=jnp.int64 if jax.config.jax_enable_x64 else jnp.int32)
    tok_table = jax.random.normal(k2, (VOCAB, EMBED), dtype=jnp.float32)
    pos_table = jax.random.normal(k3, (MAX_CTX, EMBED), dtype=jnp.float32)
    return {"x": x, "tok_table": tok_table, "pos_table": pos_table}

def reference(x, tok_table, pos_table):
    tok_embeddings = jnp.take(tok_table, x, axis=0)
    a = jnp.arange(x.shape[-1])
    pos_embeddings = jnp.take(pos_table, a, axis=0)
    return tok_embeddings + pos_embeddings

if __name__ == "__main__":
    import jax
    _d = setup_inputs()
    print(jax.jit(kernel)(*tuple(_d.values())))

</pallas_src>

<mosaic_0001>
#map = affine_map<(d0, d1) -> (0, 0, 0)>
#map1 = affine_map<(d0, d1) -> (0, 0)>
module attributes {stable_mosaic.version = 14 : i64} {
  func.func @_embed_body(%arg0: i32, %arg1: i32, %arg2: memref<4096x2x100xi32, #tpu.memory_space<hbm>>, %arg3: memref<1000000x64xf32, #tpu.memory_space<hbm>>, %arg4: memref<2048x64xf32, #tpu.memory_space<hbm>>, %arg5: memref<4096x200x64xf32, #tpu.memory_space<hbm>>, %arg6: memref<128x2x100xi32, #tpu.memory_space<vmem>>, %arg7: memref<200x64xf32, #tpu.memory_space<vmem>>, %arg8: memref<4x200x64xf32, #tpu.memory_space<vmem>>, %arg9: memref<4x!tpu.dma_semaphore, #tpu.memory_space<semaphore_mem>>, %arg10: memref<4x!tpu.dma_semaphore, #tpu.memory_space<semaphore_mem>>) attributes {dimension_semantics = [#tpu.dimension_semantics<core_parallel>, #tpu.dimension_semantics<subcore_parallel>], iteration_bounds = array<i64: 2, 16>, scalar_prefetch = 0 : i64, scratch_operands = 5 : i64, tpu.core_type = #tpu.core_type<sc_vector_subcore>, window_params = [{transform_indices = #map}, {transform_indices = #map1}, {transform_indices = #map1}, {transform_indices = #map}]} {
    %mul3A = arith.constant 2 : i32
    %mul3A_0 = arith.muli %arg1, %mul3A : i32
    %add3A = arith.addi %mul3A_0, %arg0 : i32
    %mul3A_1 = arith.constant 128 : i32
    %mul3A_2 = arith.muli %add3A, %mul3A_1 : i32
    "tpu.region"() ({
      %run_scoped3A = tpu.sem_alloc : memref<!tpu.dma_semaphore, #tpu.memory_space<semaphore_mem>>
      %dma_start3A_558 = arith.constant 0 : i32
      %dma_start3A_559 = arith.constant 0 : i32
      %dma_start3A_560 = tpu.memref_slice %arg2[%mul3A_2, %dma_start3A_558, %dma_start3A_559] : memref<4096x2x100xi32, #tpu.memory_space<hbm>> -> memref<128x2x100xi32, #tpu.memory_space<hbm>>
      %dma_start3A_561 = arith.constant 0 : i32
      %dma_start3A_562 = arith.constant 0 : i32
      %dma_start3A_563 = tpu.memref_slice %arg2[%mul3A_2, %dma_start3A_561, %dma_start3A_562] : memref<4096x2x100xi32, #tpu.memory_space<hbm>> -> memref<128x2x100xi32, #tpu.memory_space<hbm>>
      tpu.enqueue_dma source(%dma_start3A_563 : memref<128x2x100xi32, #tpu.memory_space<hbm>>) target(%arg6 : memref<128x2x100xi32, #tpu.memory_space<vmem>>) target_semaphore(%run_scoped3A : memref<!tpu.dma_semaphore, #tpu.memory_space<semaphore_mem>>)
      %dma_wait3A_564 = arith.constant 0 : i32
      %dma_wait3A_565 = arith.constant 0 : i32
      %dma_wait3A_566 = tpu.memref_slice %arg2[%mul3A_2, %dma_wait3A_564, %dma_wait3A_565] : memref<4096x2x100xi32, #tpu.memory_space<hbm>> -> memref<128x2x100xi32, #tpu.memory_space<hbm>>
      %dma_wait3A_567 = arith.constant 0 : i32
      %dma_wait3A_568 = arith.constant 0 : i32
      %dma_wait3A_569 = tpu.memref_slice %arg2[%mul3A_2, %dma_wait3A_567, %dma_wait3A_568] : memref<4096x2x100xi32, #tpu.memory_space<hbm>> -> memref<128x2x100xi32, #tpu.memory_space<hbm>>
      tpu.wait_dma2 semaphore(%run_scoped3A : memref<!tpu.dma_semaphore, #tpu.memory_space<semaphore_mem>>) src(%dma_wait3A_569 : memref<128x2x100xi32, #tpu.memory_space<hbm>>) dst(%arg6 : memref<128x2x100xi32, #tpu.memory_space<vmem>>)
      tpu.yield
    }) : () -> ()
    "tpu.region"() ({
      %run_scoped3A = tpu.sem_alloc : memref<!tpu.dma_semaphore, #tpu.memory_space<semaphore_mem>>
      %dma_start3A_558 = arith.constant 0 : i32
      %dma_start3A_559 = arith.constant 0 : i32
      %dma_start3A_560 = tpu.memref_slice %arg4[%dma_start3A_558, %dma_start3A_559] : memref<2048x64xf32, #tpu.memory_space<hbm>> -> memref<200x64xf32, #tpu.memory_space<hbm>>
      %dma_start3A_561 = arith.constant 0 : i32
      %dma_start3A_562 = arith.constant 0 : i32
      %dma_start3A_563 = tpu.memref_slice %arg4[%dma_start3A_561, %dma_start3A_562] : memref<2048x64xf32, #tpu.memory_space<hbm>> -> memref<200x64xf32, #tpu.memory_space<hbm>>
      tpu.enqueue_dma source(%dma_start3A_563 : memref<200x64xf32, #tpu.memory_space<hbm>>) target(%arg7 : memref<200x64xf32, #tpu.memory_space<vmem>>) target_semaphore(%run_scoped3A : memref<!tpu.dma_semaphore, #tpu.memory_space<semaphore_mem>>)
      %dma_wait3A_564 = arith.constant 0 : i32
      %dma_wait3A_565 = arith.constant 0 : i32
      %dma_wait3A_566 = tpu.memref_slice %arg4[%dma_wait3A_564, %dma_wait3A_565] : memref<2048x64xf32, #tpu.memory_space<hbm>> -> memref<200x64xf32, #tpu.memory_space<hbm>>
      %dma_wait3A_567 = arith.constant 0 : i32
      %dma_wait3A_568 = arith.constant 0 : i32
      %dma_wait3A_569 = tpu.memref_slice %arg4[%dma_wait3A_567, %dma_wait3A_568] : memref<2048x64xf32, #tpu.memory_space<hbm>> -> memref<200x64xf32, #tpu.memory_space<hbm>>
      tpu.wait_dma2 semaphore(%run_scoped3A : memref<!tpu.dma_semaphore, #tpu.memory_space<semaphore_mem>>) src(%dma_wait3A_569 : memref<200x64xf32, #tpu.memory_space<hbm>>) dst(%arg7 : memref<200x64xf32, #tpu.memory_space<vmem>>)
      tpu.yield
    }) : () -> ()
    %dma_start3A = arith.constant 0 : i32
    %dma_start3A_3 = arith.constant 0 : i32
    %dma_start3A_4 = arith.constant 0 : i32
    %dma_start3A_5 = arith.constant 0 : i32
    %dma_start3A_6 = arith.constant 0 : i32
    %dma_start3A_7 = arith.constant 0 : i32
    %dma_start3A_8 = tpu.memref_slice %arg8[%dma_start3A_4, %dma_start3A_6, %dma_start3A_7] : memref<4x200x64xf32, #tpu.memory_space<vmem>> -> memref<1x100x64xf32, #tpu.memory_space<vmem>>
    %dma_start3A_9 = tpu.memref_squeeze %dma_start3A_8 : memref<1x100x64xf32, #tpu.memory_space<vmem>> -> memref<100x64xf32, #tpu.memory_space<vmem>>
    %dma_start3A_10 = arith.constant 0 : i32
    %dma_start3A_11 = tpu.memref_slice %arg6[%dma_start3A, %dma_start3A_3, %dma_start3A_10] : memref<128x2x100xi32, #tpu.memory_space<vmem>> -> memref<1x1x100xi32, #tpu.memory_space<vmem>>
    %dma_start3A_12 = tpu.memref_squeeze %dma_start3A_11 : memref<1x1x100xi32, #tpu.memory_space<vmem>> -> memref<100xi32, #tpu.memory_space<vmem>>
    %dma_start3A_13 = arith.constant 0 : i32
    %dma_start3A_14 = arith.constant 0 : i32
    %dma_start3A_15 = tpu.memref_slice %arg3[%dma_start3A_13, %dma_start3A_14] : memref<1000000x64xf32, #tpu.memory_space<hbm>> -> memref<1000000x64xf32, #tpu.memory_space<hbm>>
    %dma_start3A_16 = tpu.memref_slice %arg9[%dma_start3A_5] : memref<4x!tpu.dma_semaphore, #tpu.memory_space<semaphore_mem>> -> memref<1x!tpu.dma_semaphore, #tpu.memory_space<semaphore_mem>>
    %dma_start3A_17 = tpu.memref_squeeze %dma_start3A_16 : memref<1x!tpu.dma_semaphore, #tpu.memory_space<semaphore_mem>> -> memref<!tpu.dma_semaphore, #tpu.memory_space<semaphore_mem>>
    tpu.enqueue_indirect_dma source(%dma_start3A_15 : memref<1000000x64xf32, #tpu.memory_space<hbm>>) target(%dma_start3A_9 : memref<100x64xf32, #tpu.memory_space<vmem>>) offsets(%dma_start3A_12 : memref<100xi32, #tpu.memory_space<vmem>>) semaphore(%dma_start3A_17 : memref<!tpu.dma_semaphore, #tpu.memory_space<semaphore_mem>>)
    %dma_start3A_18 = arith.constant 0 : i32
    %dma_start3A_19 = arith.constant 1 : i32
    %dma_start3A_20 = arith.constant 0 : i32
    %dma_start3A_21 = arith.constant 0 : i32
    %dma_start3A_22 = arith.constant 100 : i32
    %dma_start3A_23 = arith.constant 0 : i32
    %dma_start3A_24 = tpu.memref_slice %arg8[%dma_start3A_20, %dma_start3A_22, %dma_start3A_23] : memref<4x200x64xf32, #tpu.memory_space<vmem>> -> memref<1x100x64xf32, #tpu.memory_space<vmem>>
    %dma_start3A_25 = tpu.memref_squeeze %dma_start3A_24 : memref<1x100x64xf32, #tpu.memory_space<vmem>> -> memref<100x64xf32, #tpu.memory_space<vmem>>
    %dma_start3A_26 = arith.constant 0 : i32
    %dma_start3A_27 = tpu.memref_slice %arg6[%dma_start3A_18, %dma_start3A_19, %dma_start3A_26] : memref<128x2x100xi32, #tpu.memory_space<vmem>> -> memref<1x1x100xi32, #tpu.memory_space<vmem>>
    %dma_start3A_28 = tpu.memref_squeeze %dma_start3A_27 : memref<1x1x100xi32, #tpu.memory_space<vmem>> -> memref<100xi32, #tpu.memory_space<vmem>>
    %dma_start3A_29 = arith.constant 0 : i32
    %dma_start3A_30 = arith.constant 0 : i32
    %dma_start3A_31 = tpu.memref_slice %arg3[%dma_start3A_29, %dma_start3A_30] : memref<1000000x64xf32, #tpu.memory_space<hbm>> -> memref<1000000x64xf32, #tpu.memory_space<hbm>>
    %dma_start3A_32 = tpu.memref_slice %arg9[%dma_start3A_21] : memref<4x!tpu.dma_semaphore, #tpu.memory_space<semaphore_mem>> -> memref<1x!tpu.dma_semaphore, #tpu.memory_space<semaphore_mem>>
    %dma_start3A_33 = tpu.memref_squeeze %dma_start3A_32 : memref<1x!tpu.dma_semaphore, #tpu.memory_space<semaphore_mem>> -> memref<!tpu.dma_semaphore, #tpu.memory_space<semaphore_mem>>
    tpu.enqueue_indirect_dma source(%dma_start3A_31 : memref<1000000x64xf32, #tpu.memory_space<hbm>>) target(%dma_start3A_25 : memref<100x64xf32, #tpu.memory_space<vmem>>) offsets(%dma_start3A_28 : memref<100xi32, #tpu.memory_space<vmem>>) semaphore(%dma_start3A_33 : memref<!tpu.dma_semaphore, #tpu.memory_space<semaphore_mem>>)
    %dma_start3A_34 = arith.constant 1 : i32
    %dma_start3A_35 = arith.constant 0 : i32
    %dma_start3A_36 = arith.constant 1 : i32
    %dma_start3A_37 = arith.constant 1 : i32
    %dma_start3A_38 = arith.constant 0 : i32
    %dma_start3A_39 = arith.constant 0 : i32
    %dma_start3A_40 = tpu.memref_slice %arg8[%dma_start3A_36, %dma_start3A_38, %dma_start3A_39] : memref<4x200x64xf32, #tpu.memory_space<vmem>> -> memref<1x100x64xf32, #tpu.memory_space<vmem>>
    %dma_start3A_41 = tpu.memref_squeeze %dma_start3A_40 : memref<1x100x64xf32, #tpu.memory_space<vmem>> -> memref<100x64xf32, #tpu.memory_space<vmem>>
    %dma_start3A_42 = arith.constant 0 : i32
    %dma_start3A_43 = tpu.memref_slice %arg6[%dma_start3A_34, %dma_start3A_35, %dma_start3A_42] : memref<128x2x100xi32, #tpu.memory_space<vmem>> -> memref<1x1x100xi32, #tpu.memory_space<vmem>>
    %dma_start3A_44 = tpu.memref_squeeze %dma_start3A_43 : memref<1x1x100xi32, #tpu.memory_space<vmem>> -> memref<100xi32, #tpu.memory_space<vmem>>
    %dma_start3A_45 = arith.constant 0 : i32
    %dma_start3A_46 = arith.constant 0 : i32
    %dma_start3A_47 = tpu.memref_slice %arg3[%dma_start3A_45, %dma_start3A_46] : memref<1000000x64xf32, #tpu.memory_space<hbm>> -> memref<1000000x64xf32, #tpu.memory_space<hbm>>
    %dma_start3A_48 = tpu.memref_slice %arg9[%dma_start3A_37] : memref<4x!tpu.dma_semaphore, #tpu.memory_space<semaphore_mem>> -> memref<1x!tpu.dma_semaphore, #tpu.memory_space<semaphore_mem>>
    %dma_start3A_49 = tpu.memref_squeeze %dma_start3A_48 : memref<1x!tpu.dma_semaphore, #tpu.memory_space<semaphore_mem>> -> memref<!tpu.dma_semaphore, #tpu.memory_space<semaphore_mem>>
    tpu.enqueue_indirect_dma source(%dma_start3A_47 : memref<1000000x64xf32, #tpu.memory_space<hbm>>) target(%dma_start3A_41 : memref<100x64xf32, #tpu.memory_space<vmem>>) offsets(%dma_start3A_44 : memref<100xi32, #tpu.memory_space<vmem>>) semaphore(%dma_start3A_49 : memref<!tpu.dma_semaphore, #tpu.memory_space<semaphore_mem>>)
    %dma_start3A_50 = arith.constant 1 : i32
    %dma_start3A_51 = arith.constant 1 : i32
    %dma_start3A_52 = arith.constant 1 : i32
    %dma_start3A_53 = arith.constant 1 : i32
    %dma_start3A_54 = arith.constant 100 : i32
    %dma_start3A_55 = arith.constant 0 : i32
    %dma_start3A_56 = tpu.memref_slice %arg8[%dma_start3A_52, %dma_start3A_54, %dma_start3A_55] : memref<4x200x64xf32, #tpu.memory_space<vmem>> -> memref<1x100x64xf32, #tpu.memory_space<vmem>>
    %dma_start3A_57 = tpu.memref_squeeze %dma_start3A_56 : memref<1x100x64xf32, #tpu.memory_space<vmem>> -> memref<100x64xf32, #tpu.memory_space<vmem>>
    %dma_start3A_58 = arith.constant 0 : i32
    %dma_start3A_59 = tpu.memref_slice %arg6[%dma_start3A_50, %dma_start3A_51, %dma_start3A_58] : memref<128x2x100xi32, #tpu.memory_space<vmem>> -> memref<1x1x100xi32, #tpu.memory_space<vmem>>
    %dma_start3A_60 = tpu.memref_squeeze %dma_start3A_59 : memref<1x1x100xi32, #tpu.memory_space<vmem>> -> memref<100xi32, #tpu.memory_space<vmem>>
    %dma_start3A_61 = arith.constant 0 : i32
    %dma_start3A_62 = arith.constant 0 : i32
    %dma_start3A_63 = tpu.memref_slice %arg3[%dma_start3A_61, %dma_start3A_62] : memref<1000000x64xf32, #tpu.memory_space<hbm>> -> memref<1000000x64xf32, #tpu.memory_space<hbm>>
    %dma_start3A_64 = tpu.memref_slice %arg9[%dma_start3A_53] : memref<4x!tpu.dma_semaphore, #tpu.memory_space<semaphore_mem>> -> memref<1x!tpu.dma_semaphore, #tpu.memory_space<semaphore_mem>>
    %dma_start3A_65 = tpu.memref_squeeze %dma_start3A_64 : memref<1x!tpu.dma_semaphore, #tpu.memory_space<semaphore_mem>> -> memref<!tpu.dma_semaphore, #tpu.memory_space<semaphore_mem>>
    tpu.enqueue_indirect_dma source(%dma_start3A_63 : memref<1000000x64xf32, #tpu.memory_space<hbm>>) target(%dma_start3A_57 : memref<100x64xf32, #tpu.memory_space<vmem>>) offsets(%dma_start3A_60 : memref<100xi32, #tpu.memory_space<vmem>>) semaphore(%dma_start3A_65 : memref<!tpu.dma_semaphore, #tpu.memory_space<semaphore_mem>>)
    %dma_start3A_66 = arith.constant 2 : i32
    %dma_start3A_67 = arith.constant 0 : i32
    %dma_start3A_68 = arith.constant 2 : i32
    %dma_start3A_69 = arith.constant 2 : i32
    %dma_start3A_70 = arith.constant 0 : i32
    %dma_start3A_71 = arith.constant 0 : i32
    %dma_start3A_72 = tpu.memref_slice %arg8[%dma_start3A_68, %dma_start3A_70, %dma_start3A_71] : memref<4x200x64xf32, #tpu.memory_space<vmem>> -> memref<1x100x64xf32, #tpu.memory_space<vmem>>
    %dma_start3A_73 = tpu.memref_squeeze %dma_start3A_72 : memref<1x100x64xf32, #tpu.memory_space<vmem>> -> memref<100x64xf32, #tpu.memory_space<vmem>>
    %dma_start3A_74 = arith.constant 0 : i32
    %dma_start3A_75 = tpu.memref_slice %arg6[%dma_start3A_66, %dma_start3A_67, %dma_start3A_74] : memref<128x2x100xi32, #tpu.memory_space<vmem>> -> memref<1x1x100xi32, #tpu.memory_space<vmem>>
    %dma_start3A_76 = tpu.memref_squeeze %dma_start3A_75 : memref<1x1x100xi32, #tpu.memory_space<vmem>> -> memref<100xi32, #tpu.memory_space<vmem>>
    %dma_start3A_77 = arith.constant 0 : i32
    %dma_start3A_78 = arith.constant 0 : i32
    %dma_start3A_79 = tpu.memref_slice %arg3[%dma_start3A_77, %dma_start3A_78] : memref<1000000x64xf32, #tpu.memory_space<hbm>> -> memref<1000000x64xf32, #tpu.memory_space<hbm>>
    %dma_start3A_80 = tpu.memref_slice %arg9[%dma_start3A_69] : memref<4x!tpu.dma_semaphore, #tpu.memory_space<semaphore_mem>> -> memref<1x!tpu.dma_semaphore, #tpu.memory_space<semaphore_mem>>
    %dma_start3A_81 = tpu.memref_squeeze %dma_start3A_80 : memref<1x!tpu.dma_semaphore, #tpu.memory_space<semaphore_mem>> -> memref<!tpu.dma_semaphore, #tpu.memory_space<semaphore_mem>>
    tpu.enqueue_indirect_dma source(%dma_start3A_79 : memref<1000000x64xf32, #tpu.memory_space<hbm>>) target(%dma_start3A_73 : memref<100x64xf32, #tpu.memory_space<vmem>>) offsets(%dma_start3A_76 : memref<100xi32, #tpu.memory_space<vmem>>) semaphore(%dma_start3A_81 : memref<!tpu.dma_semaphore, #tpu.memory_space<semaphore_mem>>)
    %dma_start3A_82 = arith.constant 2 : i32
    %dma_start3A_83 = arith.constant 1 : i32
    %dma_start3A_84 = arith.constant 2 : i32
    %dma_start3A_85 = arith.constant 2 : i32
    %dma_start3A_86 = arith.constant 100 : i32
    %dma_start3A_87 = arith.constant 0 : i32
    %dma_start3A_88 = tpu.memref_slice %arg8[%dma_start3A_84, %dma_start3A_86, %dma_start3A_87] : memref<4x200x64xf32, #tpu.memory_space<vmem>> -> memref<1x100x64xf32, #tpu.memory_space<vmem>>
    %dma_start3A_89 = tpu.memref_squeeze %dma_start3A_88 : memref<1x100x64xf32, #tpu.memory_space<vmem>> -> memref<100x64xf32, #tpu.memory_space<vmem>>
    %dma_start3A_90 = arith.constant 0 : i32
    %dma_start3A_91 = tpu.memref_slice %arg6[%dma_start3A_82, %dma_start3A_83, %dma_start3A_90] : memref<128x2x100xi32, #tpu.memory_space<vmem>> -> memref<1x1x100xi32, #tpu.memory_space<vmem>>
    %dma_start3A_92 = tpu.memref_squeeze %dma_start3A_91 : memref<1x1x100xi32, #tpu.memory_space<vmem>> -> memref<100xi32, #tpu.memory_space<vmem>>
    %dma_start3A_93 = arith.constant 0 : i32
    %dma_start3A_94 = arith.constant 0 : i32
    %dma_start3A_95 = tpu.memref_slice %arg3[%dma_start3A_93, %dma_start3A_94] : memref<1000000x64xf32, #tpu.memory_space<hbm>> -> memref<1000000x64xf32, #tpu.memory_space<hbm>>
    %dma_start3A_96 = tpu.memref_slice %arg9[%dma_start3A_85] : memref<4x!tpu.dma_semaphore, #tpu.memory_space<semaphore_mem>> -> memref<1x!tpu.dma_semaphore, #tpu.memory_space<semaphore_mem>>
    %dma_start3A_97 = tpu.memref_squeeze %dma_start3A_96 : memref<1x!tpu.dma_semaphore, #tpu.memory_space<semaphore_mem>> -> memref<!tpu.dma_semaphore, #tpu.memory_space<semaphore_mem>>
    tpu.enqueue_indirect_dma source(%dma_start3A_95 : memref<1000000x64xf32, #tpu.memory_space<hbm>>) target(%dma_start3A_89 : memref<100x64xf32, #tpu.memory_space<vmem>>) offsets(%dma_start3A_92 : memref<100xi32, #tpu.memory_space<vmem>>) semaphore(%dma_start3A_97 : memref<!tpu.dma_semaphore, #tpu.memory_space<semaphore_mem>>)
    %dma_wait3A = arith.constant 0 : i32
    %dma_wait3A_98 = arith.constant 0 : i32
    %dma_wait3A_99 = arith.constant 0 : i32
    %dma_wait3A_100 = arith.constant 0 : i32
    %dma_wait3A_101 = arith.constant 0 : i32
    %dma_wait3A_102 = arith.constant 0 : i32
    %dma_wait3A_103 = tpu.memref_slice %arg8[%dma_wait3A_99, %dma_wait3A_101, %dma_wait3A_102] : memref<4x200x64xf32, #tpu.memory_space<vmem>> -> memref<1x100x64xf32, #tpu.memory_space<vmem>>
    %dma_wait3A_104 = tpu.memref_squeeze %dma_wait3A_103 : memref<1x100x64xf32, #tpu.memory_space<vmem>> -> memref<100x64xf32, #tpu.memory_space<vmem>>
    %dma_wait3A_105 = arith.constant 0 : i32
    %dma_wait3A_106 = tpu.memref_slice %arg6[%dma_wait3A, %dma_wait3A_98, %dma_wait3A_105] : memref<128x2x100xi32, #tpu.memory_space<vmem>> -> memref<1x1x100xi32, #tpu.memory_space<vmem>>
    %dma_wait3A_107 = tpu.memref_squeeze %dma_wait3A_106 : memref<1x1x100xi32, #tpu.memory_space<vmem>> -> memref<100xi32, #tpu.memory_space<vmem>>
    %dma_wait3A_108 = arith.constant 0 : i32
    %dma_wait3A_109 = arith.constant 0 : i32
    %dma_wait3A_110 = tpu.memref_slice %arg3[%dma_wait3A_108, %dma_wait3A_109] : memref<1000000x64xf32, #tpu.memory_space<hbm>> -> memref<1000000x64xf32, #tpu.memory_space<hbm>>
    %dma_wait3A_111 = tpu.memref_slice %arg9[%dma_wait3A_100] : memref<4x!tpu.dma_semaphore, #tpu.memory_space<semaphore_mem>> -> memref<1x!tpu.dma_semaphore, #tpu.memory_space<semaphore_mem>>
    %dma_wait3A_112 = tpu.memref_squeeze %dma_wait3A_111 : memref<1x!tpu.dma_semaphore, #tpu.memory_space<semaphore_mem>> -> memref<!tpu.dma_semaphore, #tpu.memory_space<semaphore_mem>>
    tpu.wait_indirect_dma semaphore(%dma_wait3A_112 : memref<!tpu.dma_semaphore, #tpu.memory_space<semaphore_mem>>) src(%dma_wait3A_110 : memref<1000000x64xf32, #tpu.memory_space<hbm>>) dst(%dma_wait3A_104 : memref<100x64xf32, #tpu.memory_space<vmem>>)
    %dma_wait3A_113 = arith.constant 0 : i32
    %dma_wait3A_114 = arith.constant 1 : i32
    %dma_wait3A_115 = arith.constant 0 : i32
    %dma_wait3A_116 = arith.constant 0 : i32
    %dma_wait3A_117 = arith.constant 100 : i32
    %dma_wait3A_118 = arith.constant 0 : i32
    %dma_wait3A_119 = tpu.memref_slice %arg8[%dma_wait3A_115, %dma_wait3A_117, %dma_wait3A_118] : memref<4x200x64xf32, #tpu.memory_space<vmem>> -> memref<1x100x64xf32, #tpu.memory_space<vmem>>
    %dma_wait3A_120 = tpu.memref_squeeze %dma_wait3A_119 : memref<1x100x64xf32, #tpu.memory_space<vmem>> -> memref<100x64xf32, #tpu.memory_space<vmem>>
    %dma_wait3A_121 = arith.constant 0 : i32
    %dma_wait3A_122 = tpu.memref_slice %arg6[%dma_wait3A_113, %dma_wait3A_114, %dma_wait3A_121] : memref<128x2x100xi32, #tpu.memory_space<vmem>> -> memref<1x1x100xi32, #tpu.memory_space<vmem>>
    %dma_wait3A_123 = tpu.memref_squeeze %dma_wait3A_122 : memref<1x1x100xi32, #tpu.memory_space<vmem>> -> memref<100xi32, #tpu.memory_space<vmem>>
    %dma_wait3A_124 = arith.constant 0 : i32
    %dma_wait3A_125 = arith.constant 0 : i32
    %dma_wait3A_126 = tpu.memref_slice %arg3[%dma_wait3A_124, %dma_wait3A_125] : memref<1000000x64xf32, #tpu.memory_space<hbm>> -> memref<1000000x64xf32, #tpu.memory_space<hbm>>
    %dma_wait3A_127 = tpu.memref_slice %arg9[%dma_wait3A_116] : memref<4x!tpu.dma_semaphore, #tpu.memory_space<semaphore_mem>> -> memref<1x!tpu.dma_semaphore, #tpu.memory_space<semaphore_mem>>
    %dma_wait3A_128 = tpu.memref_squeeze %dma_wait3A_127 : memref<1x!tpu.dma_semaphore, #tpu.memory_space<semaphore_mem>> -> memref<!tpu.dma_semaphore, #tpu.memory_space<semaphore_mem>>
    tpu.wait_indirect_dma semaphore(%dma_wait3A_128 : memref<!tpu.dma_semaphore, #tpu.memory_space<semaphore_mem>>) src(%dma_wait3A_126 : memref<1000000x64xf32, #tpu.memory_space<hbm>>) dst(%dma_wait3A_120 : memref<100x64xf32, #tpu.memory_space<vmem>>)
    %scan3A = arith.constant 0 : i32
    %scan3A_129 = arith.constant 0 : i32
    %scan3A_130 = arith.constant 50 : i32
    %scan3A_131 = arith.addi %scan3A_129, %scan3A_130 : i32
    %scan3A_132 = arith.constant 1 : i32
    scf.for %scan3A_558 = %scan3A_129 to %scan3A_131 step %scan3A_132  : i32 {
      %mul3A_559 = arith.constant 4 : i32
      %mul3A_560 = arith.muli %scan3A_558, %mul3A_559 : i32
      %add3A_561 = arith.constant 0 : i32
      %add3A_562 = arith.addi %mul3A_560, %add3A_561 : i32
      %get3A = arith.constant 0 : i32
      %get3A_563 = arith.index_cast %get3A : i32 to index
      %get3A_564 = arith.index_cast %add3A_562 : i32 to index
      %get3A_565 = arith.constant 0 : index
      %get3A_566 = tpu.vector_load %arg8[%get3A_563, %get3A_564, %get3A_565] {strides = array<i32>} : memref<4x200x64xf32, #tpu.memory_space<vmem>>, vector<1x1x16xf32>,
      %get3A_567 = vector.shape_cast %get3A_566 : vector<1x1x16xf32> to vector<16xf32>
      %get3A_568 = arith.index_cast %add3A_562 : i32 to index
      %get3A_569 = arith.constant 0 : index
      %get3A_570 = tpu.vector_load %arg7[%get3A_568, %get3A_569] {strides = array<i32>} : memref<200x64xf32, #tpu.memory_space<vmem>>, vector<1x16xf32>,
      %get3A_571 = vector.shape_cast %get3A_570 : vector<1x16xf32> to vector<16xf32>
      %add3A_572 = arith.addf %get3A_567, %get3A_571 : vector<16xf32>
      %swap3A = arith.constant 0 : i32
      %swap3A_573 = arith.index_cast %swap3A : i32 to index
      %swap3A_574 = arith.index_cast %add3A_562 : i32 to index
      %swap3A_575 = arith.constant 0 : index
      %swap3A_576 = tpu.vector_load %arg8[%swap3A_573, %swap3A_574, %swap3A_575] {strides = array<i32>} : memref<4x200x64xf32, #tpu.memory_space<vmem>>, vector<1x1x16xf32>,
      %swap3A_577 = vector.shape_cast %swap3A_576 : vector<1x1x16xf32> to vector<16xf32>
      %swap3A_578 = vector.shape_cast %add3A_572 : vector<16xf32> to vector<1x1x16xf32>
      tpu.vector_store %arg8[%swap3A_573, %swap3A_574, %swap3A_575], %swap3A_578 {strides = array<i32>} : memref<4x200x64xf32, #tpu.memory_space<vmem>>, vector<1x1x16xf32>,
      %get3A_579 = arith.constant 0 : i32
      %get3A_580 = arith.index_cast %get3A_579 : i32 to index
      %get3A_581 = arith.index_cast %add3A_562 : i32 to index
      %get3A_582 = arith.constant 16 : index
      %get3A_583 = tpu.vector_load %arg8[%get3A_580, %get3A_581, %get3A_582] {strides = array<i32>} : memref<4x200x64xf32, #tpu.memory_space<vmem>>, vector<1x1x16xf32>,
      %get3A_584 = vector.shape_cast %get3A_583 : vector<1x1x16xf32> to vector<16xf32>
      %get3A_585 = arith.index_cast %add3A_562 : i32 to index
      %get3A_586 = arith.constant 16 : index
      %get3A_587 = tpu.vector_load %arg7[%get3A_585, %get3A_586] {strides = array<i32>} : memref<200x64xf32, #tpu.memory_space<vmem>>, vector<1x16xf32>,
      %get3A_588 = vector.shape_cast %get3A_587 : vector<1x16xf32> to vector<16xf32>
      %add3A_589 = arith.addf %get3A_584, %get3A_588 : vector<16xf32>
      %swap3A_590 = arith.constant 0 : i32
      %swap3A_591 = arith.index_cast %swap3A_590 : i32 to index
      %swap3A_592 = arith.index_cast %add3A_562 : i32 to index
      %swap3A_593 = arith.constant 16 : index
      %swap3A_594 = tpu.vector_load %arg8[%swap3A_591, %swap3A_592, %swap3A_593] {strides = array<i32>} : memref<4x200x64xf32, #tpu.memory_space<vmem>>, vector<1x1x16xf32>,
      %swap3A_595 = vector.shape_cast %swap3A_594 : vector<1x1x16xf32> to vector<16xf32>
      %swap3A_596 = vector.shape_cast %add3A_589 : vector<16xf32> to vector<1x1x16xf32>
      tpu.vector_store %arg8[%swap3A_591, %swap3A_592, %swap3A_593], %swap3A_596 {strides = array<i32>} : memref<4x200x64xf32, #tpu.memory_space<vmem>>, vector<1x1x16xf32>,
      %get3A_597 = arith.constant 0 : i32
      %get3A_598 = arith.index_cast %get3A_597 : i32 to index
      %get3A_599 = arith.index_cast %add3A_562 : i32 to index
      %get3A_600 = arith.constant 32 : index
      %get3A_601 = tpu.vector_load %arg8[%get3A_598, %get3A_599, %get3A_600] {strides = array<i32>} : memref<4x200x64xf32, #tpu.memory_space<vmem>>, vector<1x1x16xf32>,
      %get3A_602 = vector.shape_cast %get3A_601 : vector<1x1x16xf32> to vector<16xf32>
      %get3A_603 = arith.index_cast %add3A_562 : i32 to index
      %get3A_604 = arith.constant 32 : index
      %get3A_605 = tpu.vector_load %arg7[%get3A_603, %get3A_604] {strides = array<i32>} : memref<200x64xf32, #tpu.memory_space<vmem>>, vector<1x16xf32>,
      %get3A_606 = vector.shape_cast %get3A_605 : vector<1x16xf32> to vector<16xf32>
      %add3A_607 = arith.addf %get3A_602, %get3A_606 : vector<16xf32>
      %swap3A_608 = arith.constant 0 : i32
      %swap3A_609 = arith.index_cast %swap3A_608 : i32 to index
      %swap3A_610 = arith.index_cast %add3A_562 : i32 to index
      %swap3A_611 = arith.constant 32 : index
      %swap3A_612 = tpu.vector_load %arg8[%swap3A_609, %swap3A_610, %swap3A_611] {strides = array<i32>} : memref<4x200x64xf32, #tpu.memory_space<vmem>>, vector<1x1x16xf32>,
      %swap3A_613 = vector.shape_cast %swap3A_612 : vector<1x1x16xf32> to vector<16xf32>
      %swap3A_614 = vector.shape_cast %add3A_607 : vector<16xf32> to vector<1x1x16xf32>
      tpu.vector_store %arg8[%swap3A_609, %swap3A_610, %swap3A_611], %swap3A_614 {strides = array<i32>} : memref<4x200x64xf32, #tpu.memory_space<vmem>>, vector<1x1x16xf32>,
      %get3A_615 = arith.constant 0 : i32
      %get3A_616 = arith.index_cast %get3A_615 : i32 to index
      %get3A_617 = arith.index_cast %add3A_562 : i32 to index
      %get3A_618 = arith.constant 48 : index
      %get3A_619 = tpu.vector_load %arg8[%get3A_616, %get3A_617, %get3A_618] {strides = array<i32>} : memref<4x200x64xf32, #tpu.memory_space<vmem>>, vector<1x1x16xf32>,
      %get3A_620 = vector.shape_cast %get3A_619 : vector<1x1x16xf32> to vector<16xf32>
      %get3A_621 = arith.index_cast %add3A_562 : i32 to index
      %get3A_622 = arith.constant 48 : index
      %get3A_623 = tpu.vector_load %arg7[%get3A_621, %get3A_622] {strides = array<i32>} : memref<200x64xf32, #tpu.memory_space<vmem>>, vector<1x16xf32>,
      %get3A_624 = vector.shape_cast %get3A_623 : vector<1x16xf32> to vector<16xf32>
      %add3A_625 = arith.addf %get3A_620, %get3A_624 : vector<16xf32>
      %swap3A_626 = arith.constant 0 : i32
      %swap3A_627 = arith.index_cast %swap3A_626 : i32 to index
      %swap3A_628 = arith.index_cast %add3A_562 : i32 to index
      %swap3A_629 = arith.constant 48 : index
      %swap3A_630 = tpu.vector_load %arg8[%swap3A_627, %swap3A_628, %swap3A_629] {strides = array<i32>} : memref<4x200x64xf32, #tpu.memory_space<vmem>>, vector<1x1x16xf32>,
      %swap3A_631 = vector.shape_cast %swap3A_630 : vector<1x1x16xf32> to vector<16xf32>
      %swap3A_632 = vector.shape_cast %add3A_625 : vector<16xf32> to vector<1x1x16xf32>
      tpu.vector_store %arg8[%swap3A_627, %swap3A_628, %swap3A_629], %swap3A_632 {strides = array<i32>} : memref<4x200x64xf32, #tpu.memory_space<vmem>>, vector<1x1x16xf32>,
      %mul3A_633 = arith.constant 4 : i32
      %mul3A_634 = arith.muli %scan3A_558, %mul3A_633 : i32
      %add3A_635 = arith.constant 1 : i32
      %add3A_636 = arith.addi %mul3A_634, %add3A_635 : i32
      %get3A_637 = arith.constant 0 : i32
      %get3A_638 = arith.index_cast %get3A_637 : i32 to index
      %get3A_639 = arith.index_cast %add3A_636 : i32 to index
      %get3A_640 = arith.constant 0 : index
      %get3A_641 = tpu.vector_load %arg8[%get3A_638, %get3A_639, %get3A_640] {strides = array<i32>} : memref<4x200x64xf32, #tpu.memory_space<vmem>>, vector<1x1x16xf32>,
      %get3A_642 = vector.shape_cast %get3A_641 : vector<1x1x16xf32> to vector<16xf32>
      %get3A_643 = arith.index_cast %add3A_636 : i32 to index
      %get3A_644 = arith.constant 0 : index
      %get3A_645 = tpu.vector_load %arg7[%get3A_643, %get3A_644] {strides = array<i32>} : memref<200x64xf32, #tpu.memory_space<vmem>>, vector<1x16xf32>,
      %get3A_646 = vector.shape_cast %get3A_645 : vector<1x16xf32> to vector<16xf32>
      %add3A_647 = arith.addf %get3A_642, %get3A_646 : vector<16xf32>
      %swap3A_648 = arith.constant 0 : i32
      %swap3A_649 = arith.index_cast %swap3A_648 : i32 to index
      %swap3A_650 = arith.index_cast %add3A_636 : i32 to index
      %swap3A_651 = arith.constant 0 : index
      %swap3A_652 = tpu.vector_load %arg8[%swap3A_649, %swap3A_650, %swap3A_651] {strides = array<i32>} : memref<4x200x64xf32, #tpu.memory_space<vmem>>, vector<1x1x16xf32>,
      %swap3A_653 = vector.shape_cast %swap3A_652 : vector<1x1x16xf32> to vector<16xf32>
      %swap3A_654 = vector.shape_cast %add3A_647 : vector<16xf32> to vector<1x1x16xf32>
      tpu.vector_store %arg8[%swap3A_649, %swap3A_650, %swap3A_651], %swap3A_654 {strides = array<i32>} : memref<4x200x64xf32, #tpu.memory_space<vmem>>, vector<1x1x16xf32>,
      %get3A_655 = arith.constant 0 : i32
      %get3A_656 = arith.index_cast %get3A_655 : i32 to index
      %get3A_657 = arith.index_cast %add3A_636 : i32 to index
      %get3A_658 = arith.constant 16 : index
      %get3A_659 = tpu.vector_load %arg8[%get3A_656, %get3A_657, %get3A_658] {strides = array<i32>} : memref<4x200x64xf32, #tpu.memory_space<vmem>>, vector<1x1x16xf32>,
      %get3A_660 = vector.shape_cast %get3A_659 : vector<1x1x16xf32> to vector<16xf32>
      %get3A_661 = arith.index_cast %add3A_636 : i32 to index
      %get3A_662 = arith.constant 16 : index
      %get3A_663 = tpu.vector_load %arg7[%get3A_661, %get3A_662] {strides = array<i32>} : memref<200x64xf32, #tpu.memory_space<vmem>>, vector<1x16xf32>,
      %get3A_664 = vector.shape_cast %get3A_663 : vector<1x16xf32> to vector<16xf32>
      %add3A_665 = arith.addf %get3A_660, %get3A_664 : vector<16xf32>
      %swap3A_666 = arith.constant 0 : i32
      %swap3A_667 = arith.index_cast %swap3A_666 : i32 to index
      %swap3A_668 = arith.index_cast %add3A_636 : i32 to index
      %swap3A_669 = arith.constant 16 : index
      %swap3A_670 = tpu.vector_load %arg8[%swap3A_667, %swap3A_668, %swap3A_669] {strides = array<i32>} : memref<4x200x64xf32, #tpu.memory_space<vmem>>, vector<1x1x16xf32>,
      %swap3A_671 = vector.shape_cast %swap3A_670 : vector<1x1x16xf32> to vector<16xf32>
      %swap3A_672 = vector.shape_cast %add3A_665 : vector<16xf32> to vector<1x1x16xf32>
      tpu.vector_store %arg8[%swap3A_667, %swap3A_668, %swap3A_669], %swap3A_672 {strides = array<i32>} : memref<4x200x64xf32, #tpu.memory_space<vmem>>, vector<1x1x16xf32>,
      %get3A_673 = arith.constant 0 : i32
      %get3A_674 = arith.index_cast %get3A_673 : i32 to index
      %get3A_675 = arith.index_cast %add3A_636 : i32 to index
      %get3A_676 = arith.constant 32 : index
      %get3A_677 = tpu.vector_load %arg8[%get3A_674, %get3A_675, %get3A_676] {strides = array<i32>} : memref<4x200x64xf32, #tpu.memory_space<vmem>>, vector<1x1x16xf32>,
      %get3A_678 = vector.shape_cast %get3A_677 : vector<1x1x16xf32> to vector<16xf32>
      %get3A_679 = arith.index_cast %add3A_636 : i32 to index
      %get3A_680 = arith.constant 32 : index
      %get3A_681 = tpu.vector_load %arg7[%get3A_679, %get3A_680] {strides = array<i32>} : memref<200x64xf32, #tpu.memory_space<vmem>>, vector<1x16xf32>,
      %get3A_682 = vector.shape_cast %get3A_681 : vector<1x16xf32> to vector<16xf32>
      %add3A_683 = arith.addf %get3A_678, %get3A_682 : vector<16xf32>
      %swap3A_684 = arith.constant 0 : i32
      %swap3A_685 = arith.index_cast %swap3A_684 : i32 to index
      %swap3A_686 = arith.index_cast %add3A_636 : i32 to index
      %swap3A_687 = arith.constant 32 : index
      %swap3A_688 = tpu.vector_load %arg8[%swap3A_685, %swap3A_686, %swap3A_687] {strides = array<i32>} : memref<4x200x64xf32, #tpu.memory_space<vmem>>, vector<1x1x16xf32>,
      %swap3A_689 = vector.shape_cast %swap3A_688 : vector<1x1x16xf32> to vector<16xf32>
      %swap3A_690 = vector.shape_cast %add3A_683 : vector<16xf32> to vector<1x1x16xf32>
      tpu.vector_store %arg8[%swap3A_685, %swap3A_686, %swap3A_687], %swap3A_690 {strides = array<i32>} : memref<4x200x64xf32, #tpu.memory_space<vmem>>, vector<1x1x16xf32>,
      %get3A_691 = arith.constant 0 : i32
      %get3A_692 = arith.index_cast %get3A_691 : i32 to index
      %get3A_693 = arith.index_cast %add3A_636 : i32 to index
      %get3A_694 = arith.constant 48 : index
      %get3A_695 = tpu.vector_load %arg8[%get3A_692, %get3A_693, %get3A_694] {strides = array<i32>} : memref<4x200x64xf32, #tpu.memory_space<vmem>>, vector<1x1x16xf32>,
      %get3A_696 = vector.shape_cast %get3A_695 : vector<1x1x16xf32> to vector<16xf32>
      %get3A_697 = arith.index_cast %add3A_636 : i32 to index
      %get3A_698 = arith.constant 48 : index
      %get3A_699 = tpu.vector_load %arg7[%get3A_697, %get3A_698] {strides = array<i32>} : memref<200x64xf32, #tpu.memory_space<vmem>>, vector<1x16xf32>,
      %get3A_700 = vector.shape_cast %get3A_699 : vector<1x16xf32> to vector<16xf32>
      %add3A_701 = arith.addf %get3A_696, %get3A_700 : vector<16xf32>
      %swap3A_702 = arith.constant 0 : i32
      %swap3A_703 = arith.index_cast %swap3A_702 : i32 to index
      %swap3A_704 = arith.index_cast %add3A_636 : i32 to index
      %swap3A_705 = arith.constant 48 : index
      %swap3A_706 = tpu.vector_load %arg8[%swap3A_703, %swap3A_704, %swap3A_705] {strides = array<i32>} : memref<4x200x64xf32, #tpu.memory_space<vmem>>, vector<1x1x16xf32>,
      %swap3A_707 = vector.shape_cast %swap3A_706 : vector<1x1x16xf32> to vector<16xf32>
      %swap3A_708 = vector.shape_cast %add3A_701 : vector<16xf32> to vector<1x1x16xf32>
      tpu.vector_store %arg8[%swap3A_703, %swap3A_704, %swap3A_705], %swap3A_708 {strides = array<i32>} : memref<4x200x64xf32, #tpu.memory_space<vmem>>, vector<1x1x16xf32>,
      %mul3A_709 = arith.constant 4 : i32
      %mul3A_710 = arith.muli %scan3A_558, %mul3A_709 : i32
      %add3A_711 = arith.constant 2 : i32
      %add3A_712 = arith.addi %mul3A_710, %add3A_711 : i32
      %get3A_713 = arith.constant 0 : i32
      %get3A_714 = arith.index_cast %get3A_713 : i32 to index
      %get3A_715 = arith.index_cast %add3A_712 : i32 to index
      %get3A_716 = arith.constant 0 : index
      %get3A_717 = tpu.vector_load %arg8[%get3A_714, %get3A_715, %get3A_716] {strides = array<i32>} : memref<4x200x64xf32, #tpu.memory_space<vmem>>, vector<1x1x16xf32>,
      %get3A_718 = vector.shape_cast %get3A_717 : vector<1x1x16xf32> to vector<16xf32>
      %get3A_719 = arith.index_cast %add3A_712 : i32 to index
      %get3A_720 = arith.constant 0 : index
      %get3A_721 = tpu.vector_load %arg7[%get3A_719, %get3A_720] {strides = array<i32>} : memref<200x64xf32, #tpu.memory_space<vmem>>, vector<1x16xf32>,
      %get3A_722 = vector.shape_cast %get3A_721 : vector<1x16xf32> to vector<16xf32>
      %add3A_723 = arith.addf %get3A_718, %get3A_722 : vector<16xf32>
      %swap3A_724 = arith.constant 0 : i32
      %swap3A_725 = arith.index_cast %swap3A_724 : i32 to index
      %swap3A_726 = arith.index_cast %add3A_712 : i32 to index
      %swap3A_727 = arith.constant 0 : index
      %swap3A_728 = tpu.vector_load %arg8[%swap3A_725, %swap3A_726, %swap3A_727] {strides = array<i32>} : memref<4x200x64xf32, #tpu.memory_space<vmem>>, vector<1x1x16xf32>,
      %swap3A_729 = vector.shape_cast %swap3A_728 : vector<1x1x16xf32> to vector<16xf32>
      %swap3A_730 = vector.shape_cast %add3A_723 : vector<16xf32> to vector<1x1x16xf32>
      tpu.vector_store %arg8[%swap3A_725, %swap3A_726, %swap3A_727], %swap3A_730 {strides = array<i32>} : memref<4x200x64xf32, #tpu.memory_space<vmem>>, vector<1x1x16xf32>,
      %get3A_731 = arith.constant 0 : i32
      %get3A_732 = arith.index_cast %get3A_731 : i32 to index
      %get3A_733 = arith.index_cast %add3A_712 : i32 to index
      %get3A_734 = arith.constant 16 : index
      %get3A_735 = tpu.vector_load %arg8[%get3A_732, %get3A_733, %get3A_734] {strides = array<i32>} : memref<4x200x64xf32, #tpu.memory_space<vmem>>, vector<1x1x16xf32>,
      %get3A_736 = vector.shape_cast %get3A_735 : vector<1x1x16xf32> to vector<16xf32>
      %get3A_737 = arith.index_cast %add3A_712 : i32 to index
      %get3A_738 = arith.constant 16 : index
      %get3A_739 = tpu.vector_load %arg7[%get3A_737, %get3A_738] {strides = array<i32>} : memref<200x64xf32, #tpu.memory_space<vmem>>, vector<1x16xf32>,
      %get3A_740 = vector.shape_cast %get3A_739 : vector<1x16xf32> to vector<16xf32>
      %add3A_741 = arith.addf %get3A_736, %get3A_740 : vector<16xf32>
      %swap3A_742 = arith.constant 0 : i32
      %swap3A_743 = arith.index_cast %swap3A_742 : i32 to index
      %swap3A_744 = arith.index_cast %add3A_712 : i32 to index
      %swap3A_745 = arith.constant 16 : index
      %swap3A_746 = tpu.vector_load %arg8[%swap3A_743, %swap3A_744, %swap3A_745] {strides = array<i32>} : memref<4x200x64xf32, #tpu.memory_space<vmem>>, vector<1x1x16xf32>,
      %swap3A_747 = vector.shape_cast %swap3A_746 : vector<1x1x16xf32> to vector<16xf32>
      %swap3A_748 = vector.shape_cast %add3A_741 : vector<16xf32> to vector<1x1x16xf32>
      tpu.vector_store %arg8[%swap3A_743, %swap3A_744, %swap3A_745], %swap3A_748 {strides = array<i32>} : memref<4x200x64xf32, #tpu.memory_space<vmem>>, vector<1x1x16xf32>,
      %get3A_749 = arith.constant 0 : i32
      %get3A_750 = arith.index_cast %get3A_749 : i32 to index
      %get3A_751 = arith.index_cast %add3A_712 : i32 to index
      %get3A_752 = arith.constant 32 : index
      %get3A_753 = tpu.vector_load %arg8[%get3A_750, %get3A_751, %get3A_752] {strides = array<i32>} : memref<4x200x64xf32, #tpu.memory_space<vmem>>, vector<1x1x16xf32>,
      %get3A_754 = vector.shape_cast %get3A_753 : vector<1x1x16xf32> to vector<16xf32>
      %get3A_755 = arith.index_cast %add3A_712 : i32 to index
      %get3A_756 = arith.constant 32 : index
      %get3A_757 = tpu.vector_load %arg7[%get3A_755, %get3A_756] {strides = array<i32>} : memref<200x64xf32, #tpu.memory_space<vmem>>, vector<1x16xf32>,
      %get3A_758 = vector.shape_cast %get3A_757 : vector<1x16xf32> to vector<16xf32>
      %add3A_759 = arith.addf %get3A_754, %get3A_758 : vector<16xf32>
      %swap3A_760 = arith.constant 0 : i32
      %swap3A_761 = arith.index_cast %swap3A_760 : i32 to index
      %swap3A_762 = arith.index_cast %add3A_712 : i32 to index
      %swap3A_763 = arith.constant 32 : index
      %swap3A_764 = tpu.vector_load %arg8[%swap3A_761, %swap3A_762, %swap3A_763] {strides = array<i32>} : memref<4x200x64xf32, #tpu.memory_space<vmem>>, vector<1x1x16xf32>,
      %swap3A_765 = vector.shape_cast %swap3A_764 : vector<1x1x16xf32> to vector<16xf32>
      %swap3A_766 = vector.shape_cast %add3A_759 : vector<16xf32> to vector<1x1x16xf32>
      tpu.vector_store %arg8[%swap3A_761, %swap3A_762, %swap3A_763], %swap3A_766 {strides = array<i32>} : memref<4x200x64xf32, #tpu.memory_space<vmem>>, vector<1x1x16xf32>,
      %get3A_767 = arith.constant 0 : i32
      %get3A_768 = arith.index_cast %get3A_767 : i32 to index
      %get3A_769 = arith.index_cast %add3A_712 : i32 to index
      %get3A_770 = arith.constant 48 : index
      %get3A_771 = tpu.vector_load %arg8[%get3A_768, %get3A_769, %get3A_770] {strides = array<i32>} : memref<4x200x64xf32, #tpu.memory_space<vmem>>, vector<1x1x16xf32>,
      %get3A_772 = vector.shape_cast %get3A_771 : vector<1x1x16xf32> to vector<16xf32>
      %get3A_773 = arith.index_cast %add3A_712 : i32 to index
      %get3A_774 = arith.constant 48 : index
      %get3A_775 = tpu.vector_load %arg7[%get3A_773, %get3A_774] {strides = array<i32>} : memref<200x64xf32, #tpu.memory_space<vmem>>, vector<1x16xf32>,
      %get3A_776 = vector.shape_cast %get3A_775 : vector<1x16xf32> to vector<16xf32>
      %add3A_777 = arith.addf %get3A_772, %get3A_776 : vector<16xf32>
      %swap3A_778 = arith.constant 0 : i32
      %swap3A_779 = arith.index_cast %swap3A_778 : i32 to index
      %swap3A_780 = arith.index_cast %add3A_712 : i32 to index
      %swap3A_781 = arith.constant 48 : index
      %swap3A_782 = tpu.vector_load %arg8[%swap3A_779, %swap3A_780, %swap3A_781] {strides = array<i32>} : memref<4x200x64xf32, #tpu.memory_space<vmem>>, vector<1x1x16xf32>,
      %swap3A_783 = vector.shape_cast %swap3A_782 : vector<1x1x16xf32> to vector<16xf32>
      %swap3A_784 = vector.shape_cast %add3A_777 : vector<16xf32> to vector<1x1x16xf32>
      tpu.vector_store %arg8[%swap3A_779, %swap3A_780, %swap3A_781], %swap3A_784 {strides = array<i32>} : memref<4x200x64xf32, #tpu.memory_space<vmem>>, vector<1x1x16xf32>,
      %mul3A_785 = arith.constant 4 : i32
      %mul3A_786 = arith.muli %scan3A_558, %mul3A_785 : i32
      %add3A_787 = arith.constant 3 : i32
      %add3A_788 = arith.addi %mul3A_786, %add3A_787 : i32
      %get3A_789 = arith.constant 0 : i32
      %get3A_790 = arith.index_cast %get3A_789 : i32 to index
      %get3A_791 = arith.index_cast %add3A_788 : i32 to index
      %get3A_792 = arith.constant 0 : index
      %get3A_793 = tpu.vector_load %arg8[%get3A_790, %get3A_791, %get3A_792] {strides = array<i32>} : memref<4x200x64xf32, #tpu.memory_space<vmem>>, vector<1x1x16xf32>,
      %get3A_794 = vector.shape_cast %get3A_793 : vector<1x1x16xf32> to vector<16xf32>
      %get3A_795 = arith.index_cast %add3A_788 : i32 to index
      %get3A_796 = arith.constant 0 : index
      %get3A_797 = tpu.vector_load %arg7[%get3A_795, %get3A_796] {strides = array<i32>} : memref<200x64xf32, #tpu.memory_space<vmem>>, vector<1x16xf32>,
      %get3A_798 = vector.shape_cast %get3A_797 : vector<1x16xf32> to vector<16xf32>
      %add3A_799 = arith.addf %get3A_794, %get3A_798 : vector<16xf32>
      %swap3A_800 = arith.constant 0 : i32
      %swap3A_801 = arith.index_cast %swap3A_800 : i32 to index
      %swap3A_802 = arith.index_cast %add3A_788 : i32 to index
      %swap3A_803 = arith.constant 0 : index
      %swap3A_804 = tpu.vector_load %arg8[%swap3A_801, %swap3A_802, %swap3A_803] {strides = array<i32>} : memref<4x200x64xf32, #tpu.memory_space<vmem>>, vector<1x1x16xf32>,
      %swap3A_805 = vector.shape_cast %swap3A_804 : vector<1x1x16xf32> to vector<16xf32>
      %swap3A_806 = vector.shape_cast %add3A_799 : vector<16xf32> to vector<1x1x16xf32>
      tpu.vector_store %arg8[%swap3A_801, %swap3A_802, %swap3A_803], %swap3A_806 {strides = array<i32>} : memref<4x200x64xf32, #tpu.memory_space<vmem>>, vector<1x1x16xf32>,
      %get3A_807 = arith.constant 0 : i32
      %get3A_808 = arith.index_cast %get3A_807 : i32 to index
      %get3A_809 = arith.index_cast %add3A_788 : i32 to index
      %get3A_810 = arith.constant 16 : index
      %get3A_811 = tpu.vector_load %arg8[%get3A_808, %get3A_809, %get3A_810] {strides = array<i32>} : memref<4x200x64xf32, #tpu.memory_space<vmem>>, vector<1x1x16xf32>,
      %get3A_812 = vector.shape_cast %get3A_811 : vector<1x1x16xf32> to vector<16xf32>
      %get3A_813 = arith.index_cast %add3A_788 : i32 to index
      %get3A_814 = arith.constant 16 : index
      %get3A_815 = tpu.vector_load %arg7[%get3A_813, %get3A_814] {strides = array<i32>} : memref<200x64xf32, #tpu.memory_space<vmem>>, vector<1x16xf32>,
      %get3A_816 = vector.shape_cast %get3A_815 : vector<1x16xf32> to vector<16xf32>
      %add3A_817 = arith.addf %get3A_812, %get3A_816 : vector<16xf32>
      %swap3A_818 = arith.constant 0 : i32
      %swap3A_819 = arith.index_cast %swap3A_818 : i32 to index
      %swap3A_820 = arith.index_cast %add3A_788 : i32 to index
      %swap3A_821 = arith.constant 16 : index
      %swap3A_822 = tpu.vector_load %arg8[%swap3A_819, %swap3A_820, %swap3A_821] {strides = array<i32>} : memref<4x200x64xf32, #tpu.memory_space<vmem>>, vector<1x1x16xf32>,
      %swap3A_823 = vector.shape_cast %swap3A_822 : vector<1x1x16xf32> to vector<16xf32>
      %swap3A_824 = vector.shape_cast %add3A_817 : vector<16xf32> to vector<1x1x16xf32>
      tpu.vector_store %arg8[%swap3A_819, %swap3A_820, %swap3A_821], %swap3A_824 {strides = array<i32>} : memref<4x200x64xf32, #tpu.memory_space<vmem>>, vector<1x1x16xf32>,
      %get3A_825 = arith.constant 0 : i32
      %get3A_826 = arith.index_cast %get3A_825 : i32 to index
      %get3A_827 = arith.index_cast %add3A_788 : i32 to index
      %get3A_828 = arith.constant 32 : index
      %get3A_829 = tpu.vector_load %arg8[%get3A_826, %get3A_827, %get3A_828] {strides = array<i32>} : memref<4x200x64xf32, #tpu.memory_space<vmem>>, vector<1x1x16xf32>,
      %get3A_830 = vector.shape_cast %get3A_829 : vector<1x1x16xf32> to vector<16xf32>
      %get3A_831 = arith.index_cast %add3A_788 : i32 to index
      %get3A_832 = arith.constant 32 : index
      %get3A_833 = tpu.vector_load %arg7[%get3A_831, %get3A_832] {strides = array<i32>} : memref<200x64xf32, #tpu.memory_space<vmem>>, vector<1x16xf32>,
      %get3A_834 = vector.shape_cast %get3A_833 : vector<1x16xf32> to vector<16xf32>
      %add3A_835 = arith.addf %get3A_830, %get3A_834 : vector<16xf32>
      %swap3A_836 = arith.constant 0 : i32
      %swap3A_837 = arith.index_cast %swap3A_836 : i32 to index
      %swap3A_838 = arith.index_cast %add3A_788 : i32 to index
      %swap3A_839 = arith.constant 32 : index
      %swap3A_840 = tpu.vector_load %arg8[%swap3A_837, %swap3A_838, %swap3A_839] {strides = array<i32>} : memref<4x200x64xf32, #tpu.memory_space<vmem>>, vector<1x1x16xf32>,
      %swap3A_841 = vector.shape_cast %swap3A_840 : vector<1x1x16xf32> to vector<16xf32>
      %swap3A_842 = vector.shape_cast %add3A_835 : vector<16xf32> to vector<1x1x16xf32>
      tpu.vector_store %arg8[%swap3A_837, %swap3A_838, %swap3A_839], %swap3A_842 {strides = array<i32>} : memref<4x200x64xf32, #tpu.memory_space<vmem>>, vector<1x1x16xf32>,
      %get3A_843 = arith.constant 0 : i32
      %get3A_844 = arith.index_cast %get3A_843 : i32 to index
      %get3A_845 = arith.index_cast %add3A_788 : i32 to index
      %get3A_846 = arith.constant 48 : index
      %get3A_847 = tpu.vector_load %arg8[%get3A_844, %get3A_845, %get3A_846] {strides = array<i32>} : memref<4x200x64xf32, #tpu.memory_space<vmem>>, vector<1x1x16xf32>,
      %get3A_848 = vector.shape_cast %get3A_847 : vector<1x1x16xf32> to vector<16xf32>
      %get3A_849 = arith.index_cast %add3A_788 : i32 to index
      %get3A_850 = arith.constant 48 : index
      %get3A_851 = tpu.vector_load %arg7[%get3A_849, %get3A_850] {strides = array<i32>} : memref<200x64xf32, #tpu.memory_space<vmem>>, vector<1x16xf32>,
      %get3A_852 = vector.shape_cast %get3A_851 : vector<1x16xf32> to vector<16xf32>
      %add3A_853 = arith.addf %get3A_848, %get3A_852 : vector<16xf32>
      %swap3A_854 = arith.constant 0 : i32
      %swap3A_855 = arith.index_cast %swap3A_854 : i32 to index
      %swap3A_856 = arith.index_cast %add3A_788 : i32 to index
      %swap3A_857 = arith.constant 48 : index
      %swap3A_858 = tpu.vector_load %arg8[%swap3A_855, %swap3A_856, %swap3A_857] {strides = array<i32>} : memref<4x200x64xf32, #tpu.memory_space<vmem>>, vector<1x1x16xf32>,
      %swap3A_859 = vector.shape_cast %swap3A_858 : vector<1x1x16xf32> to vector<16xf32>
      %swap3A_860 = vector.shape_cast %add3A_853 : vector<16xf32> to vector<1x1x16xf32>
      tpu.vector_store %arg8[%swap3A_855, %swap3A_856, %swap3A_857], %swap3A_860 {strides = array<i32>} : memref<4x200x64xf32, #tpu.memory_space<vmem>>, vector<1x1x16xf32>,
    }
    %scan3A_133 = arith.constant 50 : i32
    %add3A_134 = arith.constant 0 : i32
    %add3A_135 = arith.addi %mul3A_2, %add3A_134 : i32
    %dma_start3A_136 = arith.constant 0 : i32
    %dma_start3A_137 = arith.constant 0 : i32
    %dma_start3A_138 = arith.constant 0 : i32
    %dma_start3A_139 = arith.constant 0 : i32
    %dma_start3A_140 = tpu.memref_slice %arg8[%dma_start3A_136, %dma_start3A_138, %dma_start3A_139] : memref<4x200x64xf32, #tpu.memory_space<vmem>> -> memref<1x200x64xf32, #tpu.memory_space<vmem>>
    %dma_start3A_141 = tpu.memref_squeeze %dma_start3A_140 : memref<1x200x64xf32, #tpu.memory_space<vmem>> -> memref<200x64xf32, #tpu.memory_space<vmem>>
    %dma_start3A_142 = arith.constant 0 : i32
    %dma_start3A_143 = arith.constant 0 : i32
    %dma_start3A_144 = tpu.memref_slice %arg5[%add3A_135, %dma_start3A_142, %dma_start3A_143] : memref<4096x200x64xf32, #tpu.memory_space<hbm>> -> memref<1x200x64xf32, #tpu.memory_space<hbm>>
    %dma_start3A_145 = tpu.memref_squeeze %dma_start3A_144 : memref<1x200x64xf32, #tpu.memory_space<hbm>> -> memref<200x64xf32, #tpu.memory_space<hbm>>
    %dma_start3A_146 = tpu.memref_slice %arg10[%dma_start3A_137] : memref<4x!tpu.dma_semaphore, #tpu.memory_space<semaphore_mem>> -> memref<1x!tpu.dma_semaphore, #tpu.memory_space<semaphore_mem>>
    %dma_start3A_147 = tpu.memref_squeeze %dma_start3A_146 : memref<1x!tpu.dma_semaphore, #tpu.memory_space<semaphore_mem>> -> memref<!tpu.dma_semaphore, #tpu.memory_space<semaphore_mem>>
    %dma_start3A_148 = arith.constant 0 : i32
    %dma_start3A_149 = arith.constant 0 : i32
    %dma_start3A_150 = tpu.memref_slice %arg5[%add3A_135, %dma_start3A_148, %dma_start3A_149] : memref<4096x200x64xf32, #tpu.memory_space<hbm>> -> memref<1x200x64xf32, #tpu.memory_space<hbm>>
    %dma_start3A_151 = tpu.memref_squeeze %dma_start3A_150 : memref<1x200x64xf32, #tpu.memory_space<hbm>> -> memref<200x64xf32, #tpu.memory_space<hbm>>
    %dma_start3A_152 = arith.constant 0 : i32
    %dma_start3A_153 = arith.constant 0 : i32
    %dma_start3A_154 = tpu.memref_slice %arg8[%dma_start3A_136, %dma_start3A_152, %dma_start3A_153] : memref<4x200x64xf32, #tpu.memory_space<vmem>> -> memref<1x200x64xf32, #tpu.memory_space<vmem>>
    %dma_start3A_155 = tpu.memref_squeeze %dma_start3A_154 : memref<1x200x64xf32, #tpu.memory_space<vmem>> -> memref<200x64xf32, #tpu.memory_space<vmem>>
    tpu.enqueue_dma source(%dma_start3A_155 : memref<200x64xf32, #tpu.memory_space<vmem>>) target(%dma_start3A_151 : memref<200x64xf32, #tpu.memory_space<hbm>>) target_semaphore(%dma_start3A_147 : memref<!tpu.dma_semaphore, #tpu.memory_space<semaphore_mem>>)
    %dma_start3A_156 = arith.constant 3 : i32
    %dma_start3A_157 = arith.constant 0 : i32
    %dma_start3A_158 = arith.constant 3 : i32
    %dma_start3A_159 = arith.constant 3 : i32
    %dma_start3A_160 = arith.constant 0 : i32
    %dma_start3A_161 = arith.constant 0 : i32
    %dma_start3A_162 = tpu.memref_slice %arg8[%dma_start3A_158, %dma_start3A_160, %dma_start3A_161] : memref<4x200x64xf32, #tpu.memory_space<vmem>> -> memref<1x100x64xf32, #tpu.memory_space<vmem>>
    %dma_start3A_163 = tpu.memref_squeeze %dma_start3A_162 : memref<1x100x64xf32, #tpu.memory_space<vmem>> -> memref<100x64xf32, #tpu.memory_space<vmem>>
    %dma_start3A_164 = arith.constant 0 : i32
    %dma_start3A_165 = tpu.memref_slice %arg6[%dma_start3A_156, %dma_start3A_157, %dma_start3A_164] : memref<128x2x100xi32, #tpu.memory_space<vmem>> -> memref<1x1x100xi32, #tpu.memory_space<vmem>>
    %dma_start3A_166 = tpu.memref_squeeze %dma_start3A_165 : memref<1x1x100xi32, #tpu.memory_space<vmem>> -> memref<100xi32, #tpu.memory_space<vmem>>
    %dma_start3A_167 = arith.constant 0 : i32
    %dma_start3A_168 = arith.constant 0 : i32
    %dma_start3A_169 = tpu.memref_slice %arg3[%dma_start3A_167, %dma_start3A_168] : memref<1000000x64xf32, #tpu.memory_space<hbm>> -> memref<1000000x64xf32, #tpu.memory_space<hbm>>
    %dma_start3A_170 = tpu.memref_slice %arg9[%dma_start3A_159] : memref<4x!tpu.dma_semaphore, #tpu.memory_space<semaphore_mem>> -> memref<1x!tpu.dma_semaphore, #tpu.memory_space<semaphore_mem>>
    %dma_start3A_171 = tpu.memref_squeeze %dma_start3A_170 : memref<1x!tpu.dma_semaphore, #tpu.memory_space<semaphore_mem>> -> memref<!tpu.dma_semaphore, #tpu.memory_space<semaphore_mem>>
    tpu.enqueue_indirect_dma source(%dma_start3A_169 : memref<1000000x64xf32, #tpu.memory_space<hbm>>) target(%dma_start3A_163 : memref<100x64xf32, #tpu.memory_space<vmem>>) offsets(%dma_start3A_166 : memref<100xi32, #tpu.memory_space<vmem>>) semaphore(%dma_start3A_171 : memref<!tpu.dma_semaphore, #tpu.memory_space<semaphore_mem>>)
    %dma_start3A_172 = arith.constant 3 : i32
    %dma_start3A_173 = arith.constant 1 : i32
    %dma_start3A_174 = arith.constant 3 : i32
    %dma_start3A_175 = arith.constant 3 : i32
    %dma_start3A_176 = arith.constant 100 : i32
    %dma_start3A_177 = arith.constant 0 : i32
    %dma_start3A_178 = tpu.memref_slice %arg8[%dma_start3A_174, %dma_start3A_176, %dma_start3A_177] : memref<4x200x64xf32, #tpu.memory_space<vmem>> -> memref<1x100x64xf32, #tpu.memory_space<vmem>>
    %dma_start3A_179 = tpu.memref_squeeze %dma_start3A_178 : memref<1x100x64xf32, #tpu.memory_space<vmem>> -> memref<100x64xf32, #tpu.memory_space<vmem>>
    %dma_start3A_180 = arith.constant 0 : i32
    %dma_start3A_181 = tpu.memref_slice %arg6[%dma_start3A_172, %dma_start3A_173, %dma_start3A_180] : memref<128x2x100xi32, #tpu.memory_space<vmem>> -> memref<1x1x100xi32, #tpu.memory_space<vmem>>
    %dma_start3A_182 = tpu.memref_squeeze %dma_start3A_181 : memref<1x1x100xi32, #tpu.memory_space<vmem>> -> memref<100xi32, #tpu.memory_space<vmem>>
    %dma_start3A_183 = arith.constant 0 : i32
    %dma_start3A_184 = arith.constant 0 : i32
    %dma_start3A_185 = tpu.memref_slice %arg3[%dma_start3A_183, %dma_start3A_184] : memref<1000000x64xf32, #tpu.memory_space<hbm>> -> memref<1000000x64xf32, #tpu.memory_space<hbm>>
    %dma_start3A_186 = tpu.memref_slice %arg9[%dma_start3A_175] : memref<4x!tpu.dma_semaphore, #tpu.memory_space<semaphore_mem>> -> memref<1x!tpu.dma_semaphore, #tpu.memory_space<semaphore_mem>>
    %dma_start3A_187 = tpu.memref_squeeze %dma_start3A_186 : memref<1x!tpu.dma_semaphore, #tpu.memory_space<semaphore_mem>> -> memref<!tpu.dma_semaphore, #tpu.memory_space<semaphore_mem>>
    tpu.enqueue_indirect_dma source(%dma_start3A_185 : memref<1000000x64xf32, #tpu.memory_space<hbm>>) target(%dma_start3A_179 : memref<100x64xf32, #tpu.memory_space<vmem>>) offsets(%dma_start3A_182 : memref<100xi32, #tpu.memory_space<vmem>>) semaphore(%dma_start3A_187 : memref<!tpu.dma_semaphore, #tpu.memory_space<semaphore_mem>>)
    %dma_wait3A_188 = arith.constant 1 : i32
    %dma_wait3A_189 = arith.constant 0 : i32
    %dma_wait3A_190 = arith.constant 1 : i32
    %dma_wait3A_191 = arith.constant 1 : i32
    %dma_wait3A_192 = arith.constant 0 : i32
    %dma_wait3A_193 = arith.constant 0 : i32
    %dma_wait3A_194 = tpu.memref_slice %arg8[%dma_wait3A_190, %dma_wait3A_192, %dma_wait3A_193] : memref<4x200x64xf32, #tpu.memory_space<vmem>> -> memref<1x100x64xf32, #tpu.memory_space<vmem>>
    %dma_wait3A_195 = tpu.memref_squeeze %dma_wait3A_194 : memref<1x100x64xf32, #tpu.memory_space<vmem>> -> memref<100x64xf32, #tpu.memory_space<vmem>>
    %dma_wait3A_196 = arith.constant 0 : i32
    %dma_wait3A_197 = tpu.memref_slice %arg6[%dma_wait3A_188, %dma_wait3A_189, %dma_wait3A_196] : memref<128x2x100xi32, #tpu.memory_space<vmem>> -> memref<1x1x100xi32, #tpu.memory_space<vmem>>
    %dma_wait3A_198 = tpu.memref_squeeze %dma_wait3A_197 : memref<1x1x100xi32, #tpu.memory_space<vmem>> -> memref<100xi32, #tpu.memory_space<vmem>>
    %dma_wait3A_199 = arith.constant 0 : i32
    %dma_wait3A_200 = arith.constant 0 : i32
    %dma_wait3A_201 = tpu.memref_slice %arg3[%dma_wait3A_199, %dma_wait3A_200] : memref<1000000x64xf32, #tpu.memory_space<hbm>> -> memref<1000000x64xf32, #tpu.memory_space<hbm>>
    %dma_wait3A_202 = tpu.memref_slice %arg9[%dma_wait3A_191] : memref<4x!tpu.dma_semaphore, #tpu.memory_space<semaphore_mem>> -> memref<1x!tpu.dma_semaphore, #tpu.memory_space<semaphore_mem>>
    %dma_wait3A_203 = tpu.memref_squeeze %dma_wait3A_202 : memref<1x!tpu.dma_semaphore, #tpu.memory_space<semaphore_mem>> -> memref<!tpu.dma_semaphore, #tpu.memory_space<semaphore_mem>>
    tpu.wait_indirect_dma semaphore(%dma_wait3A_203 : memref<!tpu.dma_semaphore, #tpu.memory_space<semaphore_mem>>) src(%dma_wait3A_201 : memref<1000000x64xf32, #tpu.memory_space<hbm>>) dst(%dma_wait3A_195 : memref<100x64xf32, #tpu.memory_space<vmem>>)
    %dma_wait3A_204 = arith.constant 1 : i32
    %dma_wait3A_205 = arith.constant 1 : i32
    %dma_wait3A_206 = arith.constant 1 : i32
    %dma_wait3A_207 = arith.constant 1 : i32
    %dma_wait3A_208 = arith.constant 100 : i32
    %dma_wait3A_209 = arith.constant 0 : i32
    %dma_wait3A_210 = tpu.memref_slice %arg8[%dma_wait3A_206, %dma_wait3A_208, %dma_wait3A_209] : memref<4x200x64xf32, #tpu.memory_space<vmem>> -> memref<1x100x64xf32, #tpu.memory_space<vmem>>
    %dma_wait3A_211 = tpu.memref_squeeze %dma_wait3A_210 : memref<1x100x64xf32, #tpu.memory_space<vmem>> -> memref<100x64xf32, #tpu.memory_space<vmem>>
    %dma_wait3A_212 = arith.constant 0 : i32
    %dma_wait3A_213 = tpu.memref_slice %arg6[%dma_wait3A_204, %dma_wait3A_205, %dma_wait3A_212] : memref<128x2x100xi32, #tpu.memory_space<vmem>> -> memref<1x1x100xi32, #tpu.memory_space<vmem>>
    %dma_wait3A_214 = tpu.memref_squeeze %dma_wait3A_213 : memref<1x1x100xi32, #tpu.memory_space<vmem>> -> memref<100xi32, #tpu.memory_space<vmem>>
    %dma_wait3A_215 = arith.constant 0 : i32
    %dma_wait3A_216 = arith.constant 0 : i32
    %dma_wait3A_217 = tpu.memref_slice %arg3[%dma_wait3A_215, %dma_wait3A_216] : memref<1000000x64xf32, #tpu.memory_space<hbm>> -> memref<1000000x64xf32, #tpu.memory_space<hbm>>
    %dma_wait3A_218 = tpu.memref_slice %arg9[%dma_wait3A_207] : memref<4x!tpu.dma_semaphore, #tpu.memory_space<semaphore_mem>> -> memref<1x!tpu.dma_semaphore, #tpu.memory_space<semaphore_mem>>
    %dma_wait3A_219 = tpu.memref_squeeze %dma_wait3A_218 : memref<1x!tpu.dma_semaphore, #tpu.memory_space<semaphore_mem>> -> memref<!tpu.dma_semaphore, #tpu.memory_space<semaphore_mem>>
    tpu.wait_indirect_dma semaphore(%dma_wait3A_219 : memref<!tpu.dma_semaphore, #tpu.memory_space<semaphore_mem>>) src(%dma_wait3A_217 : memref<1000000x64xf32, #tpu.memory_space<hbm>>) dst(%dma_wait3A_211 : memref<100x64xf32, #tpu.memory_space<vmem>>)
    %scan3A_220 = arith.constant 0 : i32
    %scan3A_221 = arith.constant 0 : i32
    %scan3A_222 = arith.constant 50 : i32
    %scan3A_223 = arith.addi %scan3A_221, %scan3A_222 : i32
    %scan3A_224 = arith.constant 1 : i32
    scf.for %scan3A_558 = %scan3A_221 to %scan3A_223 step %scan3A_224  : i32 {
      %mul3A_559 = arith.constant 4 : i32
      %mul3A_560 = arith.muli %scan3A_558, %mul3A_559 : i32
      %add3A_561 = arith.constant 0 : i32
      %add3A_562 = arith.addi %mul3A_560, %add3A_561 : i32
      %get3A = arith.constant 1 : i32
      %get3A_563 = arith.index_cast %get3A : i32 to index
      %get3A_564 = arith.index_cast %add3A_562 : i32 to index
      %get3A_565 = arith.constant 0 : index
      %get3A_566 = tpu.vector_load %arg8[%get3A_563, %get3A_564, %get3A_565] {strides = array<i32>} : memref<4x200x64xf32, #tpu.memory_space<vmem>>, vector<1x1x16xf32>,
      %get3A_567 = vector.shape_cast %get3A_566 : vector<1x1x16xf32> to vector<16xf32>
      %get3A_568 = arith.index_cast %add3A_562 : i32 to index
      %get3A_569 = arith.constant 0 : index
      %get3A_570 = tpu.vector_load %arg7[%get3A_568, %get3A_569] {strides = array<i32>} : memref<200x64xf32, #tpu.memory_space<vmem>>, vector<1x16xf32>,
      %get3A_571 = vector.shape_cast %get3A_570 : vector<1x16xf32> to vector<16xf32>
      %add3A_572 = arith.addf %get3A_567, %get3A_571 : vector<16xf32>
      %swap3A = arith.constant 1 : i32
      %swap3A_573 = arith.index_cast %swap3A : i32 to index
      %swap3A_574 = arith.index_cast %add3A_562 : i32 to index
      %swap3A_575 = arith.constant 0 : index
      %swap3A_576 = tpu.vector_load %arg8[%swap3A_573, %swap3A_574, %swap3A_575] {strides = array<i32>} : memref<4x200x64xf32, #tpu.memory_space<vmem>>, vector<1x1x16xf32>,
      %swap3A_577 = vector.shape_cast %swap3A_576 : vector<1x1x16xf32> to vector<16xf32>
      %swap3A_578 = vector.shape_cast %add3A_572 : vector<16xf32> to vector<1x1x16xf32>
      tpu.vector_store %arg8[%swap3A_573, %swap3A_574, %swap3A_575], %swap3A_578 {strides = array<i32>} : memref<4x200x64xf32, #tpu.memory_space<vmem>>, vector<1x1x16xf32>,
      %get3A_579 = arith.constant 1 : i32
      %get3A_580 = arith.index_cast %get3A_579 : i32 to index
      %get3A_581 = arith.index_cast %add3A_562 : i32 to index
      %get3A_582 = arith.constant 16 : index
      %get3A_583 = tpu.vector_load %arg8[%get3A_580, %get3A_581, %get3A_582] {strides = array<i32>} : memref<4x200x64xf32, #tpu.memory_space<vmem>>, vector<1x1x16xf32>,
      %get3A_584 = vector.shape_cast %get3A_583 : vector<1x1x16xf32> to vector<16xf32>
      %get3A_585 = arith.index_cast %add3A_562 : i32 to index
      %get3A_586 = arith.constant 16 : index
      %get3A_587 = tpu.vector_load %arg7[%get3A_585, %get3A_586] {strides = array<i32>} : memref<200x64xf32, #tpu.memory_space<vmem>>, vector<1x16xf32>,
      %get3A_588 = vector.shape_cast %get3A_587 : vector<1x16xf32> to vector<16xf32>
      %add3A_589 = arith.addf %get3A_584, %get3A_588 : vector<16xf32>
      %swap3A_590 = arith.constant 1 : i32
      %swap3A_591 = arith.index_cast %swap3A_590 : i32 to index
      %swap3A_592 = arith.index_cast %add3A_562 : i32 to index
      %swap3A_593 = arith.constant 16 : index
      %swap3A_594 = tpu.vector_load %arg8[%swap3A_591, %swap3A_592, %swap3A_593] {strides = array<i32>} : memref<4x200x64xf32, #tpu.memory_space<vmem>>, vector<1x1x16xf32>,
      %swap3A_595 = vector.shape_cast %swap3A_594 : vector<1x1x16xf32> to vector<16xf32>
      %swap3A_596 = vector.shape_cast %add3A_589 : vector<16xf32> to vector<1x1x16xf32>
      tpu.vector_store %arg8[%swap3A_591, %swap3A_592, %swap3A_593], %swap3A_596 {strides = array<i32>} : memref<4x200x64xf32, #tpu.memory_space<vmem>>, vector<1x1x16xf32>,
      %get3A_597 = arith.constant 1 : i32
      %get3A_598 = arith.index_cast %get3A_597 : i32 to index
      %get3A_599 = arith.index_cast %add3A_562 : i32 to index
      %get3A_600 = arith.constant 32 : index
      %get3A_601 = tpu.vector_load %arg8[%get3A_598, %get3A_599, %get3A_600] {strides = array<i32>} : memref<4x200x64xf32, #tpu.memory_space<vmem>>, vector<1x1x16xf32>,
      %get3A_602 = vector.shape_cast %get3A_601 : vector<1x1x16xf32> to vector<16xf32>
      %get3A_603 = arith.index_cast %add3A_562 : i32 to index
      %get3A_604 = arith.constant 32 : index
      %get3A_605 = tpu.vector_load %arg7[%get3A_603, %get3A_604] {strides = array<i32>} : memref<200x64xf32, #tpu.memory_space<vmem>>, vector<1x16xf32>,
      %get3A_606 = vector.shape_cast %get3A_605 : vector<1x16xf32> to vector<16xf32>
      %add3A_607 = arith.addf %get3A_602, %get3A_606 : vector<16xf32>
      %swap3A_608 = arith.constant 1 : i32
      %swap3A_609 = arith.index_cast %swap3A_608 : i32 to index
      %swap3A_610 = arith.index_cast %add3A_562 : i32 to index
      %swap3A_611 = arith.constant 32 : index
      %swap3A_612 = tpu.vector_load %arg8[%swap3A_609, %swap3A_610, %swap3A_611] {strides = array<i32>} : memref<4x200x64xf32, #tpu.memory_space<vmem>>, vector<1x1x16xf32>,
      %swap3A_613 = vector.shape_cast %swap3A_612 : vector<1x1x16xf32> to vector<16xf32>
      %swap3A_614 = vector.shape_cast %add3A_607 : vector<16xf32> to vector<1x1x16xf32>
      tpu.vector_store %arg8[%swap3A_609, %swap3A_610, %swap3A_611], %swap3A_614 {strides = array<i32>} : memref<4x200x64xf32, #tpu.memory_space<vmem>>, vector<1x1x16xf32>,
      %get3A_615 = arith.constant 1 : i32
      %get3A_616 = arith.index_cast %get3A_615 : i32 to index
      %get3A_617 = arith.index_cast %add3A_562 : i32 to index
      %get3A_618 = arith.constant 48 : index
      %get3A_619 = tpu.vector_load %arg8[%get3A_616, %get3A_617, %get3A_618] {strides = array<i32>} : memref<4x200x64xf32, #tpu.memory_space<vmem>>, vector<1x1x16xf32>,
      %get3A_620 = vector.shape_cast %get3A_619 : vector<1x1x16xf32> to vector<16xf32>
      %get3A_621 = arith.index_cast %add3A_562 : i32 to index
      %get3A_622 = arith.constant 48 : index
      %get3A_623 = tpu.vector_load %arg7[%get3A_621, %get3A_622] {strides = array<i32>} : memref<200x64xf32, #tpu.memory_space<vmem>>, vector<1x16xf32>,
      %get3A_624 = vector.shape_cast %get3A_623 : vector<1x16xf32> to vector<16xf32>
      %add3A_625 = arith.addf %get3A_620, %get3A_624 : vector<16xf32>
      %swap3A_626 = arith.constant 1 : i32
      %swap3A_627 = arith.index_cast %swap3A_626 : i32 to index
      %swap3A_628 = arith.index_cast %add3A_562 : i32 to index
      %swap3A_629 = arith.constant 48 : index
      %swap3A_630 = tpu.vector_load %arg8[%swap3A_627, %swap3A_628, %swap3A_629] {strides = array<i32>} : memref<4x200x64xf32, #tpu.memory_space<vmem>>, vector<1x1x16xf32>,
      %swap3A_631 = vector.shape_cast %swap3A_630 : vector<1x1x16xf32> to vector<16xf32>
      %swap3A_632 = vector.shape_cast %add3A_625 : vector<16xf32> to vector<1x1x16xf32>
      tpu.vector_store %arg8[%swap3A_627, %swap3A_628, %swap3A_629], %swap3A_632 {strides = array<i32>} : memref<4x200x64xf32, #tpu.memory_space<vmem>>, vector<1x1x16xf32>,
      %mul3A_633 = arith.constant 4 : i32
      %mul3A_634 = arith.muli %scan3A_558, %mul3A_633 : i32
      %add3A_635 = arith.constant 1 : i32
      %add3A_636 = arith.addi %mul3A_634, %add3A_635 : i32
      %get3A_637 = arith.constant 1 : i32
      %get3A_638 = arith.index_cast %get3A_637 : i32 to index
      %get3A_639 = arith.index_cast %add3A_636 : i32 to index
      %get3A_640 = arith.constant 0 : index
      %get3A_641 = tpu.vector_load %arg8[%get3A_638, %get3A_639, %get3A_640] {strides = array<i32>} : memref<4x200x64xf32, #tpu.memory_space<vmem>>, vector<1x1x16xf32>,
      %get3A_642 = vector.shape_cast %get3A_641 : vector<1x1x16xf32> to vector<16xf32>
      %get3A_643 = arith.index_cast %add3A_636 : i32 to index
      %get3A_644 = arith.constant 0 : index
      %get3A_645 = tpu.vector_load %arg7[%get3A_643, %get3A_644] {strides = array<i32>} : memref<200x64xf32, #tpu.memory_space<vmem>>, vector<1x16xf32>,
      %get3A_646 = vector.shape_cast %get3A_645 : vector<1x16xf32> to vector<16xf32>
      %add3A_647 = arith.addf %get3A_642, %get3A_646 : vector<16xf32>
      %swap3A_648 = arith.constant 1 : i32
      %swap3A_649 = arith.index_cast %swap3A_648 : i32 to index
      %swap3A_650 = arith.index_cast %add3A_636 : i32 to index
      %swap3A_651 = arith.constant 0 : index
      %swap3A_652 = tpu.vector_load %arg8[%swap3A_649, %swap3A_650, %swap3A_651] {strides = array<i32>} : memref<4x200x64xf32, #tpu.memory_space<vmem>>, vector<1x1x16xf32>,
      %swap3A_653 = vector.shape_cast %swap3A_652 : vector<1x1x16xf32> to vector<16xf32>
      %swap3A_654 = vector.shape_cast %add3A_647 : vector<16xf32> to vector<1x1x16xf32>
      tpu.vector_store %arg8[%swap3A_649, %swap3A_650, %swap3A_651], %swap3A_654 {strides = array<i32>} : memref<4x200x64xf32, #tpu.memory_space<vmem>>, vector<1x1x16xf32>,
      %get3A_655 = arith.constant 1 : i32
      %get3A_656 = arith.index_cast %get3A_655 : i32 to index
      %get3A_657 = arith.index_cast %add3A_636 : i32 to index
      %get3A_658 = arith.constant 16 : index
      %get3A_659 = tpu.vector_load %arg8[%get3A_656, %get3A_657, %get3A_658] {strides = array<i32>} : memref<4x200x64xf32, #tpu.memory_space<vmem>>, vector<1x1x16xf32>,
      %get3A_660 = vector.shape_cast %get3A_659 : vector<1x1x16xf32> to vector<16xf32>
      %get3A_661 = arith.index_cast %add3A_636 : i32 to index
      %get3A_662 = arith.constant 16 : index
      %get3A_663 = tpu.vector_load %arg7[%get3A_661, %get3A_662] {strides = array<i32>} : memref<200x64xf32, #tpu.memory_space<vmem>>, vector<1x16xf32>,
      %get3A_664 = vector.shape_cast %get3A_663 : vector<1x16xf32> to vector<16xf32>
      %add3A_665 = arith.addf %get3A_660, %get3A_664 : vector<16xf32>
      %swap3A_666 = arith.constant 1 : i32
      %swap3A_667 = arith.index_cast %swap3A_666 : i32 to index
      %swap3A_668 = arith.index_cast %add3A_636 : i32 to index
      %swap3A_669 = arith.constant 16 : index
      %swap3A_670 = tpu.vector_load %arg8[%swap3A_667, %swap3A_668, %swap3A_669] {strides = array<i32>} : memref<4x200x64xf32, #tpu.memory_space<vmem>>, vector<1x1x16xf32>,
      %swap3A_671 = vector.shape_cast %swap3A_670 : vector<1x1x16xf32> to vector<16xf32>
      %swap3A_672 = vector.shape_cast %add3A_665 : vector<16xf32> to vector<1x1x16xf32>
      tpu.vector_store %arg8[%swap3A_667, %swap3A_668, %swap3A_669], %swap3A_672 {strides = array<i32>} : memref<4x200x64xf32, #tpu.memory_space<vmem>>, vector<1x1x16xf32>,
      %get3A_673 = arith.constant 1 : i32
      %get3A_674 = arith.index_cast %get3A_673 : i32 to index
      %get3A_675 = arith.index_cast %add3A_636 : i32 to index
      %get3A_676 = arith.constant 32 : index
      %get3A_677 = tpu.vector_load %arg8[%get3A_674, %get3A_675, %get3A_676] {strides = array<i32>} : memref<4x200x64xf32, #tpu.memory_space<vmem>>, vector<1x1x16xf32>,
      %get3A_678 = vector.shape_cast %get3A_677 : vector<1x1x16xf32> to vector<16xf32>
      %get3A_679 = arith.index_cast %add3A_636 : i32 to index
      %get3A_680 = arith.constant 32 : index
      %get3A_681 = tpu.vector_load %arg7[%get3A_679, %get3A_680] {strides = array<i32>} : memref<200x64xf32, #tpu.memory_space<vmem>>, vector<1x16xf32>,
      %get3A_682 = vector.shape_cast %get3A_681 : vector<1x16xf32> to vector<16xf32>
      %add3A_683 = arith.addf %get3A_678, %get3A_682 : vector<16xf32>
      %swap3A_684 = arith.constant 1 : i32
      %swap3A_685 = arith.index_cast %swap3A_684 : i32 to index
      %swap3A_686 = arith.index_cast %add3A_636 : i32 to index
      %swap3A_687 = arith.constant 32 : index
      %swap3A_688 = tpu.vector_load %arg8[%swap3A_685, %swap3A_686, %swap3A_687] {strides = array<i32>} : memref<4x200x64xf32, #tpu.memory_space<vmem>>, vector<1x1x16xf32>,
      %swap3A_689 = vector.shape_cast %swap3A_688 : vector<1x1x16xf32> to vector<16xf32>
      %swap3A_690 = vector.shape_cast %add3A_683 : vector<16xf32> to vector<1x1x16xf32>
      tpu.vector_store %arg8[%swap3A_685, %swap3A_686, %swap3A_687], %swap3A_690 {strides = array<i32>} : memref<4x200x64xf32, #tpu.memory_space<vmem>>, vector<1x1x16xf32>,
      %get3A_691 = arith.constant 1 : i32
      %get3A_692 = arith.index_cast %get3A_691 : i32 to index
      %get3A_693 = arith.index_cast %add3A_636 : i32 to index
      %get3A_694 = arith.constant 48 : index
      %get3A_695 = tpu.vector_load %arg8[%get3A_692, %get3A_693, %get3A_694] {strides = array<i32>} : memref<4x200x64xf32, #tpu.memory_space<vmem>>, vector<1x1x16xf32>,
      %get3A_696 = vector.shape_cast %get3A_695 : vector<1x1x16xf32> to vector<16xf32>
      %get3A_697 = arith.index_cast %add3A_636 : i32 to index
      %get3A_698 = arith.constant 48 : index
      %get3A_699 = tpu.vector_load %arg7[%get3A_697, %get3A_698] {strides = array<i32>} : memref<200x64xf32, #tpu.memory_space<vmem>>, vector<1x16xf32>,
      %get3A_700 = vector.shape_cast %get3A_699 : vector<1x16xf32> to vector<16xf32>
      %add3A_701 = arith.addf %get3A_696, %get3A_700 : vector<16xf32>
      %swap3A_702 = arith.constant 1 : i32
      %swap3A_703 = arith.index_cast %swap3A_702 : i32 to index
      %swap3A_704 = arith.index_cast %add3A_636 : i32 to index
      %swap3A_705 = arith.constant 48 : index
      %swap3A_706 = tpu.vector_load %arg8[%swap3A_703, %swap3A_704, %swap3A_705] {strides = array<i32>} : memref<4x200x64xf32, #tpu.memory_space<vmem>>, vector<1x1x16xf32>,
      %swap3A_707 = vector.shape_cast %swap3A_706 : vector<1x1x16xf32> to vector<16xf32>
      %swap3A_708 = vector.shape_cast %add3A_701 : vector<16xf32> to vector<1x1x16xf32>
      tpu.vector_store %arg8[%swap3A_703, %swap3A_704, %swap3A_705], %swap3A_708 {strides = array<i32>} : memref<4x200x64xf32, #tpu.memory_space<vmem>>, vector<1x1x16xf32>,
      %mul3A_709 = arith.constant 4 : i32
      %mul3A_710 = arith.muli %scan3A_558, %mul3A_709 : i32
      %add3A_711 = arith.constant 2 : i32
      %add3A_712 = arith.addi %mul3A_710, %add3A_711 : i32
      %get3A_713 = arith.constant 1 : i32
      %get3A_714 = arith.index_cast %get3A_713 : i32 to index
      %get3A_715 = arith.index_cast %add3A_712 : i32 to index
      %get3A_716 = arith.constant 0 : index
      %get3A_717 = tpu.vector_load %arg8[%get3A_714, %get3A_715, %get3A_716] {strides = array<i32>} : memref<4x200x64xf32, #tpu.memory_space<vmem>>, vector<1x1x16xf32>,
      %get3A_718 = vector.shape_cast %get3A_717 : vector<1x1x16xf32> to vector<16xf32>
      %get3A_719 = arith.index_cast %add3A_712 : i32 to index
      %get3A_720 = arith.constant 0 : index
      %get3A_721 = tpu.vector_load %arg7[%get3A_719, %get3A_720] {strides = array<i32>} : memref<200x64xf32, #tpu.memory_space<vmem>>, vector<1x16xf32>,
      %get3A_722 = vector.shape_cast %get3A_721 : vector<1x16xf32> to vector<16xf32>
      %add3A_723 = arith.addf %get3A_718, %get3A_722 : vector<16xf32>
      %swap3A_724 = arith.constant 1 : i32
      %swap3A_725 = arith.index_cast %swap3A_724 : i32 to index
      %swap3A_726 = arith.index_cast %add3A_712 : i32 to index
      %swap3A_727 = arith.constant 0 : index
      %swap3A_728 = tpu.vector_load %arg8[%swap3A_725, %swap3A_726, %swap3A_727] {strides = array<i32>} : memref<4x200x64xf32, #tpu.memory_space<vmem>>, vector<1x1x16xf32>,
      %swap3A_729 = vector.shape_cast %swap3A_728 : vector<1x1x16xf32> to vector<16xf32>
      %swap3A_730 = vector.shape_cast %add3A_723 : vector<16xf32> to vector<1x1x16xf32>
      tpu.vector_store %arg8[%swap3A_725, %swap3A_726, %swap3A_727], %swap3A_730 {strides = array<i32>} : memref<4x200x64xf32, #tpu.memory_space<vmem>>, vector<1x1x16xf32>,
      %get3A_731 = arith.constant 1 : i32
      %get3A_732 = arith.index_cast %get3A_731 : i32 to index
      %get3A_733 = arith.index_cast %add3A_712 : i32 to index
      %get3A_734 = arith.constant 16 : index
      %get3A_735 = tpu.vector_load %arg8[%get3A_732, %get3A_733, %get3A_734] {strides = array<i32>} : memref<4x200x64xf32, #tpu.memory_space<vmem>>, vector<1x1x16xf32>,
      %get3A_736 = vector.shape_cast %get3A_735 : vector<1x1x16xf32> to vector<16xf32>
      %get3A_737 = arith.index_cast %add3A_712 : i32 to index
      %get3A_738 = arith.constant 16 : index
      %get3A_739 = tpu.vector_load %arg7[%get3A_737, %get3A_738] {strides = array<i32>} : memref<200x64xf32, #tpu.memory_space<vmem>>, vector<1x16xf32>,
      %get3A_740 = vector.shape_cast %get3A_739 : vector<1x16xf32> to vector<16xf32>
      %add3A_741 = arith.addf %get3A_736, %get3A_740 : vector<16xf32>
      %swap3A_742 = arith.constant 1 : i32
      %swap3A_743 = arith.index_cast %swap3A_742 : i32 to index
      %swap3A_744 = arith.index_cast %add3A_712 : i32 to index
      %swap3A_745 = arith.constant 16 : index
      %swap3A_746 = tpu.vector_load %arg8[%swap3A_743, %swap3A_744, %swap3A_745] {strides = array<i32>} : memref<4x200x64xf32, #tpu.memory_space<vmem>>, vector<1x1x16xf32>,
      %swap3A_747 = vector.shape_cast %swap3A_746 : vector<1x1x16xf32> to vector<16xf32>
      %swap3A_748 = vector.shape_cast %add3A_741 : vector<16xf32> to vector<1x1x16xf32>
      tpu.vector_store %arg8[%swap3A_743, %swap3A_744, %swap3A_745], %swap3A_748 {strides = array<i32>} : memref<4x200x64xf32, #tpu.memory_space<vmem>>, vector<1x1x16xf32>,
      %get3A_749 = arith.constant 1 : i32
      %get3A_750 = arith.index_cast %get3A_749 : i32 to index
      %get3A_751 = arith.index_cast %add3A_712 : i32 to index
      %get3A_752 = arith.constant 32 : index
      %get3A_753 = tpu.vector_load %arg8[%get3A_750, %get3A_751, %get3A_752] {strides = array<i32>} : memref<4x200x64xf32, #tpu.memory_space<vmem>>, vector<1x1x16xf32>,
      %get3A_754 = vector.shape_cast %get3A_753 : vector<1x1x16xf32> to vector<16xf32>
      %get3A_755 = arith.index_cast %add3A_712 : i32 to index
      %get3A_756 = arith.constant 32 : index
      %get3A_757 = tpu.vector_load %arg7[%get3A_755, %get3A_756] {strides = array<i32>} : memref<200x64xf32, #tpu.memory_space<vmem>>, vector<1x16xf32>,
      %get3A_758 = vector.shape_cast %get3A_757 : vector<1x16xf32> to vector<16xf32>
      %add3A_759 = arith.addf %get3A_754, %get3A_758 : vector<16xf32>
      %swap3A_760 = arith.constant 1 : i32
      %swap3A_761 = arith.index_cast %swap3A_760 : i32 to index
      %swap3A_762 = arith.index_cast %add3A_712 : i32 to index
      %swap3A_763 = arith.constant 32 : index
      %swap3A_764 = tpu.vector_load %arg8[%swap3A_761, %swap3A_762, %swap3A_763] {strides = array<i32>} : memref<4x200x64xf32, #tpu.memory_space<vmem>>, vector<1x1x16xf32>,
      %swap3A_765 = vector.shape_cast %swap3A_764 : vector<1x1x16xf32> to vector<16xf32>
      %swap3A_766 = vector.shape_cast %add3A_759 : vector<16xf32> to vector<1x1x16xf32>
      tpu.vector_store %arg8[%swap3A_761, %swap3A_762, %swap3A_763], %swap3A_766 {strides = array<i32>} : memref<4x200x64xf32, #tpu.memory_space<vmem>>, vector<1x1x16xf32>,
      %get3A_767 = arith.constant 1 : i32
      %get3A_768 = arith.index_cast %get3A_767 : i32 to index
      %get3A_769 = arith.index_cast %add3A_712 : i32 to index
      %get3A_770 = arith.constant 48 : index
      %get3A_771 = tpu.vector_load %arg8[%get3A_768, %get3A_769, %get3A_770] {strides = array<i32>} : memref<4x200x64xf32, #tpu.memory_space<vmem>>, vector<1x1x16xf32>,
      %get3A_772 = vector.shape_cast %get3A_771 : vector<1x1x16xf32> to vector<16xf32>
      %get3A_773 = arith.index_cast %add3A_712 : i32 to index
      %get3A_774 = arith.constant 48 : index
      %get3A_775 = tpu.vector_load %arg7[%get3A_773, %get3A_774] {strides = array<i32>} : memref<200x64xf32, #tpu.memory_space<vmem>>, vector<1x16xf32>,
      %get3A_776 = vector.shape_cast %get3A_775 : vector<1x16xf32> to vector<16xf32>
      %add3A_777 = arith.addf %get3A_772, %get3A_776 : vector<16xf32>
      %swap3A_778 = arith.constant 1 : i32
      %swap3A_779 = arith.index_cast %swap3A_778 : i32 to index
      %swap3A_780 = arith.index_cast %add3A_712 : i32 to index
      %swap3A_781 = arith.constant 48 : index
      %swap3A_782 = tpu.vector_load %arg8[%swap3A_779, %swap3A_780, %swap3A_781] {strides = array<i32>} : memref<4x200x64xf32, #tpu.memory_space<vmem>>, vector<1x1x16xf32>,
      %swap3A_783 = vector.shape_cast %swap3A_782 : vector<1x1x16xf32> to vector<16xf32>
      %swap3A_784 = vector.shape_cast %add3A_777 : vector<16xf32> to vector<1x1x16xf32>
      tpu.vector_store %arg8[%swap3A_779, %swap3A_780, %swap3A_781], %swap3A_784 {strides = array<i32>} : memref<4x200x64xf32, #tpu.memory_space<vmem>>, vector<1x1x16xf32>,
      %mul3A_785 = arith.constant 4 : i32
      %mul3A_786 = arith.muli %scan3A_558, %mul3A_785 : i32
      %add3A_787 = arith.constant 3 : i32
      %add3A_788 = arith.addi %mul3A_786, %add3A_787 : i32
      %get3A_789 = arith.constant 1 : i32
      %get3A_790 = arith.index_cast %get3A_789 : i32 to index
      %get3A_791 = arith.index_cast %add3A_788 : i32 to index
      %get3A_792 = arith.constant 0 : index
      %get3A_793 = tpu.vector_load %arg8[%get3A_790, %get3A_791, %get3A_792] {strides = array<i32>} : memref<4x200x64xf32, #tpu.memory_space<vmem>>, vector<1x1x16xf32>,
      %get3A_794 = vector.shape_cast %get3A_793 : vector<1x1x16xf32> to vector<16xf32>
      %get3A_795 = arith.index_cast %add3A_788 : i32 to index
      %get3A_796 = arith.constant 0 : index
      %get3A_797 = tpu.vector_load %arg7[%get3A_795, %get3A_796] {strides = array<i32>} : memref<200x64xf32, #tpu.memory_space<vmem>>, vector<1x16xf32>,
      %get3A_798 = vector.shape_cast %get3A_797 : vector<1x16xf32> to vector<16xf32>
      %add3A_799 = arith.addf %get3A_794, %get3A_798 : vector<16xf32>
      %swap3A_800 = arith.constant 1 : i32
      %swap3A_801 = arith.index_cast %swap3A_800 : i32 to index
      %swap3A_802 = arith.index_cast %add3A_788 : i32 to index
      %swap3A_803 = arith.constant 0 : index
      %swap3A_804 = tpu.vector_load %arg8[%swap3A_801, %swap3A_802, %swap3A_803] {strides = array<i32>} : memref<4x200x64xf32, #tpu.memory_space<vmem>>, vector<1x1x16xf32>,
      %swap3A_805 = vector.shape_cast %swap3A_804 : vector<1x1x16xf32> to vector<16xf32>
      %swap3A_806 = vector.shape_cast %add3A_799 : vector<16xf32> to vector<1x1x16xf32>
      tpu.vector_store %arg8[%swap3A_801, %swap3A_802, %swap3A_803], %swap3A_806 {strides = array<i32>} : memref<4x200x64xf32, #tpu.memory_space<vmem>>, vector<1x1x16xf32>,
      %get3A_807 = arith.constant 1 : i32
      %get3A_808 = arith.index_cast %get3A_807 : i32 to index
      %get3A_809 = arith.index_cast %add3A_788 : i32 to index
      %get3A_810 = arith.constant 16 : index
      %get3A_811 = tpu.vector_load %arg8[%get3A_808, %get3A_809, %get3A_810] {strides = array<i32>} : memref<4x200x64xf32, #tpu.memory_space<vmem>>, vector<1x1x16xf32>,
      %get3A_812 = vector.shape_cast %get3A_811 : vector<1x1x16xf32> to vector<16xf32>
      %get3A_813 = arith.index_cast %add3A_788 : i32 to index
      %get3A_814 = arith.constant 16 : index
      %get3A_815 = tpu.vector_load %arg7[%get3A_813, %get3A_814] {strides = array<i32>} : memref<200x64xf32, #tpu.memory_space<vmem>>, vector<1x16xf32>,
      %get3A_816 = vector.shape_cast %get3A_815 : vector<1x16xf32> to vector<16xf32>
      %add3A_817 = arith.addf %get3A_812, %get3A_816 : vector<16xf32>
      %swap3A_818 = arith.constant 1 : i32
      %swap3A_819 = arith.index_cast %swap3A_818 : i32 to index
      %swap3A_820 = arith.index_cast %add3A_788 : i32 to index
      %swap3A_821 = arith.constant 16 : index
      %swap3A_822 = tpu.vector_load %arg8[%swap3A_819, %swap3A_820, %swap3A_821] {strides = array<i32>} : memref<4x200x64xf32, #tpu.memory_space<vmem>>, vector<1x1x16xf32>,
      %swap3A_823 = vector.shape_cast %swap3A_822 : vector<1x1x16xf32> to vector<16xf32>
      %swap3A_824 = vector.shape_cast %add3A_817 : vector<16xf32> to vector<1x1x16xf32>
      tpu.vector_store %arg8[%swap3A_819, %swap3A_820, %swap3A_821], %swap3A_824 {strides = array<i32>} : memref<4x200x64xf32, #tpu.memory_space<vmem>>, vector<1x1x16xf32>,
      %get3A_825 = arith.constant 1 : i32
      %get3A_826 = arith.index_cast %get3A_825 : i32 to index
      %get3A_827 = arith.index_cast %add3A_788 : i32 to index
      %get3A_828 = arith.constant 32 : index
      %get3A_829 = tpu.vector_load %arg8[%get3A_826, %get3A_827, %get3A_828] {strides = array<i32>} : memref<4x200x64xf32, #tpu.memory_space<vmem>>, vector<1x1x16xf32>,
      %get3A_830 = vector.shape_cast %get3A_829 : vector<1x1x16xf32> to vector<16xf32>
      %get3A_831 = arith.index_cast %add3A_788 : i32 to index
      %get3A_832 = arith.constant 32 : index
      %get3A_833 = tpu.vector_load %arg7[%get3A_831, %get3A_832] {strides = array<i32>} : memref<200x64xf32, #tpu.memory_space<vmem>>, vector<1x16xf32>,
      %get3A_834 = vector.shape_cast %get3A_833 : vector<1x16xf32> to vector<16xf32>
      %add3A_835 = arith.addf %get3A_830, %get3A_834 : vector<16xf32>
      %swap3A_836 = arith.constant 1 : i32
      %swap3A_837 = arith.index_cast %swap3A_836 : i32 to index
      %swap3A_838 = arith.index_cast %add3A_788 : i32 to index
      %swap3A_839 = arith.constant 32 : index
      %swap3A_840 = tpu.vector_load %arg8[%swap3A_837, %swap3A_838, %swap3A_839] {strides = array<i32>} : memref<4x200x64xf32, #tpu.memory_space<vmem>>, vector<1x1x16xf32>,
      %swap3A_841 = vector.shape_cast %swap3A_840 : vector<1x1x16xf32> to vector<16xf32>
      %swap3A_842 = vector.shape_cast %add3A_835 : vector<16xf32> to vector<1x1x16xf32>
      tpu.vector_store %arg8[%swap3A_837, %swap3A_838, %swap3A_839], %swap3A_842 {strides = array<i32>} : memref<4x200x64xf32, #tpu.memory_space<vmem>>, vector<1x1x16xf32>,
      %get3A_843 = arith.constant 1 : i32
      %get3A_844 = arith.index_cast %get3A_843 : i32 to index
      %get3A_845 = arith.index_cast %add3A_788 : i32 to index
      %get3A_846 = arith.constant 48 : index
      %get3A_847 = tpu.vector_load %arg8[%get3A_844, %get3A_845, %get3A_846] {strides = array<i32>} : memref<4x200x64xf32, #tpu.memory_space<vmem>>, vector<1x1x16xf32>,
      %get3A_848 = vector.shape_cast %get3A_847 : vector<1x1x16xf32> to vector<16xf32>
      %get3A_849 = arith.index_cast %add3A_788 : i32 to index
      %get3A_850 = arith.constant 48 : index
      %get3A_851 = tpu.vector_load %arg7[%get3A_849, %get3A_850] {strides = array<i32>} : memref<200x64xf32, #tpu.memory_space<vmem>>, vector<1x16xf32>,
      %get3A_852 = vector.shape_cast %get3A_851 : vector<1x16xf32> to vector<16xf32>
      %add3A_853 = arith.addf %get3A_848, %get3A_852 : vector<16xf32>
      %swap3A_854 = arith.constant 1 : i32
      %swap3A_855 = arith.index_cast %swap3A_854 : i32 to index
      %swap3A_856 = arith.index_cast %add3A_788 : i32 to index
      %swap3A_857 = arith.constant 48 : index
      %swap3A_858 = tpu.vector_load %arg8[%swap3A_855, %swap3A_856, %swap3A_857] {strides = array<i32>} : memref<4x200x64xf32, #tpu.memory_space<vmem>>, vector<1x1x16xf32>,
      %swap3A_859 = vector.shape_cast %swap3A_858 : vector<1x1x16xf32> to vector<16xf32>
      %swap3A_860 = vector.shape_cast %add3A_853 : vector<16xf32> to vector<1x1x16xf32>
      tpu.vector_store %arg8[%swap3A_855, %swap3A_856, %swap3A_857], %swap3A_860 {strides = array<i32>} : memref<4x200x64xf32, #tpu.memory_space<vmem>>, vector<1x1x16xf32>,
    }
    %scan3A_225 = arith.constant 50 : i32
    %add3A_226 = arith.constant 1 : i32
    %add3A_227 = arith.addi %mul3A_2, %add3A_226 : i32
    %dma_start3A_228 = arith.constant 1 : i32
    %dma_start3A_229 = arith.constant 1 : i32
    %dma_start3A_230 = arith.constant 0 : i32
    %dma_start3A_231 = arith.constant 0 : i32
    %dma_start3A_232 = tpu.memref_slice %arg8[%dma_start3A_228, %dma_start3A_230, %dma_start3A_231] : memref<4x200x64xf32, #tpu.memory_space<vmem>> -> memref<1x200x64xf32, #tpu.memory_space<vmem>>
    %dma_start3A_233 = tpu.memref_squeeze %dma_start3A_232 : memref<1x200x64xf32, #tpu.memory_space<vmem>> -> memref<200x64xf32, #tpu.memory_space<vmem>>
    %dma_start3A_234 = arith.constant 0 : i32
    %dma_start3A_235 = arith.constant 0 : i32
    %dma_start3A_236 = tpu.memref_slice %arg5[%add3A_227, %dma_start3A_234, %dma_start3A_235] : memref<4096x200x64xf32, #tpu.memory_space<hbm>> -> memref<1x200x64xf32, #tpu.memory_space<hbm>>
    %dma_start3A_237 = tpu.memref_squeeze %dma_start3A_236 : memref<1x200x64xf32, #tpu.memory_space<hbm>> -> memref<200x64xf32, #tpu.memory_space<hbm>>
    %dma_start3A_238 = tpu.memref_slice %arg10[%dma_start3A_229] : memref<4x!tpu.dma_semaphore, #tpu.memory_space<semaphore_mem>> -> memref<1x!tpu.dma_semaphore, #tpu.memory_space<semaphore_mem>>
    %dma_start3A_239 = tpu.memref_squeeze %dma_start3A_238 : memref<1x!tpu.dma_semaphore, #tpu.memory_space<semaphore_mem>> -> memref<!tpu.dma_semaphore, #tpu.memory_space<semaphore_mem>>
    %dma_start3A_240 = arith.constant 0 : i32
    %dma_start3A_241 = arith.constant 0 : i32
    %dma_start3A_242 = tpu.memref_slice %arg5[%add3A_227, %dma_start3A_240, %dma_start3A_241] : memref<4096x200x64xf32, #tpu.memory_space<hbm>> -> memref<1x200x64xf32, #tpu.memory_space<hbm>>
    %dma_start3A_243 = tpu.memref_squeeze %dma_start3A_242 : memref<1x200x64xf32, #tpu.memory_space<hbm>> -> memref<200x64xf32, #tpu.memory_space<hbm>>
    %dma_start3A_244 = arith.constant 0 : i32
    %dma_start3A_245 = arith.constant 0 : i32
    %dma_start3A_246 = tpu.memref_slice %arg8[%dma_start3A_228, %dma_start3A_244, %dma_start3A_245] : memref<4x200x64xf32, #tpu.memory_space<vmem>> -> memref<1x200x64xf32, #tpu.memory_space<vmem>>
    %dma_start3A_247 = tpu.memref_squeeze %dma_start3A_246 : memref<1x200x64xf32, #tpu.memory_space<vmem>> -> memref<200x64xf32, #tpu.memory_space<vmem>>
    tpu.enqueue_dma source(%dma_start3A_247 : memref<200x64xf32, #tpu.memory_space<vmem>>) target(%dma_start3A_243 : memref<200x64xf32, #tpu.memory_space<hbm>>) target_semaphore(%dma_start3A_239 : memref<!tpu.dma_semaphore, #tpu.memory_space<semaphore_mem>>)
    %dma_wait3A_248 = arith.constant 0 : i32
    %dma_wait3A_249 = arith.constant 0 : i32
    %dma_wait3A_250 = arith.constant 0 : i32
    %dma_wait3A_251 = arith.constant 0 : i32
    %dma_wait3A_252 = tpu.memref_slice %arg8[%dma_wait3A_248, %dma_wait3A_250, %dma_wait3A_251] : memref<4x200x64xf32, #tpu.memory_space<vmem>> -> memref<1x200x64xf32, #tpu.memory_space<vmem>>
    %dma_wait3A_253 = tpu.memref_squeeze %dma_wait3A_252 : memref<1x200x64xf32, #tpu.memory_space<vmem>> -> memref<200x64xf32, #tpu.memory_space<vmem>>
    %dma_wait3A_254 = arith.constant 0 : i32
    %dma_wait3A_255 = arith.constant 0 : i32
    %dma_wait3A_256 = tpu.memref_slice %arg5[%mul3A_2, %dma_wait3A_254, %dma_wait3A_255] : memref<4096x200x64xf32, #tpu.memory_space<hbm>> -> memref<1x200x64xf32, #tpu.memory_space<hbm>>
    %dma_wait3A_257 = tpu.memref_squeeze %dma_wait3A_256 : memref<1x200x64xf32, #tpu.memory_space<hbm>> -> memref<200x64xf32, #tpu.memory_space<hbm>>
    %dma_wait3A_258 = tpu.memref_slice %arg10[%dma_wait3A_249] : memref<4x!tpu.dma_semaphore, #tpu.memory_space<semaphore_mem>> -> memref<1x!tpu.dma_semaphore, #tpu.memory_space<semaphore_mem>>
    %dma_wait3A_259 = tpu.memref_squeeze %dma_wait3A_258 : memref<1x!tpu.dma_semaphore, #tpu.memory_space<semaphore_mem>> -> memref<!tpu.dma_semaphore, #tpu.memory_space<semaphore_mem>>
    %dma_wait3A_260 = arith.constant 0 : i32
    %dma_wait3A_261 = arith.constant 0 : i32
    %dma_wait3A_262 = tpu.memref_slice %arg5[%mul3A_2, %dma_wait3A_260, %dma_wait3A_261] : memref<4096x200x64xf32, #tpu.memory_space<hbm>> -> memref<1x200x64xf32, #tpu.memory_space<hbm>>
    %dma_wait3A_263 = tpu.memref_squeeze %dma_wait3A_262 : memref<1x200x64xf32, #tpu.memory_space<hbm>> -> memref<200x64xf32, #tpu.memory_space<hbm>>
    %dma_wait3A_264 = arith.constant 0 : i32
    %dma_wait3A_265 = arith.constant 0 : i32
    %dma_wait3A_266 = tpu.memref_slice %arg8[%dma_wait3A_248, %dma_wait3A_264, %dma_wait3A_265] : memref<4x200x64xf32, #tpu.memory_space<vmem>> -> memref<1x200x64xf32, #tpu.memory_space<vmem>>
    %dma_wait3A_267 = tpu.memref_squeeze %dma_wait3A_266 : memref<1x200x64xf32, #tpu.memory_space<vmem>> -> memref<200x64xf32, #tpu.memory_space<vmem>>
    tpu.wait_dma2 semaphore(%dma_wait3A_259 : memref<!tpu.dma_semaphore, #tpu.memory_space<semaphore_mem>>) src(%dma_wait3A_267 : memref<200x64xf32, #tpu.memory_space<vmem>>) dst(%dma_wait3A_263 : memref<200x64xf32, #tpu.memory_space<hbm>>)
    %dma_start3A_268 = arith.constant 4 : i32
    %dma_start3A_269 = arith.constant 0 : i32
    %dma_start3A_270 = arith.constant 0 : i32
    %dma_start3A_271 = arith.constant 0 : i32
    %dma_start3A_272 = arith.constant 0 : i32
    %dma_start3A_273 = arith.constant 0 : i32
    %dma_start3A_274 = tpu.memref_slice %arg8[%dma_start3A_270, %dma_start3A_272, %dma_start3A_273] : memref<4x200x64xf32, #tpu.memory_space<vmem>> -> memref<1x100x64xf32, #tpu.memory_space<vmem>>
    %dma_start3A_275 = tpu.memref_squeeze %dma_start3A_274 : memref<1x100x64xf32, #tpu.memory_space<vmem>> -> memref<100x64xf32, #tpu.memory_space<vmem>>
    %dma_start3A_276 = arith.constant 0 : i32
    %dma_start3A_277 = tpu.memref_slice %arg6[%dma_start3A_268, %dma_start3A_269, %dma_start3A_276] : memref<128x2x100xi32, #tpu.memory_space<vmem>> -> memref<1x1x100xi32, #tpu.memory_space<vmem>>
    %dma_start3A_278 = tpu.memref_squeeze %dma_start3A_277 : memref<1x1x100xi32, #tpu.memory_space<vmem>> -> memref<100xi32, #tpu.memory_space<vmem>>
    %dma_start3A_279 = arith.constant 0 : i32
    %dma_start3A_280 = arith.constant 0 : i32
    %dma_start3A_281 = tpu.memref_slice %arg3[%dma_start3A_279, %dma_start3A_280] : memref<1000000x64xf32, #tpu.memory_space<hbm>> -> memref<1000000x64xf32, #tpu.memory_space<hbm>>
    %dma_start3A_282 = tpu.memref_slice %arg9[%dma_start3A_271] : memref<4x!tpu.dma_semaphore, #tpu.memory_space<semaphore_mem>> -> memref<1x!tpu.dma_semaphore, #tpu.memory_space<semaphore_mem>>
    %dma_start3A_283 = tpu.memref_squeeze %dma_start3A_282 : memref<1x!tpu.dma_semaphore, #tpu.memory_space<semaphore_mem>> -> memref<!tpu.dma_semaphore, #tpu.memory_space<semaphore_mem>>
    tpu.enqueue_indirect_dma source(%dma_start3A_281 : memref<1000000x64xf32, #tpu.memory_space<hbm>>) target(%dma_start3A_275 : memref<100x64xf32, #tpu.memory_space<vmem>>) offsets(%dma_start3A_278 : memref<100xi32, #tpu.memory_space<vmem>>) semaphore(%dma_start3A_283 : memref<!tpu.dma_semaphore, #tpu.memory_space<semaphore_mem>>)
    %dma_start3A_284 = arith.constant 4 : i32
    %dma_start3A_285 = arith.constant 1 : i32
    %dma_start3A_286 = arith.constant 0 : i32
    %dma_start3A_287 = arith.constant 0 : i32
    %dma_start3A_288 = arith.constant 100 : i32
    %dma_start3A_289 = arith.constant 0 : i32
    %dma_start3A_290 = tpu.memref_slice %arg8[%dma_start3A_286, %dma_start3A_288, %dma_start3A_289] : memref<4x200x64xf32, #tpu.memory_space<vmem>> -> memref<1x100x64xf32, #tpu.memory_space<vmem>>
    %dma_start3A_291 = tpu.memref_squeeze %dma_start3A_290 : memref<1x100x64xf32, #tpu.memory_space<vmem>> -> memref<100x64xf32, #tpu.memory_space<vmem>>
    %dma_start3A_292 = arith.constant 0 : i32
    %dma_start3A_293 = tpu.memref_slice %arg6[%dma_start3A_284, %dma_start3A_285, %dma_start3A_292] : memref<128x2x100xi32, #tpu.memory_space<vmem>> -> memref<1x1x100xi32, #tpu.memory_space<vmem>>
    %dma_start3A_294 = tpu.memref_squeeze %dma_start3A_293 : memref<1x1x100xi32, #tpu.memory_space<vmem>> -> memref<100xi32, #tpu.memory_space<vmem>>
    %dma_start3A_295 = arith.constant 0 : i32
    %dma_start3A_296 = arith.constant 0 : i32
    %dma_start3A_297 = tpu.memref_slice %arg3[%dma_start3A_295, %dma_start3A_296] : memref<1000000x64xf32, #tpu.memory_space<hbm>> -> memref<1000000x64xf32, #tpu.memory_space<hbm>>
    %dma_start3A_298 = tpu.memref_slice %arg9[%dma_start3A_287] : memref<4x!tpu.dma_semaphore, #tpu.memory_space<semaphore_mem>> -> memref<1x!tpu.dma_semaphore, #tpu.memory_space<semaphore_mem>>
    %dma_start3A_299 = tpu.memref_squeeze %dma_start3A_298 : memref<1x!tpu.dma_semaphore, #tpu.memory_space<semaphore_mem>> -> memref<!tpu.dma_semaphore, #tpu.memory_space<semaphore_mem>>
    tpu.enqueue_indirect_dma source(%dma_start3A_297 : memref<1000000x64xf32, #tpu.memory_space<hbm>>) target(%dma_start3A_291 : memref<100x64xf32, #tpu.memory_space<vmem>>) offsets(%dma_start3A_294 : memref<100xi32, #tpu.memory_space<vmem>>) semaphore(%dma_start3A_299 : memref<!tpu.dma_semaphore, #tpu.memory_space<semaphore_mem>>)
    %dma_wait3A_300 = arith.constant 2 : i32
    %dma_wait3A_301 = arith.constant 0 : i32
    %dma_wait3A_302 = arith.constant 2 : i32
    %dma_wait3A_303 = arith.constant 2 : i32
    %dma_wait3A_304 = arith.constant 0 : i32
    %dma_wait3A_305 = arith.constant 0 : i32
    %dma_wait3A_306 = tpu.memref_slice %arg8[%dma_wait3A_302, %dma_wait3A_304, %dma_wait3A_305] : memref<4x200x64xf32, #tpu.memory_space<vmem>> -> memref<1x100x64xf32, #tpu.memory_space<vmem>>
    %dma_wait3A_307 = tpu.memref_squeeze %dma_wait3A_306 : memref<1x100x64xf32, #tpu.memory_space<vmem>> -> memref<100x64xf32, #tpu.memory_space<vmem>>
    %dma_wait3A_308 = arith.constant 0 : i32
    %dma_wait3A_309 = tpu.memref_slice %arg6[%dma_wait3A_300, %dma_wait3A_301, %dma_wait3A_308] : memref<128x2x100xi32, #tpu.memory_space<vmem>> -> memref<1x1x100xi32, #tpu.memory_space<vmem>>
    %dma_wait3A_310 = tpu.memref_squeeze %dma_wait3A_309 : memref<1x1x100xi32, #tpu.memory_space<vmem>> -> memref<100xi32, #tpu.memory_space<vmem>>
    %dma_wait3A_311 = arith.constant 0 : i32
    %dma_wait3A_312 = arith.constant 0 : i32
    %dma_wait3A_313 = tpu.memref_slice %arg3[%dma_wait3A_311, %dma_wait3A_312] : memref<1000000x64xf32, #tpu.memory_space<hbm>> -> memref<1000000x64xf32, #tpu.memory_space<hbm>>
    %dma_wait3A_314 = tpu.memref_slice %arg9[%dma_wait3A_303] : memref<4x!tpu.dma_semaphore, #tpu.memory_space<semaphore_mem>> -> memref<1x!tpu.dma_semaphore, #tpu.memory_space<semaphore_mem>>
    %dma_wait3A_315 = tpu.memref_squeeze %dma_wait3A_314 : memref<1x!tpu.dma_semaphore, #tpu.memory_space<semaphore_mem>> -> memref<!tpu.dma_semaphore, #tpu.memory_space<semaphore_mem>>
    tpu.wait_indirect_dma semaphore(%dma_wait3A_315 : memref<!tpu.dma_semaphore, #tpu.memory_space<semaphore_mem>>) src(%dma_wait3A_313 : memref<1000000x64xf32, #tpu.memory_space<hbm>>) dst(%dma_wait3A_307 : memref<100x64xf32, #tpu.memory_space<vmem>>)
    %dma_wait3A_316 = arith.constant 2 : i32
    %dma_wait3A_317 = arith.constant 1 : i32
    %dma_wait3A_318 = arith.constant 2 : i32
    %dma_wait3A_319 = arith.constant 2 : i32
    %dma_wait3A_320 = arith.constant 100 : i32
    %dma_wait3A_321 = arith.constant 0 : i32
    %dma_wait3A_322 = tpu.memref_slice %arg8[%dma_wait3A_318, %dma_wait3A_320, %dma_wait3A_321] : memref<4x200x64xf32, #tpu.memory_space<vmem>> -> memref<1x100x64xf32, #tpu.memory_space<vmem>>
    %dma_wait3A_323 = tpu.memref_squeeze %dma_wait3A_322 : memref<1x100x64xf32, #tpu.memory_space<vmem>> -> memref<100x64xf32, #tpu.memory_space<vmem>>
    %dma_wait3A_324 = arith.constant 0 : i32
    %dma_wait3A_325 = tpu.memref_slice %arg6[%dma_wait3A_316, %dma_wait3A_317, %dma_wait3A_324] : memref<128x2x100xi32, #tpu.memory_space<vmem>> -> memref<1x1x100xi32, #tpu.memory_space<vmem>>
    %dma_wait3A_326 = tpu.memref_squeeze %dma_wait3A_325 : memref<1x1x100xi32, #tpu.memory_space<vmem>> -> memref<100xi32, #tpu.memory_space<vmem>>
    %dma_wait3A_327 = arith.constant 0 : i32
    %dma_wait3A_328 = arith.constant 0 : i32
    %dma_wait3A_329 = tpu.memref_slice %arg3[%dma_wait3A_327, %dma_wait3A_328] : memref<1000000x64xf32, #tpu.memory_space<hbm>> -> memref<1000000x64xf32, #tpu.memory_space<hbm>>
    %dma_wait3A_330 = tpu.memref_slice %arg9[%dma_wait3A_319] : memref<4x!tpu.dma_semaphore, #tpu.memory_space<semaphore_mem>> -> memref<1x!tpu.dma_semaphore, #tpu.memory_space<semaphore_mem>>
    %dma_wait3A_331 = tpu.memref_squeeze %dma_wait3A_330 : memref<1x!tpu.dma_semaphore, #tpu.memory_space<semaphore_mem>> -> memref<!tpu.dma_semaphore, #tpu.memory_space<semaphore_mem>>
    tpu.wait_indirect_dma semaphore(%dma_wait3A_331 : memref<!tpu.dma_semaphore, #tpu.memory_space<semaphore_mem>>) src(%dma_wait3A_329 : memref<1000000x64xf32, #tpu.memory_space<hbm>>) dst(%dma_wait3A_323 : memref<100x64xf32, #tpu.memory_space<vmem>>)
    %scan3A_332 = arith.constant 0 : i32
    %scan3A_333 = arith.constant 0 : i32
    %scan3A_334 = arith.constant 50 : i32
    %scan3A_335 = arith.addi %scan3A_333, %scan3A_334 : i32
    %scan3A_336 = arith.constant 1 : i32
    scf.for %scan3A_558 = %scan3A_333 to %scan3A_335 step %scan3A_336  : i32 {
      %mul3A_559 = arith.constant 4 : i32
      %mul3A_560 = arith.muli %scan3A_558, %mul3A_559 : i32
      %add3A_561 = arith.constant 0 : i32
      %add3A_562 = arith.addi %mul3A_560, %add3A_561 : i32
      %get3A = arith.constant 2 : i32
      %get3A_563 = arith.index_cast %get3A : i32 to index
      %get3A_564 = arith.index_cast %add3A_562 : i32 to index
      %get3A_565 = arith.constant 0 : index
      %get3A_566 = tpu.vector_load %arg8[%get3A_563, %get3A_564, %get3A_565] {strides = array<i32>} : memref<4x200x64xf32, #tpu.memory_space<vmem>>, vector<1x1x16xf32>,
      %get3A_567 = vector.shape_cast %get3A_566 : vector<1x1x16xf32> to vector<16xf32>
      %get3A_568 = arith.index_cast %add3A_562 : i32 to index
      %get3A_569 = arith.constant 0 : index
      %get3A_570 = tpu.vector_load %arg7[%get3A_568, %get3A_569] {strides = array<i32>} : memref<200x64xf32, #tpu.memory_space<vmem>>, vector<1x16xf32>,
      %get3A_571 = vector.shape_cast %get3A_570 : vector<1x16xf32> to vector<16xf32>
      %add3A_572 = arith.addf %get3A_567, %get3A_571 : vector<16xf32>
      %swap3A = arith.constant 2 : i32
      %swap3A_573 = arith.index_cast %swap3A : i32 to index
      %swap3A_574 = arith.index_cast %add3A_562 : i32 to index
      %swap3A_575 = arith.constant 0 : index
      %swap3A_576 = tpu.vector_load %arg8[%swap3A_573, %swap3A_574, %swap3A_575] {strides = array<i32>} : memref<4x200x64xf32, #tpu.memory_space<vmem>>, vector<1x1x16xf32>,
      %swap3A_577 = vector.shape_cast %swap3A_576 : vector<1x1x16xf32> to vector<16xf32>
      %swap3A_578 = vector.shape_cast %add3A_572 : vector<16xf32> to vector<1x1x16xf32>
      tpu.vector_store %arg8[%swap3A_573, %swap3A_574, %swap3A_575], %swap3A_578 {strides = array<i32>} : memref<4x200x64xf32, #tpu.memory_space<vmem>>, vector<1x1x16xf32>,
      %get3A_579 = arith.constant 2 : i32
      %get3A_580 = arith.index_cast %get3A_579 : i32 to index
      %get3A_581 = arith.index_cast %add3A_562 : i32 to index
      %get3A_582 = arith.constant 16 : index
      %get3A_583 = tpu.vector_load %arg8[%get3A_580, %get3A_581, %get3A_582] {strides = array<i32>} : memref<4x200x64xf32, #tpu.memory_space<vmem>>, vector<1x1x16xf32>,
      %get3A_584 = vector.shape_cast %get3A_583 : vector<1x1x16xf32> to vector<16xf32>
      %get3A_585 = arith.index_cast %add3A_562 : i32 to index
      %get3A_586 = arith.constant 16 : index
      %get3A_587 = tpu.vector_load %arg7[%get3A_585, %get3A_586] {strides = array<i32>} : memref<200x64xf32, #tpu.memory_space<vmem>>, vector<1x16xf32>,
      %get3A_588 = vector.shape_cast %get3A_587 : vector<1x16xf32> to vector<16xf32>
      %add3A_589 = arith.addf %get3A_584, %get3A_588 : vector<16xf32>
      %swap3A_590 = arith.constant 2 : i32
      %swap3A_591 = arith.index_cast %swap3A_590 : i32 to index
      %swap3A_592 = arith.index_cast %add3A_562 : i32 to index
      %swap3A_593 = arith.constant 16 : index
      %swap3A_594 = tpu.vector_load %arg8[%swap3A_591, %swap3A_592, %swap3A_593] {strides = array<i32>} : memref<4x200x64xf32, #tpu.memory_space<vmem>>, vector<1x1x16xf32>,
      %swap3A_595 = vector.shape_cast %swap3A_594 : vector<1x1x16xf32> to vector<16xf32>
      %swap3A_596 = vector.shape_cast %add3A_589 : vector<16xf32> to vector<1x1x16xf32>
      tpu.vector_store %arg8[%swap3A_591, %swap3A_592, %swap3A_593], %swap3A_596 {strides = array<i32>} : memref<4x200x64xf32, #tpu.memory_space<vmem>>, vector<1x1x16xf32>,
      %get3A_597 = arith.constant 2 : i32
      %get3A_598 = arith.index_cast %get3A_597 : i32 to index
      %get3A_599 = arith.index_cast %add3A_562 : i32 to index
      %get3A_600 = arith.constant 32 : index
      %get3A_601 = tpu.vector_load %arg8[%get3A_598, %get3A_599, %get3A_600] {strides = array<i32>} : memref<4x200x64xf32, #tpu.memory_space<vmem>>, vector<1x1x16xf32>,
      %get3A_602 = vector.shape_cast %get3A_601 : vector<1x1x16xf32> to vector<16xf32>
      %get3A_603 = arith.index_cast %add3A_562 : i32 to index
      %get3A_604 = arith.constant 32 : index
      %get3A_605 = tpu.vector_load %arg7[%get3A_603, %get3A_604] {strides = array<i32>} : memref<200x64xf32, #tpu.memory_space<vmem>>, vector<1x16xf32>,
      %get3A_606 = vector.shape_cast %get3A_605 : vector<1x16xf32> to vector<16xf32>
      %add3A_607 = arith.addf %get3A_602, %get3A_606 : vector<16xf32>
      %swap3A_608 = arith.constant 2 : i32
      %swap3A_609 = arith.index_cast %swap3A_608 : i32 to index
      %swap3A_610 = arith.index_cast %add3A_562 : i32 to index
      %swap3A_611 = arith.constant 32 : index
      %swap3A_612 = tpu.vector_load %arg8[%swap3A_609, %swap3A_610, %swap3A_611] {strides = array<i32>} : memref<4x200x64xf32, #tpu.memory_space<vmem>>, vector<1x1x16xf32>,
      %swap3A_613 = vector.shape_cast %swap3A_612 : vector<1x1x16xf32> to vector<16xf32>
      %swap3A_614 = vector.shape_cast %add3A_607 : vector<16xf32> to vector<1x1x16xf32>
      tpu.vector_store %arg8[%swap3A_609, %swap3A_610, %swap3A_611], %swap3A_614 {strides = array<i32>} : memref<4x200x64xf32, #tpu.memory_space<vmem>>, vector<1x1x16xf32>,
      %get3A_615 = arith.constant 2 : i32
      %get3A_616 = arith.index_cast %get3A_615 : i32 to index
      %get3A_617 = arith.index_cast %add3A_562 : i32 to index
      %get3A_618 = arith.constant 48 : index
      %get3A_619 = tpu.vector_load %arg8[%get3A_616, %get3A_617, %get3A_618] {strides = array<i32>} : memref<4x200x64xf32, #tpu.memory_space<vmem>>, vector<1x1x16xf32>,
      %get3A_620 = vector.shape_cast %get3A_619 : vector<1x1x16xf32> to vector<16xf32>
      %get3A_621 = arith.index_cast %add3A_562 : i32 to index
      %get3A_622 = arith.constant 48 : index
      %get3A_623 = tpu.vector_load %arg7[%get3A_621, %get3A_622] {strides = array<i32>} : memref<200x64xf32, #tpu.memory_space<vmem>>, vector<1x16xf32>,
      %get3A_624 = vector.shape_cast %get3A_623 : vector<1x16xf32> to vector<16xf32>
      %add3A_625 = arith.addf %get3A_620, %get3A_624 : vector<16xf32>
      %swap3A_626 = arith.constant 2 : i32
      %swap3A_627 = arith.index_cast %swap3A_626 : i32 to index
      %swap3A_628 = arith.index_cast %add3A_562 : i32 to index
      %swap3A_629 = arith.constant 48 : index
      %swap3A_630 = tpu.vector_load %arg8[%swap3A_627, %swap3A_628, %swap3A_629] {strides = array<i32>} : memref<4x200x64xf32, #tpu.memory_space<vmem>>, vector<1x1x16xf32>,
      %swap3A_631 = vector.shape_cast %swap3A_630 : vector<1x1x16xf32> to vector<16xf32>
      %swap3A_632 = vector.shape_cast %add3A_625 : vector<16xf32> to vector<1x1x16xf32>
      tpu.vector_store %arg8[%swap3A_627, %swap3A_628, %swap3A_629], %swap3A_632 {strides = array<i32>} : memref<4x200x64xf32, #tpu.memory_space<vmem>>, vector<1x1x16xf32>,
      %mul3A_633 = arith.constant 4 : i32
      %mul3A_634 = arith.muli %scan3A_558, %mul3A_633 : i32
      %add3A_635 = arith.constant 1 : i32
      %add3A_636 = arith.addi %mul3A_634, %add3A_635 : i32
      %get3A_637 = arith.constant 2 : i32
      %get3A_638 = arith.index_cast %get3A_637 : i32 to index
      %get3A_639 = arith.index_cast %add3A_636 : i32 to index
      %get3A_640 = arith.constant 0 : index
      %get3A_641 = tpu.vector_load %arg8[%get3A_638, %get3A_639, %get3A_640] {strides = array<i32>} : memref<4x200x64xf32, #tpu.memory_space<vmem>>, vector<1x1x16xf32>,
      %get3A_642 = vector.shape_cast %get3A_641 : vector<1x1x16xf32> to vector<16xf32>
      %get3A_643 = arith.index_cast %add3A_636 : i32 to index
      %get3A_644 = arith.constant 0 : index
      %get3A_645 = tpu.vector_load %arg7[%get3A_643, %get3A_644] {strides = array<i32>} : memref<200x64xf32, #tpu.memory_space<vmem>>, vector<1x16xf32>,
      %get3A_646 = vector.shape_cast %get3A_645 : vector<1x16xf32> to vector<16xf32>
      %add3A_647 = arith.addf %get3A_642, %get3A_646 : vector<16xf32>
      %swap3A_648 = arith.constant 2 : i32
      %swap3A_649 = arith.index_cast %swap3A_648 : i32 to index
      %swap3A_650 = arith.index_cast %add3A_636 : i32 to index
      %swap3A_651 = arith.constant 0 : index
      %swap3A_652 = tpu.vector_load %arg8[%swap3A_649, %swap3A_650, %swap3A_651] {strides = array<i32>} : memref<4x200x64xf32, #tpu.memory_space<vmem>>, vector<1x1x16xf32>,
      %swap3A_653 = vector.shape_cast %swap3A_652 : vector<1x1x16xf32> to vector<16xf32>
      %swap3A_654 = vector.shape_cast %add3A_647 : vector<16xf32> to vector<1x1x16xf32>
      tpu.vector_store %arg8[%swap3A_649, %swap3A_650, %swap3A_651], %swap3A_654 {strides = array<i32>} : memref<4x200x64xf32, #tpu.memory_space<vmem>>, vector<1x1x16xf32>,
      %get3A_655 = arith.constant 2 : i32
      %get3A_656 = arith.index_cast %get3A_655 : i32 to index
      %get3A_657 = arith.index_cast %add3A_636 : i32 to index
      %get3A_658 = arith.constant 16 : index
      %get3A_659 = tpu.vector_load %arg8[%get3A_656, %get3A_657, %get3A_658] {strides = array<i32>} : memref<4x200x64xf32, #tpu.memory_space<vmem>>, vector<1x1x16xf32>,
      %get3A_660 = vector.shape_cast %get3A_659 : vector<1x1x16xf32> to vector<16xf32>
      %get3A_661 = arith.index_cast %add3A_636 : i32 to index
      %get3A_662 = arith.constant 16 : index
      %get3A_663 = tpu.vector_load %arg7[%get3A_661, %get3A_662] {strides = array<i32>} : memref<200x64xf32, #tpu.memory_space<vmem>>, vector<1x16xf32>,
      %get3A_664 = vector.shape_cast %get3A_663 : vector<1x16xf32> to vector<16xf32>
      %add3A_665 = arith.addf %get3A_660, %get3A_664 : vector<16xf32>
      %swap3A_666 = arith.constant 2 : i32
      %swap3A_667 = arith.index_cast %swap3A_666 : i32 to index
      %swap3A_668 = arith.index_cast %add3A_636 : i32 to index
      %swap3A_669 = arith.constant 16 : index
      %swap3A_670 = tpu.vector_load %arg8[%swap3A_667, %swap3A_668, %swap3A_669] {strides = array<i32>} : memref<4x200x64xf32, #tpu.memory_space<vmem>>, vector<1x1x16xf32>,
      %swap3A_671 = vector.shape_cast %swap3A_670 : vector<1x1x16xf32> to vector<16xf32>
      %swap3A_672 = vector.shape_cast %add3A_665 : vector<16xf32> to vector<1x1x16xf32>
      tpu.vector_store %arg8[%swap3A_667, %swap3A_668, %swap3A_669], %swap3A_672 {strides = array<i32>} : memref<4x200x64xf32, #tpu.memory_space<vmem>>, vector<1x1x16xf32>,
      %get3A_673 = arith.constant 2 : i32
      %get3A_674 = arith.index_cast %get3A_673 : i32 to index
      %get3A_675 = arith.index_cast %add3A_636 : i32 to index
      %get3A_676 = arith.constant 32 : index
      %get3A_677 = tpu.vector_load %arg8[%get3A_674, %get3A_675, %get3A_676] {strides = array<i32>} : memref<4x200x64xf32, #tpu.memory_space<vmem>>, vector<1x1x16xf32>,
      %get3A_678 = vector.shape_cast %get3A_677 : vector<1x1x16xf32> to vector<16xf32>
      %get3A_679 = arith.index_cast %add3A_636 : i32 to index
      %get3A_680 = arith.constant 32 : index
      %get3A_681 = tpu.vector_load %arg7[%get3A_679, %get3A_680] {strides = array<i32>} : memref<200x64xf32, #tpu.memory_space<vmem>>, vector<1x16xf32>,
      %get3A_682 = vector.shape_cast %get3A_681 : vector<1x16xf32> to vector<16xf32>
      %add3A_683 = arith.addf %get3A_678, %get3A_682 : vector<16xf32>
      %swap3A_684 = arith.constant 2 : i32
      %swap3A_685 = arith.index_cast %swap3A_684 : i32 to index
      %swap3A_686 = arith.index_cast %add3A_636 : i32 to index
      %swap3A_687 = arith.constant 32 : index
      %swap3A_688 = tpu.vector_load %arg8[%swap3A_685, %swap3A_686, %swap3A_687] {strides = array<i32>} : memref<4x200x64xf32, #tpu.memory_space<vmem>>, vector<1x1x16xf32>,
      %swap3A_689 = vector.shape_cast %swap3A_688 : vector<1x1x16xf32> to vector<16xf32>
      %swap3A_690 = vector.shape_cast %add3A_683 : vector<16xf32> to vector<1x1x16xf32>
      tpu.vector_store %arg8[%swap3A_685, %swap3A_686, %swap3A_687], %swap3A_690 {strides = array<i32>} : memref<4x200x64xf32, #tpu.memory_space<vmem>>, vector<1x1x16xf32>,
      %get3A_691 = arith.constant 2 : i32
      %get3A_692 = arith.index_cast %get3A_691 : i32 to index
      %get3A_693 = arith.index_cast %add3A_636 : i32 to index
      %get3A_694 = arith.constant 48 : index
      %get3A_695 = tpu.vector_load %arg8[%get3A_692, %get3A_693, %get3A_694] {strides = array<i32>} : memref<4x200x64xf32, #tpu.memory_space<vmem>>, vector<1x1x16xf32>,
      %get3A_696 = vector.shape_cast %get3A_695 : vector<1x1x16xf32> to vector<16xf32>
      %get3A_697 = arith.index_cast %add3A_636 : i32 to index
      %get3A_698 = arith.constant 48 : index
      %get3A_699 = tpu.vector_load %arg7[%get3A_697, %get3A_698] {strides = array<i32>} : memref<200x64xf32, #tpu.memory_space<vmem>>, vector<1x16xf32>,
      %get3A_700 = vector.shape_cast %get3A_699 : vector<1x16xf32> to vector<16xf32>
      %add3A_701 = arith.addf %get3A_696, %get3A_700 : vector<16xf32>
      %swap3A_702 = arith.constant 2 : i32
      %swap3A_703 = arith.index_cast %swap3A_702 : i32 to index
      %swap3A_704 = arith.index_cast %add3A_636 : i32 to index
      %swap3A_705 = arith.constant 48 : index
      %swap3A_706 = tpu.vector_load %arg8[%swap3A_703, %swap3A_704, %swap3A_705] {strides = array<i32>} : memref<4x200x64xf32, #tpu.memory_space<vmem>>, vector<1x1x16xf32>,
      %swap3A_707 = vector.shape_cast %swap3A_706 : vector<1x1x16xf32> to vector<16xf32>
      %swap3A_708 = vector.shape_cast %add3A_701 : vector<16xf32> to vector<1x1x16xf32>
      tpu.vector_store %arg8[%swap3A_703, %swap3A_704, %swap3A_705], %swap3A_708 {strides = array<i32>} : memref<4x200x64xf32, #tpu.memory_space<vmem>>, vector<1x1x16xf32>,
      %mul3A_709 = arith.constant 4 : i32
      %mul3A_710 = arith.muli %scan3A_558, %mul3A_709 : i32
      %add3A_711 = arith.constant 2 : i32
      %add3A_712 = arith.addi %mul3A_710, %add3A_711 : i32
      %get3A_713 = arith.constant 2 : i32
      %get3A_714 = arith.index_cast %get3A_713 : i32 to index
      %get3A_715 = arith.index_cast %add3A_712 : i32 to index
      %get3A_716 = arith.constant 0 : index
      %get3A_717 = tpu.vector_load %arg8[%get3A_714, %get3A_715, %get3A_716] {strides = array<i32>} : memref<4x200x64xf32, #tpu.memory_space<vmem>>, vector<1x1x16xf32>,
      %get3A_718 = vector.shape_cast %get3A_717 : vector<1x1x16xf32> to vector<16xf32>
      %get3A_719 = arith.index_cast %add3A_712 : i32 to index
      %get3A_720 = arith.constant 0 : index
      %get3A_721 = tpu.vector_load %arg7[%get3A_719, %get3A_720] {strides = array<i32>} : memref<200x64xf32, #tpu.memory_space<vmem>>, vector<1x16xf32>,
      %get3A_722 = vector.shape_cast %get3A_721 : vector<1x16xf32> to vector<16xf32>
      %add3A_723 = arith.addf %get3A_718, %get3A_722 : vector<16xf32>
      %swap3A_724 = arith.constant 2 : i32
      %swap3A_725 = arith.index_cast %swap3A_724 : i32 to index
      %swap3A_726 = arith.index_cast %add3A_712 : i32 to index
      %swap3A_727 = arith.constant 0 : index
      %swap3A_728 = tpu.vector_load %arg8[%swap3A_725, %swap3A_726, %swap3A_727] {strides = array<i32>} : memref<4x200x64xf32, #tpu.memory_space<vmem>>, vector<1x1x16xf32>,
      %swap3A_729 = vector.shape_cast %swap3A_728 : vector<1x1x16xf32> to vector<16xf32>
      %swap3A_730 = vector.shape_cast %add3A_723 : vector<16xf32> to vector<1x1x16xf32>
      tpu.vector_store %arg8[%swap3A_725, %swap3A_726, %swap3A_727], %swap3A_730 {strides = array<i32>} : memref<4x200x64xf32, #tpu.memory_space<vmem>>, vector<1x1x16xf32>,
      %get3A_731 = arith.constant 2 : i32
      %get3A_732 = arith.index_cast %get3A_731 : i32 to index
      %get3A_733 = arith.index_cast %add3A_712 : i32 to index
      %get3A_734 = arith.constant 16 : index
      %get3A_735 = tpu.vector_load %arg8[%get3A_732, %get3A_733, %get3A_734] {strides = array<i32>} : memref<4x200x64xf32, #tpu.memory_space<vmem>>, vector<1x1x16xf32>,
      %get3A_736 = vector.shape_cast %get3A_735 : vector<1x1x16xf32> to vector<16xf32>
      %get3A_737 = arith.index_cast %add3A_712 : i32 to index
      %get3A_738 = arith.constant 16 : index
      %get3A_739 = tpu.vector_load %arg7[%get3A_737, %get3A_738] {strides = array<i32>} : memref<200x64xf32, #tpu.memory_space<vmem>>, vector<1x16xf32>,
      %get3A_740 = vector.shape_cast %get3A_739 : vector<1x16xf32> to vector<16xf32>
      %add3A_741 = arith.addf %get3A_736, %get3A_740 : vector<16xf32>
      %swap3A_742 = arith.constant 2 : i32
      %swap3A_743 = arith.index_cast %swap3A_742 : i32 to index
      %swap3A_744 = arith.index_cast %add3A_712 : i32 to index
      %swap3A_745 = arith.constant 16 : index
      %swap3A_746 = tpu.vector_load %arg8[%swap3A_743, %swap3A_744, %swap3A_745] {strides = array<i32>} : memref<4x200x64xf32, #tpu.memory_space<vmem>>, vector<1x1x16xf32>,
      %swap3A_747 = vector.shape_cast %swap3A_746 : vector<1x1x16xf32> to vector<16xf32>
      %swap3A_748 = vector.shape_cast %add3A_741 : vector<16xf32> to vector<1x1x16xf32>
      tpu.vector_store %arg8[%swap3A_743, %swap3A_744, %swap3A_745], %swap3A_748 {strides = array<i32>} : memref<4x200x64xf32, #tpu.memory_space<vmem>>, vector<1x1x16xf32>,
      %get3A_749 = arith.constant 2 : i32
      %get3A_750 = arith.index_cast %get3A_749 : i32 to index
      %get3A_751 = arith.index_cast %add3A_712 : i32 to index
      %get3A_752 = arith.constant 32 : index
      %get3A_753 = tpu.vector_load %arg8[%get3A_750, %get3A_751, %get3A_752] {strides = array<i32>} : memref<4x200x64xf32, #tpu.memory_space<vmem>>, vector<1x1x16xf32>,
      %get3A_754 = vector.shape_cast %get3A_753 : vector<1x1x16xf32> to vector<16xf32>
      %get3A_755 = arith.index_cast %add3A_712 : i32 to index
      %get3A_756 = arith.constant 32 : index
      %get3A_757 = tpu.vector_load %arg7[%get3A_755, %get3A_756] {strides = array<i32>} : memref<200x64xf32, #tpu.memory_space<vmem>>, vector<1x16xf32>,
      %get3A_758 = vector.shape_cast %get3A_757 : vector<1x16xf32> to vector<16xf32>
      %add3A_759 = arith.addf %get3A_754, %get3A_758 : vector<16xf32>
      %swap3A_760 = arith.constant 2 : i32
      %swap3A_761 = arith.index_cast %swap3A_760 : i32 to index
      %swap3A_762 = arith.index_cast %add3A_712 : i32 to index
      %swap3A_763 = arith.constant 32 : index
      %swap3A_764 = tpu.vector_load %arg8[%swap3A_761, %swap3A_762, %swap3A_763] {strides = array<i32>} : memref<4x200x64xf32, #tpu.memory_space<vmem>>, vector<1x1x16xf32>,
      %swap3A_765 = vector.shape_cast %swap3A_764 : vector<1x1x16xf32> to vector<16xf32>
      %swap3A_766 = vector.shape_cast %add3A_759 : vector<16xf32> to vector<1x1x16xf32>
      tpu.vector_store %arg8[%swap3A_761, %swap3A_762, %swap3A_763], %swap3A_766 {strides = array<i32>} : memref<4x200x64xf32, #tpu.memory_space<vmem>>, vector<1x1x16xf32>,
      %get3A_767 = arith.constant 2 : i32
      %get3A_768 = arith.index_cast %get3A_767 : i32 to index
      %get3A_769 = arith.index_cast %add3A_712 : i32 to index
      %get3A_770 = arith.constant 48 : index
      %get3A_771 = tpu.vector_load %arg8[%get3A_768, %get3A_769, %get3A_770] {strides = array<i32>} : memref<4x200x64xf32, #tpu.memory_space<vmem>>, vector<1x1x16xf32>,
      %get3A_772 = vector.shape_cast %get3A_771 : vector<1x1x16xf32> to vector<16xf32>
      %get3A_773 = arith.index_cast %add3A_712 : i32 to index
      %get3A_774 = arith.constant 48 : index
      %get3A_775 = tpu.vector_load %arg7[%get3A_773, %get3A_774] {strides = array<i32>} : memref<200x64xf32, #tpu.memory_space<vmem>>, vector<1x16xf32>,
      %get3A_776 = vector.shape_cast %get3A_775 : vector<1x16xf32> to vector<16xf32>
      %add3A_777 = arith.addf %get3A_772, %get3A_776 : vector<16xf32>
      %swap3A_778 = arith.constant 2 : i32
      %swap3A_779 = arith.index_cast %swap3A_778 : i32 to index
      %swap3A_780 = arith.index_cast %add3A_712 : i32 to index
      %swap3A_781 = arith.constant 48 : index
      %swap3A_782 = tpu.vector_load %arg8[%swap3A_779, %swap3A_780, %swap3A_781] {strides = array<i32>} : memref<4x200x64xf32, #tpu.memory_space<vmem>>, vector<1x1x16xf32>,
      %swap3A_783 = vector.shape_cast %swap3A_782 : vector<1x1x16xf32> to vector<16xf32>
      %swap3A_784 = vector.shape_cast %add3A_777 : vector<16xf32> to vector<1x1x16xf32>
      tpu.vector_store %arg8[%swap3A_779, %swap3A_780, %swap3A_781], %swap3A_784 {strides = array<i32>} : memref<4x200x64xf32, #tpu.memory_space<vmem>>, vector<1x1x16xf32>,
      %mul3A_785 = arith.constant 4 : i32
      %mul3A_786 = arith.muli %scan3A_558, %mul3A_785 : i32
      %add3A_787 = arith.constant 3 : i32
      %add3A_788 = arith.addi %mul3A_786, %add3A_787 : i32
      %get3A_789 = arith.constant 2 : i32
      %get3A_790 = arith.index_cast %get3A_789 : i32 to index
      %get3A_791 = arith.index_cast %add3A_788 : i32 to index
      %get3A_792 = arith.constant 0 : index
      %get3A_793 = tpu.vector_load %arg8[%get3A_790, %get3A_791, %get3A_792] {strides = array<i32>} : memref<4x200x64xf32, #tpu.memory_space<vmem>>, vector<1x1x16xf32>,
      %get3A_794 = vector.shape_cast %get3A_793 : vector<1x1x16xf32> to vector<16xf32>
      %get3A_795 = arith.index_cast %add3A_788 : i32 to index
      %get3A_796 = arith.constant 0 : index
      %get3A_797 = tpu.vector_load %arg7[%get3A_795, %get3A_796] {strides = array<i32>} : memref<200x64xf32, #tpu.memory_space<vmem>>, vector<1x16xf32>,
      %get3A_798 = vector.shape_cast %get3A_797 : vector<1x16xf32> to vector<16xf32>
      %add3A_799 = arith.addf %get3A_794, %get3A_798 : vector<16xf32>
      %swap3A_800 = arith.constant 2 : i32
      %swap3A_801 = arith.index_cast %swap3A_800 : i32 to index
      %swap3A_802 = arith.index_cast %add3A_788 : i32 to index
      %swap3A_803 = arith.constant 0 : index
      %swap3A_804 = tpu.vector_load %arg8[%swap3A_801, %swap3A_802, %swap3A_803] {strides = array<i32>} : memref<4x200x64xf32, #tpu.memory_space<vmem>>, vector<1x1x16xf32>,
      %swap3A_805 = vector.shape_cast %swap3A_804 : vector<1x1x16xf32> to vector<16xf32>
      %swap3A_806 = vector.shape_cast %add3A_799 : vector<16xf32> to vector<1x1x16xf32>
      tpu.vector_store %arg8[%swap3A_801, %swap3A_802, %swap3A_803], %swap3A_806 {strides = array<i32>} : memref<4x200x64xf32, #tpu.memory_space<vmem>>, vector<1x1x16xf32>,
      %get3A_807 = arith.constant 2 : i32
      %get3A_808 = arith.index_cast %get3A_807 : i32 to index
      %get3A_809 = arith.index_cast %add3A_788 : i32 to index
      %get3A_810 = arith.constant 16 : index
      %get3A_811 = tpu.vector_load %arg8[%get3A_808, %get3A_809, %get3A_810] {strides = array<i32>} : memref<4x200x64xf32, #tpu.memory_space<vmem>>, vector<1x1x16xf32>,
      %get3A_812 = vector.shape_cast %get3A_811 : vector<1x1x16xf32> to vector<16xf32>
      %get3A_813 = arith.index_cast %add3A_788 : i32 to index
      %get3A_814 = arith.constant 16 : index
      %get3A_815 = tpu.vector_load %arg7[%get3A_813, %get3A_814] {strides = array<i32>} : memref<200x64xf32, #tpu.memory_space<vmem>>, vector<1x16xf32>,
      %get3A_816 = vector.shape_cast %get3A_815 : vector<1x16xf32> to vector<16xf32>
      %add3A_817 = arith.addf %get3A_812, %get3A_816 : vector<16xf32>
      %swap3A_818 = arith.constant 2 : i32
      %swap3A_819 = arith.index_cast %swap3A_818 : i32 to index
      %swap3A_820 = arith.index_cast %add3A_788 : i32 to index
      %swap3A_821 = arith.constant 16 : index
      %swap3A_822 = tpu.vector_load %arg8[%swap3A_819, %swap3A_820, %swap3A_821] {strides = array<i32>} : memref<4x200x64xf32, #tpu.memory_space<vmem>>, vector<1x1x16xf32>,
      %swap3A_823 = vector.shape_cast %swap3A_822 : vector<1x1x16xf32> to vector<16xf32>
      %swap3A_824 = vector.shape_cast %add3A_817 : vector<16xf32> to vector<1x1x16xf32>
      tpu.vector_store %arg8[%swap3A_819, %swap3A_820, %swap3A_821], %swap3A_824 {strides = array<i32>} : memref<4x200x64xf32, #tpu.memory_space<vmem>>, vector<1x1x16xf32>,
      %get3A_825 = arith.constant 2 : i32
      %get3A_826 = arith.index_cast %get3A_825 : i32 to index
      %get3A_827 = arith.index_cast %add3A_788 : i32 to index
      %get3A_828 = arith.constant 32 : index
      %get3A_829 = tpu.vector_load %arg8[%get3A_826, %get3A_827, %get3A_828] {strides = array<i32>} : memref<4x200x64xf32, #tpu.memory_space<vmem>>, vector<1x1x16xf32>,
      %get3A_830 = vector.shape_cast %get3A_829 : vector<1x1x16xf32> to vector<16xf32>
      %get3A_831 = arith.index_cast %add3A_788 : i32 to index
      %get3A_832 = arith.constant 32 : index
      %get3A_833 = tpu.vector_load %arg7[%get3A_831, %get3A_832] {strides = array<i32>} : memref<200x64xf32, #tpu.memory_space<vmem>>, vector<1x16xf32>,
      %get3A_834 = vector.shape_cast %get3A_833 : vector<1x16xf32> to vector<16xf32>
      %add3A_835 = arith.addf %get3A_830, %get3A_834 : vector<16xf32>
      %swap3A_836 = arith.constant 2 : i32
      %swap3A_837 = arith.index_cast %swap3A_836 : i32 to index
      %swap3A_838 = arith.index_cast %add3A_788 : i32 to index
      %swap3A_839 = arith.constant 32 : index
      %swap3A_840 = tpu.vector_load %arg8[%swap3A_837, %swap3A_838, %swap3A_839] {strides = array<i32>} : memref<4x200x64xf32, #tpu.memory_space<vmem>>, vector<1x1x16xf32>,
      %swap3A_841 = vector.shape_cast %swap3A_840 : vector<1x1x16xf32> to vector<16xf32>
      %swap3A_842 = vector.shape_cast %add3A_835 : vector<16xf32> to vector<1x1x16xf32>
      tpu.vector_store %arg8[%swap3A_837, %swap3A_838, %swap3A_839], %swap3A_842 {strides = array<i32>} : memref<4x200x64xf32, #tpu.memory_space<vmem>>, vector<1x1x16xf32>,
      %get3A_843 = arith.constant 2 : i32
      %get3A_844 = arith.index_cast %get3A_843 : i32 to index
      %get3A_845 = arith.index_cast %add3A_788 : i32 to index
      %get3A_846 = arith.constant 48 : index
      %get3A_847 = tpu.vector_load %arg8[%get3A_844, %get3A_845, %get3A_846] {strides = array<i32>} : memref<4x200x64xf32, #tpu.memory_space<vmem>>, vector<1x1x16xf32>,
      %get3A_848 = vector.shape_cast %get3A_847 : vector<1x1x16xf32> to vector<16xf32>
      %get3A_849 = arith.index_cast %add3A_788 : i32 to index
      %get3A_850 = arith.constant 48 : index
      %get3A_851 = tpu.vector_load %arg7[%get3A_849, %get3A_850] {strides = array<i32>} : memref<200x64xf32, #tpu.memory_space<vmem>>, vector<1x16xf32>,
      %get3A_852 = vector.shape_cast %get3A_851 : vector<1x16xf32> to vector<16xf32>
      %add3A_853 = arith.addf %get3A_848, %get3A_852 : vector<16xf32>
      %swap3A_854 = arith.constant 2 : i32
      %swap3A_855 = arith.index_cast %swap3A_854 : i32 to index
      %swap3A_856 = arith.index_cast %add3A_788 : i32 to index
      %swap3A_857 = arith.constant 48 : index
      %swap3A_858 = tpu.vector_load %arg8[%swap3A_855, %swap3A_856, %swap3A_857] {strides = array<i32>} : memref<4x200x64xf32, #tpu.memory_space<vmem>>, vector<1x1x16xf32>,
      %swap3A_859 = vector.shape_cast %swap3A_858 : vector<1x1x16xf32> to vector<16xf32>
      %swap3A_860 = vector.shape_cast %add3A_853 : vector<16xf32> to vector<1x1x16xf32>
      tpu.vector_store %arg8[%swap3A_855, %swap3A_856, %swap3A_857], %swap3A_860 {strides = array<i32>} : memref<4x200x64xf32, #tpu.memory_space<vmem>>, vector<1x1x16xf32>,
    }
    %scan3A_337 = arith.constant 50 : i32
    %add3A_338 = arith.constant 2 : i32
    %add3A_339 = arith.addi %mul3A_2, %add3A_338 : i32
    %dma_start3A_340 = arith.constant 2 : i32
    %dma_start3A_341 = arith.constant 2 : i32
    %dma_start3A_342 = arith.constant 0 : i32
    %dma_start3A_343 = arith.constant 0 : i32
    %dma_start3A_344 = tpu.memref_slice %arg8[%dma_start3A_340, %dma_start3A_342, %dma_start3A_343] : memref<4x200x64xf32, #tpu.memory_space<vmem>> -> memref<1x200x64xf32, #tpu.memory_space<vmem>>
    %dma_start3A_345 = tpu.memref_squeeze %dma_start3A_344 : memref<1x200x64xf32, #tpu.memory_space<vmem>> -> memref<200x64xf32, #tpu.memory_space<vmem>>
    %dma_start3A_346 = arith.constant 0 : i32
    %dma_start3A_347 = arith.constant 0 : i32
    %dma_start3A_348 = tpu.memref_slice %arg5[%add3A_339, %dma_start3A_346, %dma_start3A_347] : memref<4096x200x64xf32, #tpu.memory_space<hbm>> -> memref<1x200x64xf32, #tpu.memory_space<hbm>>
    %dma_start3A_349 = tpu.memref_squeeze %dma_start3A_348 : memref<1x200x64xf32, #tpu.memory_space<hbm>> -> memref<200x64xf32, #tpu.memory_space<hbm>>
    %dma_start3A_350 = tpu.memref_slice %arg10[%dma_start3A_341] : memref<4x!tpu.dma_semaphore, #tpu.memory_space<semaphore_mem>> -> memref<1x!tpu.dma_semaphore, #tpu.memory_space<semaphore_mem>>
    %dma_start3A_351 = tpu.memref_squeeze %dma_start3A_350 : memref<1x!tpu.dma_semaphore, #tpu.memory_space<semaphore_mem>> -> memref<!tpu.dma_semaphore, #tpu.memory_space<semaphore_mem>>
    %dma_start3A_352 = arith.constant 0 : i32
    %dma_start3A_353 = arith.constant 0 : i32
    %dma_start3A_354 = tpu.memref_slice %arg5[%add3A_339, %dma_start3A_352, %dma_start3A_353] : memref<4096x200x64xf32, #tpu.memory_space<hbm>> -> memref<1x200x64xf32, #tpu.memory_space<hbm>>
    %dma_start3A_355 = tpu.memref_squeeze %dma_start3A_354 : memref<1x200x64xf32, #tpu.memory_space<hbm>> -> memref<200x64xf32, #tpu.memory_space<hbm>>
    %dma_start3A_356 = arith.constant 0 : i32
    %dma_start3A_357 = arith.constant 0 : i32
    %dma_start3A_358 = tpu.memref_slice %arg8[%dma_start3A_340, %dma_start3A_356, %dma_start3A_357] : memref<4x200x64xf32, #tpu.memory_space<vmem>> -> memref<1x200x64xf32, #tpu.memory_space<vmem>>
    %dma_start3A_359 = tpu.memref_squeeze %dma_start3A_358 : memref<1x200x64xf32, #tpu.memory_space<vmem>> -> memref<200x64xf32, #tpu.memory_space<vmem>>
    tpu.enqueue_dma source(%dma_start3A_359 : memref<200x64xf32, #tpu.memory_space<vmem>>) target(%dma_start3A_355 : memref<200x64xf32, #tpu.memory_space<hbm>>) target_semaphore(%dma_start3A_351 : memref<!tpu.dma_semaphore, #tpu.memory_space<semaphore_mem>>)
    %dma_wait3A_360 = arith.constant 1 : i32
    %dma_wait3A_361 = arith.constant 1 : i32
    %dma_wait3A_362 = arith.constant 0 : i32
    %dma_wait3A_363 = arith.constant 0 : i32
    %dma_wait3A_364 = tpu.memref_slice %arg8[%dma_wait3A_360, %dma_wait3A_362, %dma_wait3A_363] : memref<4x200x64xf32, #tpu.memory_space<vmem>> -> memref<1x200x64xf32, #tpu.memory_space<vmem>>
    %dma_wait3A_365 = tpu.memref_squeeze %dma_wait3A_364 : memref<1x200x64xf32, #tpu.memory_space<vmem>> -> memref<200x64xf32, #tpu.memory_space<vmem>>
    %dma_wait3A_366 = arith.constant 0 : i32
    %dma_wait3A_367 = arith.constant 0 : i32
    %dma_wait3A_368 = tpu.memref_slice %arg5[%mul3A_2, %dma_wait3A_366, %dma_wait3A_367] : memref<4096x200x64xf32, #tpu.memory_space<hbm>> -> memref<1x200x64xf32, #tpu.memory_space<hbm>>
    %dma_wait3A_369 = tpu.memref_squeeze %dma_wait3A_368 : memref<1x200x64xf32, #tpu.memory_space<hbm>> -> memref<200x64xf32, #tpu.memory_space<hbm>>
    %dma_wait3A_370 = tpu.memref_slice %arg10[%dma_wait3A_361] : memref<4x!tpu.dma_semaphore, #tpu.memory_space<semaphore_mem>> -> memref<1x!tpu.dma_semaphore, #tpu.memory_space<semaphore_mem>>
    %dma_wait3A_371 = tpu.memref_squeeze %dma_wait3A_370 : memref<1x!tpu.dma_semaphore, #tpu.memory_space<semaphore_mem>> -> memref<!tpu.dma_semaphore, #tpu.memory_space<semaphore_mem>>
    %dma_wait3A_372 = arith.constant 0 : i32
    %dma_wait3A_373 = arith.constant 0 : i32
    %dma_wait3A_374 = tpu.memref_slice %arg5[%mul3A_2, %dma_wait3A_372, %dma_wait3A_373] : memref<4096x200x64xf32, #tpu.memory_space<hbm>> -> memref<1x200x64xf32, #tpu.memory_space<hbm>>
    %dma_wait3A_375 = tpu.memref_squeeze %dma_wait3A_374 : memref<1x200x64xf32, #tpu.memory_space<hbm>> -> memref<200x64xf32, #tpu.memory_space<hbm>>
    %dma_wait3A_376 = arith.constant 0 : i32
    %dma_wait3A_377 = arith.constant 0 : i32
    %dma_wait3A_378 = tpu.memref_slice %arg8[%dma_wait3A_360, %dma_wait3A_376, %dma_wait3A_377] : memref<4x200x64xf32, #tpu.memory_space<vmem>> -> memref<1x200x64xf32, #tpu.memory_space<vmem>>
    %dma_wait3A_379 = tpu.memref_squeeze %dma_wait3A_378 : memref<1x200x64xf32, #tpu.memory_space<vmem>> -> memref<200x64xf32, #tpu.memory_space<vmem>>
    tpu.wait_dma2 semaphore(%dma_wait3A_371 : memref<!tpu.dma_semaphore, #tpu.memory_space<semaphore_mem>>) src(%dma_wait3A_379 : memref<200x64xf32, #tpu.memory_space<vmem>>) dst(%dma_wait3A_375 : memref<200x64xf32, #tpu.memory_space<hbm>>)
    %dma_start3A_380 = arith.constant 5 : i32
    %dma_start3A_381 = arith.constant 0 : i32
    %dma_start3A_382 = arith.constant 1 : i32
    %dma_start3A_383 = arith.constant 1 : i32
    %dma_start3A_384 = arith.constant 0 : i32
    %dma_start3A_385 = arith.constant 0 : i32
    %dma_start3A_386 = tpu.memref_slice %arg8[%dma_start3A_382, %dma_start3A_384, %dma_start3A_385] : memref<4x200x64xf32, #tpu.memory_space<vmem>> -> memref<1x100x64xf32, #tpu.memory_space<vmem>>
    %dma_start3A_387 = tpu.memref_squeeze %dma_start3A_386 : memref<1x100x64xf32, #tpu.memory_space<vmem>> -> memref<100x64xf32, #tpu.memory_space<vmem>>
    %dma_start3A_388 = arith.constant 0 : i32
    %dma_start3A_389 = tpu.memref_slice %arg6[%dma_start3A_380, %dma_start3A_381, %dma_start3A_388] : memref<128x2x100xi32, #tpu.memory_space<vmem>> -> memref<1x1x100xi32, #tpu.memory_space<vmem>>
    %dma_start3A_390 = tpu.memref_squeeze %dma_start3A_389 : memref<1x1x100xi32, #tpu.memory_space<vmem>> -> memref<100xi32, #tpu.memory_space<vmem>>
    %dma_start3A_391 = arith.constant 0 : i32
    %dma_start3A_392 = arith.constant 0 : i32
    %dma_start3A_393 = tpu.memref_slice %arg3[%dma_start3A_391, %dma_start3A_392] : memref<1000000x64xf32, #tpu.memory_space<hbm>> -> memref<1000000x64xf32, #tpu.memory_space<hbm>>
    %dma_start3A_394 = tpu.memref_slice %arg9[%dma_start3A_383] : memref<4x!tpu.dma_semaphore, #tpu.memory_space<semaphore_mem>> -> memref<1x!tpu.dma_semaphore, #tpu.memory_space<semaphore_mem>>
    %dma_start3A_395 = tpu.memref_squeeze %dma_start3A_394 : memref<1x!tpu.dma_semaphore, #tpu.memory_space<semaphore_mem>> -> memref<!tpu.dma_semaphore, #tpu.memory_space<semaphore_mem>>
    tpu.enqueue_indirect_dma source(%dma_start3A_393 : memref<1000000x64xf32, #tpu.memory_space<hbm>>) target(%dma_start3A_387 : memref<100x64xf32, #tpu.memory_space<vmem>>) offsets(%dma_start3A_390 : memref<100xi32, #tpu.memory_space<vmem>>) semaphore(%dma_start3A_395 : memref<!tpu.dma_semaphore, #tpu.memory_space<semaphore_mem>>)
    %dma_start3A_396 = arith.constant 5 : i32
    %dma_start3A_397 = arith.constant 1 : i32
    %dma_start3A_398 = arith.constant 1 : i32
    %dma_start3A_399 = arith.constant 1 : i32
    %dma_start3A_400 = arith.constant 100 : i32
    %dma_start3A_401 = arith.constant 0 : i32
    %dma_start3A_402 = tpu.memref_slice %arg8[%dma_start3A_398, %dma_start3A_400, %dma_start3A_401] : memref<4x200x64xf32, #tpu.memory_space<vmem>> -> memref<1x100x64xf32, #tpu.memory_space<vmem>>
    %dma_start3A_403 = tpu.memref_squeeze %dma_start3A_402 : memref<1x100x64xf32, #tpu.memory_space<vmem>> -> memref<100x64xf32, #tpu.memory_space<vmem>>
    %dma_start3A_404 = arith.constant 0 : i32
    %dma_start3A_405 = tpu.memref_slice %arg6[%dma_start3A_396, %dma_start3A_397, %dma_start3A_404] : memref<128x2x100xi32, #tpu.memory_space<vmem>> -> memref<1x1x100xi32, #tpu.memory_space<vmem>>
    %dma_start3A_406 = tpu.memref_squeeze %dma_start3A_405 : memref<1x1x100xi32, #tpu.memory_space<vmem>> -> memref<100xi32, #tpu.memory_space<vmem>>
    %dma_start3A_407 = arith.constant 0 : i32
    %dma_start3A_408 = arith.constant 0 : i32
    %dma_start3A_409 = tpu.memref_slice %arg3[%dma_start3A_407, %dma_start3A_408] : memref<1000000x64xf32, #tpu.memory_space<hbm>> -> memref<1000000x64xf32, #tpu.memory_space<hbm>>
    %dma_start3A_410 = tpu.memref_slice %arg9[%dma_start3A_399] : memref<4x!tpu.dma_semaphore, #tpu.memory_space<semaphore_mem>> -> memref<1x!tpu.dma_semaphore, #tpu.memory_space<semaphore_mem>>
    %dma_start3A_411 = tpu.memref_squeeze %dma_start3A_410 : memref<1x!tpu.dma_semaphore, #tpu.memory_space<semaphore_mem>> -> memref<!tpu.dma_semaphore, #tpu.memory_space<semaphore_mem>>
    tpu.enqueue_indirect_dma source(%dma_start3A_409 : memref<1000000x64xf32, #tpu.memory_space<hbm>>) target(%dma_start3A_403 : memref<100x64xf32, #tpu.memory_space<vmem>>) offsets(%dma_start3A_406 : memref<100xi32, #tpu.memory_space<vmem>>) semaphore(%dma_start3A_411 : memref<!tpu.dma_semaphore, #tpu.memory_space<semaphore_mem>>)
    %dma_wait3A_412 = arith.constant 3 : i32
    %dma_wait3A_413 = arith.constant 0 : i32
    %dma_wait3A_414 = arith.constant 3 : i32
    %dma_wait3A_415 = arith.constant 3 : i32
    %dma_wait3A_416 = arith.constant 0 : i32
    %dma_wait3A_417 = arith.constant 0 : i32
    %dma_wait3A_418 = tpu.memref_slice %arg8[%dma_wait3A_414, %dma_wait3A_416, %dma_wait3A_417] : memref<4x200x64xf32, #tpu.memory_space<vmem>> -> memref<1x100x64xf32, #tpu.memory_space<vmem>>
    %dma_wait3A_419 = tpu.memref_squeeze %dma_wait3A_418 : memref<1x100x64xf32, #tpu.memory_space<vmem>> -> memref<100x64xf32, #tpu.memory_space<vmem>>
    %dma_wait3A_420 = arith.constant 0 : i32
    %dma_wait3A_421 = tpu.memref_slice %arg6[%dma_wait3A_412, %dma_wait3A_413, %dma_wait3A_420] : memref<128x2x100xi32, #tpu.memory_space<vmem>> -> memref<1x1x100xi32, #tpu.memory_space<vmem>>
    %dma_wait3A_422 = tpu.memref_squeeze %dma_wait3A_421 : memref<1x1x100xi32, #tpu.memory_space<vmem>> -> memref<100xi32, #tpu.memory_space<vmem>>
    %dma_wait3A_423 = arith.constant 0 : i32
    %dma_wait3A_424 = arith.constant 0 : i32
    %dma_wait3A_425 = tpu.memref_slice %arg3[%dma_wait3A_423, %dma_wait3A_424] : memref<1000000x64xf32, #tpu.memory_space<hbm>> -> memref<1000000x64xf32, #tpu.memory_space<hbm>>
    %dma_wait3A_426 = tpu.memref_slice %arg9[%dma_wait3A_415] : memref<4x!tpu.dma_semaphore, #tpu.memory_space<semaphore_mem>> -> memref<1x!tpu.dma_semaphore, #tpu.memory_space<semaphore_mem>>
    %dma_wait3A_427 = tpu.memref_squeeze %dma_wait3A_426 : memref<1x!tpu.dma_semaphore, #tpu.memory_space<semaphore_mem>> -> memref<!tpu.dma_semaphore, #tpu.memory_space<semaphore_mem>>
    tpu.wait_indirect_dma semaphore(%dma_wait3A_427 : memref<!tpu.dma_semaphore, #tpu.memory_space<semaphore_mem>>) src(%dma_wait3A_425 : memref<1000000x64xf32, #tpu.memory_space<hbm>>) dst(%dma_wait3A_419 : memref<100x64xf32, #tpu.memory_space<vmem>>)
    %dma_wait3A_428 = arith.constant 3 : i32
    %dma_wait3A_429 = arith.constant 1 : i32
    %dma_wait3A_430 = arith.constant 3 : i32
    %dma_wait3A_431 = arith.constant 3 : i32
    %dma_wait3A_432 = arith.constant 100 : i32
    %dma_wait3A_433 = arith.constant 0 : i32
    %dma_wait3A_434 = tpu.memref_slice %arg8[%dma_wait3A_430, %dma_wait3A_432, %dma_wait3A_433] : memref<4x200x64xf32, #tpu.memory_space<vmem>> -> memref<1x100x64xf32, #tpu.memory_space<vmem>>
    %dma_wait3A_435 = tpu.memref_squeeze %dma_wait3A_434 : memref<1x100x64xf32, #tpu.memory_space<vmem>> -> memref<100x64xf32, #tpu.memory_space<vmem>>
    %dma_wait3A_436 = arith.constant 0 : i32
    %dma_wait3A_437 = tpu.memref_slice %arg6[%dma_wait3A_428, %dma_wait3A_429, %dma_wait3A_436] : memref<128x2x100xi32, #tpu.memory_space<vmem>> -> memref<1x1x100xi32, #tpu.memory_space<vmem>>
    %dma_wait3A_438 = tpu.memref_squeeze %dma_wait3A_437 : memref<1x1x100xi32, #tpu.memory_space<vmem>> -> memref<100xi32, #tpu.memory_space<vmem>>
    %dma_wait3A_439 = arith.constant 0 : i32
    %dma_wait3A_440 = arith.constant 0 : i32
    %dma_wait3A_441 = tpu.memref_slice %arg3[%dma_wait3A_439, %dma_wait3A_440] : memref<1000000x64xf32, #tpu.memory_space<hbm>> -> memref<1000000x64xf32, #tpu.memory_space<hbm>>
    %dma_wait3A_442 = tpu.memref_slice %arg9[%dma_wait3A_431] : memref<4x!tpu.dma_semaphore, #tpu.memory_space<semaphore_mem>> -> memref<1x!tpu.dma_semaphore, #tpu.memory_space<semaphore_mem>>
    %dma_wait3A_443 = tpu.memref_squeeze %dma_wait3A_442 : memref<1x!tpu.dma_semaphore, #tpu.memory_space<semaphore_mem>> -> memref<!tpu.dma_semaphore, #tpu.memory_space<semaphore_mem>>
    tpu.wait_indirect_dma semaphore(%dma_wait3A_443 : memref<!tpu.dma_semaphore, #tpu.memory_space<semaphore_mem>>) src(%dma_wait3A_441 : memref<1000000x64xf32, #tpu.memory_space<hbm>>) dst(%dma_wait3A_435 : memref<100x64xf32, #tpu.memory_space<vmem>>)
    %scan3A_444 = arith.constant 0 : i32
    %scan3A_445 = arith.constant 0 : i32
    %scan3A_446 = arith.constant 50 : i32
    %scan3A_447 = arith.addi %scan3A_445, %scan3A_446 : i32
    %scan3A_448 = arith.constant 1 : i32
    scf.for %scan3A_558 = %scan3A_445 to %scan3A_447 step %scan3A_448  : i32 {
      %mul3A_559 = arith.constant 4 : i32
      %mul3A_560 = arith.muli %scan3A_558, %mul3A_559 : i32
      %add3A_561 = arith.constant 0 : i32
      %add3A_562 = arith.addi %mul3A_560, %add3A_561 : i32
      %get3A = arith.constant 3 : i32
      %get3A_563 = arith.index_cast %get3A : i32 to index
      %get3A_564 = arith.index_cast %add3A_562 : i32 to index
      %get3A_565 = arith.constant 0 : index
      %get3A_566 = tpu.vector_load %arg8[%get3A_563, %get3A_564, %get3A_565] {strides = array<i32>} : memref<4x200x64xf32, #tpu.memory_space<vmem>>, vector<1x1x16xf32>,
      %get3A_567 = vector.shape_cast %get3A_566 : vector<1x1x16xf32> to vector<16xf32>
      %get3A_568 = arith.index_cast %add3A_562 : i32 to index
      %get3A_569 = arith.constant 0 : index
      %get3A_570 = tpu.vector_load %arg7[%get3A_568, %get3A_569] {strides = array<i32>} : memref<200x64xf32, #tpu.memory_space<vmem>>, vector<1x16xf32>,
      %get3A_571 = vector.shape_cast %get3A_570 : vector<1x16xf32> to vector<16xf32>
      %add3A_572 = arith.addf %get3A_567, %get3A_571 : vector<16xf32>
      %swap3A = arith.constant 3 : i32
      %swap3A_573 = arith.index_cast %swap3A : i32 to index
      %swap3A_574 = arith.index_cast %add3A_562 : i32 to index
      %swap3A_575 = arith.constant 0 : index
      %swap3A_576 = tpu.vector_load %arg8[%swap3A_573, %swap3A_574, %swap3A_575] {strides = array<i32>} : memref<4x200x64xf32, #tpu.memory_space<vmem>>, vector<1x1x16xf32>,
      %swap3A_577 = vector.shape_cast %swap3A_576 : vector<1x1x16xf32> to vector<16xf32>
      %swap3A_578 = vector.shape_cast %add3A_572 : vector<16xf32> to vector<1x1x16xf32>
      tpu.vector_store %arg8[%swap3A_573, %swap3A_574, %swap3A_575], %swap3A_578 {strides = array<i32>} : memref<4x200x64xf32, #tpu.memory_space<vmem>>, vector<1x1x16xf32>,
      %get3A_579 = arith.constant 3 : i32
      %get3A_580 = arith.index_cast %get3A_579 : i32 to index
      %get3A_581 = arith.index_cast %add3A_562 : i32 to index
      %get3A_582 = arith.constant 16 : index
      %get3A_583 = tpu.vector_load %arg8[%get3A_580, %get3A_581, %get3A_582] {strides = array<i32>} : memref<4x200x64xf32, #tpu.memory_space<vmem>>, vector<1x1x16xf32>,
      %get3A_584 = vector.shape_cast %get3A_583 : vector<1x1x16xf32> to vector<16xf32>
      %get3A_585 = arith.index_cast %add3A_562 : i32 to index
      %get3A_586 = arith.constant 16 : index
      %get3A_587 = tpu.vector_load %arg7[%get3A_585, %get3A_586] {strides = array<i32>} : memref<200x64xf32, #tpu.memory_space<vmem>>, vector<1x16xf32>,
      %get3A_588 = vector.shape_cast %get3A_587 : vector<1x16xf32> to vector<16xf32>
      %add3A_589 = arith.addf %get3A_584, %get3A_588 : vector<16xf32>
      %swap3A_590 = arith.constant 3 : i32
      %swap3A_591 = arith.index_cast %swap3A_590 : i32 to index
      %swap3A_592 = arith.index_cast %add3A_562 : i32 to index
      %swap3A_593 = arith.constant 16 : index
      %swap3A_594 = tpu.vector_load %arg8[%swap3A_591, %swap3A_592, %swap3A_593] {strides = array<i32>} : memref<4x200x64xf32, #tpu.memory_space<vmem>>, vector<1x1x16xf32>,
      %swap3A_595 = vector.shape_cast %swap3A_594 : vector<1x1x16xf32> to vector<16xf32>
      %swap3A_596 = vector.shape_cast %add3A_589 : vector<16xf32> to vector<1x1x16xf32>
      tpu.vector_store %arg8[%swap3A_591, %swap3A_592, %swap3A_593], %swap3A_596 {strides = array<i32>} : memref<4x200x64xf32, #tpu.memory_space<vmem>>, vector<1x1x16xf32>,
      %get3A_597 = arith.constant 3 : i32
      %get3A_598 = arith.index_cast %get3A_597 : i32 to index
      %get3A_599 = arith.index_cast %add3A_562 : i32 to index
      %get3A_600 = arith.constant 32 : index
      %get3A_601 = tpu.vector_load %arg8[%get3A_598, %get3A_599, %get3A_600] {strides = array<i32>} : memref<4x200x64xf32, #tpu.memory_space<vmem>>, vector<1x1x16xf32>,
      %get3A_602 = vector.shape_cast %get3A_601 : vector<1x1x16xf32> to vector<16xf32>
      %get3A_603 = arith.index_cast %add3A_562 : i32 to index
      %get3A_604 = arith.constant 32 : index
      %get3A_605 = tpu.vector_load %arg7[%get3A_603, %get3A_604] {strides = array<i32>} : memref<200x64xf32, #tpu.memory_space<vmem>>, vector<1x16xf32>,
      %get3A_606 = vector.shape_cast %get3A_605 : vector<1x16xf32> to vector<16xf32>
      %add3A_607 = arith.addf %get3A_602, %get3A_606 : vector<16xf32>
      %swap3A_608 = arith.constant 3 : i32
      %swap3A_609 = arith.index_cast %swap3A_608 : i32 to index
      %swap3A_610 = arith.index_cast %add3A_562 : i32 to index
      %swap3A_611 = arith.constant 32 : index
      %swap3A_612 = tpu.vector_load %arg8[%swap3A_609, %swap3A_610, %swap3A_611] {strides = array<i32>} : memref<4x200x64xf32, #tpu.memory_space<vmem>>, vector<1x1x16xf32>,
      %swap3A_613 = vector.shape_cast %swap3A_612 : vector<1x1x16xf32> to vector<16xf32>
      %swap3A_614 = vector.shape_cast %add3A_607 : vector<16xf32> to vector<1x1x16xf32>
      tpu.vector_store %arg8[%swap3A_609, %swap3A_610, %swap3A_611], %swap3A_614 {strides = array<i32>} : memref<4x200x64xf32, #tpu.memory_space<vmem>>, vector<1x1x16xf32>,
      %get3A_615 = arith.constant 3 : i32
      %get3A_616 = arith.index_cast %get3A_615 : i32 to index
      %get3A_617 = arith.index_cast %add3A_562 : i32 to index
      %get3A_618 = arith.constant 48 : index
      %get3A_619 = tpu.vector_load %arg8[%get3A_616, %get3A_617, %get3A_618] {strides = array<i32>} : memref<4x200x64xf32, #tpu.memory_space<vmem>>, vector<1x1x16xf32>,
      %get3A_620 = vector.shape_cast %get3A_619 : vector<1x1x16xf32> to vector<16xf32>
      %get3A_621 = arith.index_cast %add3A_562 : i32 to index
      %get3A_622 = arith.constant 48 : index
      %get3A_623 = tpu.vector_load %arg7[%get3A_621, %get3A_622] {strides = array<i32>} : memref<200x64xf32, #tpu.memory_space<vmem>>, vector<1x16xf32>,
      %get3A_624 = vector.shape_cast %get3A_623 : vector<1x16xf32> to vector<16xf32>
      %add3A_625 = arith.addf %get3A_620, %get3A_624 : vector<16xf32>
      %swap3A_626 = arith.constant 3 : i32
      %swap3A_627 = arith.index_cast %swap3A_626 : i32 to index
      %swap3A_628 = arith.index_cast %add3A_562 : i32 to index
      %swap3A_629 = arith.constant 48 : index
      %swap3A_630 = tpu.vector_load %arg8[%swap3A_627, %swap3A_628, %swap3A_629] {strides = array<i32>} : memref<4x200x64xf32, #tpu.memory_space<vmem>>, vector<1x1x16xf32>,
      %swap3A_631 = vector.shape_cast %swap3A_630 : vector<1x1x16xf32> to vector<16xf32>
      %swap3A_632 = vector.shape_cast %add3A_625 : vector<16xf32> to vector<1x1x16xf32>
      tpu.vector_store %arg8[%swap3A_627, %swap3A_628, %swap3A_629], %swap3A_632 {strides = array<i32>} : memref<4x200x64xf32, #tpu.memory_space<vmem>>, vector<1x1x16xf32>,
      %mul3A_633 = arith.constant 4 : i32
      %mul3A_634 = arith.muli %scan3A_558, %mul3A_633 : i32
      %add3A_635 = arith.constant 1 : i32
      %add3A_636 = arith.addi %mul3A_634, %add3A_635 : i32
      %get3A_637 = arith.constant 3 : i32
      %get3A_638 = arith.index_cast %get3A_637 : i32 to index
      %get3A_639 = arith.index_cast %add3A_636 : i32 to index
      %get3A_640 = arith.constant 0 : index
      %get3A_641 = tpu.vector_load %arg8[%get3A_638, %get3A_639, %get3A_640] {strides = array<i32>} : memref<4x200x64xf32, #tpu.memory_space<vmem>>, vector<1x1x16xf32>,
      %get3A_642 = vector.shape_cast %get3A_641 : vector<1x1x16xf32> to vector<16xf32>
      %get3A_643 = arith.index_cast %add3A_636 : i32 to index
      %get3A_644 = arith.constant 0 : index
      %get3A_645 = tpu.vector_load %arg7[%get3A_643, %get3A_644] {strides = array<i32>} : memref<200x64xf32, #tpu.memory_space<vmem>>, vector<1x16xf32>,
      %get3A_646 = vector.shape_cast %get3A_645 : vector<1x16xf32> to vector<16xf32>
      %add3A_647 = arith.addf %get3A_642, %get3A_646 : vector<16xf32>
      %swap3A_648 = arith.constant 3 : i32
      %swap3A_649 = arith.index_cast %swap3A_648 : i32 to index
      %swap3A_650 = arith.index_cast %add3A_636 : i32 to index
      %swap3A_651 = arith.constant 0 : index
      %swap3A_652 = tpu.vector_load %arg8[%swap3A_649, %swap3A_650, %swap3A_651] {strides = array<i32>} : memref<4x200x64xf32, #tpu.memory_space<vmem>>, vector<1x1x16xf32>,
      %swap3A_653 = vector.shape_cast %swap3A_652 : vector<1x1x16xf32> to vector<16xf32>
      %swap3A_654 = vector.shape_cast %add3A_647 : vector<16xf32> to vector<1x1x16xf32>
      tpu.vector_store %arg8[%swap3A_649, %swap3A_650, %swap3A_651], %swap3A_654 {strides = array<i32>} : memref<4x200x64xf32, #tpu.memory_space<vmem>>, vector<1x1x16xf32>,
      %get3A_655 = arith.constant 3 : i32
      %get3A_656 = arith.index_cast %get3A_655 : i32 to index
      %get3A_657 = arith.index_cast %add3A_636 : i32 to index
      %get3A_658 = arith.constant 16 : index
      %get3A_659 = tpu.vector_load %arg8[%get3A_656, %get3A_657, %get3A_658] {strides = array<i32>} : memref<4x200x64xf32, #tpu.memory_space<vmem>>, vector<1x1x16xf32>,
      %get3A_660 = vector.shape_cast %get3A_659 : vector<1x1x16xf32> to vector<16xf32>
      %get3A_661 = arith.index_cast %add3A_636 : i32 to index
      %get3A_662 = arith.constant 16 : index
      %get3A_663 = tpu.vector_load %arg7[%get3A_661, %get3A_662] {strides = array<i32>} : memref<200x64xf32, #tpu.memory_space<vmem>>, vector<1x16xf32>,
      %get3A_664 = vector.shape_cast %get3A_663 : vector<1x16xf32> to vector<16xf32>
      %add3A_665 = arith.addf %get3A_660, %get3A_664 : vector<16xf32>
      %swap3A_666 = arith.constant 3 : i32
      %swap3A_667 = arith.index_cast %swap3A_666 : i32 to index
      %swap3A_668 = arith.index_cast %add3A_636 : i32 to index
      %swap3A_669 = arith.constant 16 : index
      %swap3A_670 = tpu.vector_load %arg8[%swap3A_667, %swap3A_668, %swap3A_669] {strides = array<i32>} : memref<4x200x64xf32, #tpu.memory_space<vmem>>, vector<1x1x16xf32>,
      %swap3A_671 = vector.shape_cast %swap3A_670 : vector<1x1x16xf32> to vector<16xf32>
      %swap3A_672 = vector.shape_cast %add3A_665 : vector<16xf32> to vector<1x1x16xf32>
      tpu.vector_store %arg8[%swap3A_667, %swap3A_668, %swap3A_669], %swap3A_672 {strides = array<i32>} : memref<4x200x64xf32, #tpu.memory_space<vmem>>, vector<1x1x16xf32>,
      %get3A_673 = arith.constant 3 : i32
      %get3A_674 = arith.index_cast %get3A_673 : i32 to index
      %get3A_675 = arith.index_cast %add3A_636 : i32 to index
      %get3A_676 = arith.constant 32 : index
      %get3A_677 = tpu.vector_load %arg8[%get3A_674, %get3A_675, %get3A_676] {strides = array<i32>} : memref<4x200x64xf32, #tpu.memory_space<vmem>>, vector<1x1x16xf32>,
      %get3A_678 = vector.shape_cast %get3A_677 : vector<1x1x16xf32> to vector<16xf32>
      %get3A_679 = arith.index_cast %add3A_636 : i32 to index
      %get3A_680 = arith.constant 32 : index
      %get3A_681 = tpu.vector_load %arg7[%get3A_679, %get3A_680] {strides = array<i32>} : memref<200x64xf32, #tpu.memory_space<vmem>>, vector<1x16xf32>,
      %get3A_682 = vector.shape_cast %get3A_681 : vector<1x16xf32> to vector<16xf32>
      %add3A_683 = arith.addf %get3A_678, %get3A_682 : vector<16xf32>
      %swap3A_684 = arith.constant 3 : i32
      %swap3A_685 = arith.index_cast %swap3A_684 : i32 to index
      %swap3A_686 = arith.index_cast %add3A_636 : i32 to index
      %swap3A_687 = arith.constant 32 : index
      %swap3A_688 = tpu.vector_load %arg8[%swap3A_685, %swap3A_686, %swap3A_687] {strides = array<i32>} : memref<4x200x64xf32, #tpu.memory_space<vmem>>, vector<1x1x16xf32>,
      %swap3A_689 = vector.shape_cast %swap3A_688 : vector<1x1x16xf32> to vector<16xf32>
      %swap3A_690 = vector.shape_cast %add3A_683 : vector<16xf32> to vector<1x1x16xf32>
      tpu.vector_store %arg8[%swap3A_685, %swap3A_686, %swap3A_687], %swap3A_690 {strides = array<i32>} : memref<4x200x64xf32, #tpu.memory_space<vmem>>, vector<1x1x16xf32>,
      %get3A_691 = arith.constant 3 : i32
      %get3A_692 = arith.index_cast %get3A_691 : i32 to index
      %get3A_693 = arith.index_cast %add3A_636 : i32 to index
      %get3A_694 = arith.constant 48 : index
      %get3A_695 = tpu.vector_load %arg8[%get3A_692, %get3A_693, %get3A_694] {strides = array<i32>} : memref<4x200x64xf32, #tpu.memory_space<vmem>>, vector<1x1x16xf32>,
      %get3A_696 = vector.shape_cast %get3A_695 : vector<1x1x16xf32> to vector<16xf32>
      %get3A_697 = arith.index_cast %add3A_636 : i32 to index
      %get3A_698 = arith.constant 48 : index
      %get3A_699 = tpu.vector_load %arg7[%get3A_697, %get3A_698] {strides = array<i32>} : memref<200x64xf32, #tpu.memory_space<vmem>>, vector<1x16xf32>,
      %get3A_700 = vector.shape_cast %get3A_699 : vector<1x16xf32> to vector<16xf32>
      %add3A_701 = arith.addf %get3A_696, %get3A_700 : vector<16xf32>
      %swap3A_702 = arith.constant 3 : i32
      %swap3A_703 = arith.index_cast %swap3A_702 : i32 to index
      %swap3A_704 = arith.index_cast %add3A_636 : i32 to index
      %swap3A_705 = arith.constant 48 : index
      %swap3A_706 = tpu.vector_load %arg8[%swap3A_703, %swap3A_704, %swap3A_705] {strides = array<i32>} : memref<4x200x64xf32, #tpu.memory_space<vmem>>, vector<1x1x16xf32>,
      %swap3A_707 = vector.shape_cast %swap3A_706 : vector<1x1x16xf32> to vector<16xf32>
      %swap3A_708 = vector.shape_cast %add3A_701 : vector<16xf32> to vector<1x1x16xf32>
      tpu.vector_store %arg8[%swap3A_703, %swap3A_704, %swap3A_705], %swap3A_708 {strides = array<i32>} : memref<4x200x64xf32, #tpu.memory_space<vmem>>, vector<1x1x16xf32>,
      %mul3A_709 = arith.constant 4 : i32
      %mul3A_710 = arith.muli %scan3A_558, %mul3A_709 : i32
      %add3A_711 = arith.constant 2 : i32
      %add3A_712 = arith.addi %mul3A_710, %add3A_711 : i32
      %get3A_713 = arith.constant 3 : i32
      %get3A_714 = arith.index_cast %get3A_713 : i32 to index
      %get3A_715 = arith.index_cast %add3A_712 : i32 to index
      %get3A_716 = arith.constant 0 : index
      %get3A_717 = tpu.vector_load %arg8[%get3A_714, %get3A_715, %get3A_716] {strides = array<i32>} : memref<4x200x64xf32, #tpu.memory_space<vmem>>, vector<1x1x16xf32>,
      %get3A_718 = vector.shape_cast %get3A_717 : vector<1x1x16xf32> to vector<16xf32>
      %get3A_719 = arith.index_cast %add3A_712 : i32 to index
      %get3A_720 = arith.constant 0 : index
      %get3A_721 = tpu.vector_load %arg7[%get3A_719, %get3A_720] {strides = array<i32>} : memref<200x64xf32, #tpu.memory_space<vmem>>, vector<1x16xf32>,
      %get3A_722 = vector.shape_cast %get3A_721 : vector<1x16xf32> to vector<16xf32>
      %add3A_723 = arith.addf %get3A_718, %get3A_722 : vector<16xf32>
      %swap3A_724 = arith.constant 3 : i32
      %swap3A_725 = arith.index_cast %swap3A_724 : i32 to index
      %swap3A_726 = arith.index_cast %add3A_712 : i32 to index
      %swap3A_727 = arith.constant 0 : index
      %swap3A_728 = tpu.vector_load %arg8[%swap3A_725, %swap3A_726, %swap3A_727] {strides = array<i32>} : memref<4x200x64xf32, #tpu.memory_space<vmem>>, vector<1x1x16xf32>,
      %swap3A_729 = vector.shape_cast %swap3A_728 : vector<1x1x16xf32> to vector<16xf32>
      %swap3A_730 = vector.shape_cast %add3A_723 : vector<16xf32> to vector<1x1x16xf32>
      tpu.vector_store %arg8[%swap3A_725, %swap3A_726, %swap3A_727], %swap3A_730 {strides = array<i32>} : memref<4x200x64xf32, #tpu.memory_space<vmem>>, vector<1x1x16xf32>,
      %get3A_731 = arith.constant 3 : i32
      %get3A_732 = arith.index_cast %get3A_731 : i32 to index
      %get3A_733 = arith.index_cast %add3A_712 : i32 to index
      %get3A_734 = arith.constant 16 : index
      %get3A_735 = tpu.vector_load %arg8[%get3A_732, %get3A_733, %get3A_734] {strides = array<i32>} : memref<4x200x64xf32, #tpu.memory_space<vmem>>, vector<1x1x16xf32>,
      %get3A_736 = vector.shape_cast %get3A_735 : vector<1x1x16xf32> to vector<16xf32>
      %get3A_737 = arith.index_cast %add3A_712 : i32 to index
      %get3A_738 = arith.constant 16 : index
      %get3A_739 = tpu.vector_load %arg7[%get3A_737, %get3A_738] {strides = array<i32>} : memref<200x64xf32, #tpu.memory_space<vmem>>, vector<1x16xf32>,
      %get3A_740 = vector.shape_cast %get3A_739 : vector<1x16xf32> to vector<16xf32>
      %add3A_741 = arith.addf %get3A_736, %get3A_740 : vector<16xf32>
      %swap3A_742 = arith.constant 3 : i32
      %swap3A_743 = arith.index_cast %swap3A_742 : i32 to index
      %swap3A_744 = arith.index_cast %add3A_712 : i32 to index
      %swap3A_745 = arith.constant 16 : index
      %swap3A_746 = tpu.vector_load %arg8[%swap3A_743, %swap3A_744, %swap3A_745] {strides = array<i32>} : memref<4x200x64xf32, #tpu.memory_space<vmem>>, vector<1x1x16xf32>,
      %swap3A_747 = vector.shape_cast %swap3A_746 : vector<1x1x16xf32> to vector<16xf32>
      %swap3A_748 = vector.shape_cast %add3A_741 : vector<16xf32> to vector<1x1x16xf32>
      tpu.vector_store %arg8[%swap3A_743, %swap3A_744, %swap3A_745], %swap3A_748 {strides = array<i32>} : memref<4x200x64xf32, #tpu.memory_space<vmem>>, vector<1x1x16xf32>,
      %get3A_749 = arith.constant 3 : i32
      %get3A_750 = arith.index_cast %get3A_749 : i32 to index
      %get3A_751 = arith.index_cast %add3A_712 : i32 to index
      %get3A_752 = arith.constant 32 : index
      %get3A_753 = tpu.vector_load %arg8[%get3A_750, %get3A_751, %get3A_752] {strides = array<i32>} : memref<4x200x64xf32, #tpu.memory_space<vmem>>, vector<1x1x16xf32>,
      %get3A_754 = vector.shape_cast %get3A_753 : vector<1x1x16xf32> to vector<16xf32>
      %get3A_755 = arith.index_cast %add3A_712 : i32 to index
      %get3A_756 = arith.constant 32 : index
      %get3A_757 = tpu.vector_load %arg7[%get3A_755, %get3A_756] {strides = array<i32>} : memref<200x64xf32, #tpu.memory_space<vmem>>, vector<1x16xf32>,
      %get3A_758 = vector.shape_cast %get3A_757 : vector<1x16xf32> to vector<16xf32>
      %add3A_759 = arith.addf %get3A_754, %get3A_758 : vector<16xf32>
      %swap3A_760 = arith.constant 3 : i32
      %swap3A_761 = arith.index_cast %swap3A_760 : i32 to index
      %swap3A_762 = arith.index_cast %add3A_712 : i32 to index
      %swap3A_763 = arith.constant 32 : index
      %swap3A_764 = tpu.vector_load %arg8[%swap3A_761, %swap3A_762, %swap3A_763] {strides = array<i32>} : memref<4x200x64xf32, #tpu.memory_space<vmem>>, vector<1x1x16xf32>,
      %swap3A_765 = vector.shape_cast %swap3A_764 : vector<1x1x16xf32> to vector<16xf32>
      %swap3A_766 = vector.shape_cast %add3A_759 : vector<16xf32> to vector<1x1x16xf32>
      tpu.vector_store %arg8[%swap3A_761, %swap3A_762, %swap3A_763], %swap3A_766 {strides = array<i32>} : memref<4x200x64xf32, #tpu.memory_space<vmem>>, vector<1x1x16xf32>,
      %get3A_767 = arith.constant 3 : i32
      %get3A_768 = arith.index_cast %get3A_767 : i32 to index
      %get3A_769 = arith.index_cast %add3A_712 : i32 to index
      %get3A_770 = arith.constant 48 : index
      %get3A_771 = tpu.vector_load %arg8[%get3A_768, %get3A_769, %get3A_770] {strides = array<i32>} : memref<4x200x64xf32, #tpu.memory_space<vmem>>, vector<1x1x16xf32>,
      %get3A_772 = vector.shape_cast %get3A_771 : vector<1x1x16xf32> to vector<16xf32>
      %get3A_773 = arith.index_cast %add3A_712 : i32 to index
      %get3A_774 = arith.constant 48 : index
      %get3A_775 = tpu.vector_load %arg7[%get3A_773, %get3A_774] {strides = array<i32>} : memref<200x64xf32, #tpu.memory_space<vmem>>, vector<1x16xf32>,
      %get3A_776 = vector.shape_cast %get3A_775 : vector<1x16xf32> to vector<16xf32>
      %add3A_777 = arith.addf %get3A_772, %get3A_776 : vector<16xf32>
      %swap3A_778 = arith.constant 3 : i32
      %swap3A_779 = arith.index_cast %swap3A_778 : i32 to index
      %swap3A_780 = arith.index_cast %add3A_712 : i32 to index
      %swap3A_781 = arith.constant 48 : index
      %swap3A_782 = tpu.vector_load %arg8[%swap3A_779, %swap3A_780, %swap3A_781] {strides = array<i32>} : memref<4x200x64xf32, #tpu.memory_space<vmem>>, vector<1x1x16xf32>,
      %swap3A_783 = vector.shape_cast %swap3A_782 : vector<1x1x16xf32> to vector<16xf32>
      %swap3A_784 = vector.shape_cast %add3A_777 : vector<16xf32> to vector<1x1x16xf32>
      tpu.vector_store %arg8[%swap3A_779, %swap3A_780, %swap3A_781], %swap3A_784 {strides = array<i32>} : memref<4x200x64xf32, #tpu.memory_space<vmem>>, vector<1x1x16xf32>,
      %mul3A_785 = arith.constant 4 : i32
      %mul3A_786 = arith.muli %scan3A_558, %mul3A_785 : i32
      %add3A_787 = arith.constant 3 : i32
      %add3A_788 = arith.addi %mul3A_786, %add3A_787 : i32
      %get3A_789 = arith.constant 3 : i32
      %get3A_790 = arith.index_cast %get3A_789 : i32 to index
      %get3A_791 = arith.index_cast %add3A_788 : i32 to index
      %get3A_792 = arith.constant 0 : index
      %get3A_793 = tpu.vector_load %arg8[%get3A_790, %get3A_791, %get3A_792] {strides = array<i32>} : memref<4x200x64xf32, #tpu.memory_space<vmem>>, vector<1x1x16xf32>,
      %get3A_794 = vector.shape_cast %get3A_793 : vector<1x1x16xf32> to vector<16xf32>
      %get3A_795 = arith.index_cast %add3A_788 : i32 to index
      %get3A_796 = arith.constant 0 : index
      %get3A_797 = tpu.vector_load %arg7[%get3A_795, %get3A_796] {strides = array<i32>} : memref<200x64xf32, #tpu.memory_space<vmem>>, vector<1x16xf32>,
      %get3A_798 = vector.shape_cast %get3A_797 : vector<1x16xf32> to vector<16xf32>
      %add3A_799 = arith.addf %get3A_794, %get3A_798 : vector<16xf32>
      %swap3A_800 = arith.constant 3 : i32
      %swap3A_801 = arith.index_cast %swap3A_800 : i32 to index
      %swap3A_802 = arith.index_cast %add3A_788 : i32 to index
      %swap3A_803 = arith.constant 0 : index
      %swap3A_804 = tpu.vector_load %arg8[%swap3A_801, %swap3A_802, %swap3A_803] {strides = array<i32>} : memref<4x200x64xf32, #tpu.memory_space<vmem>>, vector<1x1x16xf32>,
      %swap3A_805 = vector.shape_cast %swap3A_804 : vector<1x1x16xf32> to vector<16xf32>
      %swap3A_806 = vector.shape_cast %add3A_799 : vector<16xf32> to vector<1x1x16xf32>
      tpu.vector_store %arg8[%swap3A_801, %swap3A_802, %swap3A_803], %swap3A_806 {strides = array<i32>} : memref<4x200x64xf32, #tpu.memory_space<vmem>>, vector<1x1x16xf32>,
      %get3A_807 = arith.constant 3 : i32
      %get3A_808 = arith.index_cast %get3A_807 : i32 to index
      %get3A_809 = arith.index_cast %add3A_788 : i32 to index
      %get3A_810 = arith.constant 16 : index
      %get3A_811 = tpu.vector_load %arg8[%get3A_808, %get3A_809, %get3A_810] {strides = array<i32>} : memref<4x200x64xf32, #tpu.memory_space<vmem>>, vector<1x1x16xf32>,
      %get3A_812 = vector.shape_cast %get3A_811 : vector<1x1x16xf32> to vector<16xf32>
      %get3A_813 = arith.index_cast %add3A_788 : i32 to index
      %get3A_814 = arith.constant 16 : index
      %get3A_815 = tpu.vector_load %arg7[%get3A_813, %get3A_814] {strides = array<i32>} : memref<200x64xf32, #tpu.memory_space<vmem>>, vector<1x16xf32>,
      %get3A_816 = vector.shape_cast %get3A_815 : vector<1x16xf32> to vector<16xf32>
      %add3A_817 = arith.addf %get3A_812, %get3A_816 : vector<16xf32>
      %swap3A_818 = arith.constant 3 : i32
      %swap3A_819 = arith.index_cast %swap3A_818 : i32 to index
      %swap3A_820 = arith.index_cast %add3A_788 : i32 to index
      %swap3A_821 = arith.constant 16 : index
      %swap3A_822 = tpu.vector_load %arg8[%swap3A_819, %swap3A_820, %swap3A_821] {strides = array<i32>} : memref<4x200x64xf32, #tpu.memory_space<vmem>>, vector<1x1x16xf32>,
      %swap3A_823 = vector.shape_cast %swap3A_822 : vector<1x1x16xf32> to vector<16xf32>
      %swap3A_824 = vector.shape_cast %add3A_817 : vector<16xf32> to vector<1x1x16xf32>
      tpu.vector_store %arg8[%swap3A_819, %swap3A_820, %swap3A_821], %swap3A_824 {strides = array<i32>} : memref<4x200x64xf32, #tpu.memory_space<vmem>>, vector<1x1x16xf32>,
      %get3A_825 = arith.constant 3 : i32
      %get3A_826 = arith.index_cast %get3A_825 : i32 to index
      %get3A_827 = arith.index_cast %add3A_788 : i32 to index
      %get3A_828 = arith.constant 32 : index
      %get3A_829 = tpu.vector_load %arg8[%get3A_826, %get3A_827, %get3A_828] {strides = array<i32>} : memref<4x200x64xf32, #tpu.memory_space<vmem>>, vector<1x1x16xf32>,
      %get3A_830 = vector.shape_cast %get3A_829 : vector<1x1x16xf32> to vector<16xf32>
      %get3A_831 = arith.index_cast %add3A_788 : i32 to index
      %get3A_832 = arith.constant 32 : index
      %get3A_833 = tpu.vector_load %arg7[%get3A_831, %get3A_832] {strides = array<i32>} : memref<200x64xf32, #tpu.memory_space<vmem>>, vector<1x16xf32>,
      %get3A_834 = vector.shape_cast %get3A_833 : vector<1x16xf32> to vector<16xf32>
      %add3A_835 = arith.addf %get3A_830, %get3A_834 : vector<16xf32>
      %swap3A_836 = arith.constant 3 : i32
      %swap3A_837 = arith.index_cast %swap3A_836 : i32 to index
      %swap3A_838 = arith.index_cast %add3A_788 : i32 to index
      %swap3A_839 = arith.constant 32 : index
      %swap3A_840 = tpu.vector_load %arg8[%swap3A_837, %swap3A_838, %swap3A_839] {strides = array<i32>} : memref<4x200x64xf32, #tpu.memory_space<vmem>>, vector<1x1x16xf32>,
      %swap3A_841 = vector.shape_cast %swap3A_840 : vector<1x1x16xf32> to vector<16xf32>
      %swap3A_842 = vector.shape_cast %add3A_835 : vector<16xf32> to vector<1x1x16xf32>
      tpu.vector_store %arg8[%swap3A_837, %swap3A_838, %swap3A_839], %swap3A_842 {strides = array<i32>} : memref<4x200x64xf32, #tpu.memory_space<vmem>>, vector<1x1x16xf32>,
      %get3A_843 = arith.constant 3 : i32
      %get3A_844 = arith.index_cast %get3A_843 : i32 to index
      %get3A_845 = arith.index_cast %add3A_788 : i32 to index
      %get3A_846 = arith.constant 48 : index
      %get3A_847 = tpu.vector_load %arg8[%get3A_844, %get3A_845, %get3A_846] {strides = array<i32>} : memref<4x200x64xf32, #tpu.memory_space<vmem>>, vector<1x1x16xf32>,
      %get3A_848 = vector.shape_cast %get3A_847 : vector<1x1x16xf32> to vector<16xf32>
      %get3A_849 = arith.index_cast %add3A_788 : i32 to index
      %get3A_850 = arith.constant 48 : index
      %get3A_851 = tpu.vector_load %arg7[%get3A_849, %get3A_850] {strides = array<i32>} : memref<200x64xf32, #tpu.memory_space<vmem>>, vector<1x16xf32>,
      %get3A_852 = vector.shape_cast %get3A_851 : vector<1x16xf32> to vector<16xf32>
      %add3A_853 = arith.addf %get3A_848, %get3A_852 : vector<16xf32>
      %swap3A_854 = arith.constant 3 : i32
      %swap3A_855 = arith.index_cast %swap3A_854 : i32 to index
      %swap3A_856 = arith.index_cast %add3A_788 : i32 to index
      %swap3A_857 = arith.constant 48 : index
      %swap3A_858 = tpu.vector_load %arg8[%swap3A_855, %swap3A_856, %swap3A_857] {strides = array<i32>} : memref<4x200x64xf32, #tpu.memory_space<vmem>>, vector<1x1x16xf32>,
      %swap3A_859 = vector.shape_cast %swap3A_858 : vector<1x1x16xf32> to vector<16xf32>
      %swap3A_860 = vector.shape_cast %add3A_853 : vector<16xf32> to vector<1x1x16xf32>
      tpu.vector_store %arg8[%swap3A_855, %swap3A_856, %swap3A_857], %swap3A_860 {strides = array<i32>} : memref<4x200x64xf32, #tpu.memory_space<vmem>>, vector<1x1x16xf32>,
    }
    %scan3A_449 = arith.constant 50 : i32
    %add3A_450 = arith.constant 3 : i32
    %add3A_451 = arith.addi %mul3A_2, %add3A_450 : i32
    %dma_start3A_452 = arith.constant 3 : i32
    %dma_start3A_453 = arith.constant 3 : i32
    %dma_start3A_454 = arith.constant 0 : i32
    %dma_start3A_455 = arith.constant 0 : i32
    %dma_start3A_456 = tpu.memref_slice %arg8[%dma_start3A_452, %dma_start3A_454, %dma_start3A_455] : memref<4x200x64xf32, #tpu.memory_space<vmem>> -> memref<1x200x64xf32, #tpu.memory_space<vmem>>
    %dma_start3A_457 = tpu.memref_squeeze %dma_start3A_456 : memref<1x200x64xf32, #tpu.memory_space<vmem>> -> memref<200x64xf32, #tpu.memory_space<vmem>>
    %dma_start3A_458 = arith.constant 0 : i32
    %dma_start3A_459 = arith.constant 0 : i32
    %dma_start3A_460 = tpu.memref_slice %arg5[%add3A_451, %dma_start3A_458, %dma_start3A_459] : memref<4096x200x64xf32, #tpu.memory_space<hbm>> -> memref<1x200x64xf32, #tpu.memory_space<hbm>>
    %dma_start3A_461 = tpu.memref_squeeze %dma_start3A_460 : memref<1x200x64xf32, #tpu.memory_space<hbm>> -> memref<200x64xf32, #tpu.memory_space<hbm>>
    %dma_start3A_462 = tpu.memref_slice %arg10[%dma_start3A_453] : memref<4x!tpu.dma_semaphore, #tpu.memory_space<semaphore_mem>> -> memref<1x!tpu.dma_semaphore, #tpu.memory_space<semaphore_mem>>
    %dma_start3A_463 = tpu.memref_squeeze %dma_start3A_462 : memref<1x!tpu.dma_semaphore, #tpu.memory_space<semaphore_mem>> -> memref<!tpu.dma_semaphore, #tpu.memory_space<semaphore_mem>>
    %dma_start3A_464 = arith.constant 0 : i32
    %dma_start3A_465 = arith.constant 0 : i32
    %dma_start3A_466 = tpu.memref_slice %arg5[%add3A_451, %dma_start3A_464, %dma_start3A_465] : memref<4096x200x64xf32, #tpu.memory_space<hbm>> -> memref<1x200x64xf32, #tpu.memory_space<hbm>>
    %dma_start3A_467 = tpu.memref_squeeze %dma_start3A_466 : memref<1x200x64xf32, #tpu.memory_space<hbm>> -> memref<200x64xf32, #tpu.memory_space<hbm>>
    %dma_start3A_468 = arith.constant 0 : i32
    %dma_start3A_469 = arith.constant 0 : i32
    %dma_start3A_470 = tpu.memref_slice %arg8[%dma_start3A_452, %dma_start3A_468, %dma_start3A_469] : memref<4x200x64xf32, #tpu.memory_space<vmem>> -> memref<1x200x64xf32, #tpu.memory_space<vmem>>
    %dma_start3A_471 = tpu.memref_squeeze %dma_start3A_470 : memref<1x200x64xf32, #tpu.memory_space<vmem>> -> memref<200x64xf32, #tpu.memory_space<vmem>>
    tpu.enqueue_dma source(%dma_start3A_471 : memref<200x64xf32, #tpu.memory_space<vmem>>) target(%dma_start3A_467 : memref<200x64xf32, #tpu.memory_space<hbm>>) target_semaphore(%dma_start3A_463 : memref<!tpu.dma_semaphore, #tpu.memory_space<semaphore_mem>>)
    %scan3A_472 = arith.constant 0 : i32
    %scan3A_473 = arith.constant 1 : i32
    %scan3A_474 = arith.constant 31 : i32
    %scan3A_475 = arith.addi %scan3A_473, %scan3A_474 : i32
    %scan3A_476 = arith.constant 1 : i32
    scf.for %scan3A_558 = %scan3A_473 to %scan3A_475 step %scan3A_476  : i32 {
      %mul3A_559 = arith.constant 4 : i32
      %mul3A_560 = arith.muli %scan3A_558, %mul3A_559 : i32
      %add3A_561 = arith.constant 0 : i32
      %add3A_562 = arith.addi %mul3A_560, %add3A_561 : i32
      %add3A_563 = arith.constant 2 : i32
      %add3A_564 = arith.addi %add3A_562, %add3A_563 : i32
      %lt3A = arith.constant 128 : i32
      %lt3A_565 = arith.cmpi slt, %add3A_564, %lt3A : i32
      %convert_element_type3A = arith.extui %lt3A_565 : i1 to i32
      %cond3A = arith.constant 0 : i32
      %cond3A_566 = arith.cmpi ne, %convert_element_type3A, %cond3A : i32
      scf.if %cond3A_566 {
        %dma_wait3A_828 = arith.constant 2 : i32
        %dma_wait3A_829 = arith.constant 2 : i32
        %dma_wait3A_830 = arith.constant 0 : i32
        %dma_wait3A_831 = arith.constant 0 : i32
        %dma_wait3A_832 = tpu.memref_slice %arg8[%dma_wait3A_828, %dma_wait3A_830, %dma_wait3A_831] : memref<4x200x64xf32, #tpu.memory_space<vmem>> -> memref<1x200x64xf32, #tpu.memory_space<vmem>>
        %dma_wait3A_833 = tpu.memref_squeeze %dma_wait3A_832 : memref<1x200x64xf32, #tpu.memory_space<vmem>> -> memref<200x64xf32, #tpu.memory_space<vmem>>
        %dma_wait3A_834 = arith.constant 0 : i32
        %dma_wait3A_835 = arith.constant 0 : i32
        %dma_wait3A_836 = tpu.memref_slice %arg5[%mul3A_2, %dma_wait3A_834, %dma_wait3A_835] : memref<4096x200x64xf32, #tpu.memory_space<hbm>> -> memref<1x200x64xf32, #tpu.memory_space<hbm>>
        %dma_wait3A_837 = tpu.memref_squeeze %dma_wait3A_836 : memref<1x200x64xf32, #tpu.memory_space<hbm>> -> memref<200x64xf32, #tpu.memory_space<hbm>>
        %dma_wait3A_838 = tpu.memref_slice %arg10[%dma_wait3A_829] : memref<4x!tpu.dma_semaphore, #tpu.memory_space<semaphore_mem>> -> memref<1x!tpu.dma_semaphore, #tpu.memory_space<semaphore_mem>>
        %dma_wait3A_839 = tpu.memref_squeeze %dma_wait3A_838 : memref<1x!tpu.dma_semaphore, #tpu.memory_space<semaphore_mem>> -> memref<!tpu.dma_semaphore, #tpu.memory_space<semaphore_mem>>
        %dma_wait3A_840 = arith.constant 0 : i32
        %dma_wait3A_841 = arith.constant 0 : i32
        %dma_wait3A_842 = tpu.memref_slice %arg5[%mul3A_2, %dma_wait3A_840, %dma_wait3A_841] : memref<4096x200x64xf32, #tpu.memory_space<hbm>> -> memref<1x200x64xf32, #tpu.memory_space<hbm>>
        %dma_wait3A_843 = tpu.memref_squeeze %dma_wait3A_842 : memref<1x200x64xf32, #tpu.memory_space<hbm>> -> memref<200x64xf32, #tpu.memory_space<hbm>>
        %dma_wait3A_844 = arith.constant 0 : i32
        %dma_wait3A_845 = arith.constant 0 : i32
        %dma_wait3A_846 = tpu.memref_slice %arg8[%dma_wait3A_828, %dma_wait3A_844, %dma_wait3A_845] : memref<4x200x64xf32, #tpu.memory_space<vmem>> -> memref<1x200x64xf32, #tpu.memory_space<vmem>>
        %dma_wait3A_847 = tpu.memref_squeeze %dma_wait3A_846 : memref<1x200x64xf32, #tpu.memory_space<vmem>> -> memref<200x64xf32, #tpu.memory_space<vmem>>
        tpu.wait_dma2 semaphore(%dma_wait3A_839 : memref<!tpu.dma_semaphore, #tpu.memory_space<semaphore_mem>>) src(%dma_wait3A_847 : memref<200x64xf32, #tpu.memory_space<vmem>>) dst(%dma_wait3A_843 : memref<200x64xf32, #tpu.memory_space<hbm>>)
        %add3A_848 = arith.constant 2 : i32
        %add3A_849 = arith.addi %add3A_562, %add3A_848 : i32
        %dma_start3A_850 = arith.constant 0 : i32
        %dma_start3A_851 = arith.constant 2 : i32
        %dma_start3A_852 = arith.constant 2 : i32
        %dma_start3A_853 = arith.constant 0 : i32
        %dma_start3A_854 = arith.constant 0 : i32
        %dma_start3A_855 = tpu.memref_slice %arg8[%dma_start3A_851, %dma_start3A_853, %dma_start3A_854] : memref<4x200x64xf32, #tpu.memory_space<vmem>> -> memref<1x100x64xf32, #tpu.memory_space<vmem>>
        %dma_start3A_856 = tpu.memref_squeeze %dma_start3A_855 : memref<1x100x64xf32, #tpu.memory_space<vmem>> -> memref<100x64xf32, #tpu.memory_space<vmem>>
        %dma_start3A_857 = arith.constant 0 : i32
        %dma_start3A_858 = tpu.memref_slice %arg6[%add3A_849, %dma_start3A_850, %dma_start3A_857] : memref<128x2x100xi32, #tpu.memory_space<vmem>> -> memref<1x1x100xi32, #tpu.memory_space<vmem>>
        %dma_start3A_859 = tpu.memref_squeeze %dma_start3A_858 : memref<1x1x100xi32, #tpu.memory_space<vmem>> -> memref<100xi32, #tpu.memory_space<vmem>>
        %dma_start3A_860 = arith.constant 0 : i32
        %dma_start3A_861 = arith.constant 0 : i32
        %dma_start3A_862 = tpu.memref_slice %arg3[%dma_start3A_860, %dma_start3A_861] : memref<1000000x64xf32, #tpu.memory_space<hbm>> -> memref<1000000x64xf32, #tpu.memory_space<hbm>>
        %dma_start3A_863 = tpu.memref_slice %arg9[%dma_start3A_852] : memref<4x!tpu.dma_semaphore, #tpu.memory_space<semaphore_mem>> -> memref<1x!tpu.dma_semaphore, #tpu.memory_space<semaphore_mem>>
        %dma_start3A_864 = tpu.memref_squeeze %dma_start3A_863 : memref<1x!tpu.dma_semaphore, #tpu.memory_space<semaphore_mem>> -> memref<!tpu.dma_semaphore, #tpu.memory_space<semaphore_mem>>
        tpu.enqueue_indirect_dma source(%dma_start3A_862 : memref<1000000x64xf32, #tpu.memory_space<hbm>>) target(%dma_start3A_856 : memref<100x64xf32, #tpu.memory_space<vmem>>) offsets(%dma_start3A_859 : memref<100xi32, #tpu.memory_space<vmem>>) semaphore(%dma_start3A_864 : memref<!tpu.dma_semaphore, #tpu.memory_space<semaphore_mem>>)
        %dma_start3A_865 = arith.constant 1 : i32
        %dma_start3A_866 = arith.constant 2 : i32
        %dma_start3A_867 = arith.constant 2 : i32
        %dma_start3A_868 = arith.constant 100 : i32
        %dma_start3A_869 = arith.constant 0 : i32
        %dma_start3A_870 = tpu.memref_slice %arg8[%dma_start3A_866, %dma_start3A_868, %dma_start3A_869] : memref<4x200x64xf32, #tpu.memory_space<vmem>> -> memref<1x100x64xf32, #tpu.memory_space<vmem>>
        %dma_start3A_871 = tpu.memref_squeeze %dma_start3A_870 : memref<1x100x64xf32, #tpu.memory_space<vmem>> -> memref<100x64xf32, #tpu.memory_space<vmem>>
        %dma_start3A_872 = arith.constant 0 : i32
        %dma_start3A_873 = tpu.memref_slice %arg6[%add3A_849, %dma_start3A_865, %dma_start3A_872] : memref<128x2x100xi32, #tpu.memory_space<vmem>> -> memref<1x1x100xi32, #tpu.memory_space<vmem>>
        %dma_start3A_874 = tpu.memref_squeeze %dma_start3A_873 : memref<1x1x100xi32, #tpu.memory_space<vmem>> -> memref<100xi32, #tpu.memory_space<vmem>>
        %dma_start3A_875 = arith.constant 0 : i32
        %dma_start3A_876 = arith.constant 0 : i32
        %dma_start3A_877 = tpu.memref_slice %arg3[%dma_start3A_875, %dma_start3A_876] : memref<1000000x64xf32, #tpu.memory_space<hbm>> -> memref<1000000x64xf32, #tpu.memory_space<hbm>>
        %dma_start3A_878 = tpu.memref_slice %arg9[%dma_start3A_867] : memref<4x!tpu.dma_semaphore, #tpu.memory_space<semaphore_mem>> -> memref<1x!tpu.dma_semaphore, #tpu.memory_space<semaphore_mem>>
        %dma_start3A_879 = tpu.memref_squeeze %dma_start3A_878 : memref<1x!tpu.dma_semaphore, #tpu.memory_space<semaphore_mem>> -> memref<!tpu.dma_semaphore, #tpu.memory_space<semaphore_mem>>
        tpu.enqueue_indirect_dma source(%dma_start3A_877 : memref<1000000x64xf32, #tpu.memory_space<hbm>>) target(%dma_start3A_871 : memref<100x64xf32, #tpu.memory_space<vmem>>) offsets(%dma_start3A_874 : memref<100xi32, #tpu.memory_space<vmem>>) semaphore(%dma_start3A_879 : memref<!tpu.dma_semaphore, #tpu.memory_space<semaphore_mem>>)
      } else {
      }
      %dma_wait3A_567 = arith.constant 0 : i32
      %dma_wait3A_568 = arith.constant 0 : i32
      %dma_wait3A_569 = arith.constant 0 : i32
      %dma_wait3A_570 = arith.constant 0 : i32
      %dma_wait3A_571 = arith.constant 0 : i32
      %dma_wait3A_572 = tpu.memref_slice %arg8[%dma_wait3A_568, %dma_wait3A_570, %dma_wait3A_571] : memref<4x200x64xf32, #tpu.memory_space<vmem>> -> memref<1x100x64xf32, #tpu.memory_space<vmem>>
      %dma_wait3A_573 = tpu.memref_squeeze %dma_wait3A_572 : memref<1x100x64xf32, #tpu.memory_space<vmem>> -> memref<100x64xf32, #tpu.memory_space<vmem>>
      %dma_wait3A_574 = arith.constant 0 : i32
      %dma_wait3A_575 = tpu.memref_slice %arg6[%add3A_562, %dma_wait3A_567, %dma_wait3A_574] : memref<128x2x100xi32, #tpu.memory_space<vmem>> -> memref<1x1x100xi32, #tpu.memory_space<vmem>>
      %dma_wait3A_576 = tpu.memref_squeeze %dma_wait3A_575 : memref<1x1x100xi32, #tpu.memory_space<vmem>> -> memref<100xi32, #tpu.memory_space<vmem>>
      %dma_wait3A_577 = arith.constant 0 : i32
      %dma_wait3A_578 = arith.constant 0 : i32
      %dma_wait3A_579 = tpu.memref_slice %arg3[%dma_wait3A_577, %dma_wait3A_578] : memref<1000000x64xf32, #tpu.memory_space<hbm>> -> memref<1000000x64xf32, #tpu.memory_space<hbm>>
      %dma_wait3A_580 = tpu.memref_slice %arg9[%dma_wait3A_569] : memref<4x!tpu.dma_semaphore, #tpu.memory_space<semaphore_mem>> -> memref<1x!tpu.dma_semaphore, #tpu.memory_space<semaphore_mem>>
      %dma_wait3A_581 = tpu.memref_squeeze %dma_wait3A_580 : memref<1x!tpu.dma_semaphore, #tpu.memory_space<semaphore_mem>> -> memref<!tpu.dma_semaphore, #tpu.memory_space<semaphore_mem>>
      tpu.wait_indirect_dma semaphore(%dma_wait3A_581 : memref<!tpu.dma_semaphore, #tpu.memory_space<semaphore_mem>>) src(%dma_wait3A_579 : memref<1000000x64xf32, #tpu.memory_space<hbm>>) dst(%dma_wait3A_573 : memref<100x64xf32, #tpu.memory_space<vmem>>)
      %dma_wait3A_582 = arith.constant 1 : i32
      %dma_wait3A_583 = arith.constant 0 : i32
      %dma_wait3A_584 = arith.constant 0 : i32
      %dma_wait3A_585 = arith.constant 100 : i32
      %dma_wait3A_586 = arith.constant 0 : i32
      %dma_wait3A_587 = tpu.memref_slice %arg8[%dma_wait3A_583, %dma_wait3A_585, %dma_wait3A_586] : memref<4x200x64xf32, #tpu.memory_space<vmem>> -> memref<1x100x64xf32, #tpu.memory_space<vmem>>
      %dma_wait3A_588 = tpu.memref_squeeze %dma_wait3A_587 : memref<1x100x64xf32, #tpu.memory_space<vmem>> -> memref<100x64xf32, #tpu.memory_space<vmem>>
      %dma_wait3A_589 = arith.constant 0 : i32
      %dma_wait3A_590 = tpu.memref_slice %arg6[%add3A_562, %dma_wait3A_582, %dma_wait3A_589] : memref<128x2x100xi32, #tpu.memory_space<vmem>> -> memref<1x1x100xi32, #tpu.memory_space<vmem>>
      %dma_wait3A_591 = tpu.memref_squeeze %dma_wait3A_590 : memref<1x1x100xi32, #tpu.memory_space<vmem>> -> memref<100xi32, #tpu.memory_space<vmem>>
      %dma_wait3A_592 = arith.constant 0 : i32
      %dma_wait3A_593 = arith.constant 0 : i32
      %dma_wait3A_594 = tpu.memref_slice %arg3[%dma_wait3A_592, %dma_wait3A_593] : memref<1000000x64xf32, #tpu.memory_space<hbm>> -> memref<1000000x64xf32, #tpu.memory_space<hbm>>
      %dma_wait3A_595 = tpu.memref_slice %arg9[%dma_wait3A_584] : memref<4x!tpu.dma_semaphore, #tpu.memory_space<semaphore_mem>> -> memref<1x!tpu.dma_semaphore, #tpu.memory_space<semaphore_mem>>
      %dma_wait3A_596 = tpu.memref_squeeze %dma_wait3A_595 : memref<1x!tpu.dma_semaphore, #tpu.memory_space<semaphore_mem>> -> memref<!tpu.dma_semaphore, #tpu.memory_space<semaphore_mem>>
      tpu.wait_indirect_dma semaphore(%dma_wait3A_596 : memref<!tpu.dma_semaphore, #tpu.memory_space<semaphore_mem>>) src(%dma_wait3A_594 : memref<1000000x64xf32, #tpu.memory_space<hbm>>) dst(%dma_wait3A_588 : memref<100x64xf32, #tpu.memory_space<vmem>>)
      %scan3A_597 = arith.constant 0 : i32
      %scan3A_598 = arith.constant 0 : i32
      %scan3A_599 = arith.constant 50 : i32
      %scan3A_600 = arith.addi %scan3A_598, %scan3A_599 : i32
      %scan3A_601 = arith.constant 1 : i32
      scf.for %scan3A_828 = %scan3A_598 to %scan3A_600 step %scan3A_601  : i32 {
        %mul3A_829 = arith.constant 4 : i32
        %mul3A_830 = arith.muli %scan3A_828, %mul3A_829 : i32
        %add3A_831 = arith.constant 0 : i32
        %add3A_832 = arith.addi %mul3A_830, %add3A_831 : i32
        %get3A = arith.constant 0 : i32
        %get3A_833 = arith.index_cast %get3A : i32 to index
        %get3A_834 = arith.index_cast %add3A_832 : i32 to index
        %get3A_835 = arith.constant 0 : index
        %get3A_836 = tpu.vector_load %arg8[%get3A_833, %get3A_834, %get3A_835] {strides = array<i32>} : memref<4x200x64xf32, #tpu.memory_space<vmem>>, vector<1x1x16xf32>,
        %get3A_837 = vector.shape_cast %get3A_836 : vector<1x1x16xf32> to vector<16xf32>
        %get3A_838 = arith.index_cast %add3A_832 : i32 to index
        %get3A_839 = arith.constant 0 : index
        %get3A_840 = tpu.vector_load %arg7[%get3A_838, %get3A_839] {strides = array<i32>} : memref<200x64xf32, #tpu.memory_space<vmem>>, vector<1x16xf32>,
        %get3A_841 = vector.shape_cast %get3A_840 : vector<1x16xf32> to vector<16xf32>
        %add3A_842 = arith.addf %get3A_837, %get3A_841 : vector<16xf32>
        %swap3A = arith.constant 0 : i32
        %swap3A_843 = arith.index_cast %swap3A : i32 to index
        %swap3A_844 = arith.index_cast %add3A_832 : i32 to index
        %swap3A_845 = arith.constant 0 : index
        %swap3A_846 = tpu.vector_load %arg8[%swap3A_843, %swap3A_844, %swap3A_845] {strides = array<i32>} : memref<4x200x64xf32, #tpu.memory_space<vmem>>, vector<1x1x16xf32>,
        %swap3A_847 = vector.shape_cast %swap3A_846 : vector<1x1x16xf32> to vector<16xf32>
        %swap3A_848 = vector.shape_cast %add3A_842 : vector<16xf32> to vector<1x1x16xf32>
        tpu.vector_store %arg8[%swap3A_843, %swap3A_844, %swap3A_845], %swap3A_848 {strides = array<i32>} : memref<4x200x64xf32, #tpu.memory_space<vmem>>, vector<1x1x16xf32>,
        %get3A_849 = arith.constant 0 : i32
        %get3A_850 = arith.index_cast %get3A_849 : i32 to index
        %get3A_851 = arith.index_cast %add3A_832 : i32 to index
        %get3A_852 = arith.constant 16 : index
        %get3A_853 = tpu.vector_load %arg8[%get3A_850, %get3A_851, %get3A_852] {strides = array<i32>} : memref<4x200x64xf32, #tpu.memory_space<vmem>>, vector<1x1x16xf32>,
        %get3A_854 = vector.shape_cast %get3A_853 : vector<1x1x16xf32> to vector<16xf32>
        %get3A_855 = arith.index_cast %add3A_832 : i32 to index
        %get3A_856 = arith.constant 16 : index
        %get3A_857 = tpu.vector_load %arg7[%get3A_855, %get3A_856] {strides = array<i32>} : memref<200x64xf32, #tpu.memory_space<vmem>>, vector<1x16xf32>,
        %get3A_858 = vector.shape_cast %get3A_857 : vector<1x16xf32> to vector<16xf32>
        %add3A_859 = arith.addf %get3A_854, %get3A_858 : vector<16xf32>
        %swap3A_860 = arith.constant 0 : i32
        %swap3A_861 = arith.index_cast %swap3A_860 : i32 to index
        %swap3A_862 = arith.index_cast %add3A_832 : i32 to index
        %swap3A_863 = arith.constant 16 : index
        %swap3A_864 = tpu.vector_load %arg8[%swap3A_861, %swap3A_862, %swap3A_863] {strides = array<i32>} : memref<4x200x64xf32, #tpu.memory_space<vmem>>, vector<1x1x16xf32>,
        %swap3A_865 = vector.shape_cast %swap3A_864 : vector<1x1x16xf32> to vector<16xf32>
        %swap3A_866 = vector.shape_cast %add3A_859 : vector<16xf32> to vector<1x1x16xf32>
        tpu.vector_store %arg8[%swap3A_861, %swap3A_862, %swap3A_863], %swap3A_866 {strides = array<i32>} : memref<4x200x64xf32, #tpu.memory_space<vmem>>, vector<1x1x16xf32>,
        %get3A_867 = arith.constant 0 : i32
        %get3A_868 = arith.index_cast %get3A_867 : i32 to index
        %get3A_869 = arith.index_cast %add3A_832 : i32 to index
        %get3A_870 = arith.constant 32 : index
        %get3A_871 = tpu.vector_load %arg8[%get3A_868, %get3A_869, %get3A_870] {strides = array<i32>} : memref<4x200x64xf32, #tpu.memory_space<vmem>>, vector<1x1x16xf32>,
        %get3A_872 = vector.shape_cast %get3A_871 : vector<1x1x16xf32> to vector<16xf32>
        %get3A_873 = arith.index_cast %add3A_832 : i32 to index
        %get3A_874 = arith.constant 32 : index
        %get3A_875 = tpu.vector_load %arg7[%get3A_873, %get3A_874] {strides = array<i32>} : memref<200x64xf32, #tpu.memory_space<vmem>>, vector<1x16xf32>,
        %get3A_876 = vector.shape_cast %get3A_875 : vector<1x16xf32> to vector<16xf32>
        %add3A_877 = arith.addf %get3A_872, %get3A_876 : vector<16xf32>
        %swap3A_878 = arith.constant 0 : i32
        %swap3A_879 = arith.index_cast %swap3A_878 : i32 to index
        %swap3A_880 = arith.index_cast %add3A_832 : i32 to index
        %swap3A_881 = arith.constant 32 : index
        %swap3A_882 = tpu.vector_load %arg8[%swap3A_879, %swap3A_880, %swap3A_881] {strides = array<i32>} : memref<4x200x64xf32, #tpu.memory_space<vmem>>, vector<1x1x16xf32>,
        %swap3A_883 = vector.shape_cast %swap3A_882 : vector<1x1x16xf32> to vector<16xf32>
        %swap3A_884 = vector.shape_cast %add3A_877 : vector<16xf32> to vector<1x1x16xf32>
        tpu.vector_store %arg8[%swap3A_879, %swap3A_880, %swap3A_881], %swap3A_884 {strides = array<i32>} : memref<4x200x64xf32, #tpu.memory_space<vmem>>, vector<1x1x16xf32>,
        %get3A_885 = arith.constant 0 : i32
        %get3A_886 = arith.index_cast %get3A_885 : i32 to index
        %get3A_887 = arith.index_cast %add3A_832 : i32 to index
        %get3A_888 = arith.constant 48 : index
        %get3A_889 = tpu.vector_load %arg8[%get3A_886, %get3A_887, %get3A_888] {strides = array<i32>} : memref<4x200x64xf32, #tpu.memory_space<vmem>>, vector<1x1x16xf32>,
        %get3A_890 = vector.shape_cast %get3A_889 : vector<1x1x16xf32> to vector<16xf32>
        %get3A_891 = arith.index_cast %add3A_832 : i32 to index
        %get3A_892 = arith.constant 48 : index
        %get3A_893 = tpu.vector_load %arg7[%get3A_891, %get3A_892] {strides = array<i32>} : memref<200x64xf32, #tpu.memory_space<vmem>>, vector<1x16xf32>,
        %get3A_894 = vector.shape_cast %get3A_893 : vector<1x16xf32> to vector<16xf32>
        %add3A_895 = arith.addf %get3A_890, %get3A_894 : vector<16xf32>
        %swap3A_896 = arith.constant 0 : i32
        %swap3A_897 = arith.index_cast %swap3A_896 : i32 to index
        %swap3A_898 = arith.index_cast %add3A_832 : i32 to index
        %swap3A_899 = arith.constant 48 : index
        %swap3A_900 = tpu.vector_load %arg8[%swap3A_897, %swap3A_898, %swap3A_899] {strides = array<i32>} : memref<4x200x64xf32, #tpu.memory_space<vmem>>, vector<1x1x16xf32>,
        %swap3A_901 = vector.shape_cast %swap3A_900 : vector<1x1x16xf32> to vector<16xf32>
        %swap3A_902 = vector.shape_cast %add3A_895 : vector<16xf32> to vector<1x1x16xf32>
        tpu.vector_store %arg8[%swap3A_897, %swap3A_898, %swap3A_899], %swap3A_902 {strides = array<i32>} : memref<4x200x64xf32, #tpu.memory_space<vmem>>, vector<1x1x16xf32>,
        %mul3A_903 = arith.constant 4 : i32
        %mul3A_904 = arith.muli %scan3A_828, %mul3A_903 : i32
        %add3A_905 = arith.constant 1 : i32
        %add3A_906 = arith.addi %mul3A_904, %add3A_905 : i32
        %get3A_907 = arith.constant 0 : i32
        %get3A_908 = arith.index_cast %get3A_907 : i32 to index
        %get3A_909 = arith.index_cast %add3A_906 : i32 to index
        %get3A_910 = arith.constant 0 : index
        %get3A_911 = tpu.vector_load %arg8[%get3A_908, %get3A_909, %get3A_910] {strides = array<i32>} : memref<4x200x64xf32, #tpu.memory_space<vmem>>, vector<1x1x16xf32>,
        %get3A_912 = vector.shape_cast %get3A_911 : vector<1x1x16xf32> to vector<16xf32>
        %get3A_913 = arith.index_cast %add3A_906 : i32 to index
        %get3A_914 = arith.constant 0 : index
        %get3A_915 = tpu.vector_load %arg7[%get3A_913, %get3A_914] {strides = array<i32>} : memref<200x64xf32, #tpu.memory_space<vmem>>, vector<1x16xf32>,
        %get3A_916 = vector.shape_cast %get3A_915 : vector<1x16xf32> to vector<16xf32>
        %add3A_917 = arith.addf %get3A_912, %get3A_916 : vector<16xf32>
        %swap3A_918 = arith.constant 0 : i32
        %swap3A_919 = arith.index_cast %swap3A_918 : i32 to index
        %swap3A_920 = arith.index_cast %add3A_906 : i32 to index
        %swap3A_921 = arith.constant 0 : index
        %swap3A_922 = tpu.vector_load %arg8[%swap3A_919, %swap3A_920, %swap3A_921] {strides = array<i32>} : memref<4x200x64xf32, #tpu.memory_space<vmem>>, vector<1x1x16xf32>,
        %swap3A_923 = vector.shape_cast %swap3A_922 : vector<1x1x16xf32> to vector<16xf32>
        %swap3A_924 = vector.shape_cast %add3A_917 : vector<16xf32> to vector<1x1x16xf32>
        tpu.vector_store %arg8[%swap3A_919, %swap3A_920, %swap3A_921], %swap3A_924 {strides = array<i32>} : memref<4x200x64xf32, #tpu.memory_space<vmem>>, vector<1x1x16xf32>,
        %get3A_925 = arith.constant 0 : i32
        %get3A_926 = arith.index_cast %get3A_925 : i32 to index
        %get3A_927 = arith.index_cast %add3A_906 : i32 to index
        %get3A_928 = arith.constant 16 : index
        %get3A_929 = tpu.vector_load %arg8[%get3A_926, %get3A_927, %get3A_928] {strides = array<i32>} : memref<4x200x64xf32, #tpu.memory_space<vmem>>, vector<1x1x16xf32>,
        %get3A_930 = vector.shape_cast %get3A_929 : vector<1x1x16xf32> to vector<16xf32>
        %get3A_931 = arith.index_cast %add3A_906 : i32 to index
        %get3A_932 = arith.constant 16 : index
        %get3A_933 = tpu.vector_load %arg7[%get3A_931, %get3A_932] {strides = array<i32>} : memref<200x64xf32, #tpu.memory_space<vmem>>, vector<1x16xf32>,
        %get3A_934 = vector.shape_cast %get3A_933 : vector<1x16xf32> to vector<16xf32>
        %add3A_935 = arith.addf %get3A_930, %get3A_934 : vector<16xf32>
        %swap3A_936 = arith.constant 0 : i32
        %swap3A_937 = arith.index_cast %swap3A_936 : i32 to index
        %swap3A_938 = arith.index_cast %add3A_906 : i32 to index
        %swap3A_939 = arith.constant 16 : index
        %swap3A_940 = tpu.vector_load %arg8[%swap3A_937, %swap3A_938, %swap3A_939] {strides = array<i32>} : memref<4x200x64xf32, #tpu.memory_space<vmem>>, vector<1x1x16xf32>,
        %swap3A_941 = vector.shape_cast %swap3A_940 : vector<1x1x16xf32> to vector<16xf32>
        %swap3A_942 = vector.shape_cast %add3A_935 : vector<16xf32> to vector<1x1x16xf32>
        tpu.vector_store %arg8[%swap3A_937, %swap3A_938, %swap3A_939], %swap3A_942 {strides = array<i32>} : memref<4x200x64xf32, #tpu.memory_space<vmem>>, vector<1x1x16xf32>,
        %get3A_943 = arith.constant 0 : i32
        %get3A_944 = arith.index_cast %get3A_943 : i32 to index
        %get3A_945 = arith.index_cast %add3A_906 : i32 to index
        %get3A_946 = arith.constant 32 : index
        %get3A_947 = tpu.vector_load %arg8[%get3A_944, %get3A_945, %get3A_946] {strides = array<i32>} : memref<4x200x64xf32, #tpu.memory_space<vmem>>, vector<1x1x16xf32>,
        %get3A_948 = vector.shape_cast %get3A_947 : vector<1x1x16xf32> to vector<16xf32>
        %get3A_949 = arith.index_cast %add3A_906 : i32 to index
        %get3A_950 = arith.constant 32 : index
        %get3A_951 = tpu.vector_load %arg7[%get3A_949, %get3A_950] {strides = array<i32>} : memref<200x64xf32, #tpu.memory_space<vmem>>, vector<1x16xf32>,
        %get3A_952 = vector.shape_cast %get3A_951 : vector<1x16xf32> to vector<16xf32>
        %add3A_953 = arith.addf %get3A_948, %get3A_952 : vector<16xf32>
        %swap3A_954 = arith.constant 0 : i32
        %swap3A_955 = arith.index_cast %swap3A_954 : i32 to index
        %swap3A_956 = arith.index_cast %add3A_906 : i32 to index
        %swap3A_957 = arith.constant 32 : index
        %swap3A_958 = tpu.vector_load %arg8[%swap3A_955, %swap3A_956, %swap3A_957] {strides = array<i32>} : memref<4x200x64xf32, #tpu.memory_space<vmem>>, vector<1x1x16xf32>,
        %swap3A_959 = vector.shape_cast %swap3A_958 : vector<1x1x16xf32> to vector<16xf32>
        %swap3A_960 = vector.shape_cast %add3A_953 : vector<16xf32> to vector<1x1x16xf32>
        tpu.vector_store %arg8[%swap3A_955, %swap3A_956, %swap3A_957], %swap3A_960 {strides = array<i32>} : memref<4x200x64xf32, #tpu.memory_space<vmem>>, vector<1x1x16xf32>,
        %get3A_961 = arith.constant 0 : i32
        %get3A_962 = arith.index_cast %get3A_961 : i32 to index
        %get3A_963 = arith.index_cast %add3A_906 : i32 to index
        %get3A_964 = arith.constant 48 : index
        %get3A_965 = tpu.vector_load %arg8[%get3A_962, %get3A_963, %get3A_964] {strides = array<i32>} : memref<4x200x64xf32, #tpu.memory_space<vmem>>, vector<1x1x16xf32>,
        %get3A_966 = vector.shape_cast %get3A_965 : vector<1x1x16xf32> to vector<16xf32>
        %get3A_967 = arith.index_cast %add3A_906 : i32 to index
        %get3A_968 = arith.constant 48 : index
        %get3A_969 = tpu.vector_load %arg7[%get3A_967, %get3A_968] {strides = array<i32>} : memref<200x64xf32, #tpu.memory_space<vmem>>, vector<1x16xf32>,
        %get3A_970 = vector.shape_cast %get3A_969 : vector<1x16xf32> to vector<16xf32>
        %add3A_971 = arith.addf %get3A_966, %get3A_970 : vector<16xf32>
        %swap3A_972 = arith.constant 0 : i32
        %swap3A_973 = arith.index_cast %swap3A_972 : i32 to index
        %swap3A_974 = arith.index_cast %add3A_906 : i32 to index
        %swap3A_975 = arith.constant 48 : index
        %swap3A_976 = tpu.vector_load %arg8[%swap3A_973, %swap3A_974, %swap3A_975] {strides = array<i32>} : memref<4x200x64xf32, #tpu.memory_space<vmem>>, vector<1x1x16xf32>,
        %swap3A_977 = vector.shape_cast %swap3A_976 : vector<1x1x16xf32> to vector<16xf32>
        %swap3A_978 = vector.shape_cast %add3A_971 : vector<16xf32> to vector<1x1x16xf32>
        tpu.vector_store %arg8[%swap3A_973, %swap3A_974, %swap3A_975], %swap3A_978 {strides = array<i32>} : memref<4x200x64xf32, #tpu.memory_space<vmem>>, vector<1x1x16xf32>,
        %mul3A_979 = arith.constant 4 : i32
        %mul3A_980 = arith.muli %scan3A_828, %mul3A_979 : i32
        %add3A_981 = arith.constant 2 : i32
        %add3A_982 = arith.addi %mul3A_980, %add3A_981 : i32
        %get3A_983 = arith.constant 0 : i32
        %get3A_984 = arith.index_cast %get3A_983 : i32 to index
        %get3A_985 = arith.index_cast %add3A_982 : i32 to index
        %get3A_986 = arith.constant 0 : index
        %get3A_987 = tpu.vector_load %arg8[%get3A_984, %get3A_985, %get3A_986] {strides = array<i32>} : memref<4x200x64xf32, #tpu.memory_space<vmem>>, vector<1x1x16xf32>,
        %get3A_988 = vector.shape_cast %get3A_987 : vector<1x1x16xf32> to vector<16xf32>
        %get3A_989 = arith.index_cast %add3A_982 : i32 to index
        %get3A_990 = arith.constant 0 : index
        %get3A_991 = tpu.vector_load %arg7[%get3A_989, %get3A_990] {strides = array<i32>} : memref<200x64xf32, #tpu.memory_space<vmem>>, vector<1x16xf32>,
        %get3A_992 = vector.shape_cast %get3A_991 : vector<1x16xf32> to vector<16xf32>
        %add3A_993 = arith.addf %get3A_988, %get3A_992 : vector<16xf32>
        %swap3A_994 = arith.constant 0 : i32
        %swap3A_995 = arith.index_cast %swap3A_994 : i32 to index
        %swap3A_996 = arith.index_cast %add3A_982 : i32 to index
        %swap3A_997 = arith.constant 0 : index
        %swap3A_998 = tpu.vector_load %arg8[%swap3A_995, %swap3A_996, %swap3A_997] {strides = array<i32>} : memref<4x200x64xf32, #tpu.memory_space<vmem>>, vector<1x1x16xf32>,
        %swap3A_999 = vector.shape_cast %swap3A_998 : vector<1x1x16xf32> to vector<16xf32>
        %swap3A_1000 = vector.shape_cast %add3A_993 : vector<16xf32> to vector<1x1x16xf32>
        tpu.vector_store %arg8[%swap3A_995, %swap3A_996, %swap3A_997], %swap3A_1000 {strides = array<i32>} : memref<4x200x64xf32, #tpu.memory_space<vmem>>, vector<1x1x16xf32>,
        %get3A_1001 = arith.constant 0 : i32
        %get3A_1002 = arith.index_cast %get3A_1001 : i32 to index
        %get3A_1003 = arith.index_cast %add3A_982 : i32 to index
        %get3A_1004 = arith.constant 16 : index
        %get3A_1005 = tpu.vector_load %arg8[%get3A_1002, %get3A_1003, %get3A_1004] {strides = array<i32>} : memref<4x200x64xf32, #tpu.memory_space<vmem>>, vector<1x1x16xf32>,
        %get3A_1006 = vector.shape_cast %get3A_1005 : vector<1x1x16xf32> to vector<16xf32>
        %get3A_1007 = arith.index_cast %add3A_982 : i32 to index
        %get3A_1008 = arith.constant 16 : index
        %get3A_1009 = tpu.vector_load %arg7[%get3A_1007, %get3A_1008] {strides = array<i32>} : memref<200x64xf32, #tpu.memory_space<vmem>>, vector<1x16xf32>,
        %get3A_1010 = vector.shape_cast %get3A_1009 : vector<1x16xf32> to vector<16xf32>
        %add3A_1011 = arith.addf %get3A_1006, %get3A_1010 : vector<16xf32>
        %swap3A_1012 = arith.constant 0 : i32
        %swap3A_1013 = arith.index_cast %swap3A_1012 : i32 to index
        %swap3A_1014 = arith.index_cast %add3A_982 : i32 to index
        %swap3A_1015 = arith.constant 16 : index
        %swap3A_1016 = tpu.vector_load %arg8[%swap3A_1013, %swap3A_1014, %swap3A_1015] {strides = array<i32>} : memref<4x200x64xf32, #tpu.memory_space<vmem>>, vector<1x1x16xf32>,
        %swap3A_1017 = vector.shape_cast %swap3A_1016 : vector<1x1x16xf32> to vector<16xf32>
        %swap3A_1018 = vector.shape_cast %add3A_1011 : vector<16xf32> to vector<1x1x16xf32>
        tpu.vector_store %arg8[%swap3A_1013, %swap3A_1014, %swap3A_1015], %swap3A_1018 {strides = array<i32>} : memref<4x200x64xf32, #tpu.memory_space<vmem>>, vector<1x1x16xf32>,
        %get3A_1019 = arith.constant 0 : i32
        %get3A_1020 = arith.index_cast %get3A_1019 : i32 to index
        %get3A_1021 = arith.index_cast %add3A_982 : i32 to index
        %get3A_1022 = arith.constant 32 : index
        %get3A_1023 = tpu.vector_load %arg8[%get3A_1020, %get3A_1021, %get3A_1022] {strides = array<i32>} : memref<4x200x64xf32, #tpu.memory_space<vmem>>, vector<1x1x16xf32>,
        %get3A_1024 = vector.shape_cast %get3A_1023 : vector<1x1x16xf32> to vector<16xf32>
        %get3A_1025 = arith.index_cast %add3A_982 : i32 to index
        %get3A_1026 = arith.constant 32 : index
        %get3A_1027 = tpu.vector_load %arg7[%get3A_1025, %get3A_1026] {strides = array<i32>} : memref<200x64xf32, #tpu.memory_space<vmem>>, vector<1x16xf32>,
        %get3A_1028 = vector.shape_cast %get3A_1027 : vector<1x16xf32> to vector<16xf32>
        %add3A_1029 = arith.addf %get3A_1024, %get3A_1028 : vector<16xf32>
        %swap3A_1030 = arith.constant 0 : i32
        %swap3A_1031 = arith.index_cast %swap3A_1030 : i32 to index
        %swap3A_1032 = arith.index_cast %add3A_982 : i32 to index
        %swap3A_1033 = arith.constant 32 : index
        %swap3A_1034 = tpu.vector_load %arg8[%swap3A_1031, %swap3A_1032, %swap3A_1033] {strides = array<i32>} : memref<4x200x64xf32, #tpu.memory_space<vmem>>, vector<1x1x16xf32>,
        %swap3A_1035 = vector.shape_cast %swap3A_1034 : vector<1x1x16xf32> to vector<16xf32>
        %swap3A_1036 = vector.shape_cast %add3A_1029 : vector<16xf32> to vector<1x1x16xf32>
        tpu.vector_store %arg8[%swap3A_1031, %swap3A_1032, %swap3A_1033], %swap3A_1036 {strides = array<i32>} : memref<4x200x64xf32, #tpu.memory_space<vmem>>, vector<1x1x16xf32>,
        %get3A_1037 = arith.constant 0 : i32
        %get3A_1038 = arith.index_cast %get3A_1037 : i32 to index
        %get3A_1039 = arith.index_cast %add3A_982 : i32 to index
        %get3A_1040 = arith.constant 48 : index
        %get3A_1041 = tpu.vector_load %arg8[%get3A_1038, %get3A_1039, %get3A_1040] {strides = array<i32>} : memref<4x200x64xf32, #tpu.memory_space<vmem>>, vector<1x1x16xf32>,
        %get3A_1042 = vector.shape_cast %get3A_1041 : vector<1x1x16xf32> to vector<16xf32>
        %get3A_1043 = arith.index_cast %add3A_982 : i32 to index
        %get3A_1044 = arith.constant 48 : index
        %get3A_1045 = tpu.vector_load %arg7[%get3A_1043, %get3A_1044] {strides = array<i32>} : memref<200x64xf32, #tpu.memory_space<vmem>>, vector<1x16xf32>,
        %get3A_1046 = vector.shape_cast %get3A_1045 : vector<1x16xf32> to vector<16xf32>
        %add3A_1047 = arith.addf %get3A_1042, %get3A_1046 : vector<16xf32>
        %swap3A_1048 = arith.constant 0 : i32
        %swap3A_1049 = arith.index_cast %swap3A_1048 : i32 to index
        %swap3A_1050 = arith.index_cast %add3A_982 : i32 to index
        %swap3A_1051 = arith.constant 48 : index
        %swap3A_1052 = tpu.vector_load %arg8[%swap3A_1049, %swap3A_1050, %swap3A_1051] {strides = array<i32>} : memref<4x200x64xf32, #tpu.memory_space<vmem>>, vector<1x1x16xf32>,
        %swap3A_1053 = vector.shape_cast %swap3A_1052 : vector<1x1x16xf32> to vector<16xf32>
        %swap3A_1054 = vector.shape_cast %add3A_1047 : vector<16xf32> to vector<1x1x16xf32>
        tpu.vector_store %arg8[%swap3A_1049, %swap3A_1050, %swap3A_1051], %swap3A_1054 {strides = array<i32>} : memref<4x200x64xf32, #tpu.memory_space<vmem>>, vector<1x1x16xf32>,
        %mul3A_1055 = arith.constant 4 : i32
        %mul3A_1056 = arith.muli %scan3A_828, %mul3A_1055 : i32
        %add3A_1057 = arith.constant 3 : i32
        %add3A_1058 = arith.addi %mul3A_1056, %add3A_1057 : i32
        %get3A_1059 = arith.constant 0 : i32
        %get3A_1060 = arith.index_cast %get3A_1059 : i32 to index
        %get3A_1061 = arith.index_cast %add3A_1058 : i32 to index
        %get3A_1062 = arith.constant 0 : index
        %get3A_1063 = tpu.vector_load %arg8[%get3A_1060, %get3A_1061, %get3A_1062] {strides = array<i32>} : memref<4x200x64xf32, #tpu.memory_space<vmem>>, vector<1x1x16xf32>,
        %get3A_1064 = vector.shape_cast %get3A_1063 : vector<1x1x16xf32> to vector<16xf32>
        %get3A_1065 = arith.index_cast %add3A_1058 : i32 to index
        %get3A_1066 = arith.constant 0 : index
        %get3A_1067 = tpu.vector_load %arg7[%get3A_1065, %get3A_1066] {strides = array<i32>} : memref<200x64xf32, #tpu.memory_space<vmem>>, vector<1x16xf32>,
        %get3A_1068 = vector.shape_cast %get3A_1067 : vector<1x16xf32> to vector<16xf32>
        %add3A_1069 = arith.addf %get3A_1064, %get3A_1068 : vector<16xf32>
        %swap3A_1070 = arith.constant 0 : i32
        %swap3A_1071 = arith.index_cast %swap3A_1070 : i32 to index
        %swap3A_1072 = arith.index_cast %add3A_1058 : i32 to index
        %swap3A_1073 = arith.constant 0 : index
        %swap3A_1074 = tpu.vector_load %arg8[%swap3A_1071, %swap3A_1072, %swap3A_1073] {strides = array<i32>} : memref<4x200x64xf32, #tpu.memory_space<vmem>>, vector<1x1x16xf32>,
        %swap3A_1075 = vector.shape_cast %swap3A_1074 : vector<1x1x16xf32> to vector<16xf32>
        %swap3A_1076 = vector.shape_cast %add3A_1069 : vector<16xf32> to vector<1x1x16xf32>
        tpu.vector_store %arg8[%swap3A_1071, %swap3A_1072, %swap3A_1073], %swap3A_1076 {strides = array<i32>} : memref<4x200x64xf32, #tpu.memory_space<vmem>>, vector<1x1x16xf32>,
        %get3A_1077 = arith.constant 0 : i32
        %get3A_1078 = arith.index_cast %get3A_1077 : i32 to index
        %get3A_1079 = arith.index_cast %add3A_1058 : i32 to index
        %get3A_1080 = arith.constant 16 : index
        %get3A_1081 = tpu.vector_load %arg8[%get3A_1078, %get3A_1079, %get3A_1080] {strides = array<i32>} : memref<4x200x64xf32, #tpu.memory_space<vmem>>, vector<1x1x16xf32>,
        %get3A_1082 = vector.shape_cast %get3A_1081 : vector<1x1x16xf32> to vector<16xf32>
        %get3A_1083 = arith.index_cast %add3A_1058 : i32 to index
        %get3A_1084 = arith.constant 16 : index
        %get3A_1085 = tpu.vector_load %arg7[%get3A_1083, %get3A_1084] {strides = array<i32>} : memref<200x64xf32, #tpu.memory_space<vmem>>, vector<1x16xf32>,
        %get3A_1086 = vector.shape_cast %get3A_1085 : vector<1x16xf32> to vector<16xf32>
        %add3A_1087 = arith.addf %get3A_1082, %get3A_1086 : vector<16xf32>
        %swap3A_1088 = arith.constant 0 : i32
        %swap3A_1089 = arith.index_cast %swap3A_1088 : i32 to index
        %swap3A_1090 = arith.index_cast %add3A_1058 : i32 to index
        %swap3A_1091 = arith.constant 16 : index
        %swap3A_1092 = tpu.vector_load %arg8[%swap3A_1089, %swap3A_1090, %swap3A_1091] {strides = array<i32>} : memref<4x200x64xf32, #tpu.memory_space<vmem>>, vector<1x1x16xf32>,
        %swap3A_1093 = vector.shape_cast %swap3A_1092 : vector<1x1x16xf32> to vector<16xf32>
        %swap3A_1094 = vector.shape_cast %add3A_1087 : vector<16xf32> to vector<1x1x16xf32>
        tpu.vector_store %arg8[%swap3A_1089, %swap3A_1090, %swap3A_1091], %swap3A_1094 {strides = array<i32>} : memref<4x200x64xf32, #tpu.memory_space<vmem>>, vector<1x1x16xf32>,
        %get3A_1095 = arith.constant 0 : i32
        %get3A_1096 = arith.index_cast %get3A_1095 : i32 to index
        %get3A_1097 = arith.index_cast %add3A_1058 : i32 to index
        %get3A_1098 = arith.constant 32 : index
        %get3A_1099 = tpu.vector_load %arg8[%get3A_1096, %get3A_1097, %get3A_1098] {strides = array<i32>} : memref<4x200x64xf32, #tpu.memory_space<vmem>>, vector<1x1x16xf32>,
        %get3A_1100 = vector.shape_cast %get3A_1099 : vector<1x1x16xf32> to vector<16xf32>
        %get3A_1101 = arith.index_cast %add3A_1058 : i32 to index
        %get3A_1102 = arith.constant 32 : index
        %get3A_1103 = tpu.vector_load %arg7[%get3A_1101, %get3A_1102] {strides = array<i32>} : memref<200x64xf32, #tpu.memory_space<vmem>>, vector<1x16xf32>,
        %get3A_1104 = vector.shape_cast %get3A_1103 : vector<1x16xf32> to vector<16xf32>
        %add3A_1105 = arith.addf %get3A_1100, %get3A_1104 : vector<16xf32>
        %swap3A_1106 = arith.constant 0 : i32
        %swap3A_1107 = arith.index_cast %swap3A_1106 : i32 to index
        %swap3A_1108 = arith.index_cast %add3A_1058 : i32 to index
        %swap3A_1109 = arith.constant 32 : index
        %swap3A_1110 = tpu.vector_load %arg8[%swap3A_1107, %swap3A_1108, %swap3A_1109] {strides = array<i32>} : memref<4x200x64xf32, #tpu.memory_space<vmem>>, vector<1x1x16xf32>,
        %swap3A_1111 = vector.shape_cast %swap3A_1110 : vector<1x1x16xf32> to vector<16xf32>
        %swap3A_1112 = vector.shape_cast %add3A_1105 : vector<16xf32> to vector<1x1x16xf32>
        tpu.vector_store %arg8[%swap3A_1107, %swap3A_1108, %swap3A_1109], %swap3A_1112 {strides = array<i32>} : memref<4x200x64xf32, #tpu.memory_space<vmem>>, vector<1x1x16xf32>,
        %get3A_1113 = arith.constant 0 : i32
        %get3A_1114 = arith.index_cast %get3A_1113 : i32 to index
        %get3A_1115 = arith.index_cast %add3A_1058 : i32 to index
        %get3A_1116 = arith.constant 48 : index
        %get3A_1117 = tpu.vector_load %arg8[%get3A_1114, %get3A_1115, %get3A_1116] {strides = array<i32>} : memref<4x200x64xf32, #tpu.memory_space<vmem>>, vector<1x1x16xf32>,
        %get3A_1118 = vector.shape_cast %get3A_1117 : vector<1x1x16xf32> to vector<16xf32>
        %get3A_1119 = arith.index_cast %add3A_1058 : i32 to index
        %get3A_1120 = arith.constant 48 : index
        %get3A_1121 = tpu.vector_load %arg7[%get3A_1119, %get3A_1120] {strides = array<i32>} : memref<200x64xf32, #tpu.memory_space<vmem>>, vector<1x16xf32>,
        %get3A_1122 = vector.shape_cast %get3A_1121 : vector<1x16xf32> to vector<16xf32>
        %add3A_1123 = arith.addf %get3A_1118, %get3A_1122 : vector<16xf32>
        %swap3A_1124 = arith.constant 0 : i32
        %swap3A_1125 = arith.index_cast %swap3A_1124 : i32 to index
        %swap3A_1126 = arith.index_cast %add3A_1058 : i32 to index
        %swap3A_1127 = arith.constant 48 : index
        %swap3A_1128 = tpu.vector_load %arg8[%swap3A_1125, %swap3A_1126, %swap3A_1127] {strides = array<i32>} : memref<4x200x64xf32, #tpu.memory_space<vmem>>, vector<1x1x16xf32>,
        %swap3A_1129 = vector.shape_cast %swap3A_1128 : vector<1x1x16xf32> to vector<16xf32>
        %swap3A_1130 = vector.shape_cast %add3A_1123 : vector<16xf32> to vector<1x1x16xf32>
        tpu.vector_store %arg8[%swap3A_1125, %swap3A_1126, %swap3A_1127], %swap3A_1130 {strides = array<i32>} : memref<4x200x64xf32, #tpu.memory_space<vmem>>, vector<1x1x16xf32>,
      }
      %scan3A_602 = arith.constant 50 : i32
      %add3A_603 = arith.addi %mul3A_2, %add3A_562 : i32
      %dma_start3A_604 = arith.constant 0 : i32
      %dma_start3A_605 = arith.constant 0 : i32
      %dma_start3A_606 = arith.constant 0 : i32
      %dma_start3A_607 = arith.constant 0 : i32
      %dma_start3A_608 = tpu.memref_slice %arg8[%dma_start3A_604, %dma_start3A_606, %dma_start3A_607] : memref<4x200x64xf32, #tpu.memory_space<vmem>> -> memref<1x200x64xf32, #tpu.memory_space<vmem>>
      %dma_start3A_609 = tpu.memref_squeeze %dma_start3A_608 : memref<1x200x64xf32, #tpu.memory_space<vmem>> -> memref<200x64xf32, #tpu.memory_space<vmem>>
      %dma_start3A_610 = arith.constant 0 : i32
      %dma_start3A_611 = arith.constant 0 : i32
      %dma_start3A_612 = tpu.memref_slice %arg5[%add3A_603, %dma_start3A_610, %dma_start3A_611] : memref<4096x200x64xf32, #tpu.memory_space<hbm>> -> memref<1x200x64xf32, #tpu.memory_space<hbm>>
      %dma_start3A_613 = tpu.memref_squeeze %dma_start3A_612 : memref<1x200x64xf32, #tpu.memory_space<hbm>> -> memref<200x64xf32, #tpu.memory_space<hbm>>
      %dma_start3A_614 = tpu.memref_slice %arg10[%dma_start3A_605] : memref<4x!tpu.dma_semaphore, #tpu.memory_space<semaphore_mem>> -> memref<1x!tpu.dma_semaphore, #tpu.memory_space<semaphore_mem>>
      %dma_start3A_615 = tpu.memref_squeeze %dma_start3A_614 : memref<1x!tpu.dma_semaphore, #tpu.memory_space<semaphore_mem>> -> memref<!tpu.dma_semaphore, #tpu.memory_space<semaphore_mem>>
      %dma_start3A_616 = arith.constant 0 : i32
      %dma_start3A_617 = arith.constant 0 : i32
      %dma_start3A_618 = tpu.memref_slice %arg5[%add3A_603, %dma_start3A_616, %dma_start3A_617] : memref<4096x200x64xf32, #tpu.memory_space<hbm>> -> memref<1x200x64xf32, #tpu.memory_space<hbm>>
      %dma_start3A_619 = tpu.memref_squeeze %dma_start3A_618 : memref<1x200x64xf32, #tpu.memory_space<hbm>> -> memref<200x64xf32, #tpu.memory_space<hbm>>
      %dma_start3A_620 = arith.constant 0 : i32
      %dma_start3A_621 = arith.constant 0 : i32
      %dma_start3A_622 = tpu.memref_slice %arg8[%dma_start3A_604, %dma_start3A_620, %dma_start3A_621] : memref<4x200x64xf32, #tpu.memory_space<vmem>> -> memref<1x200x64xf32, #tpu.memory_space<vmem>>
      %dma_start3A_623 = tpu.memref_squeeze %dma_start3A_622 : memref<1x200x64xf32, #tpu.memory_space<vmem>> -> memref<200x64xf32, #tpu.memory_space<vmem>>
      tpu.enqueue_dma source(%dma_start3A_623 : memref<200x64xf32, #tpu.memory_space<vmem>>) target(%dma_start3A_619 : memref<200x64xf32, #tpu.memory_space<hbm>>) target_semaphore(%dma_start3A_615 : memref<!tpu.dma_semaphore, #tpu.memory_space<semaphore_mem>>)
      %mul3A_624 = arith.constant 4 : i32
      %mul3A_625 = arith.muli %scan3A_558, %mul3A_624 : i32
      %add3A_626 = arith.constant 1 : i32
      %add3A_627 = arith.addi %mul3A_625, %add3A_626 : i32
      %add3A_628 = arith.constant 2 : i32
      %add3A_629 = arith.addi %add3A_627, %add3A_628 : i32
      %lt3A_630 = arith.constant 128 : i32
      %lt3A_631 = arith.cmpi slt, %add3A_629, %lt3A_630 : i32
      %convert_element_type3A_632 = arith.extui %lt3A_631 : i1 to i32
      %cond3A_633 = arith.constant 0 : i32
      %cond3A_634 = arith.cmpi ne, %convert_element_type3A_632, %cond3A_633 : i32
      scf.if %cond3A_634 {
        %dma_wait3A_828 = arith.constant 3 : i32
        %dma_wait3A_829 = arith.constant 3 : i32
        %dma_wait3A_830 = arith.constant 0 : i32
        %dma_wait3A_831 = arith.constant 0 : i32
        %dma_wait3A_832 = tpu.memref_slice %arg8[%dma_wait3A_828, %dma_wait3A_830, %dma_wait3A_831] : memref<4x200x64xf32, #tpu.memory_space<vmem>> -> memref<1x200x64xf32, #tpu.memory_space<vmem>>
        %dma_wait3A_833 = tpu.memref_squeeze %dma_wait3A_832 : memref<1x200x64xf32, #tpu.memory_space<vmem>> -> memref<200x64xf32, #tpu.memory_space<vmem>>
        %dma_wait3A_834 = arith.constant 0 : i32
        %dma_wait3A_835 = arith.constant 0 : i32
        %dma_wait3A_836 = tpu.memref_slice %arg5[%mul3A_2, %dma_wait3A_834, %dma_wait3A_835] : memref<4096x200x64xf32, #tpu.memory_space<hbm>> -> memref<1x200x64xf32, #tpu.memory_space<hbm>>
        %dma_wait3A_837 = tpu.memref_squeeze %dma_wait3A_836 : memref<1x200x64xf32, #tpu.memory_space<hbm>> -> memref<200x64xf32, #tpu.memory_space<hbm>>
        %dma_wait3A_838 = tpu.memref_slice %arg10[%dma_wait3A_829] : memref<4x!tpu.dma_semaphore, #tpu.memory_space<semaphore_mem>> -> memref<1x!tpu.dma_semaphore, #tpu.memory_space<semaphore_mem>>
        %dma_wait3A_839 = tpu.memref_squeeze %dma_wait3A_838 : memref<1x!tpu.dma_semaphore, #tpu.memory_space<semaphore_mem>> -> memref<!tpu.dma_semaphore, #tpu.memory_space<semaphore_mem>>
        %dma_wait3A_840 = arith.constant 0 : i32
        %dma_wait3A_841 = arith.constant 0 : i32
        %dma_wait3A_842 = tpu.memref_slice %arg5[%mul3A_2, %dma_wait3A_840, %dma_wait3A_841] : memref<4096x200x64xf32, #tpu.memory_space<hbm>> -> memref<1x200x64xf32, #tpu.memory_space<hbm>>
        %dma_wait3A_843 = tpu.memref_squeeze %dma_wait3A_842 : memref<1x200x64xf32, #tpu.memory_space<hbm>> -> memref<200x64xf32, #tpu.memory_space<hbm>>
        %dma_wait3A_844 = arith.constant 0 : i32
        %dma_wait3A_845 = arith.constant 0 : i32
        %dma_wait3A_846 = tpu.memref_slice %arg8[%dma_wait3A_828, %dma_wait3A_844, %dma_wait3A_845] : memref<4x200x64xf32, #tpu.memory_space<vmem>> -> memref<1x200x64xf32, #tpu.memory_space<vmem>>
        %dma_wait3A_847 = tpu.memref_squeeze %dma_wait3A_846 : memref<1x200x64xf32, #tpu.memory_space<vmem>> -> memref<200x64xf32, #tpu.memory_space<vmem>>
        tpu.wait_dma2 semaphore(%dma_wait3A_839 : memref<!tpu.dma_semaphore, #tpu.memory_space<semaphore_mem>>) src(%dma_wait3A_847 : memref<200x64xf32, #tpu.memory_space<vmem>>) dst(%dma_wait3A_843 : memref<200x64xf32, #tpu.memory_space<hbm>>)
        %add3A_848 = arith.constant 2 : i32
        %add3A_849 = arith.addi %add3A_627, %add3A_848 : i32
        %dma_start3A_850 = arith.constant 0 : i32
        %dma_start3A_851 = arith.constant 3 : i32
        %dma_start3A_852 = arith.constant 3 : i32
        %dma_start3A_853 = arith.constant 0 : i32
        %dma_start3A_854 = arith.constant 0 : i32
        %dma_start3A_855 = tpu.memref_slice %arg8[%dma_start3A_851, %dma_start3A_853, %dma_start3A_854] : memref<4x200x64xf32, #tpu.memory_space<vmem>> -> memref<1x100x64xf32, #tpu.memory_space<vmem>>
        %dma_start3A_856 = tpu.memref_squeeze %dma_start3A_855 : memref<1x100x64xf32, #tpu.memory_space<vmem>> -> memref<100x64xf32, #tpu.memory_space<vmem>>
        %dma_start3A_857 = arith.constant 0 : i32
        %dma_start3A_858 = tpu.memref_slice %arg6[%add3A_849, %dma_start3A_850, %dma_start3A_857] : memref<128x2x100xi32, #tpu.memory_space<vmem>> -> memref<1x1x100xi32, #tpu.memory_space<vmem>>
        %dma_start3A_859 = tpu.memref_squeeze %dma_start3A_858 : memref<1x1x100xi32, #tpu.memory_space<vmem>> -> memref<100xi32, #tpu.memory_space<vmem>>
        %dma_start3A_860 = arith.constant 0 : i32
        %dma_start3A_861 = arith.constant 0 : i32
        %dma_start3A_862 = tpu.memref_slice %arg3[%dma_start3A_860, %dma_start3A_861] : memref<1000000x64xf32, #tpu.memory_space<hbm>> -> memref<1000000x64xf32, #tpu.memory_space<hbm>>
        %dma_start3A_863 = tpu.memref_slice %arg9[%dma_start3A_852] : memref<4x!tpu.dma_semaphore, #tpu.memory_space<semaphore_mem>> -> memref<1x!tpu.dma_semaphore, #tpu.memory_space<semaphore_mem>>
        %dma_start3A_864 = tpu.memref_squeeze %dma_start3A_863 : memref<1x!tpu.dma_semaphore, #tpu.memory_space<semaphore_mem>> -> memref<!tpu.dma_semaphore, #tpu.memory_space<semaphore_mem>>
        tpu.enqueue_indirect_dma source(%dma_start3A_862 : memref<1000000x64xf32, #tpu.memory_space<hbm>>) target(%dma_start3A_856 : memref<100x64xf32, #tpu.memory_space<vmem>>) offsets(%dma_start3A_859 : memref<100xi32, #tpu.memory_space<vmem>>) semaphore(%dma_start3A_864 : memref<!tpu.dma_semaphore, #tpu.memory_space<semaphore_mem>>)
        %dma_start3A_865 = arith.constant 1 : i32
        %dma_start3A_866 = arith.constant 3 : i32
        %dma_start3A_867 = arith.constant 3 : i32
        %dma_start3A_868 = arith.constant 100 : i32
        %dma_start3A_869 = arith.constant 0 : i32
        %dma_start3A_870 = tpu.memref_slice %arg8[%dma_start3A_866, %dma_start3A_868, %dma_start3A_869] : memref<4x200x64xf32, #tpu.memory_space<vmem>> -> memref<1x100x64xf32, #tpu.memory_space<vmem>>
        %dma_start3A_871 = tpu.memref_squeeze %dma_start3A_870 : memref<1x100x64xf32, #tpu.memory_space<vmem>> -> memref<100x64xf32, #tpu.memory_space<vmem>>
        %dma_start3A_872 = arith.constant 0 : i32
        %dma_start3A_873 = tpu.memref_slice %arg6[%add3A_849, %dma_start3A_865, %dma_start3A_872] : memref<128x2x100xi32, #tpu.memory_space<vmem>> -> memref<1x1x100xi32, #tpu.memory_space<vmem>>
        %dma_start3A_874 = tpu.memref_squeeze %dma_start3A_873 : memref<1x1x100xi32, #tpu.memory_space<vmem>> -> memref<100xi32, #tpu.memory_space<vmem>>
        %dma_start3A_875 = arith.constant 0 : i32
        %dma_start3A_876 = arith.constant 0 : i32
        %dma_start3A_877 = tpu.memref_slice %arg3[%dma_start3A_875, %dma_start3A_876] : memref<1000000x64xf32, #tpu.memory_space<hbm>> -> memref<1000000x64xf32, #tpu.memory_space<hbm>>
        %dma_start3A_878 = tpu.memref_slice %arg9[%dma_start3A_867] : memref<4x!tpu.dma_semaphore, #tpu.memory_space<semaphore_mem>> -> memref<1x!tpu.dma_semaphore, #tpu.memory_space<semaphore_mem>>
        %dma_start3A_879 = tpu.memref_squeeze %dma_start3A_878 : memref<1x!tpu.dma_semaphore, #tpu.memory_space<semaphore_mem>> -> memref<!tpu.dma_semaphore, #tpu.memory_space<semaphore_mem>>
        tpu.enqueue_indirect_dma source(%dma_start3A_877 : memref<1000000x64xf32, #tpu.memory_space<hbm>>) target(%dma_start3A_871 : memref<100x64xf32, #tpu.memory_space<vmem>>) offsets(%dma_start3A_874 : memref<100xi32, #tpu.memory_space<vmem>>) semaphore(%dma_start3A_879 : memref<!tpu.dma_semaphore, #tpu.memory_space<semaphore_mem>>)
      } else {
      }
      %dma_wait3A_635 = arith.constant 0 : i32
      %dma_wait3A_636 = arith.constant 1 : i32
      %dma_wait3A_637 = arith.constant 1 : i32
      %dma_wait3A_638 = arith.constant 0 : i32
      %dma_wait3A_639 = arith.constant 0 : i32
      %dma_wait3A_640 = tpu.memref_slice %arg8[%dma_wait3A_636, %dma_wait3A_638, %dma_wait3A_639] : memref<4x200x64xf32, #tpu.memory_space<vmem>> -> memref<1x100x64xf32, #tpu.memory_space<vmem>>
      %dma_wait3A_641 = tpu.memref_squeeze %dma_wait3A_640 : memref<1x100x64xf32, #tpu.memory_space<vmem>> -> memref<100x64xf32, #tpu.memory_space<vmem>>
      %dma_wait3A_642 = arith.constant 0 : i32
      %dma_wait3A_643 = tpu.memref_slice %arg6[%add3A_627, %dma_wait3A_635, %dma_wait3A_642] : memref<128x2x100xi32, #tpu.memory_space<vmem>> -> memref<1x1x100xi32, #tpu.memory_space<vmem>>
      %dma_wait3A_644 = tpu.memref_squeeze %dma_wait3A_643 : memref<1x1x100xi32, #tpu.memory_space<vmem>> -> memref<100xi32, #tpu.memory_space<vmem>>
      %dma_wait3A_645 = arith.constant 0 : i32
      %dma_wait3A_646 = arith.constant 0 : i32
      %dma_wait3A_647 = tpu.memref_slice %arg3[%dma_wait3A_645, %dma_wait3A_646] : memref<1000000x64xf32, #tpu.memory_space<hbm>> -> memref<1000000x64xf32, #tpu.memory_space<hbm>>
      %dma_wait3A_648 = tpu.memref_slice %arg9[%dma_wait3A_637] : memref<4x!tpu.dma_semaphore, #tpu.memory_space<semaphore_mem>> -> memref<1x!tpu.dma_semaphore, #tpu.memory_space<semaphore_mem>>
      %dma_wait3A_649 = tpu.memref_squeeze %dma_wait3A_648 : memref<1x!tpu.dma_semaphore, #tpu.memory_space<semaphore_mem>> -> memref<!tpu.dma_semaphore, #tpu.memory_space<semaphore_mem>>
      tpu.wait_indirect_dma semaphore(%dma_wait3A_649 : memref<!tpu.dma_semaphore, #tpu.memory_space<semaphore_mem>>) src(%dma_wait3A_647 : memref<1000000x64xf32, #tpu.memory_space<hbm>>) dst(%dma_wait3A_641 : memref<100x64xf32, #tpu.memory_space<vmem>>)
      %dma_wait3A_650 = arith.constant 1 : i32
      %dma_wait3A_651 = arith.constant 1 : i32
      %dma_wait3A_652 = arith.constant 1 : i32
      %dma_wait3A_653 = arith.constant 100 : i32
      %dma_wait3A_654 = arith.constant 0 : i32
      %dma_wait3A_655 = tpu.memref_slice %arg8[%dma_wait3A_651, %dma_wait3A_653, %dma_wait3A_654] : memref<4x200x64xf32, #tpu.memory_space<vmem>> -> memref<1x100x64xf32, #tpu.memory_space<vmem>>
      %dma_wait3A_656 = tpu.memref_squeeze %dma_wait3A_655 : memref<1x100x64xf32, #tpu.memory_space<vmem>> -> memref<100x64xf32, #tpu.memory_space<vmem>>
      %dma_wait3A_657 = arith.constant 0 : i32
      %dma_wait3A_658 = tpu.memref_slice %arg6[%add3A_627, %dma_wait3A_650, %dma_wait3A_657] : memref<128x2x100xi32, #tpu.memory_space<vmem>> -> memref<1x1x100xi32, #tpu.memory_space<vmem>>
      %dma_wait3A_659 = tpu.memref_squeeze %dma_wait3A_658 : memref<1x1x100xi32, #tpu.memory_space<vmem>> -> memref<100xi32, #tpu.memory_space<vmem>>
      %dma_wait3A_660 = arith.constant 0 : i32
      %dma_wait3A_661 = arith.constant 0 : i32
      %dma_wait3A_662 = tpu.memref_slice %arg3[%dma_wait3A_660, %dma_wait3A_661] : memref<1000000x64xf32, #tpu.memory_space<hbm>> -> memref<1000000x64xf32, #tpu.memory_space<hbm>>
      %dma_wait3A_663 = tpu.memref_slice %arg9[%dma_wait3A_652] : memref<4x!tpu.dma_semaphore, #tpu.memory_space<semaphore_mem>> -> memref<1x!tpu.dma_semaphore, #tpu.memory_space<semaphore_mem>>
      %dma_wait3A_664 = tpu.memref_squeeze %dma_wait3A_663 : memref<1x!tpu.dma_semaphore, #tpu.memory_space<semaphore_mem>> -> memref<!tpu.dma_semaphore, #tpu.memory_space<semaphore_mem>>
      tpu.wait_indirect_dma semaphore(%dma_wait3A_664 : memref<!tpu.dma_semaphore, #tpu.memory_space<semaphore_mem>>) src(%dma_wait3A_662 : memref<1000000x64xf32, #tpu.memory_space<hbm>>) dst(%dma_wait3A_656 : memref<100x64xf32, #tpu.memory_space<vmem>>)
      %scan3A_665 = arith.constant 0 : i32
      %scan3A_666 = arith.constant 0 : i32
      %scan3A_667 = arith.constant 50 : i32
      %scan3A_668 = arith.addi %scan3A_666, %scan3A_667 : i32
      %scan3A_669 = arith.constant 1 : i32
      scf.for %scan3A_828 = %scan3A_666 to %scan3A_668 step %scan3A_669  : i32 {
        %mul3A_829 = arith.constant 4 : i32
        %mul3A_830 = arith.muli %scan3A_828, %mul3A_829 : i32
        %add3A_831 = arith.constant 0 : i32
        %add3A_832 = arith.addi %mul3A_830, %add3A_831 : i32
        %get3A = arith.constant 1 : i32
        %get3A_833 = arith.index_cast %get3A : i32 to index
        %get3A_834 = arith.index_cast %add3A_832 : i32 to index
        %get3A_835 = arith.constant 0 : index
        %get3A_836 = tpu.vector_load %arg8[%get3A_833, %get3A_834, %get3A_835] {strides = array<i32>} : memref<4x200x64xf32, #tpu.memory_space<vmem>>, vector<1x1x16xf32>,
        %get3A_837 = vector.shape_cast %get3A_836 : vector<1x1x16xf32> to vector<16xf32>
        %get3A_838 = arith.index_cast %add3A_832 : i32 to index
        %get3A_839 = arith.constant 0 : index
        %get3A_840 = tpu.vector_load %arg7[%get3A_838, %get3A_839] {strides = array<i32>} : memref<200x64xf32, #tpu.memory_space<vmem>>, vector<1x16xf32>,
        %get3A_841 = vector.shape_cast %get3A_840 : vector<1x16xf32> to vector<16xf32>
        %add3A_842 = arith.addf %get3A_837, %get3A_841 : vector<16xf32>
        %swap3A = arith.constant 1 : i32
        %swap3A_843 = arith.index_cast %swap3A : i32 to index
        %swap3A_844 = arith.index_cast %add3A_832 : i32 to index
        %swap3A_845 = arith.constant 0 : index
        %swap3A_846 = tpu.vector_load %arg8[%swap3A_843, %swap3A_844, %swap3A_845] {strides = array<i32>} : memref<4x200x64xf32, #tpu.memory_space<vmem>>, vector<1x1x16xf32>,
        %swap3A_847 = vector.shape_cast %swap3A_846 : vector<1x1x16xf32> to vector<16xf32>
        %swap3A_848 = vector.shape_cast %add3A_842 : vector<16xf32> to vector<1x1x16xf32>
        tpu.vector_store %arg8[%swap3A_843, %swap3A_844, %swap3A_845], %swap3A_848 {strides = array<i32>} : memref<4x200x64xf32, #tpu.memory_space<vmem>>, vector<1x1x16xf32>,
        %get3A_849 = arith.constant 1 : i32
        %get3A_850 = arith.index_cast %get3A_849 : i32 to index
        %get3A_851 = arith.index_cast %add3A_832 : i32 to index
        %get3A_852 = arith.constant 16 : index
        %get3A_853 = tpu.vector_load %arg8[%get3A_850, %get3A_851, %get3A_852] {strides = array<i32>} : memref<4x200x64xf32, #tpu.memory_space<vmem>>, vector<1x1x16xf32>,
        %get3A_854 = vector.shape_cast %get3A_853 : vector<1x1x16xf32> to vector<16xf32>
        %get3A_855 = arith.index_cast %add3A_832 : i32 to index
        %get3A_856 = arith.constant 16 : index
        %get3A_857 = tpu.vector_load %arg7[%get3A_855, %get3A_856] {strides = array<i32>} : memref<200x64xf32, #tpu.memory_space<vmem>>, vector<1x16xf32>,
        %get3A_858 = vector.shape_cast %get3A_857 : vector<1x16xf32> to vector<16xf32>
        %add3A_859 = arith.addf %get3A_854, %get3A_858 : vector<16xf32>
        %swap3A_860 = arith.constant 1 : i32
        %swap3A_861 = arith.index_cast %swap3A_860 : i32 to index
        %swap3A_862 = arith.index_cast %add3A_832 : i32 to index
        %swap3A_863 = arith.constant 16 : index
        %swap3A_864 = tpu.vector_load %arg8[%swap3A_861, %swap3A_862, %swap3A_863] {strides = array<i32>} : memref<4x200x64xf32, #tpu.memory_space<vmem>>, vector<1x1x16xf32>,
        %swap3A_865 = vector.shape_cast %swap3A_864 : vector<1x1x16xf32> to vector<16xf32>
        %swap3A_866 = vector.shape_cast %add3A_859 : vector<16xf32> to vector<1x1x16xf32>
        tpu.vector_store %arg8[%swap3A_861, %swap3A_862, %swap3A_863], %swap3A_866 {strides = array<i32>} : memref<4x200x64xf32, #tpu.memory_space<vmem>>, vector<1x1x16xf32>,
        %get3A_867 = arith.constant 1 : i32
        %get3A_868 = arith.index_cast %get3A_867 : i32 to index
        %get3A_869 = arith.index_cast %add3A_832 : i32 to index
        %get3A_870 = arith.constant 32 : index
        %get3A_871 = tpu.vector_load %arg8[%get3A_868, %get3A_869, %get3A_870] {strides = array<i32>} : memref<4x200x64xf32, #tpu.memory_space<vmem>>, vector<1x1x16xf32>,
        %get3A_872 = vector.shape_cast %get3A_871 : vector<1x1x16xf32> to vector<16xf32>
        %get3A_873 = arith.index_cast %add3A_832 : i32 to index
        %get3A_874 = arith.constant 32 : index
        %get3A_875 = tpu.vector_load %arg7[%get3A_873, %get3A_874] {strides = array<i32>} : memref<200x64xf32, #tpu.memory_space<vmem>>, vector<1x16xf32>,
        %get3A_876 = vector.shape_cast %get3A_875 : vector<1x16xf32> to vector<16xf32>
        %add3A_877 = arith.addf %get3A_872, %get3A_876 : vector<16xf32>
        %swap3A_878 = arith.constant 1 : i32
        %swap3A_879 = arith.index_cast %swap3A_878 : i32 to index
        %swap3A_880 = arith.index_cast %add3A_832 : i32 to index
        %swap3A_881 = arith.constant 32 : index
        %swap3A_882 = tpu.vector_load %arg8[%swap3A_879, %swap3A_880, %swap3A_881] {strides = array<i32>} : memref<4x200x64xf32, #tpu.memory_space<vmem>>, vector<1x1x16xf32>,
        %swap3A_883 = vector.shape_cast %swap3A_882 : vector<1x1x16xf32> to vector<16xf32>
        %swap3A_884 = vector.shape_cast %add3A_877 : vector<16xf32> to vector<1x1x16xf32>
        tpu.vector_store %arg8[%swap3A_879, %swap3A_880, %swap3A_881], %swap3A_884 {strides = array<i32>} : memref<4x200x64xf32, #tpu.memory_space<vmem>>, vector<1x1x16xf32>,
        %get3A_885 = arith.constant 1 : i32
        %get3A_886 = arith.index_cast %get3A_885 : i32 to index
        %get3A_887 = arith.index_cast %add3A_832 : i32 to index
        %get3A_888 = arith.constant 48 : index
        %get3A_889 = tpu.vector_load %arg8[%get3A_886, %get3A_887, %get3A_888] {strides = array<i32>} : memref<4x200x64xf32, #tpu.memory_space<vmem>>, vector<1x1x16xf32>,
        %get3A_890 = vector.shape_cast %get3A_889 : vector<1x1x16xf32> to vector<16xf32>
        %get3A_891 = arith.index_cast %add3A_832 : i32 to index
        %get3A_892 = arith.constant 48 : index
        %get3A_893 = tpu.vector_load %arg7[%get3A_891, %get3A_892] {strides = array<i32>} : memref<200x64xf32, #tpu.memory_space<vmem>>, vector<1x16xf32>,
        %get3A_894 = vector.shape_cast %get3A_893 : vector<1x16xf32> to vector<16xf32>
        %add3A_895 = arith.addf %get3A_890, %get3A_894 : vector<16xf32>
        %swap3A_896 = arith.constant 1 : i32
        %swap3A_897 = arith.index_cast %swap3A_896 : i32 to index
        %swap3A_898 = arith.index_cast %add3A_832 : i32 to index
        %swap3A_899 = arith.constant 48 : index
        %swap3A_900 = tpu.vector_load %arg8[%swap3A_897, %swap3A_898, %swap3A_899] {strides = array<i32>} : memref<4x200x64xf32, #tpu.memory_space<vmem>>, vector<1x1x16xf32>,
        %swap3A_901 = vector.shape_cast %swap3A_900 : vector<1x1x16xf32> to vector<16xf32>
        %swap3A_902 = vector.shape_cast %add3A_895 : vector<16xf32> to vector<1x1x16xf32>
        tpu.vector_store %arg8[%swap3A_897, %swap3A_898, %swap3A_899], %swap3A_902 {strides = array<i32>} : memref<4x200x64xf32, #tpu.memory_space<vmem>>, vector<1x1x16xf32>,
        %mul3A_903 = arith.constant 4 : i32
        %mul3A_904 = arith.muli %scan3A_828, %mul3A_903 : i32
        %add3A_905 = arith.constant 1 : i32
        %add3A_906 = arith.addi %mul3A_904, %add3A_905 : i32
        %get3A_907 = arith.constant 1 : i32
        %get3A_908 = arith.index_cast %get3A_907 : i32 to index
        %get3A_909 = arith.index_cast %add3A_906 : i32 to index
        %get3A_910 = arith.constant 0 : index
        %get3A_911 = tpu.vector_load %arg8[%get3A_908, %get3A_909, %get3A_910] {strides = array<i32>} : memref<4x200x64xf32, #tpu.memory_space<vmem>>, vector<1x1x16xf32>,
        %get3A_912 = vector.shape_cast %get3A_911 : vector<1x1x16xf32> to vector<16xf32>
        %get3A_913 = arith.index_cast %add3A_906 : i32 to index
        %get3A_914 = arith.constant 0 : index
        %get3A_915 = tpu.vector_load %arg7[%get3A_913, %get3A_914] {strides = array<i32>} : memref<200x64xf32, #tpu.memory_space<vmem>>, vector<1x16xf32>,
        %get3A_916 = vector.shape_cast %get3A_915 : vector<1x16xf32> to vector<16xf32>
        %add3A_917 = arith.addf %get3A_912, %get3A_916 : vector<16xf32>
        %swap3A_918 = arith.constant 1 : i32
        %swap3A_919 = arith.index_cast %swap3A_918 : i32 to index
        %swap3A_920 = arith.index_cast %add3A_906 : i32 to index
        %swap3A_921 = arith.constant 0 : index
        %swap3A_922 = tpu.vector_load %arg8[%swap3A_919, %swap3A_920, %swap3A_921] {strides = array<i32>} : memref<4x200x64xf32, #tpu.memory_space<vmem>>, vector<1x1x16xf32>,
        %swap3A_923 = vector.shape_cast %swap3A_922 : vector<1x1x16xf32> to vector<16xf32>
        %swap3A_924 = vector.shape_cast %add3A_917 : vector<16xf32> to vector<1x1x16xf32>
        tpu.vector_store %arg8[%swap3A_919, %swap3A_920, %swap3A_921], %swap3A_924 {strides = array<i32>} : memref<4x200x64xf32, #tpu.memory_space<vmem>>, vector<1x1x16xf32>,
        %get3A_925 = arith.constant 1 : i32
        %get3A_926 = arith.index_cast %get3A_925 : i32 to index
        %get3A_927 = arith.index_cast %add3A_906 : i32 to index
        %get3A_928 = arith.constant 16 : index
        %get3A_929 = tpu.vector_load %arg8[%get3A_926, %get3A_927, %get3A_928] {strides = array<i32>} : memref<4x200x64xf32, #tpu.memory_space<vmem>>, vector<1x1x16xf32>,
        %get3A_930 = vector.shape_cast %get3A_929 : vector<1x1x16xf32> to vector<16xf32>
        %get3A_931 = arith.index_cast %add3A_906 : i32 to index
        %get3A_932 = arith.constant 16 : index
        %get3A_933 = tpu.vector_load %arg7[%get3A_931, %get3A_932] {strides = array<i32>} : memref<200x64xf32, #tpu.memory_space<vmem>>, vector<1x16xf32>,
        %get3A_934 = vector.shape_cast %get3A_933 : vector<1x16xf32> to vector<16xf32>
        %add3A_935 = arith.addf %get3A_930, %get3A_934 : vector<16xf32>
        %swap3A_936 = arith.constant 1 : i32
        %swap3A_937 = arith.index_cast %swap3A_936 : i32 to index
        %swap3A_938 = arith.index_cast %add3A_906 : i32 to index
        %swap3A_939 = arith.constant 16 : index
        %swap3A_940 = tpu.vector_load %arg8[%swap3A_937, %swap3A_938, %swap3A_939] {strides = array<i32>} : memref<4x200x64xf32, #tpu.memory_space<vmem>>, vector<1x1x16xf32>,
        %swap3A_941 = vector.shape_cast %swap3A_940 : vector<1x1x16xf32> to vector<16xf32>
        %swap3A_942 = vector.shape_cast %add3A_935 : vector<16xf32> to vector<1x1x16xf32>
        tpu.vector_store %arg8[%swap3A_937, %swap3A_938, %swap3A_939], %swap3A_942 {strides = array<i32>} : memref<4x200x64xf32, #tpu.memory_space<vmem>>, vector<1x1x16xf32>,
        %get3A_943 = arith.constant 1 : i32
        %get3A_944 = arith.index_cast %get3A_943 : i32 to index
        %get3A_945 = arith.index_cast %add3A_906 : i32 to index
        %get3A_946 = arith.constant 32 : index
        %get3A_947 = tpu.vector_load %arg8[%get3A_944, %get3A_945, %get3A_946] {strides = array<i32>} : memref<4x200x64xf32, #tpu.memory_space<vmem>>, vector<1x1x16xf32>,
        %get3A_948 = vector.shape_cast %get3A_947 : vector<1x1x16xf32> to vector<16xf32>
        %get3A_949 = arith.index_cast %add3A_906 : i32 to index
        %get3A_950 = arith.constant 32 : index
        %get3A_951 = tpu.vector_load %arg7[%get3A_949, %get3A_950] {strides = array<i32>} : memref<200x64xf32, #tpu.memory_space<vmem>>, vector<1x16xf32>,
        %get3A_952 = vector.shape_cast %get3A_951 : vector<1x16xf32> to vector<16xf32>
        %add3A_953 = arith.addf %get3A_948, %get3A_952 : vector<16xf32>
        %swap3A_954 = arith.constant 1 : i32
        %swap3A_955 = arith.index_cast %swap3A_954 : i32 to index
        %swap3A_956 = arith.index_cast %add3A_906 : i32 to index
        %swap3A_957 = arith.constant 32 : index
        %swap3A_958 = tpu.vector_load %arg8[%swap3A_955, %swap3A_956, %swap3A_957] {strides = array<i32>} : memref<4x200x64xf32, #tpu.memory_space<vmem>>, vector<1x1x16xf32>,
        %swap3A_959 = vector.shape_cast %swap3A_958 : vector<1x1x16xf32> to vector<16xf32>
        %swap3A_960 = vector.shape_cast %add3A_953 : vector<16xf32> to vector<1x1x16xf32>
        tpu.vector_store %arg8[%swap3A_955, %swap3A_956, %swap3A_957], %swap3A_960 {strides = array<i32>} : memref<4x200x64xf32, #tpu.memory_space<vmem>>, vector<1x1x16xf32>,
        %get3A_961 = arith.constant 1 : i32
        %get3A_962 = arith.index_cast %get3A_961 : i32 to index
        %get3A_963 = arith.index_cast %add3A_906 : i32 to index
        %get3A_964 = arith.constant 48 : index
        %get3A_965 = tpu.vector_load %arg8[%get3A_962, %get3A_963, %get3A_964] {strides = array<i32>} : memref<4x200x64xf32, #tpu.memory_space<vmem>>, vector<1x1x16xf32>,
        %get3A_966 = vector.shape_cast %get3A_965 : vector<1x1x16xf32> to vector<16xf32>
        %get3A_967 = arith.index_cast %add3A_906 : i32 to index
        %get3A_968 = arith.constant 48 : index
        %get3A_969 = tpu.vector_load %arg7[%get3A_967, %get3A_968] {strides = array<i32>} : memref<200x64xf32, #tpu.memory_space<vmem>>, vector<1x16xf32>,
        %get3A_970 = vector.shape_cast %get3A_969 : vector<1x16xf32> to vector<16xf32>
        %add3A_971 = arith.addf %get3A_966, %get3A_970 : vector<16xf32>
        %swap3A_972 = arith.constant 1 : i32
        %swap3A_973 = arith.index_cast %swap3A_972 : i32 to index
        %swap3A_974 = arith.index_cast %add3A_906 : i32 to index
        %swap3A_975 = arith.constant 48 : index
        %swap3A_976 = tpu.vector_load %arg8[%swap3A_973, %swap3A_974, %swap3A_975] {strides = array<i32>} : memref<4x200x64xf32, #tpu.memory_space<vmem>>, vector<1x1x16xf32>,
        %swap3A_977 = vector.shape_cast %swap3A_976 : vector<1x1x16xf32> to vector<16xf32>
        %swap3A_978 = vector.shape_cast %add3A_971 : vector<16xf32> to vector<1x1x16xf32>
        tpu.vector_store %arg8[%swap3A_973, %swap3A_974, %swap3A_975], %swap3A_978 {strides = array<i32>} : memref<4x200x64xf32, #tpu.memory_space<vmem>>, vector<1x1x16xf32>,
        %mul3A_979 = arith.constant 4 : i32
        %mul3A_980 = arith.muli %scan3A_828, %mul3A_979 : i32
        %add3A_981 = arith.constant 2 : i32
        %add3A_982 = arith.addi %mul3A_980, %add3A_981 : i32
        %get3A_983 = arith.constant 1 : i32
        %get3A_984 = arith.index_cast %get3A_983 : i32 to index
        %get3A_985 = arith.index_cast %add3A_982 : i32 to index
        %get3A_986 = arith.constant 0 : index
        %get3A_987 = tpu.vector_load %arg8[%get3A_984, %get3A_985, %get3A_986] {strides = array<i32>} : memref<4x200x64xf32, #tpu.memory_space<vmem>>, vector<1x1x16xf32>,
        %get3A_988 = vector.shape_cast %get3A_987 : vector<1x1x16xf32> to vector<16xf32>
        %get3A_989 = arith.index_cast %add3A_982 : i32 to index
        %get3A_990 = arith.constant 0 : index
        %get3A_991 = tpu.vector_load %arg7[%get3A_989, %get3A_990] {strides = array<i32>} : memref<200x64xf32, #tpu.memory_space<vmem>>, vector<1x16xf32>,
        %get3A_992 = vector.shape_cast %get3A_991 : vector<1x16xf32> to vector<16xf32>
        %add3A_993 = arith.addf %get3A_988, %get3A_992 : vector<16xf32>
        %swap3A_994 = arith.constant 1 : i32
        %swap3A_995 = arith.index_cast %swap3A_994 : i32 to index
        %swap3A_996 = arith.index_cast %add3A_982 : i32 to index
        %swap3A_997 = arith.constant 0 : index
        %swap3A_998 = tpu.vector_load %arg8[%swap3A_995, %swap3A_996, %swap3A_997] {strides = array<i32>} : memref<4x200x64xf32, #tpu.memory_space<vmem>>, vector<1x1x16xf32>,
        %swap3A_999 = vector.shape_cast %swap3A_998 : vector<1x1x16xf32> to vector<16xf32>
        %swap3A_1000 = vector.shape_cast %add3A_993 : vector<16xf32> to vector<1x1x16xf32>
        tpu.vector_store %arg8[%swap3A_995, %swap3A_996, %swap3A_997], %swap3A_1000 {strides = array<i32>} : memref<4x200x64xf32, #tpu.memory_space<vmem>>, vector<1x1x16xf32>,
        %get3A_1001 = arith.constant 1 : i32
        %get3A_1002 = arith.index_cast %get3A_1001 : i32 to index
        %get3A_1003 = arith.index_cast %add3A_982 : i32 to index
        %get3A_1004 = arith.constant 16 : index
        %get3A_1005 = tpu.vector_load %arg8[%get3A_1002, %get3A_1003, %get3A_1004] {strides = array<i32>} : memref<4x200x64xf32, #tpu.memory_space<vmem>>, vector<1x1x16xf32>,
        %get3A_1006 = vector.shape_cast %get3A_1005 : vector<1x1x16xf32> to vector<16xf32>
        %get3A_1007 = arith.index_cast %add3A_982 : i32 to index
        %get3A_1008 = arith.constant 16 : index
        %get3A_1009 = tpu.vector_load %arg7[%get3A_1007, %get3A_1008] {strides = array<i32>} : memref<200x64xf32, #tpu.memory_space<vmem>>, vector<1x16xf32>,
        %get3A_1010 = vector.shape_cast %get3A_1009 : vector<1x16xf32> to vector<16xf32>
        %add3A_1011 = arith.addf %get3A_1006, %get3A_1010 : vector<16xf32>
        %swap3A_1012 = arith.constant 1 : i32
        %swap3A_1013 = arith.index_cast %swap3A_1012 : i32 to index
        %swap3A_1014 = arith.index_cast %add3A_982 : i32 to index
        %swap3A_1015 = arith.constant 16 : index
        %swap3A_1016 = tpu.vector_load %arg8[%swap3A_1013, %swap3A_1014, %swap3A_1015] {strides = array<i32>} : memref<4x200x64xf32, #tpu.memory_space<vmem>>, vector<1x1x16xf32>,
        %swap3A_1017 = vector.shape_cast %swap3A_1016 : vector<1x1x16xf32> to vector<16xf32>
        %swap3A_1018 = vector.shape_cast %add3A_1011 : vector<16xf32> to vector<1x1x16xf32>
        tpu.vector_store %arg8[%swap3A_1013, %swap3A_1014, %swap3A_1015], %swap3A_1018 {strides = array<i32>} : memref<4x200x64xf32, #tpu.memory_space<vmem>>, vector<1x1x16xf32>,
        %get3A_1019 = arith.constant 1 : i32
        %get3A_1020 = arith.index_cast %get3A_1019 : i32 to index
        %get3A_1021 = arith.index_cast %add3A_982 : i32 to index
        %get3A_1022 = arith.constant 32 : index
        %get3A_1023 = tpu.vector_load %arg8[%get3A_1020, %get3A_1021, %get3A_1022] {strides = array<i32>} : memref<4x200x64xf32, #tpu.memory_space<vmem>>, vector<1x1x16xf32>,
        %get3A_1024 = vector.shape_cast %get3A_1023 : vector<1x1x16xf32> to vector<16xf32>
        %get3A_1025 = arith.index_cast %add3A_982 : i32 to index
        %get3A_1026 = arith.constant 32 : index
        %get3A_1027 = tpu.vector_load %arg7[%get3A_1025, %get3A_1026] {strides = array<i32>} : memref<200x64xf32, #tpu.memory_space<vmem>>, vector<1x16xf32>,
        %get3A_1028 = vector.shape_cast %get3A_1027 : vector<1x16xf32> to vector<16xf32>
        %add3A_1029 = arith.addf %get3A_1024, %get3A_1028 : vector<16xf32>
        %swap3A_1030 = arith.constant 1 : i32
        %swap3A_1031 = arith.index_cast %swap3A_1030 : i32 to index
        %swap3A_1032 = arith.index_cast %add3A_982 : i32 to index
        %swap3A_1033 = arith.constant 32 : index
        %swap3A_1034 = tpu.vector_load %arg8[%swap3A_1031, %swap3A_1032, %swap3A_1033] {strides = array<i32>} : memref<4x200x64xf32, #tpu.memory_space<vmem>>, vector<1x1x16xf32>,
        %swap3A_1035 = vector.shape_cast %swap3A_1034 : vector<1x1x16xf32> to vector<16xf32>
        %swap3A_1036 = vector.shape_cast %add3A_1029 : vector<16xf32> to vector<1x1x16xf32>
        tpu.vector_store %arg8[%swap3A_1031, %swap3A_1032, %swap3A_1033], %swap3A_1036 {strides = array<i32>} : memref<4x200x64xf32, #tpu.memory_space<vmem>>, vector<1x1x16xf32>,
        %get3A_1037 = arith.constant 1 : i32
        %get3A_1038 = arith.index_cast %get3A_1037 : i32 to index
        %get3A_1039 = arith.index_cast %add3A_982 : i32 to index
        %get3A_1040 = arith.constant 48 : index
        %get3A_1041 = tpu.vector_load %arg8[%get3A_1038, %get3A_1039, %get3A_1040] {strides = array<i32>} : memref<4x200x64xf32, #tpu.memory_space<vmem>>, vector<1x1x16xf32>,
        %get3A_1042 = vector.shape_cast %get3A_1041 : vector<1x1x16xf32> to vector<16xf32>
        %get3A_1043 = arith.index_cast %add3A_982 : i32 to index
        %get3A_1044 = arith.constant 48 : index
        %get3A_1045 = tpu.vector_load %arg7[%get3A_1043, %get3A_1044] {strides = array<i32>} : memref<200x64xf32, #tpu.memory_space<vmem>>, vector<1x16xf32>,
        %get3A_1046 = vector.shape_cast %get3A_1045 : vector<1x16xf32> to vector<16xf32>
        %add3A_1047 = arith.addf %get3A_1042, %get3A_1046 : vector<16xf32>
        %swap3A_1048 = arith.constant 1 : i32
        %swap3A_1049 = arith.index_cast %swap3A_1048 : i32 to index
        %swap3A_1050 = arith.index_cast %add3A_982 : i32 to index
        %swap3A_1051 = arith.constant 48 : index
        %swap3A_1052 = tpu.vector_load %arg8[%swap3A_1049, %swap3A_1050, %swap3A_1051] {strides = array<i32>} : memref<4x200x64xf32, #tpu.memory_space<vmem>>, vector<1x1x16xf32>,
        %swap3A_1053 = vector.shape_cast %swap3A_1052 : vector<1x1x16xf32> to vector<16xf32>
        %swap3A_1054 = vector.shape_cast %add3A_1047 : vector<16xf32> to vector<1x1x16xf32>
        tpu.vector_store %arg8[%swap3A_1049, %swap3A_1050, %swap3A_1051], %swap3A_1054 {strides = array<i32>} : memref<4x200x64xf32, #tpu.memory_space<vmem>>, vector<1x1x16xf32>,
        %mul3A_1055 = arith.constant 4 : i32
        %mul3A_1056 = arith.muli %scan3A_828, %mul3A_1055 : i32
        %add3A_1057 = arith.constant 3 : i32
        %add3A_1058 = arith.addi %mul3A_1056, %add3A_1057 : i32
        %get3A_1059 = arith.constant 1 : i32
        %get3A_1060 = arith.index_cast %get3A_1059 : i32 to index
        %get3A_1061 = arith.index_cast %add3A_1058 : i32 to index
        %get3A_1062 = arith.constant 0 : index
        %get3A_1063 = tpu.vector_load %arg8[%get3A_1060, %get3A_1061, %get3A_1062] {strides = array<i32>} : memref<4x200x64xf32, #tpu.memory_space<vmem>>, vector<1x1x16xf32>,
        %get3A_1064 = vector.shape_cast %get3A_1063 : vector<1x1x16xf32> to vector<16xf32>
        %get3A_1065 = arith.index_cast %add3A_1058 : i32 to index
        %get3A_1066 = arith.constant 0 : index
        %get3A_1067 = tpu.vector_load %arg7[%get3A_1065, %get3A_1066] {strides = array<i32>} : memref<200x64xf32, #tpu.memory_space<vmem>>, vector<1x16xf32>,
        %get3A_1068 = vector.shape_cast %get3A_1067 : vector<1x16xf32> to vector<16xf32>
        %add3A_1069 = arith.addf %get3A_1064, %get3A_1068 : vector<16xf32>
        %swap3A_1070 = arith.constant 1 : i32
        %swap3A_1071 = arith.index_cast %swap3A_1070 : i32 to index
        %swap3A_1072 = arith.index_cast %add3A_1058 : i32 to index
        %swap3A_1073 = arith.constant 0 : index
        %swap3A_1074 = tpu.vector_load %arg8[%swap3A_1071, %swap3A_1072, %swap3A_1073] {strides = array<i32>} : memref<4x200x64xf32, #tpu.memory_space<vmem>>, vector<1x1x16xf32>,
        %swap3A_1075 = vector.shape_cast %swap3A_1074 : vector<1x1x16xf32> to vector<16xf32>
        %swap3A_1076 = vector.shape_cast %add3A_1069 : vector<16xf32> to vector<1x1x16xf32>
        tpu.vector_store %arg8[%swap3A_1071, %swap3A_1072, %swap3A_1073], %swap3A_1076 {strides = array<i32>} : memref<4x200x64xf32, #tpu.memory_space<vmem>>, vector<1x1x16xf32>,
        %get3A_1077 = arith.constant 1 : i32
        %get3A_1078 = arith.index_cast %get3A_1077 : i32 to index
        %get3A_1079 = arith.index_cast %add3A_1058 : i32 to index
        %get3A_1080 = arith.constant 16 : index
        %get3A_1081 = tpu.vector_load %arg8[%get3A_1078, %get3A_1079, %get3A_1080] {strides = array<i32>} : memref<4x200x64xf32, #tpu.memory_space<vmem>>, vector<1x1x16xf32>,
        %get3A_1082 = vector.shape_cast %get3A_1081 : vector<1x1x16xf32> to vector<16xf32>
        %get3A_1083 = arith.index_cast %add3A_1058 : i32 to index
        %get3A_1084 = arith.constant 16 : index
        %get3A_1085 = tpu.vector_load %arg7[%get3A_1083, %get3A_1084] {strides = array<i32>} : memref<200x64xf32, #tpu.memory_space<vmem>>, vector<1x16xf32>,
        %get3A_1086 = vector.shape_cast %get3A_1085 : vector<1x16xf32> to vector<16xf32>
        %add3A_1087 = arith.addf %get3A_1082, %get3A_1086 : vector<16xf32>
        %swap3A_1088 = arith.constant 1 : i32
        %swap3A_1089 = arith.index_cast %swap3A_1088 : i32 to index
        %swap3A_1090 = arith.index_cast %add3A_1058 : i32 to index
        %swap3A_1091 = arith.constant 16 : index
        %swap3A_1092 = tpu.vector_load %arg8[%swap3A_1089, %swap3A_1090, %swap3A_1091] {strides = array<i32>} : memref<4x200x64xf32, #tpu.memory_space<vmem>>, vector<1x1x16xf32>,
        %swap3A_1093 = vector.shape_cast %swap3A_1092 : vector<1x1x16xf32> to vector<16xf32>
        %swap3A_1094 = vector.shape_cast %add3A_1087 : vector<16xf32> to vector<1x1x16xf32>
        tpu.vector_store %arg8[%swap3A_1089, %swap3A_1090, %swap3A_1091], %swap3A_1094 {strides = array<i32>} : memref<4x200x64xf32, #tpu.memory_space<vmem>>, vector<1x1x16xf32>,
        %get3A_1095 = arith.constant 1 : i32
        %get3A_1096 = arith.index_cast %get3A_1095 : i32 to index
        %get3A_1097 = arith.index_cast %add3A_1058 : i32 to index
        %get3A_1098 = arith.constant 32 : index
        %get3A_1099 = tpu.vector_load %arg8[%get3A_1096, %get3A_1097, %get3A_1098] {strides = array<i32>} : memref<4x200x64xf32, #tpu.memory_space<vmem>>, vector<1x1x16xf32>,
        %get3A_1100 = vector.shape_cast %get3A_1099 : vector<1x1x16xf32> to vector<16xf32>
        %get3A_1101 = arith.index_cast %add3A_1058 : i32 to index
        %get3A_1102 = arith.constant 32 : index
        %get3A_1103 = tpu.vector_load %arg7[%get3A_1101, %get3A_1102] {strides = array<i32>} : memref<200x64xf32, #tpu.memory_space<vmem>>, vector<1x16xf32>,
        %get3A_1104 = vector.shape_cast %get3A_1103 : vector<1x16xf32> to vector<16xf32>
        %add3A_1105 = arith.addf %get3A_1100, %get3A_1104 : vector<16xf32>
        %swap3A_1106 = arith.constant 1 : i32
        %swap3A_1107 = arith.index_cast %swap3A_1106 : i32 to index
        %swap3A_1108 = arith.index_cast %add3A_1058 : i32 to index
        %swap3A_1109 = arith.constant 32 : index
        %swap3A_1110 = tpu.vector_load %arg8[%swap3A_1107, %swap3A_1108, %swap3A_1109] {strides = array<i32>} : memref<4x200x64xf32, #tpu.memory_space<vmem>>, vector<1x1x16xf32>,
        %swap3A_1111 = vector.shape_cast %swap3A_1110 : vector<1x1x16xf32> to vector<16xf32>
        %swap3A_1112 = vector.shape_cast %add3A_1105 : vector<16xf32> to vector<1x1x16xf32>
        tpu.vector_store %arg8[%swap3A_1107, %swap3A_1108, %swap3A_1109], %swap3A_1112 {strides = array<i32>} : memref<4x200x64xf32, #tpu.memory_space<vmem>>, vector<1x1x16xf32>,
        %get3A_1113 = arith.constant 1 : i32
        %get3A_1114 = arith.index_cast %get3A_1113 : i32 to index
        %get3A_1115 = arith.index_cast %add3A_1058 : i32 to index
        %get3A_1116 = arith.constant 48 : index
        %get3A_1117 = tpu.vector_load %arg8[%get3A_1114, %get3A_1115, %get3A_1116] {strides = array<i32>} : memref<4x200x64xf32, #tpu.memory_space<vmem>>, vector<1x1x16xf32>,
        %get3A_1118 = vector.shape_cast %get3A_1117 : vector<1x1x16xf32> to vector<16xf32>
        %get3A_1119 = arith.index_cast %add3A_1058 : i32 to index
        %get3A_1120 = arith.constant 48 : index
        %get3A_1121 = tpu.vector_load %arg7[%get3A_1119, %get3A_1120] {strides = array<i32>} : memref<200x64xf32, #tpu.memory_space<vmem>>, vector<1x16xf32>,
        %get3A_1122 = vector.shape_cast %get3A_1121 : vector<1x16xf32> to vector<16xf32>
        %add3A_1123 = arith.addf %get3A_1118, %get3A_1122 : vector<16xf32>
        %swap3A_1124 = arith.constant 1 : i32
        %swap3A_1125 = arith.index_cast %swap3A_1124 : i32 to index
        %swap3A_1126 = arith.index_cast %add3A_1058 : i32 to index
        %swap3A_1127 = arith.constant 48 : index
        %swap3A_1128 = tpu.vector_load %arg8[%swap3A_1125, %swap3A_1126, %swap3A_1127] {strides = array<i32>} : memref<4x200x64xf32, #tpu.memory_space<vmem>>, vector<1x1x16xf32>,
        %swap3A_1129 = vector.shape_cast %swap3A_1128 : vector<1x1x16xf32> to vector<16xf32>
        %swap3A_1130 = vector.shape_cast %add3A_1123 : vector<16xf32> to vector<1x1x16xf32>
        tpu.vector_store %arg8[%swap3A_1125, %swap3A_1126, %swap3A_1127], %swap3A_1130 {strides = array<i32>} : memref<4x200x64xf32, #tpu.memory_space<vmem>>, vector<1x1x16xf32>,
      }
      %scan3A_670 = arith.constant 50 : i32
      %add3A_671 = arith.addi %mul3A_2, %add3A_627 : i32
      %dma_start3A_672 = arith.constant 1 : i32
      %dma_start3A_673 = arith.constant 1 : i32
      %dma_start3A_674 = arith.constant 0 : i32
      %dma_start3A_675 = arith.constant 0 : i32
      %dma_start3A_676 = tpu.memref_slice %arg8[%dma_start3A_672, %dma_start3A_674, %dma_start3A_675] : memref<4x200x64xf32, #tpu.memory_space<vmem>> -> memref<1x200x64xf32, #tpu.memory_space<vmem>>
      %dma_start3A_677 = tpu.memref_squeeze %dma_start3A_676 : memref<1x200x64xf32, #tpu.memory_space<vmem>> -> memref<200x64xf32, #tpu.memory_space<vmem>>
      %dma_start3A_678 = arith.constant 0 : i32
      %dma_start3A_679 = arith.constant 0 : i32
      %dma_start3A_680 = tpu.memref_slice %arg5[%add3A_671, %dma_start3A_678, %dma_start3A_679] : memref<4096x200x64xf32, #tpu.memory_space<hbm>> -> memref<1x200x64xf32, #tpu.memory_space<hbm>>
      %dma_start3A_681 = tpu.memref_squeeze %dma_start3A_680 : memref<1x200x64xf32, #tpu.memory_space<hbm>> -> memref<200x64xf32, #tpu.memory_space<hbm>>
      %dma_start3A_682 = tpu.memref_slice %arg10[%dma_start3A_673] : memref<4x!tpu.dma_semaphore, #tpu.memory_space<semaphore_mem>> -> memref<1x!tpu.dma_semaphore, #tpu.memory_space<semaphore_mem>>
      %dma_start3A_683 = tpu.memref_squeeze %dma_start3A_682 : memref<1x!tpu.dma_semaphore, #tpu.memory_space<semaphore_mem>> -> memref<!tpu.dma_semaphore, #tpu.memory_space<semaphore_mem>>
      %dma_start3A_684 = arith.constant 0 : i32
      %dma_start3A_685 = arith.constant 0 : i32
      %dma_start3A_686 = tpu.memref_slice %arg5[%add3A_671, %dma_start3A_684, %dma_start3A_685] : memref<4096x200x64xf32, #tpu.memory_space<hbm>> -> memref<1x200x64xf32, #tpu.memory_space<hbm>>
      %dma_start3A_687 = tpu.memref_squeeze %dma_start3A_686 : memref<1x200x64xf32, #tpu.memory_space<hbm>> -> memref<200x64xf32, #tpu.memory_space<hbm>>
      %dma_start3A_688 = arith.constant 0 : i32
      %dma_start3A_689 = arith.constant 0 : i32
      %dma_start3A_690 = tpu.memref_slice %arg8[%dma_start3A_672, %dma_start3A_688, %dma_start3A_689] : memref<4x200x64xf32, #tpu.memory_space<vmem>> -> memref<1x200x64xf32, #tpu.memory_space<vmem>>
      %dma_start3A_691 = tpu.memref_squeeze %dma_start3A_690 : memref<1x200x64xf32, #tpu.memory_space<vmem>> -> memref<200x64xf32, #tpu.memory_space<vmem>>
      tpu.enqueue_dma source(%dma_start3A_691 : memref<200x64xf32, #tpu.memory_space<vmem>>) target(%dma_start3A_687 : memref<200x64xf32, #tpu.memory_space<hbm>>) target_semaphore(%dma_start3A_683 : memref<!tpu.dma_semaphore, #tpu.memory_space<semaphore_mem>>)
      %mul3A_692 = arith.constant 4 : i32
      %mul3A_693 = arith.muli %scan3A_558, %mul3A_692 : i32
      %add3A_694 = arith.constant 2 : i32
      %add3A_695 = arith.addi %mul3A_693, %add3A_694 : i32
      %add3A_696 = arith.constant 2 : i32
      %add3A_697 = arith.addi %add3A_695, %add3A_696 : i32
      %lt3A_698 = arith.constant 128 : i32
      %lt3A_699 = arith.cmpi slt, %add3A_697, %lt3A_698 : i32
      %convert_element_type3A_700 = arith.extui %lt3A_699 : i1 to i32
      %cond3A_701 = arith.constant 0 : i32
      %cond3A_702 = arith.cmpi ne, %convert_element_type3A_700, %cond3A_701 : i32
      scf.if %cond3A_702 {
        %dma_wait3A_828 = arith.constant 0 : i32
        %dma_wait3A_829 = arith.constant 0 : i32
        %dma_wait3A_830 = arith.constant 0 : i32
        %dma_wait3A_831 = arith.constant 0 : i32
        %dma_wait3A_832 = tpu.memref_slice %arg8[%dma_wait3A_828, %dma_wait3A_830, %dma_wait3A_831] : memref<4x200x64xf32, #tpu.memory_space<vmem>> -> memref<1x200x64xf32, #tpu.memory_space<vmem>>
        %dma_wait3A_833 = tpu.memref_squeeze %dma_wait3A_832 : memref<1x200x64xf32, #tpu.memory_space<vmem>> -> memref<200x64xf32, #tpu.memory_space<vmem>>
        %dma_wait3A_834 = arith.constant 0 : i32
        %dma_wait3A_835 = arith.constant 0 : i32
        %dma_wait3A_836 = tpu.memref_slice %arg5[%mul3A_2, %dma_wait3A_834, %dma_wait3A_835] : memref<4096x200x64xf32, #tpu.memory_space<hbm>> -> memref<1x200x64xf32, #tpu.memory_space<hbm>>
        %dma_wait3A_837 = tpu.memref_squeeze %dma_wait3A_836 : memref<1x200x64xf32, #tpu.memory_space<hbm>> -> memref<200x64xf32, #tpu.memory_space<hbm>>
        %dma_wait3A_838 = tpu.memref_slice %arg10[%dma_wait3A_829] : memref<4x!tpu.dma_semaphore, #tpu.memory_space<semaphore_mem>> -> memref<1x!tpu.dma_semaphore, #tpu.memory_space<semaphore_mem>>
        %dma_wait3A_839 = tpu.memref_squeeze %dma_wait3A_838 : memref<1x!tpu.dma_semaphore, #tpu.memory_space<semaphore_mem>> -> memref<!tpu.dma_semaphore, #tpu.memory_space<semaphore_mem>>
        %dma_wait3A_840 = arith.constant 0 : i32
        %dma_wait3A_841 = arith.constant 0 : i32
        %dma_wait3A_842 = tpu.memref_slice %arg5[%mul3A_2, %dma_wait3A_840, %dma_wait3A_841] : memref<4096x200x64xf32, #tpu.memory_space<hbm>> -> memref<1x200x64xf32, #tpu.memory_space<hbm>>
        %dma_wait3A_843 = tpu.memref_squeeze %dma_wait3A_842 : memref<1x200x64xf32, #tpu.memory_space<hbm>> -> memref<200x64xf32, #tpu.memory_space<hbm>>
        %dma_wait3A_844 = arith.constant 0 : i32
        %dma_wait3A_845 = arith.constant 0 : i32
        %dma_wait3A_846 = tpu.memref_slice %arg8[%dma_wait3A_828, %dma_wait3A_844, %dma_wait3A_845] : memref<4x200x64xf32, #tpu.memory_space<vmem>> -> memref<1x200x64xf32, #tpu.memory_space<vmem>>
        %dma_wait3A_847 = tpu.memref_squeeze %dma_wait3A_846 : memref<1x200x64xf32, #tpu.memory_space<vmem>> -> memref<200x64xf32, #tpu.memory_space<vmem>>
        tpu.wait_dma2 semaphore(%dma_wait3A_839 : memref<!tpu.dma_semaphore, #tpu.memory_space<semaphore_mem>>) src(%dma_wait3A_847 : memref<200x64xf32, #tpu.memory_space<vmem>>) dst(%dma_wait3A_843 : memref<200x64xf32, #tpu.memory_space<hbm>>)
        %add3A_848 = arith.constant 2 : i32
        %add3A_849 = arith.addi %add3A_695, %add3A_848 : i32
        %dma_start3A_850 = arith.constant 0 : i32
        %dma_start3A_851 = arith.constant 0 : i32
        %dma_start3A_852 = arith.constant 0 : i32
        %dma_start3A_853 = arith.constant 0 : i32
        %dma_start3A_854 = arith.constant 0 : i32
        %dma_start3A_855 = tpu.memref_slice %arg8[%dma_start3A_851, %dma_start3A_853, %dma_start3A_854] : memref<4x200x64xf32, #tpu.memory_space<vmem>> -> memref<1x100x64xf32, #tpu.memory_space<vmem>>
        %dma_start3A_856 = tpu.memref_squeeze %dma_start3A_855 : memref<1x100x64xf32, #tpu.memory_space<vmem>> -> memref<100x64xf32, #tpu.memory_space<vmem>>
        %dma_start3A_857 = arith.constant 0 : i32
        %dma_start3A_858 = tpu.memref_slice %arg6[%add3A_849, %dma_start3A_850, %dma_start3A_857] : memref<128x2x100xi32, #tpu.memory_space<vmem>> -> memref<1x1x100xi32, #tpu.memory_space<vmem>>
        %dma_start3A_859 = tpu.memref_squeeze %dma_start3A_858 : memref<1x1x100xi32, #tpu.memory_space<vmem>> -> memref<100xi32, #tpu.memory_space<vmem>>
        %dma_start3A_860 = arith.constant 0 : i32
        %dma_start3A_861 = arith.constant 0 : i32
        %dma_start3A_862 = tpu.memref_slice %arg3[%dma_start3A_860, %dma_start3A_861] : memref<1000000x64xf32, #tpu.memory_space<hbm>> -> memref<1000000x64xf32, #tpu.memory_space<hbm>>
        %dma_start3A_863 = tpu.memref_slice %arg9[%dma_start3A_852] : memref<4x!tpu.dma_semaphore, #tpu.memory_space<semaphore_mem>> -> memref<1x!tpu.dma_semaphore, #tpu.memory_space<semaphore_mem>>
        %dma_start3A_864 = tpu.memref_squeeze %dma_start3A_863 : memref<1x!tpu.dma_semaphore, #tpu.memory_space<semaphore_mem>> -> memref<!tpu.dma_semaphore, #tpu.memory_space<semaphore_mem>>
        tpu.enqueue_indirect_dma source(%dma_start3A_862 : memref<1000000x64xf32, #tpu.memory_space<hbm>>) target(%dma_start3A_856 : memref<100x64xf32, #tpu.memory_space<vmem>>) offsets(%dma_start3A_859 : memref<100xi32, #tpu.memory_space<vmem>>) semaphore(%dma_start3A_864 : memref<!tpu.dma_semaphore, #tpu.memory_space<semaphore_mem>>)
        %dma_start3A_865 = arith.constant 1 : i32
        %dma_start3A_866 = arith.constant 0 : i32
        %dma_start3A_867 = arith.constant 0 : i32
        %dma_start3A_868 = arith.constant 100 : i32
        %dma_start3A_869 = arith.constant 0 : i32
        %dma_start3A_870 = tpu.memref_slice %arg8[%dma_start3A_866, %dma_start3A_868, %dma_start3A_869] : memref<4x200x64xf32, #tpu.memory_space<vmem>> -> memref<1x100x64xf32, #tpu.memory_space<vmem>>
        %dma_start3A_871 = tpu.memref_squeeze %dma_start3A_870 : memref<1x100x64xf32, #tpu.memory_space<vmem>> -> memref<100x64xf32, #tpu.memory_space<vmem>>
        %dma_start3A_872 = arith.constant 0 : i32
        %dma_start3A_873 = tpu.memref_slice %arg6[%add3A_849, %dma_start3A_865, %dma_start3A_872] : memref<128x2x100xi32, #tpu.memory_space<vmem>> -> memref<1x1x100xi32, #tpu.memory_space<vmem>>
        %dma_start3A_874 = tpu.memref_squeeze %dma_start3A_873 : memref<1x1x100xi32, #tpu.memory_space<vmem>> -> memref<100xi32, #tpu.memory_space<vmem>>
        %dma_start3A_875 = arith.constant 0 : i32
        %dma_start3A_876 = arith.constant 0 : i32
        %dma_start3A_877 = tpu.memref_slice %arg3[%dma_start3A_875, %dma_start3A_876] : memref<1000000x64xf32, #tpu.memory_space<hbm>> -> memref<1000000x64xf32, #tpu.memory_space<hbm>>
        %dma_start3A_878 = tpu.memref_slice %arg9[%dma_start3A_867] : memref<4x!tpu.dma_semaphore, #tpu.memory_space<semaphore_mem>> -> memref<1x!tpu.dma_semaphore, #tpu.memory_space<semaphore_mem>>
        %dma_start3A_879 = tpu.memref_squeeze %dma_start3A_878 : memref<1x!tpu.dma_semaphore, #tpu.memory_space<semaphore_mem>> -> memref<!tpu.dma_semaphore, #tpu.memory_space<semaphore_mem>>
        tpu.enqueue_indirect_dma source(%dma_start3A_877 : memref<1000000x64xf32, #tpu.memory_space<hbm>>) target(%dma_start3A_871 : memref<100x64xf32, #tpu.memory_space<vmem>>) offsets(%dma_start3A_874 : memref<100xi32, #tpu.memory_space<vmem>>) semaphore(%dma_start3A_879 : memref<!tpu.dma_semaphore, #tpu.memory_space<semaphore_mem>>)
      } else {
      }
      %dma_wait3A_703 = arith.constant 0 : i32
      %dma_wait3A_704 = arith.constant 2 : i32
      %dma_wait3A_705 = arith.constant 2 : i32
      %dma_wait3A_706 = arith.constant 0 : i32
      %dma_wait3A_707 = arith.constant 0 : i32
      %dma_wait3A_708 = tpu.memref_slice %arg8[%dma_wait3A_704, %dma_wait3A_706, %dma_wait3A_707] : memref<4x200x64xf32, #tpu.memory_space<vmem>> -> memref<1x100x64xf32, #tpu.memory_space<vmem>>
      %dma_wait3A_709 = tpu.memref_squeeze %dma_wait3A_708 : memref<1x100x64xf32, #tpu.memory_space<vmem>> -> memref<100x64xf32, #tpu.memory_space<vmem>>
      %dma_wait3A_710 = arith.constant 0 : i32
      %dma_wait3A_711 = tpu.memref_slice %arg6[%add3A_695, %dma_wait3A_703, %dma_wait3A_710] : memref<128x2x100xi32, #tpu.memory_space<vmem>> -> memref<1x1x100xi32, #tpu.memory_space<vmem>>
      %dma_wait3A_712 = tpu.memref_squeeze %dma_wait3A_711 : memref<1x1x100xi32, #tpu.memory_space<vmem>> -> memref<100xi32, #tpu.memory_space<vmem>>
      %dma_wait3A_713 = arith.constant 0 : i32
      %dma_wait3A_714 = arith.constant 0 : i32
      %dma_wait3A_715 = tpu.memref_slice %arg3[%dma_wait3A_713, %dma_wait3A_714] : memref<1000000x64xf32, #tpu.memory_space<hbm>> -> memref<1000000x64xf32, #tpu.memory_space<hbm>>
      %dma_wait3A_716 = tpu.memref_slice %arg9[%dma_wait3A_705] : memref<4x!tpu.dma_semaphore, #tpu.memory_space<semaphore_mem>> -> memref<1x!tpu.dma_semaphore, #tpu.memory_space<semaphore_mem>>
      %dma_wait3A_717 = tpu.memref_squeeze %dma_wait3A_716 : memref<1x!tpu.dma_semaphore, #tpu.memory_space<semaphore_mem>> -> memref<!tpu.dma_semaphore, #tpu.memory_space<semaphore_mem>>
      tpu.wait_indirect_dma semaphore(%dma_wait3A_717 : memref<!tpu.dma_semaphore, #tpu.memory_space<semaphore_mem>>) src(%dma_wait3A_715 : memref<1000000x64xf32, #tpu.memory_space<hbm>>) dst(%dma_wait3A_709 : memref<100x64xf32, #tpu.memory_space<vmem>>)
      %dma_wait3A_718 = arith.constant 1 : i32
      %dma_wait3A_719 = arith.constant 2 : i32
      %dma_wait3A_720 = arith.constant 2 : i32
      %dma_wait3A_721 = arith.constant 100 : i32
      %dma_wait3A_722 = arith.constant 0 : i32
      %dma_wait3A_723 = tpu.memref_slice %arg8[%dma_wait3A_719, %dma_wait3A_721, %dma_wait3A_722] : memref<4x200x64xf32, #tpu.memory_space<vmem>> -> memref<1x100x64xf32, #tpu.memory_space<vmem>>
      %dma_wait3A_724 = tpu.memref_squeeze %dma_wait3A_723 : memref<1x100x64xf32, #tpu.memory_space<vmem>> -> memref<100x64xf32, #tpu.memory_space<vmem>>
      %dma_wait3A_725 = arith.constant 0 : i32
      %dma_wait3A_726 = tpu.memref_slice %arg6[%add3A_695, %dma_wait3A_718, %dma_wait3A_725] : memref<128x2x100xi32, #tpu.memory_space<vmem>> -> memref<1x1x100xi32, #tpu.memory_space<vmem>>
      %dma_wait3A_727 = tpu.memref_squeeze %dma_wait3A_726 : memref<1x1x100xi32, #tpu.memory_space<vmem>> -> memref<100xi32, #tpu.memory_space<vmem>>
      %dma_wait3A_728 = arith.constant 0 : i32
      %dma_wait3A_729 = arith.constant 0 : i32
      %dma_wait3A_730 = tpu.memref_slice %arg3[%dma_wait3A_728, %dma_wait3A_729] : memref<1000000x64xf32, #tpu.memory_space<hbm>> -> memref<1000000x64xf32, #tpu.memory_space<hbm>>
      %dma_wait3A_731 = tpu.memref_slice %arg9[%dma_wait3A_720] : memref<4x!tpu.dma_semaphore, #tpu.memory_space<semaphore_mem>> -> memref<1x!tpu.dma_semaphore, #tpu.memory_space<semaphore_mem>>
      %dma_wait3A_732 = tpu.memref_squeeze %dma_wait3A_731 : memref<1x!tpu.dma_semaphore, #tpu.memory_space<semaphore_mem>> -> memref<!tpu.dma_semaphore, #tpu.memory_space<semaphore_mem>>
      tpu.wait_indirect_dma semaphore(%dma_wait3A_732 : memref<!tpu.dma_semaphore, #tpu.memory_space<semaphore_mem>>) src(%dma_wait3A_730 : memref<1000000x64xf32, #tpu.memory_space<hbm>>) dst(%dma_wait3A_724 : memref<100x64xf32, #tpu.memory_space<vmem>>)
      %scan3A_733 = arith.constant 0 : i32
      %scan3A_734 = arith.constant 0 : i32
      %scan3A_735 = arith.constant 50 : i32
      %scan3A_736 = arith.addi %scan3A_734, %scan3A_735 : i32
      %scan3A_737 = arith.constant 1 : i32
      scf.for %scan3A_828 = %scan3A_734 to %scan3A_736 step %scan3A_737  : i32 {
        %mul3A_829 = arith.constant 4 : i32
        %mul3A_830 = arith.muli %scan3A_828, %mul3A_829 : i32
        %add3A_831 = arith.constant 0 : i32
        %add3A_832 = arith.addi %mul3A_830, %add3A_831 : i32
        %get3A = arith.constant 2 : i32
        %get3A_833 = arith.index_cast %get3A : i32 to index
        %get3A_834 = arith.index_cast %add3A_832 : i32 to index
        %get3A_835 = arith.constant 0 : index
        %get3A_836 = tpu.vector_load %arg8[%get3A_833, %get3A_834, %get3A_835] {strides = array<i32>} : memref<4x200x64xf32, #tpu.memory_space<vmem>>, vector<1x1x16xf32>,
        %get3A_837 = vector.shape_cast %get3A_836 : vector<1x1x16xf32> to vector<16xf32>
        %get3A_838 = arith.index_cast %add3A_832 : i32 to index
        %get3A_839 = arith.constant 0 : index
        %get3A_840 = tpu.vector_load %arg7[%get3A_838, %get3A_839] {strides = array<i32>} : memref<200x64xf32, #tpu.memory_space<vmem>>, vector<1x16xf32>,
        %get3A_841 = vector.shape_cast %get3A_840 : vector<1x16xf32> to vector<16xf32>
        %add3A_842 = arith.addf %get3A_837, %get3A_841 : vector<16xf32>
        %swap3A = arith.constant 2 : i32
        %swap3A_843 = arith.index_cast %swap3A : i32 to index
        %swap3A_844 = arith.index_cast %add3A_832 : i32 to index
        %swap3A_845 = arith.constant 0 : index
        %swap3A_846 = tpu.vector_load %arg8[%swap3A_843, %swap3A_844, %swap3A_845] {strides = array<i32>} : memref<4x200x64xf32, #tpu.memory_space<vmem>>, vector<1x1x16xf32>,
        %swap3A_847 = vector.shape_cast %swap3A_846 : vector<1x1x16xf32> to vector<16xf32>
        %swap3A_848 = vector.shape_cast %add3A_842 : vector<16xf32> to vector<1x1x16xf32>
        tpu.vector_store %arg8[%swap3A_843, %swap3A_844, %swap3A_845], %swap3A_848 {strides = array<i32>} : memref<4x200x64xf32, #tpu.memory_space<vmem>>, vector<1x1x16xf32>,
        %get3A_849 = arith.constant 2 : i32
        %get3A_850 = arith.index_cast %get3A_849 : i32 to index
        %get3A_851 = arith.index_cast %add3A_832 : i32 to index
        %get3A_852 = arith.constant 16 : index
        %get3A_853 = tpu.vector_load %arg8[%get3A_850, %get3A_851, %get3A_852] {strides = array<i32>} : memref<4x200x64xf32, #tpu.memory_space<vmem>>, vector<1x1x16xf32>,
        %get3A_854 = vector.shape_cast %get3A_853 : vector<1x1x16xf32> to vector<16xf32>
        %get3A_855 = arith.index_cast %add3A_832 : i32 to index
        %get3A_856 = arith.constant 16 : index
        %get3A_857 = tpu.vector_load %arg7[%get3A_855, %get3A_856] {strides = array<i32>} : memref<200x64xf32, #tpu.memory_space<vmem>>, vector<1x16xf32>,
        %get3A_858 = vector.shape_cast %get3A_857 : vector<1x16xf32> to vector<16xf32>
        %add3A_859 = arith.addf %get3A_854, %get3A_858 : vector<16xf32>
        %swap3A_860 = arith.constant 2 : i32
        %swap3A_861 = arith.index_cast %swap3A_860 : i32 to index
        %swap3A_862 = arith.index_cast %add3A_832 : i32 to index
        %swap3A_863 = arith.constant 16 : index
        %swap3A_864 = tpu.vector_load %arg8[%swap3A_861, %swap3A_862, %swap3A_863] {strides = array<i32>} : memref<4x200x64xf32, #tpu.memory_space<vmem>>, vector<1x1x16xf32>,
        %swap3A_865 = vector.shape_cast %swap3A_864 : vector<1x1x16xf32> to vector<16xf32>
        %swap3A_866 = vector.shape_cast %add3A_859 : vector<16xf32> to vector<1x1x16xf32>
        tpu.vector_store %arg8[%swap3A_861, %swap3A_862, %swap3A_863], %swap3A_866 {strides = array<i32>} : memref<4x200x64xf32, #tpu.memory_space<vmem>>, vector<1x1x16xf32>,
        %get3A_867 = arith.constant 2 : i32
        %get3A_868 = arith.index_cast %get3A_867 : i32 to index
        %get3A_869 = arith.index_cast %add3A_832 : i32 to index
        %get3A_870 = arith.constant 32 : index
        %get3A_871 = tpu.vector_load %arg8[%get3A_868, %get3A_869, %get3A_870] {strides = array<i32>} : memref<4x200x64xf32, #tpu.memory_space<vmem>>, vector<1x1x16xf32>,
        %get3A_872 = vector.shape_cast %get3A_871 : vector<1x1x16xf32> to vector<16xf32>
        %get3A_873 = arith.index_cast %add3A_832 : i32 to index
        %get3A_874 = arith.constant 32 : index
        %get3A_875 = tpu.vector_load %arg7[%get3A_873, %get3A_874] {strides = array<i32>} : memref<200x64xf32, #tpu.memory_space<vmem>>, vector<1x16xf32>,
        %get3A_876 = vector.shape_cast %get3A_875 : vector<1x16xf32> to vector<16xf32>
        %add3A_877 = arith.addf %get3A_872, %get3A_876 : vector<16xf32>
        %swap3A_878 = arith.constant 2 : i32
        %swap3A_879 = arith.index_cast %swap3A_878 : i32 to index
        %swap3A_880 = arith.index_cast %add3A_832 : i32 to index
        %swap3A_881 = arith.constant 32 : index
        %swap3A_882 = tpu.vector_load %arg8[%swap3A_879, %swap3A_880, %swap3A_881] {strides = array<i32>} : memref<4x200x64xf32, #tpu.memory_space<vmem>>, vector<1x1x16xf32>,
        %swap3A_883 = vector.shape_cast %swap3A_882 : vector<1x1x16xf32> to vector<16xf32>
        %swap3A_884 = vector.shape_cast %add3A_877 : vector<16xf32> to vector<1x1x16xf32>
        tpu.vector_store %arg8[%swap3A_879, %swap3A_880, %swap3A_881], %swap3A_884 {strides = array<i32>} : memref<4x200x64xf32, #tpu.memory_space<vmem>>, vector<1x1x16xf32>,
        %get3A_885 = arith.constant 2 : i32
        %get3A_886 = arith.index_cast %get3A_885 : i32 to index
        %get3A_887 = arith.index_cast %add3A_832 : i32 to index
        %get3A_888 = arith.constant 48 : index
        %get3A_889 = tpu.vector_load %arg8[%get3A_886, %get3A_887, %get3A_888] {strides = array<i32>} : memref<4x200x64xf32, #tpu.memory_space<vmem>>, vector<1x1x16xf32>,
        %get3A_890 = vector.shape_cast %get3A_889 : vector<1x1x16xf32> to vector<16xf32>
        %get3A_891 = arith.index_cast %add3A_832 : i32 to index
        %get3A_892 = arith.constant 48 : index
        %get3A_893 = tpu.vector_load %arg7[%get3A_891, %get3A_892] {strides = array<i32>} : memref<200x64xf32, #tpu.memory_space<vmem>>, vector<1x16xf32>,
        %get3A_894 = vector.shape_cast %get3A_893 : vector<1x16xf32> to vector<16xf32>
        %add3A_895 = arith.addf %get3A_890, %get3A_894 : vector<16xf32>
        %swap3A_896 = arith.constant 2 : i32
        %swap3A_897 = arith.index_cast %swap3A_896 : i32 to index
        %swap3A_898 = arith.index_cast %add3A_832 : i32 to index
        %swap3A_899 = arith.constant 48 : index
        %swap3A_900 = tpu.vector_load %arg8[%swap3A_897, %swap3A_898, %swap3A_899] {strides = array<i32>} : memref<4x200x64xf32, #tpu.memory_space<vmem>>, vector<1x1x16xf32>,
        %swap3A_901 = vector.shape_cast %swap3A_900 : vector<1x1x16xf32> to vector<16xf32>
        %swap3A_902 = vector.shape_cast %add3A_895 : vector<16xf32> to vector<1x1x16xf32>
        tpu.vector_store %arg8[%swap3A_897, %swap3A_898, %swap3A_899], %swap3A_902 {strides = array<i32>} : memref<4x200x64xf32, #tpu.memory_space<vmem>>, vector<1x1x16xf32>,
        %mul3A_903 = arith.constant 4 : i32
        %mul3A_904 = arith.muli %scan3A_828, %mul3A_903 : i32
        %add3A_905 = arith.constant 1 : i32
        %add3A_906 = arith.addi %mul3A_904, %add3A_905 : i32
        %get3A_907 = arith.constant 2 : i32
        %get3A_908 = arith.index_cast %get3A_907 : i32 to index
        %get3A_909 = arith.index_cast %add3A_906 : i32 to index
        %get3A_910 = arith.constant 0 : index
        %get3A_911 = tpu.vector_load %arg8[%get3A_908, %get3A_909, %get3A_910] {strides = array<i32>} : memref<4x200x64xf32, #tpu.memory_space<vmem>>, vector<1x1x16xf32>,
        %get3A_912 = vector.shape_cast %get3A_911 : vector<1x1x16xf32> to vector<16xf32>
        %get3A_913 = arith.index_cast %add3A_906 : i32 to index
        %get3A_914 = arith.constant 0 : index
        %get3A_915 = tpu.vector_load %arg7[%get3A_913, %get3A_914] {strides = array<i32>} : memref<200x64xf32, #tpu.memory_space<vmem>>, vector<1x16xf32>,
        %get3A_916 = vector.shape_cast %get3A_915 : vector<1x16xf32> to vector<16xf32>
        %add3A_917 = arith.addf %get3A_912, %get3A_916 : vector<16xf32>
        %swap3A_918 = arith.constant 2 : i32
        %swap3A_919 = arith.index_cast %swap3A_918 : i32 to index
        %swap3A_920 = arith.index_cast %add3A_906 : i32 to index
        %swap3A_921 = arith.constant 0 : index
        %swap3A_922 = tpu.vector_load %arg8[%swap3A_919, %swap3A_920, %swap3A_921] {strides = array<i32>} : memref<4x200x64xf32, #tpu.memory_space<vmem>>, vector<1x1x16xf32>,
        %swap3A_923 = vector.shape_cast %swap3A_922 : vector<1x1x16xf32> to vector<16xf32>
        %swap3A_924 = vector.shape_cast %add3A_917 : vector<16xf32> to vector<1x1x16xf32>
        tpu.vector_store %arg8[%swap3A_919, %swap3A_920, %swap3A_921], %swap3A_924 {strides = array<i32>} : memref<4x200x64xf32, #tpu.memory_space<vmem>>, vector<1x1x16xf32>,
        %get3A_925 = arith.constant 2 : i32
        %get3A_926 = arith.index_cast %get3A_925 : i32 to index
        %get3A_927 = arith.index_cast %add3A_906 : i32 to index
        %get3A_928 = arith.constant 16 : index
        %get3A_929 = tpu.vector_load %arg8[%get3A_926, %get3A_927, %get3A_928] {strides = array<i32>} : memref<4x200x64xf32, #tpu.memory_space<vmem>>, vector<1x1x16xf32>,
        %get3A_930 = vector.shape_cast %get3A_929 : vector<1x1x16xf32> to vector<16xf32>
        %get3A_931 = arith.index_cast %add3A_906 : i32 to index
        %get3A_932 = arith.constant 16 : index
        %get3A_933 = tpu.vector_load %arg7[%get3A_931, %get3A_932] {strides = array<i32>} : memref<200x64xf32, #tpu.memory_space<vmem>>, vector<1x16xf32>,
        %get3A_934 = vector.shape_cast %get3A_933 : vector<1x16xf32> to vector<16xf32>
        %add3A_935 = arith.addf %get3A_930, %get3A_934 : vector<16xf32>
        %swap3A_936 = arith.constant 2 : i32
        %swap3A_937 = arith.index_cast %swap3A_936 : i32 to index
        %swap3A_938 = arith.index_cast %add3A_906 : i32 to index
        %swap3A_939 = arith.constant 16 : index
        %swap3A_940 = tpu.vector_load %arg8[%swap3A_937, %swap3A_938, %swap3A_939] {strides = array<i32>} : memref<4x200x64xf32, #tpu.memory_space<vmem>>, vector<1x1x16xf32>,
        %swap3A_941 = vector.shape_cast %swap3A_940 : vector<1x1x16xf32> to vector<16xf32>
        %swap3A_942 = vector.shape_cast %add3A_935 : vector<16xf32> to vector<1x1x16xf32>
        tpu.vector_store %arg8[%swap3A_937, %swap3A_938, %swap3A_939], %swap3A_942 {strides = array<i32>} : memref<4x200x64xf32, #tpu.memory_space<vmem>>, vector<1x1x16xf32>,
        %get3A_943 = arith.constant 2 : i32
        %get3A_944 = arith.index_cast %get3A_943 : i32 to index
        %get3A_945 = arith.index_cast %add3A_906 : i32 to index
        %get3A_946 = arith.constant 32 : index
        %get3A_947 = tpu.vector_load %arg8[%get3A_944, %get3A_945, %get3A_946] {strides = array<i32>} : memref<4x200x64xf32, #tpu.memory_space<vmem>>, vector<1x1x16xf32>,
        %get3A_948 = vector.shape_cast %get3A_947 : vector<1x1x16xf32> to vector<16xf32>
        %get3A_949 = arith.index_cast %add3A_906 : i32 to index
        %get3A_950 = arith.constant 32 : index
        %get3A_951 = tpu.vector_load %arg7[%get3A_949, %get3A_950] {strides = array<i32>} : memref<200x64xf32, #tpu.memory_space<vmem>>, vector<1x16xf32>,
        %get3A_952 = vector.shape_cast %get3A_951 : vector<1x16xf32> to vector<16xf32>
        %add3A_953 = arith.addf %get3A_948, %get3A_952 : vector<16xf32>
        %swap3A_954 = arith.constant 2 : i32
        %swap3A_955 = arith.index_cast %swap3A_954 : i32 to index
        %swap3A_956 = arith.index_cast %add3A_906 : i32 to index
        %swap3A_957 = arith.constant 32 : index
        %swap3A_958 = tpu.vector_load %arg8[%swap3A_955, %swap3A_956, %swap3A_957] {strides = array<i32>} : memref<4x200x64xf32, #tpu.memory_space<vmem>>, vector<1x1x16xf32>,
        %swap3A_959 = vector.shape_cast %swap3A_958 : vector<1x1x16xf32> to vector<16xf32>
        %swap3A_960 = vector.shape_cast %add3A_953 : vector<16xf32> to vector<1x1x16xf32>
        tpu.vector_store %arg8[%swap3A_955, %swap3A_956, %swap3A_957], %swap3A_960 {strides = array<i32>} : memref<4x200x64xf32, #tpu.memory_space<vmem>>, vector<1x1x16xf32>,
        %get3A_961 = arith.constant 2 : i32
        %get3A_962 = arith.index_cast %get3A_961 : i32 to index
        %get3A_963 = arith.index_cast %add3A_906 : i32 to index
        %get3A_964 = arith.constant 48 : index
        %get3A_965 = tpu.vector_load %arg8[%get3A_962, %get3A_963, %get3A_964] {strides = array<i32>} : memref<4x200x64xf32, #tpu.memory_space<vmem>>, vector<1x1x16xf32>,
        %get3A_966 = vector.shape_cast %get3A_965 : vector<1x1x16xf32> to vector<16xf32>
        %get3A_967 = arith.index_cast %add3A_906 : i32 to index
        %get3A_968 = arith.constant 48 : index
        %get3A_969 = tpu.vector_load %arg7[%get3A_967, %get3A_968] {strides = array<i32>} : memref<200x64xf32, #tpu.memory_space<vmem>>, vector<1x16xf32>,
        %get3A_970 = vector.shape_cast %get3A_969 : vector<1x16xf32> to vector<16xf32>
        %add3A_971 = arith.addf %get3A_966, %get3A_970 : vector<16xf32>
        %swap3A_972 = arith.constant 2 : i32
        %swap3A_973 = arith.index_cast %swap3A_972 : i32 to index
        %swap3A_974 = arith.index_cast %add3A_906 : i32 to index
        %swap3A_975 = arith.constant 48 : index
        %swap3A_976 = tpu.vector_load %arg8[%swap3A_973, %swap3A_974, %swap3A_975] {strides = array<i32>} : memref<4x200x64xf32, #tpu.memory_space<vmem>>, vector<1x1x16xf32>,
        %swap3A_977 = vector.shape_cast %swap3A_976 : vector<1x1x16xf32> to vector<16xf32>
        %swap3A_978 = vector.shape_cast %add3A_971 : vector<16xf32> to vector<1x1x16xf32>
        tpu.vector_store %arg8[%swap3A_973, %swap3A_974, %swap3A_975], %swap3A_978 {strides = array<i32>} : memref<4x200x64xf32, #tpu.memory_space<vmem>>, vector<1x1x16xf32>,
        %mul3A_979 = arith.constant 4 : i32
        %mul3A_980 = arith.muli %scan3A_828, %mul3A_979 : i32
        %add3A_981 = arith.constant 2 : i32
        %add3A_982 = arith.addi %mul3A_980, %add3A_981 : i32
        %get3A_983 = arith.constant 2 : i32
        %get3A_984 = arith.index_cast %get3A_983 : i32 to index
        %get3A_985 = arith.index_cast %add3A_982 : i32 to index
        %get3A_986 = arith.constant 0 : index
        %get3A_987 = tpu.vector_load %arg8[%get3A_984, %get3A_985, %get3A_986] {strides = array<i32>} : memref<4x200x64xf32, #tpu.memory_space<vmem>>, vector<1x1x16xf32>,
        %get3A_988 = vector.shape_cast %get3A_987 : vector<1x1x16xf32> to vector<16xf32>
        %get3A_989 = arith.index_cast %add3A_982 : i32 to index
        %get3A_990 = arith.constant 0 : index
        %get3A_991 = tpu.vector_load %arg7[%get3A_989, %get3A_990] {strides = array<i32>} : memref<200x64xf32, #tpu.memory_space<vmem>>, vector<1x16xf32>,
        %get3A_992 = vector.shape_cast %get3A_991 : vector<1x16xf32> to vector<16xf32>
        %add3A_993 = arith.addf %get3A_988, %get3A_992 : vector<16xf32>
        %swap3A_994 = arith.constant 2 : i32
        %swap3A_995 = arith.index_cast %swap3A_994 : i32 to index
        %swap3A_996 = arith.index_cast %add3A_982 : i32 to index
        %swap3A_997 = arith.constant 0 : index
        %swap3A_998 = tpu.vector_load %arg8[%swap3A_995, %swap3A_996, %swap3A_997] {strides = array<i32>} : memref<4x200x64xf32, #tpu.memory_space<vmem>>, vector<1x1x16xf32>,
        %swap3A_999 = vector.shape_cast %swap3A_998 : vector<1x1x16xf32> to vector<16xf32>
        %swap3A_1000 = vector.shape_cast %add3A_993 : vector<16xf32> to vector<1x1x16xf32>
        tpu.vector_store %arg8[%swap3A_995, %swap3A_996, %swap3A_997], %swap3A_1000 {strides = array<i32>} : memref<4x200x64xf32, #tpu.memory_space<vmem>>, vector<1x1x16xf32>,
        %get3A_1001 = arith.constant 2 : i32
        %get3A_1002 = arith.index_cast %get3A_1001 : i32 to index
        %get3A_1003 = arith.index_cast %add3A_982 : i32 to index
        %get3A_1004 = arith.constant 16 : index
        %get3A_1005 = tpu.vector_load %arg8[%get3A_1002, %get3A_1003, %get3A_1004] {strides = array<i32>} : memref<4x200x64xf32, #tpu.memory_space<vmem>>, vector<1x1x16xf32>,
        %get3A_1006 = vector.shape_cast %get3A_1005 : vector<1x1x16xf32> to vector<16xf32>
        %get3A_1007 = arith.index_cast %add3A_982 : i32 to index
        %get3A_1008 = arith.constant 16 : index
        %get3A_1009 = tpu.vector_load %arg7[%get3A_1007, %get3A_1008] {strides = array<i32>} : memref<200x64xf32, #tpu.memory_space<vmem>>, vector<1x16xf32>,
        %get3A_1010 = vector.shape_cast %get3A_1009 : vector<1x16xf32> to vector<16xf32>
        %add3A_1011 = arith.addf %get3A_1006, %get3A_1010 : vector<16xf32>
        %swap3A_1012 = arith.constant 2 : i32
        %swap3A_1013 = arith.index_cast %swap3A_1012 : i32 to index
        %swap3A_1014 = arith.index_cast %add3A_982 : i32 to index
        %swap3A_1015 = arith.constant 16 : index
        %swap3A_1016 = tpu.vector_load %arg8[%swap3A_1013, %swap3A_1014, %swap3A_1015] {strides = array<i32>} : memref<4x200x64xf32, #tpu.memory_space<vmem>>, vector<1x1x16xf32>,
        %swap3A_1017 = vector.shape_cast %swap3A_1016 : vector<1x1x16xf32> to vector<16xf32>
        %swap3A_1018 = vector.shape_cast %add3A_1011 : vector<16xf32> to vector<1x1x16xf32>
        tpu.vector_store %arg8[%swap3A_1013, %swap3A_1014, %swap3A_1015], %swap3A_1018 {strides = array<i32>} : memref<4x200x64xf32, #tpu.memory_space<vmem>>, vector<1x1x16xf32>,
        %get3A_1019 = arith.constant 2 : i32
        %get3A_1020 = arith.index_cast %get3A_1019 : i32 to index
        %get3A_1021 = arith.index_cast %add3A_982 : i32 to index
        %get3A_1022 = arith.constant 32 : index
        %get3A_1023 = tpu.vector_load %arg8[%get3A_1020, %get3A_1021, %get3A_1022] {strides = array<i32>} : memref<4x200x64xf32, #tpu.memory_space<vmem>>, vector<1x1x16xf32>,
        %get3A_1024 = vector.shape_cast %get3A_1023 : vector<1x1x16xf32> to vector<16xf32>
        %get3A_1025 = arith.index_cast %add3A_982 : i32 to index
        %get3A_1026 = arith.constant 32 : index
        %get3A_1027 = tpu.vector_load %arg7[%get3A_1025, %get3A_1026] {strides = array<i32>} : memref<200x64xf32, #tpu.memory_space<vmem>>, vector<1x16xf32>,
        %get3A_1028 = vector.shape_cast %get3A_1027 : vector<1x16xf32> to vector<16xf32>
        %add3A_1029 = arith.addf %get3A_1024, %get3A_1028 : vector<16xf32>
        %swap3A_1030 = arith.constant 2 : i32
        %swap3A_1031 = arith.index_cast %swap3A_1030 : i32 to index
        %swap3A_1032 = arith.index_cast %add3A_982 : i32 to index
        %swap3A_1033 = arith.constant 32 : index
        %swap3A_1034 = tpu.vector_load %arg8[%swap3A_1031, %swap3A_1032, %swap3A_1033] {strides = array<i32>} : memref<4x200x64xf32, #tpu.memory_space<vmem>>, vector<1x1x16xf32>,
        %swap3A_1035 = vector.shape_cast %swap3A_1034 : vector<1x1x16xf32> to vector<16xf32>
        %swap3A_1036 = vector.shape_cast %add3A_1029 : vector<16xf32> to vector<1x1x16xf32>
        tpu.vector_store %arg8[%swap3A_1031, %swap3A_1032, %swap3A_1033], %swap3A_1036 {strides = array<i32>} : memref<4x200x64xf32, #tpu.memory_space<vmem>>, vector<1x1x16xf32>,
        %get3A_1037 = arith.constant 2 : i32
        %get3A_1038 = arith.index_cast %get3A_1037 : i32 to index
        %get3A_1039 = arith.index_cast %add3A_982 : i32 to index
        %get3A_1040 = arith.constant 48 : index
        %get3A_1041 = tpu.vector_load %arg8[%get3A_1038, %get3A_1039, %get3A_1040] {strides = array<i32>} : memref<4x200x64xf32, #tpu.memory_space<vmem>>, vector<1x1x16xf32>,
        %get3A_1042 = vector.shape_cast %get3A_1041 : vector<1x1x16xf32> to vector<16xf32>
        %get3A_1043 = arith.index_cast %add3A_982 : i32 to index
        %get3A_1044 = arith.constant 48 : index
        %get3A_1045 = tpu.vector_load %arg7[%get3A_1043, %get3A_1044] {strides = array<i32>} : memref<200x64xf32, #tpu.memory_space<vmem>>, vector<1x16xf32>,
        %get3A_1046 = vector.shape_cast %get3A_1045 : vector<1x16xf32> to vector<16xf32>
        %add3A_1047 = arith.addf %get3A_1042, %get3A_1046 : vector<16xf32>
        %swap3A_1048 = arith.constant 2 : i32
        %swap3A_1049 = arith.index_cast %swap3A_1048 : i32 to index
        %swap3A_1050 = arith.index_cast %add3A_982 : i32 to index
        %swap3A_1051 = arith.constant 48 : index
        %swap3A_1052 = tpu.vector_load %arg8[%swap3A_1049, %swap3A_1050, %swap3A_1051] {strides = array<i32>} : memref<4x200x64xf32, #tpu.memory_space<vmem>>, vector<1x1x16xf32>,
        %swap3A_1053 = vector.shape_cast %swap3A_1052 : vector<1x1x16xf32> to vector<16xf32>
        %swap3A_1054 = vector.shape_cast %add3A_1047 : vector<16xf32> to vector<1x1x16xf32>
        tpu.vector_store %arg8[%swap3A_1049, %swap3A_1050, %swap3A_1051], %swap3A_1054 {strides = array<i32>} : memref<4x200x64xf32, #tpu.memory_space<vmem>>, vector<1x1x16xf32>,
        %mul3A_1055 = arith.constant 4 : i32
        %mul3A_1056 = arith.muli %scan3A_828, %mul3A_1055 : i32
        %add3A_1057 = arith.constant 3 : i32
        %add3A_1058 = arith.addi %mul3A_1056, %add3A_1057 : i32
        %get3A_1059 = arith.constant 2 : i32
        %get3A_1060 = arith.index_cast %get3A_1059 : i32 to index
        %get3A_1061 = arith.index_cast %add3A_1058 : i32 to index
        %get3A_1062 = arith.constant 0 : index
        %get3A_1063 = tpu.vector_load %arg8[%get3A_1060, %get3A_1061, %get3A_1062] {strides = array<i32>} : memref<4x200x64xf32, #tpu.memory_space<vmem>>, vector<1x1x16xf32>,
        %get3A_1064 = vector.shape_cast %get3A_1063 : vector<1x1x16xf32> to vector<16xf32>
        %get3A_1065 = arith.index_cast %add3A_1058 : i32 to index
        %get3A_1066 = arith.constant 0 : index
        %get3A_1067 = tpu.vector_load %arg7[%get3A_1065, %get3A_1066] {strides = array<i32>} : memref<200x64xf32, #tpu.memory_space<vmem>>, vector<1x16xf32>,
        %get3A_1068 = vector.shape_cast %get3A_1067 : vector<1x16xf32> to vector<16xf32>
        %add3A_1069 = arith.addf %get3A_1064, %get3A_1068 : vector<16xf32>
        %swap3A_1070 = arith.constant 2 : i32
        %swap3A_1071 = arith.index_cast %swap3A_1070 : i32 to index
        %swap3A_1072 = arith.index_cast %add3A_1058 : i32 to index
        %swap3A_1073 = arith.constant 0 : index
        %swap3A_1074 = tpu.vector_load %arg8[%swap3A_1071, %swap3A_1072, %swap3A_1073] {strides = array<i32>} : memref<4x200x64xf32, #tpu.memory_space<vmem>>, vector<1x1x16xf32>,
        %swap3A_1075 = vector.shape_cast %swap3A_1074 : vector<1x1x16xf32> to vector<16xf32>
        %swap3A_1076 = vector.shape_cast %add3A_1069 : vector<16xf32> to vector<1x1x16xf32>
        tpu.vector_store %arg8[%swap3A_1071, %swap3A_1072, %swap3A_1073], %swap3A_1076 {strides = array<i32>} : memref<4x200x64xf32, #tpu.memory_space<vmem>>, vector<1x1x16xf32>,
        %get3A_1077 = arith.constant 2 : i32
        %get3A_1078 = arith.index_cast %get3A_1077 : i32 to index
        %get3A_1079 = arith.index_cast %add3A_1058 : i32 to index
        %get3A_1080 = arith.constant 16 : index
        %get3A_1081 = tpu.vector_load %arg8[%get3A_1078, %get3A_1079, %get3A_1080] {strides = array<i32>} : memref<4x200x64xf32, #tpu.memory_space<vmem>>, vector<1x1x16xf32>,
        %get3A_1082 = vector.shape_cast %get3A_1081 : vector<1x1x16xf32> to vector<16xf32>
        %get3A_1083 = arith.index_cast %add3A_1058 : i32 to index
        %get3A_1084 = arith.constant 16 : index
        %get3A_1085 = tpu.vector_load %arg7[%get3A_1083, %get3A_1084] {strides = array<i32>} : memref<200x64xf32, #tpu.memory_space<vmem>>, vector<1x16xf32>,
        %get3A_1086 = vector.shape_cast %get3A_1085 : vector<1x16xf32> to vector<16xf32>
        %add3A_1087 = arith.addf %get3A_1082, %get3A_1086 : vector<16xf32>
        %swap3A_1088 = arith.constant 2 : i32
        %swap3A_1089 = arith.index_cast %swap3A_1088 : i32 to index
        %swap3A_1090 = arith.index_cast %add3A_1058 : i32 to index
        %swap3A_1091 = arith.constant 16 : index
        %swap3A_1092 = tpu.vector_load %arg8[%swap3A_1089, %swap3A_1090, %swap3A_1091] {strides = array<i32>} : memref<4x200x64xf32, #tpu.memory_space<vmem>>, vector<1x1x16xf32>,
        %swap3A_1093 = vector.shape_cast %swap3A_1092 : vector<1x1x16xf32> to vector<16xf32>
        %swap3A_1094 = vector.shape_cast %add3A_1087 : vector<16xf32> to vector<1x1x16xf32>
        tpu.vector_store %arg8[%swap3A_1089, %swap3A_1090, %swap3A_1091], %swap3A_1094 {strides = array<i32>} : memref<4x200x64xf32, #tpu.memory_space<vmem>>, vector<1x1x16xf32>,
        %get3A_1095 = arith.constant 2 : i32
        %get3A_1096 = arith.index_cast %get3A_1095 : i32 to index
        %get3A_1097 = arith.index_cast %add3A_1058 : i32 to index
        %get3A_1098 = arith.constant 32 : index
        %get3A_1099 = tpu.vector_load %arg8[%get3A_1096, %get3A_1097, %get3A_1098] {strides = array<i32>} : memref<4x200x64xf32, #tpu.memory_space<vmem>>, vector<1x1x16xf32>,
        %get3A_1100 = vector.shape_cast %get3A_1099 : vector<1x1x16xf32> to vector<16xf32>
        %get3A_1101 = arith.index_cast %add3A_1058 : i32 to index
        %get3A_1102 = arith.constant 32 : index
        %get3A_1103 = tpu.vector_load %arg7[%get3A_1101, %get3A_1102] {strides = array<i32>} : memref<200x64xf32, #tpu.memory_space<vmem>>, vector<1x16xf32>,
        %get3A_1104 = vector.shape_cast %get3A_1103 : vector<1x16xf32> to vector<16xf32>
        %add3A_1105 = arith.addf %get3A_1100, %get3A_1104 : vector<16xf32>
        %swap3A_1106 = arith.constant 2 : i32
        %swap3A_1107 = arith.index_cast %swap3A_1106 : i32 to index
        %swap3A_1108 = arith.index_cast %add3A_1058 : i32 to index
        %swap3A_1109 = arith.constant 32 : index
        %swap3A_1110 = tpu.vector_load %arg8[%swap3A_1107, %swap3A_1108, %swap3A_1109] {strides = array<i32>} : memref<4x200x64xf32, #tpu.memory_space<vmem>>, vector<1x1x16xf32>,
        %swap3A_1111 = vector.shape_cast %swap3A_1110 : vector<1x1x16xf32> to vector<16xf32>
        %swap3A_1112 = vector.shape_cast %add3A_1105 : vector<16xf32> to vector<1x1x16xf32>
        tpu.vector_store %arg8[%swap3A_1107, %swap3A_1108, %swap3A_1109], %swap3A_1112 {strides = array<i32>} : memref<4x200x64xf32, #tpu.memory_space<vmem>>, vector<1x1x16xf32>,
        %get3A_1113 = arith.constant 2 : i32
        %get3A_1114 = arith.index_cast %get3A_1113 : i32 to index
        %get3A_1115 = arith.index_cast %add3A_1058 : i32 to index
        %get3A_1116 = arith.constant 48 : index
        %get3A_1117 = tpu.vector_load %arg8[%get3A_1114, %get3A_1115, %get3A_1116] {strides = array<i32>} : memref<4x200x64xf32, #tpu.memory_space<vmem>>, vector<1x1x16xf32>,
        %get3A_1118 = vector.shape_cast %get3A_1117 : vector<1x1x16xf32> to vector<16xf32>
        %get3A_1119 = arith.index_cast %add3A_1058 : i32 to index
        %get3A_1120 = arith.constant 48 : index
        %get3A_1121 = tpu.vector_load %arg7[%get3A_1119, %get3A_1120] {strides = array<i32>} : memref<200x64xf32, #tpu.memory_space<vmem>>, vector<1x16xf32>,
        %get3A_1122 = vector.shape_cast %get3A_1121 : vector<1x16xf32> to vector<16xf32>
        %add3A_1123 = arith.addf %get3A_1118, %get3A_1122 : vector<16xf32>
        %swap3A_1124 = arith.constant 2 : i32
        %swap3A_1125 = arith.index_cast %swap3A_1124 : i32 to index
        %swap3A_1126 = arith.index_cast %add3A_1058 : i32 to index
        %swap3A_1127 = arith.constant 48 : index
        %swap3A_1128 = tpu.vector_load %arg8[%swap3A_1125, %swap3A_1126, %swap3A_1127] {strides = array<i32>} : memref<4x200x64xf32, #tpu.memory_space<vmem>>, vector<1x1x16xf32>,
        %swap3A_1129 = vector.shape_cast %swap3A_1128 : vector<1x1x16xf32> to vector<16xf32>
        %swap3A_1130 = vector.shape_cast %add3A_1123 : vector<16xf32> to vector<1x1x16xf32>
        tpu.vector_store %arg8[%swap3A_1125, %swap3A_1126, %swap3A_1127], %swap3A_1130 {strides = array<i32>} : memref<4x200x64xf32, #tpu.memory_space<vmem>>, vector<1x1x16xf32>,
      }
      %scan3A_738 = arith.constant 50 : i32
      %add3A_739 = arith.addi %mul3A_2, %add3A_695 : i32
      %dma_start3A_740 = arith.constant 2 : i32
      %dma_start3A_741 = arith.constant 2 : i32
      %dma_start3A_742 = arith.constant 0 : i32
      %dma_start3A_743 = arith.constant 0 : i32
      %dma_start3A_744 = tpu.memref_slice %arg8[%dma_start3A_740, %dma_start3A_742, %dma_start3A_743] : memref<4x200x64xf32, #tpu.memory_space<vmem>> -> memref<1x200x64xf32, #tpu.memory_space<vmem>>
      %dma_start3A_745 = tpu.memref_squeeze %dma_start3A_744 : memref<1x200x64xf32, #tpu.memory_space<vmem>> -> memref<200x64xf32, #tpu.memory_space<vmem>>
      %dma_start3A_746 = arith.constant 0 : i32
      %dma_start3A_747 = arith.constant 0 : i32
      %dma_start3A_748 = tpu.memref_slice %arg5[%add3A_739, %dma_start3A_746, %dma_start3A_747] : memref<4096x200x64xf32, #tpu.memory_space<hbm>> -> memref<1x200x64xf32, #tpu.memory_space<hbm>>
      %dma_start3A_749 = tpu.memref_squeeze %dma_start3A_748 : memref<1x200x64xf32, #tpu.memory_space<hbm>> -> memref<200x64xf32, #tpu.memory_space<hbm>>
      %dma_start3A_750 = tpu.memref_slice %arg10[%dma_start3A_741] : memref<4x!tpu.dma_semaphore, #tpu.memory_space<semaphore_mem>> -> memref<1x!tpu.dma_semaphore, #tpu.memory_space<semaphore_mem>>
      %dma_start3A_751 = tpu.memref_squeeze %dma_start3A_750 : memref<1x!tpu.dma_semaphore, #tpu.memory_space<semaphore_mem>> -> memref<!tpu.dma_semaphore, #tpu.memory_space<semaphore_mem>>
      %dma_start3A_752 = arith.constant 0 : i32
      %dma_start3A_753 = arith.constant 0 : i32
      %dma_start3A_754 = tpu.memref_slice %arg5[%add3A_739, %dma_start3A_752, %dma_start3A_753] : memref<4096x200x64xf32, #tpu.memory_space<hbm>> -> memref<1x200x64xf32, #tpu.memory_space<hbm>>
      %dma_start3A_755 = tpu.memref_squeeze %dma_start3A_754 : memref<1x200x64xf32, #tpu.memory_space<hbm>> -> memref<200x64xf32, #tpu.memory_space<hbm>>
      %dma_start3A_756 = arith.constant 0 : i32
      %dma_start3A_757 = arith.constant 0 : i32
      %dma_start3A_758 = tpu.memref_slice %arg8[%dma_start3A_740, %dma_start3A_756, %dma_start3A_757] : memref<4x200x64xf32, #tpu.memory_space<vmem>> -> memref<1x200x64xf32, #tpu.memory_space<vmem>>
      %dma_start3A_759 = tpu.memref_squeeze %dma_start3A_758 : memref<1x200x64xf32, #tpu.memory_space<vmem>> -> memref<200x64xf32, #tpu.memory_space<vmem>>
      tpu.enqueue_dma source(%dma_start3A_759 : memref<200x64xf32, #tpu.memory_space<vmem>>) target(%dma_start3A_755 : memref<200x64xf32, #tpu.memory_space<hbm>>) target_semaphore(%dma_start3A_751 : memref<!tpu.dma_semaphore, #tpu.memory_space<semaphore_mem>>)
      %mul3A_760 = arith.constant 4 : i32
      %mul3A_761 = arith.muli %scan3A_558, %mul3A_760 : i32
      %add3A_762 = arith.constant 3 : i32
      %add3A_763 = arith.addi %mul3A_761, %add3A_762 : i32
      %add3A_764 = arith.constant 2 : i32
      %add3A_765 = arith.addi %add3A_763, %add3A_764 : i32
      %lt3A_766 = arith.constant 128 : i32
      %lt3A_767 = arith.cmpi slt, %add3A_765, %lt3A_766 : i32
      %convert_element_type3A_768 = arith.extui %lt3A_767 : i1 to i32
      %cond3A_769 = arith.constant 0 : i32
      %cond3A_770 = arith.cmpi ne, %convert_element_type3A_768, %cond3A_769 : i32
      scf.if %cond3A_770 {
        %dma_wait3A_828 = arith.constant 1 : i32
        %dma_wait3A_829 = arith.constant 1 : i32
        %dma_wait3A_830 = arith.constant 0 : i32
        %dma_wait3A_831 = arith.constant 0 : i32
        %dma_wait3A_832 = tpu.memref_slice %arg8[%dma_wait3A_828, %dma_wait3A_830, %dma_wait3A_831] : memref<4x200x64xf32, #tpu.memory_space<vmem>> -> memref<1x200x64xf32, #tpu.memory_space<vmem>>
        %dma_wait3A_833 = tpu.memref_squeeze %dma_wait3A_832 : memref<1x200x64xf32, #tpu.memory_space<vmem>> -> memref<200x64xf32, #tpu.memory_space<vmem>>
        %dma_wait3A_834 = arith.constant 0 : i32
        %dma_wait3A_835 = arith.constant 0 : i32
        %dma_wait3A_836 = tpu.memref_slice %arg5[%mul3A_2, %dma_wait3A_834, %dma_wait3A_835] : memref<4096x200x64xf32, #tpu.memory_space<hbm>> -> memref<1x200x64xf32, #tpu.memory_space<hbm>>
        %dma_wait3A_837 = tpu.memref_squeeze %dma_wait3A_836 : memref<1x200x64xf32, #tpu.memory_space<hbm>> -> memref<200x64xf32, #tpu.memory_space<hbm>>
        %dma_wait3A_838 = tpu.memref_slice %arg10[%dma_wait3A_829] : memref<4x!tpu.dma_semaphore, #tpu.memory_space<semaphore_mem>> -> memref<1x!tpu.dma_semaphore, #tpu.memory_space<semaphore_mem>>
        %dma_wait3A_839 = tpu.memref_squeeze %dma_wait3A_838 : memref<1x!tpu.dma_semaphore, #tpu.memory_space<semaphore_mem>> -> memref<!tpu.dma_semaphore, #tpu.memory_space<semaphore_mem>>
        %dma_wait3A_840 = arith.constant 0 : i32
        %dma_wait3A_841 = arith.constant 0 : i32
        %dma_wait3A_842 = tpu.memref_slice %arg5[%mul3A_2, %dma_wait3A_840, %dma_wait3A_841] : memref<4096x200x64xf32, #tpu.memory_space<hbm>> -> memref<1x200x64xf32, #tpu.memory_space<hbm>>
        %dma_wait3A_843 = tpu.memref_squeeze %dma_wait3A_842 : memref<1x200x64xf32, #tpu.memory_space<hbm>> -> memref<200x64xf32, #tpu.memory_space<hbm>>
        %dma_wait3A_844 = arith.constant 0 : i32
        %dma_wait3A_845 = arith.constant 0 : i32
        %dma_wait3A_846 = tpu.memref_slice %arg8[%dma_wait3A_828, %dma_wait3A_844, %dma_wait3A_845] : memref<4x200x64xf32, #tpu.memory_space<vmem>> -> memref<1x200x64xf32, #tpu.memory_space<vmem>>
        %dma_wait3A_847 = tpu.memref_squeeze %dma_wait3A_846 : memref<1x200x64xf32, #tpu.memory_space<vmem>> -> memref<200x64xf32, #tpu.memory_space<vmem>>
        tpu.wait_dma2 semaphore(%dma_wait3A_839 : memref<!tpu.dma_semaphore, #tpu.memory_space<semaphore_mem>>) src(%dma_wait3A_847 : memref<200x64xf32, #tpu.memory_space<vmem>>) dst(%dma_wait3A_843 : memref<200x64xf32, #tpu.memory_space<hbm>>)
        %add3A_848 = arith.constant 2 : i32
        %add3A_849 = arith.addi %add3A_763, %add3A_848 : i32
        %dma_start3A_850 = arith.constant 0 : i32
        %dma_start3A_851 = arith.constant 1 : i32
        %dma_start3A_852 = arith.constant 1 : i32
        %dma_start3A_853 = arith.constant 0 : i32
        %dma_start3A_854 = arith.constant 0 : i32
        %dma_start3A_855 = tpu.memref_slice %arg8[%dma_start3A_851, %dma_start3A_853, %dma_start3A_854] : memref<4x200x64xf32, #tpu.memory_space<vmem>> -> memref<1x100x64xf32, #tpu.memory_space<vmem>>
        %dma_start3A_856 = tpu.memref_squeeze %dma_start3A_855 : memref<1x100x64xf32, #tpu.memory_space<vmem>> -> memref<100x64xf32, #tpu.memory_space<vmem>>
        %dma_start3A_857 = arith.constant 0 : i32
        %dma_start3A_858 = tpu.memref_slice %arg6[%add3A_849, %dma_start3A_850, %dma_start3A_857] : memref<128x2x100xi32, #tpu.memory_space<vmem>> -> memref<1x1x100xi32, #tpu.memory_space<vmem>>
        %dma_start3A_859 = tpu.memref_squeeze %dma_start3A_858 : memref<1x1x100xi32, #tpu.memory_space<vmem>> -> memref<100xi32, #tpu.memory_space<vmem>>
        %dma_start3A_860 = arith.constant 0 : i32
        %dma_start3A_861 = arith.constant 0 : i32
        %dma_start3A_862 = tpu.memref_slice %arg3[%dma_start3A_860, %dma_start3A_861] : memref<1000000x64xf32, #tpu.memory_space<hbm>> -> memref<1000000x64xf32, #tpu.memory_space<hbm>>
        %dma_start3A_863 = tpu.memref_slice %arg9[%dma_start3A_852] : memref<4x!tpu.dma_semaphore, #tpu.memory_space<semaphore_mem>> -> memref<1x!tpu.dma_semaphore, #tpu.memory_space<semaphore_mem>>
        %dma_start3A_864 = tpu.memref_squeeze %dma_start3A_863 : memref<1x!tpu.dma_semaphore, #tpu.memory_space<semaphore_mem>> -> memref<!tpu.dma_semaphore, #tpu.memory_space<semaphore_mem>>
        tpu.enqueue_indirect_dma source(%dma_start3A_862 : memref<1000000x64xf32, #tpu.memory_space<hbm>>) target(%dma_start3A_856 : memref<100x64xf32, #tpu.memory_space<vmem>>) offsets(%dma_start3A_859 : memref<100xi32, #tpu.memory_space<vmem>>) semaphore(%dma_start3A_864 : memref<!tpu.dma_semaphore, #tpu.memory_space<semaphore_mem>>)
        %dma_start3A_865 = arith.constant 1 : i32
        %dma_start3A_866 = arith.constant 1 : i32
        %dma_start3A_867 = arith.constant 1 : i32
        %dma_start3A_868 = arith.constant 100 : i32
        %dma_start3A_869 = arith.constant 0 : i32
        %dma_start3A_870 = tpu.memref_slice %arg8[%dma_start3A_866, %dma_start3A_868, %dma_start3A_869] : memref<4x200x64xf32, #tpu.memory_space<vmem>> -> memref<1x100x64xf32, #tpu.memory_space<vmem>>
        %dma_start3A_871 = tpu.memref_squeeze %dma_start3A_870 : memref<1x100x64xf32, #tpu.memory_space<vmem>> -> memref<100x64xf32, #tpu.memory_space<vmem>>
        %dma_start3A_872 = arith.constant 0 : i32
        %dma_start3A_873 = tpu.memref_slice %arg6[%add3A_849, %dma_start3A_865, %dma_start3A_872] : memref<128x2x100xi32, #tpu.memory_space<vmem>> -> memref<1x1x100xi32, #tpu.memory_space<vmem>>
        %dma_start3A_874 = tpu.memref_squeeze %dma_start3A_873 : memref<1x1x100xi32, #tpu.memory_space<vmem>> -> memref<100xi32, #tpu.memory_space<vmem>>
        %dma_start3A_875 = arith.constant 0 : i32
        %dma_start3A_876 = arith.constant 0 : i32
        %dma_start3A_877 = tpu.memref_slice %arg3[%dma_start3A_875, %dma_start3A_876] : memref<1000000x64xf32, #tpu.memory_space<hbm>> -> memref<1000000x64xf32, #tpu.memory_space<hbm>>
        %dma_start3A_878 = tpu.memref_slice %arg9[%dma_start3A_867] : memref<4x!tpu.dma_semaphore, #tpu.memory_space<semaphore_mem>> -> memref<1x!tpu.dma_semaphore, #tpu.memory_space<semaphore_mem>>
        %dma_start3A_879 = tpu.memref_squeeze %dma_start3A_878 : memref<1x!tpu.dma_semaphore, #tpu.memory_space<semaphore_mem>> -> memref<!tpu.dma_semaphore, #tpu.memory_space<semaphore_mem>>
        tpu.enqueue_indirect_dma source(%dma_start3A_877 : memref<1000000x64xf32, #tpu.memory_space<hbm>>) target(%dma_start3A_871 : memref<100x64xf32, #tpu.memory_space<vmem>>) offsets(%dma_start3A_874 : memref<100xi32, #tpu.memory_space<vmem>>) semaphore(%dma_start3A_879 : memref<!tpu.dma_semaphore, #tpu.memory_space<semaphore_mem>>)
      } else {
      }
      %dma_wait3A_771 = arith.constant 0 : i32
      %dma_wait3A_772 = arith.constant 3 : i32
      %dma_wait3A_773 = arith.constant 3 : i32
      %dma_wait3A_774 = arith.constant 0 : i32
      %dma_wait3A_775 = arith.constant 0 : i32
      %dma_wait3A_776 = tpu.memref_slice %arg8[%dma_wait3A_772, %dma_wait3A_774, %dma_wait3A_775] : memref<4x200x64xf32, #tpu.memory_space<vmem>> -> memref<1x100x64xf32, #tpu.memory_space<vmem>>
      %dma_wait3A_777 = tpu.memref_squeeze %dma_wait3A_776 : memref<1x100x64xf32, #tpu.memory_space<vmem>> -> memref<100x64xf32, #tpu.memory_space<vmem>>
      %dma_wait3A_778 = arith.constant 0 : i32
      %dma_wait3A_779 = tpu.memref_slice %arg6[%add3A_763, %dma_wait3A_771, %dma_wait3A_778] : memref<128x2x100xi32, #tpu.memory_space<vmem>> -> memref<1x1x100xi32, #tpu.memory_space<vmem>>
      %dma_wait3A_780 = tpu.memref_squeeze %dma_wait3A_779 : memref<1x1x100xi32, #tpu.memory_space<vmem>> -> memref<100xi32, #tpu.memory_space<vmem>>
      %dma_wait3A_781 = arith.constant 0 : i32
      %dma_wait3A_782 = arith.constant 0 : i32
      %dma_wait3A_783 = tpu.memref_slice %arg3[%dma_wait3A_781, %dma_wait3A_782] : memref<1000000x64xf32, #tpu.memory_space<hbm>> -> memref<1000000x64xf32, #tpu.memory_space<hbm>>
      %dma_wait3A_784 = tpu.memref_slice %arg9[%dma_wait3A_773] : memref<4x!tpu.dma_semaphore, #tpu.memory_space<semaphore_mem>> -> memref<1x!tpu.dma_semaphore, #tpu.memory_space<semaphore_mem>>
      %dma_wait3A_785 = tpu.memref_squeeze %dma_wait3A_784 : memref<1x!tpu.dma_semaphore, #tpu.memory_space<semaphore_mem>> -> memref<!tpu.dma_semaphore, #tpu.memory_space<semaphore_mem>>
      tpu.wait_indirect_dma semaphore(%dma_wait3A_785 : memref<!tpu.dma_semaphore, #tpu.memory_space<semaphore_mem>>) src(%dma_wait3A_783 : memref<1000000x64xf32, #tpu.memory_space<hbm>>) dst(%dma_wait3A_777 : memref<100x64xf32, #tpu.memory_space<vmem>>)
      %dma_wait3A_786 = arith.constant 1 : i32
      %dma_wait3A_787 = arith.constant 3 : i32
      %dma_wait3A_788 = arith.constant 3 : i32
      %dma_wait3A_789 = arith.constant 100 : i32
      %dma_wait3A_790 = arith.constant 0 : i32
      %dma_wait3A_791 = tpu.memref_slice %arg8[%dma_wait3A_787, %dma_wait3A_789, %dma_wait3A_790] : memref<4x200x64xf32, #tpu.memory_space<vmem>> -> memref<1x100x64xf32, #tpu.memory_space<vmem>>
      %dma_wait3A_792 = tpu.memref_squeeze %dma_wait3A_791 : memref<1x100x64xf32, #tpu.memory_space<vmem>> -> memref<100x64xf32, #tpu.memory_space<vmem>>
      %dma_wait3A_793 = arith.constant 0 : i32
      %dma_wait3A_794 = tpu.memref_slice %arg6[%add3A_763, %dma_wait3A_786, %dma_wait3A_793] : memref<128x2x100xi32, #tpu.memory_space<vmem>> -> memref<1x1x100xi32, #tpu.memory_space<vmem>>
      %dma_wait3A_795 = tpu.memref_squeeze %dma_wait3A_794 : memref<1x1x100xi32, #tpu.memory_space<vmem>> -> memref<100xi32, #tpu.memory_space<vmem>>
      %dma_wait3A_796 = arith.constant 0 : i32
      %dma_wait3A_797 = arith.constant 0 : i32
      %dma_wait3A_798 = tpu.memref_slice %arg3[%dma_wait3A_796, %dma_wait3A_797] : memref<1000000x64xf32, #tpu.memory_space<hbm>> -> memref<1000000x64xf32, #tpu.memory_space<hbm>>
      %dma_wait3A_799 = tpu.memref_slice %arg9[%dma_wait3A_788] : memref<4x!tpu.dma_semaphore, #tpu.memory_space<semaphore_mem>> -> memref<1x!tpu.dma_semaphore, #tpu.memory_space<semaphore_mem>>
      %dma_wait3A_800 = tpu.memref_squeeze %dma_wait3A_799 : memref<1x!tpu.dma_semaphore, #tpu.memory_space<semaphore_mem>> -> memref<!tpu.dma_semaphore, #tpu.memory_space<semaphore_mem>>
      tpu.wait_indirect_dma semaphore(%dma_wait3A_800 : memref<!tpu.dma_semaphore, #tpu.memory_space<semaphore_mem>>) src(%dma_wait3A_798 : memref<1000000x64xf32, #tpu.memory_space<hbm>>) dst(%dma_wait3A_792 : memref<100x64xf32, #tpu.memory_space<vmem>>)
      %scan3A_801 = arith.constant 0 : i32
      %scan3A_802 = arith.constant 0 : i32
      %scan3A_803 = arith.constant 50 : i32
      %scan3A_804 = arith.addi %scan3A_802, %scan3A_803 : i32
      %scan3A_805 = arith.constant 1 : i32
      scf.for %scan3A_828 = %scan3A_802 to %scan3A_804 step %scan3A_805  : i32 {
        %mul3A_829 = arith.constant 4 : i32
        %mul3A_830 = arith.muli %scan3A_828, %mul3A_829 : i32
        %add3A_831 = arith.constant 0 : i32
        %add3A_832 = arith.addi %mul3A_830, %add3A_831 : i32
        %get3A = arith.constant 3 : i32
        %get3A_833 = arith.index_cast %get3A : i32 to index
        %get3A_834 = arith.index_cast %add3A_832 : i32 to index
        %get3A_835 = arith.constant 0 : index
        %get3A_836 = tpu.vector_load %arg8[%get3A_833, %get3A_834, %get3A_835] {strides = array<i32>} : memref<4x200x64xf32, #tpu.memory_space<vmem>>, vector<1x1x16xf32>,
        %get3A_837 = vector.shape_cast %get3A_836 : vector<1x1x16xf32> to vector<16xf32>
        %get3A_838 = arith.index_cast %add3A_832 : i32 to index
        %get3A_839 = arith.constant 0 : index
        %get3A_840 = tpu.vector_load %arg7[%get3A_838, %get3A_839] {strides = array<i32>} : memref<200x64xf32, #tpu.memory_space<vmem>>, vector<1x16xf32>,
        %get3A_841 = vector.shape_cast %get3A_840 : vector<1x16xf32> to vector<16xf32>
        %add3A_842 = arith.addf %get3A_837, %get3A_841 : vector<16xf32>
        %swap3A = arith.constant 3 : i32
        %swap3A_843 = arith.index_cast %swap3A : i32 to index
        %swap3A_844 = arith.index_cast %add3A_832 : i32 to index
        %swap3A_845 = arith.constant 0 : index
        %swap3A_846 = tpu.vector_load %arg8[%swap3A_843, %swap3A_844, %swap3A_845] {strides = array<i32>} : memref<4x200x64xf32, #tpu.memory_space<vmem>>, vector<1x1x16xf32>,
        %swap3A_847 = vector.shape_cast %swap3A_846 : vector<1x1x16xf32> to vector<16xf32>
        %swap3A_848 = vector.shape_cast %add3A_842 : vector<16xf32> to vector<1x1x16xf32>
        tpu.vector_store %arg8[%swap3A_843, %swap3A_844, %swap3A_845], %swap3A_848 {strides = array<i32>} : memref<4x200x64xf32, #tpu.memory_space<vmem>>, vector<1x1x16xf32>,
        %get3A_849 = arith.constant 3 : i32
        %get3A_850 = arith.index_cast %get3A_849 : i32 to index
        %get3A_851 = arith.index_cast %add3A_832 : i32 to index
        %get3A_852 = arith.constant 16 : index
        %get3A_853 = tpu.vector_load %arg8[%get3A_850, %get3A_851, %get3A_852] {strides = array<i32>} : memref<4x200x64xf32, #tpu.memory_space<vmem>>, vector<1x1x16xf32>,
        %get3A_854 = vector.shape_cast %get3A_853 : vector<1x1x16xf32> to vector<16xf32>
        %get3A_855 = arith.index_cast %add3A_832 : i32 to index
        %get3A_856 = arith.constant 16 : index
        %get3A_857 = tpu.vector_load %arg7[%get3A_855, %get3A_856] {strides = array<i32>} : memref<200x64xf32, #tpu.memory_space<vmem>>, vector<1x16xf32>,
        %get3A_858 = vector.shape_cast %get3A_857 : vector<1x16xf32> to vector<16xf32>
        %add3A_859 = arith.addf %get3A_854, %get3A_858 : vector<16xf32>
        %swap3A_860 = arith.constant 3 : i32
        %swap3A_861 = arith.index_cast %swap3A_860 : i32 to index
        %swap3A_862 = arith.index_cast %add3A_832 : i32 to index
        %swap3A_863 = arith.constant 16 : index
        %swap3A_864 = tpu.vector_load %arg8[%swap3A_861, %swap3A_862, %swap3A_863] {strides = array<i32>} : memref<4x200x64xf32, #tpu.memory_space<vmem>>, vector<1x1x16xf32>,
        %swap3A_865 = vector.shape_cast %swap3A_864 : vector<1x1x16xf32> to vector<16xf32>
        %swap3A_866 = vector.shape_cast %add3A_859 : vector<16xf32> to vector<1x1x16xf32>
        tpu.vector_store %arg8[%swap3A_861, %swap3A_862, %swap3A_863], %swap3A_866 {strides = array<i32>} : memref<4x200x64xf32, #tpu.memory_space<vmem>>, vector<1x1x16xf32>,
        %get3A_867 = arith.constant 3 : i32
        %get3A_868 = arith.index_cast %get3A_867 : i32 to index
        %get3A_869 = arith.index_cast %add3A_832 : i32 to index
        %get3A_870 = arith.constant 32 : index
        %get3A_871 = tpu.vector_load %arg8[%get3A_868, %get3A_869, %get3A_870] {strides = array<i32>} : memref<4x200x64xf32, #tpu.memory_space<vmem>>, vector<1x1x16xf32>,
        %get3A_872 = vector.shape_cast %get3A_871 : vector<1x1x16xf32> to vector<16xf32>
        %get3A_873 = arith.index_cast %add3A_832 : i32 to index
        %get3A_874 = arith.constant 32 : index
        %get3A_875 = tpu.vector_load %arg7[%get3A_873, %get3A_874] {strides = array<i32>} : memref<200x64xf32, #tpu.memory_space<vmem>>, vector<1x16xf32>,
        %get3A_876 = vector.shape_cast %get3A_875 : vector<1x16xf32> to vector<16xf32>
        %add3A_877 = arith.addf %get3A_872, %get3A_876 : vector<16xf32>
        %swap3A_878 = arith.constant 3 : i32
        %swap3A_879 = arith.index_cast %swap3A_878 : i32 to index
        %swap3A_880 = arith.index_cast %add3A_832 : i32 to index
        %swap3A_881 = arith.constant 32 : index
        %swap3A_882 = tpu.vector_load %arg8[%swap3A_879, %swap3A_880, %swap3A_881] {strides = array<i32>} : memref<4x200x64xf32, #tpu.memory_space<vmem>>, vector<1x1x16xf32>,
        %swap3A_883 = vector.shape_cast %swap3A_882 : vector<1x1x16xf32> to vector<16xf32>
        %swap3A_884 = vector.shape_cast %add3A_877 : vector<16xf32> to vector<1x1x16xf32>
        tpu.vector_store %arg8[%swap3A_879, %swap3A_880, %swap3A_881], %swap3A_884 {strides = array<i32>} : memref<4x200x64xf32, #tpu.memory_space<vmem>>, vector<1x1x16xf32>,
        %get3A_885 = arith.constant 3 : i32
        %get3A_886 = arith.index_cast %get3A_885 : i32 to index
        %get3A_887 = arith.index_cast %add3A_832 : i32 to index
        %get3A_888 = arith.constant 48 : index
        %get3A_889 = tpu.vector_load %arg8[%get3A_886, %get3A_887, %get3A_888] {strides = array<i32>} : memref<4x200x64xf32, #tpu.memory_space<vmem>>, vector<1x1x16xf32>,
        %get3A_890 = vector.shape_cast %get3A_889 : vector<1x1x16xf32> to vector<16xf32>
        %get3A_891 = arith.index_cast %add3A_832 : i32 to index
        %get3A_892 = arith.constant 48 : index
        %get3A_893 = tpu.vector_load %arg7[%get3A_891, %get3A_892] {strides = array<i32>} : memref<200x64xf32, #tpu.memory_space<vmem>>, vector<1x16xf32>,
        %get3A_894 = vector.shape_cast %get3A_893 : vector<1x16xf32> to vector<16xf32>
        %add3A_895 = arith.addf %get3A_890, %get3A_894 : vector<16xf32>
        %swap3A_896 = arith.constant 3 : i32
        %swap3A_897 = arith.index_cast %swap3A_896 : i32 to index
        %swap3A_898 = arith.index_cast %add3A_832 : i32 to index
        %swap3A_899 = arith.constant 48 : index
        %swap3A_900 = tpu.vector_load %arg8[%swap3A_897, %swap3A_898, %swap3A_899] {strides = array<i32>} : memref<4x200x64xf32, #tpu.memory_space<vmem>>, vector<1x1x16xf32>,
        %swap3A_901 = vector.shape_cast %swap3A_900 : vector<1x1x16xf32> to vector<16xf32>
        %swap3A_902 = vector.shape_cast %add3A_895 : vector<16xf32> to vector<1x1x16xf32>
        tpu.vector_store %arg8[%swap3A_897, %swap3A_898, %swap3A_899], %swap3A_902 {strides = array<i32>} : memref<4x200x64xf32, #tpu.memory_space<vmem>>, vector<1x1x16xf32>,
        %mul3A_903 = arith.constant 4 : i32
        %mul3A_904 = arith.muli %scan3A_828, %mul3A_903 : i32
        %add3A_905 = arith.constant 1 : i32
        %add3A_906 = arith.addi %mul3A_904, %add3A_905 : i32
        %get3A_907 = arith.constant 3 : i32
        %get3A_908 = arith.index_cast %get3A_907 : i32 to index
        %get3A_909 = arith.index_cast %add3A_906 : i32 to index
        %get3A_910 = arith.constant 0 : index
        %get3A_911 = tpu.vector_load %arg8[%get3A_908, %get3A_909, %get3A_910] {strides = array<i32>} : memref<4x200x64xf32, #tpu.memory_space<vmem>>, vector<1x1x16xf32>,
        %get3A_912 = vector.shape_cast %get3A_911 : vector<1x1x16xf32> to vector<16xf32>
        %get3A_913 = arith.index_cast %add3A_906 : i32 to index
        %get3A_914 = arith.constant 0 : index
        %get3A_915 = tpu.vector_load %arg7[%get3A_913, %get3A_914] {strides = array<i32>} : memref<200x64xf32, #tpu.memory_space<vmem>>, vector<1x16xf32>,
        %get3A_916 = vector.shape_cast %get3A_915 : vector<1x16xf32> to vector<16xf32>
        %add3A_917 = arith.addf %get3A_912, %get3A_916 : vector<16xf32>
        %swap3A_918 = arith.constant 3 : i32
        %swap3A_919 = arith.index_cast %swap3A_918 : i32 to index
        %swap3A_920 = arith.index_cast %add3A_906 : i32 to index
        %swap3A_921 = arith.constant 0 : index
        %swap3A_922 = tpu.vector_load %arg8[%swap3A_919, %swap3A_920, %swap3A_921] {strides = array<i32>} : memref<4x200x64xf32, #tpu.memory_space<vmem>>, vector<1x1x16xf32>,
        %swap3A_923 = vector.shape_cast %swap3A_922 : vector<1x1x16xf32> to vector<16xf32>
        %swap3A_924 = vector.shape_cast %add3A_917 : vector<16xf32> to vector<1x1x16xf32>
        tpu.vector_store %arg8[%swap3A_919, %swap3A_920, %swap3A_921], %swap3A_924 {strides = array<i32>} : memref<4x200x64xf32, #tpu.memory_space<vmem>>, vector<1x1x16xf32>,
        %get3A_925 = arith.constant 3 : i32
        %get3A_926 = arith.index_cast %get3A_925 : i32 to index
        %get3A_927 = arith.index_cast %add3A_906 : i32 to index
        %get3A_928 = arith.constant 16 : index
        %get3A_929 = tpu.vector_load %arg8[%get3A_926, %get3A_927, %get3A_928] {strides = array<i32>} : memref<4x200x64xf32, #tpu.memory_space<vmem>>, vector<1x1x16xf32>,
        %get3A_930 = vector.shape_cast %get3A_929 : vector<1x1x16xf32> to vector<16xf32>
        %get3A_931 = arith.index_cast %add3A_906 : i32 to index
        %get3A_932 = arith.constant 16 : index
        %get3A_933 = tpu.vector_load %arg7[%get3A_931, %get3A_932] {strides = array<i32>} : memref<200x64xf32, #tpu.memory_space<vmem>>, vector<1x16xf32>,
        %get3A_934 = vector.shape_cast %get3A_933 : vector<1x16xf32> to vector<16xf32>
        %add3A_935 = arith.addf %get3A_930, %get3A_934 : vector<16xf32>
        %swap3A_936 = arith.constant 3 : i32
        %swap3A_937 = arith.index_cast %swap3A_936 : i32 to index
        %swap3A_938 = arith.index_cast %add3A_906 : i32 to index
        %swap3A_939 = arith.constant 16 : index
        %swap3A_940 = tpu.vector_load %arg8[%swap3A_937, %swap3A_938, %swap3A_939] {strides = array<i32>} : memref<4x200x64xf32, #tpu.memory_space<vmem>>, vector<1x1x16xf32>,
        %swap3A_941 = vector.shape_cast %swap3A_940 : vector<1x1x16xf32> to vector<16xf32>
        %swap3A_942 = vector.shape_cast %add3A_935 : vector<16xf32> to vector<1x1x16xf32>
        tpu.vector_store %arg8[%swap3A_937, %swap3A_938, %swap3A_939], %swap3A_942 {strides = array<i32>} : memref<4x200x64xf32, #tpu.memory_space<vmem>>, vector<1x1x16xf32>,
        %get3A_943 = arith.constant 3 : i32
        %get3A_944 = arith.index_cast %get3A_943 : i32 to index
        %get3A_945 = arith.index_cast %add3A_906 : i32 to index
        %get3A_946 = arith.constant 32 : index
        %get3A_947 = tpu.vector_load %arg8[%get3A_944, %get3A_945, %get3A_946] {strides = array<i32>} : memref<4x200x64xf32, #tpu.memory_space<vmem>>, vector<1x1x16xf32>,
        %get3A_948 = vector.shape_cast %get3A_947 : vector<1x1x16xf32> to vector<16xf32>
        %get3A_949 = arith.index_cast %add3A_906 : i32 to index
        %get3A_950 = arith.constant 32 : index
        %get3A_951 = tpu.vector_load %arg7[%get3A_949, %get3A_950] {strides = array<i32>} : memref<200x64xf32, #tpu.memory_space<vmem>>, vector<1x16xf32>,
        %get3A_952 = vector.shape_cast %get3A_951 : vector<1x16xf32> to vector<16xf32>
        %add3A_953 = arith.addf %get3A_948, %get3A_952 : vector<16xf32>
        %swap3A_954 = arith.constant 3 : i32
        %swap3A_955 = arith.index_cast %swap3A_954 : i32 to index
        %swap3A_956 = arith.index_cast %add3A_906 : i32 to index
        %swap3A_957 = arith.constant 32 : index
        %swap3A_958 = tpu.vector_load %arg8[%swap3A_955, %swap3A_956, %swap3A_957] {strides = array<i32>} : memref<4x200x64xf32, #tpu.memory_space<vmem>>, vector<1x1x16xf32>,
        %swap3A_959 = vector.shape_cast %swap3A_958 : vector<1x1x16xf32> to vector<16xf32>
        %swap3A_960 = vector.shape_cast %add3A_953 : vector<16xf32> to vector<1x1x16xf32>
        tpu.vector_store %arg8[%swap3A_955, %swap3A_956, %swap3A_957], %swap3A_960 {strides = array<i32>} : memref<4x200x64xf32, #tpu.memory_space<vmem>>, vector<1x1x16xf32>,
        %get3A_961 = arith.constant 3 : i32
        %get3A_962 = arith.index_cast %get3A_961 : i32 to index
        %get3A_963 = arith.index_cast %add3A_906 : i32 to index
        %get3A_964 = arith.constant 48 : index
        %get3A_965 = tpu.vector_load %arg8[%get3A_962, %get3A_963, %get3A_964] {strides = array<i32>} : memref<4x200x64xf32, #tpu.memory_space<vmem>>, vector<1x1x16xf32>,
        %get3A_966 = vector.shape_cast %get3A_965 : vector<1x1x16xf32> to vector<16xf32>
        %get3A_967 = arith.index_cast %add3A_906 : i32 to index
        %get3A_968 = arith.constant 48 : index
        %get3A_969 = tpu.vector_load %arg7[%get3A_967, %get3A_968] {strides = array<i32>} : memref<200x64xf32, #tpu.memory_space<vmem>>, vector<1x16xf32>,
        %get3A_970 = vector.shape_cast %get3A_969 : vector<1x16xf32> to vector<16xf32>
        %add3A_971 = arith.addf %get3A_966, %get3A_970 : vector<16xf32>
        %swap3A_972 = arith.constant 3 : i32
        %swap3A_973 = arith.index_cast %swap3A_972 : i32 to index
        %swap3A_974 = arith.index_cast %add3A_906 : i32 to index
        %swap3A_975 = arith.constant 48 : index
        %swap3A_976 = tpu.vector_load %arg8[%swap3A_973, %swap3A_974, %swap3A_975] {strides = array<i32>} : memref<4x200x64xf32, #tpu.memory_space<vmem>>, vector<1x1x16xf32>,
        %swap3A_977 = vector.shape_cast %swap3A_976 : vector<1x1x16xf32> to vector<16xf32>
        %swap3A_978 = vector.shape_cast %add3A_971 : vector<16xf32> to vector<1x1x16xf32>
        tpu.vector_store %arg8[%swap3A_973, %swap3A_974, %swap3A_975], %swap3A_978 {strides = array<i32>} : memref<4x200x64xf32, #tpu.memory_space<vmem>>, vector<1x1x16xf32>,
        %mul3A_979 = arith.constant 4 : i32
        %mul3A_980 = arith.muli %scan3A_828, %mul3A_979 : i32
        %add3A_981 = arith.constant 2 : i32
        %add3A_982 = arith.addi %mul3A_980, %add3A_981 : i32
        %get3A_983 = arith.constant 3 : i32
        %get3A_984 = arith.index_cast %get3A_983 : i32 to index
        %get3A_985 = arith.index_cast %add3A_982 : i32 to index
        %get3A_986 = arith.constant 0 : index
        %get3A_987 = tpu.vector_load %arg8[%get3A_984, %get3A_985, %get3A_986] {strides = array<i32>} : memref<4x200x64xf32, #tpu.memory_space<vmem>>, vector<1x1x16xf32>,
        %get3A_988 = vector.shape_cast %get3A_987 : vector<1x1x16xf32> to vector<16xf32>
        %get3A_989 = arith.index_cast %add3A_982 : i32 to index
        %get3A_990 = arith.constant 0 : index
        %get3A_991 = tpu.vector_load %arg7[%get3A_989, %get3A_990] {strides = array<i32>} : memref<200x64xf32, #tpu.memory_space<vmem>>, vector<1x16xf32>,
        %get3A_992 = vector.shape_cast %get3A_991 : vector<1x16xf32> to vector<16xf32>
        %add3A_993 = arith.addf %get3A_988, %get3A_992 : vector<16xf32>
        %swap3A_994 = arith.constant 3 : i32
        %swap3A_995 = arith.index_cast %swap3A_994 : i32 to index
        %swap3A_996 = arith.index_cast %add3A_982 : i32 to index
        %swap3A_997 = arith.constant 0 : index
        %swap3A_998 = tpu.vector_load %arg8[%swap3A_995, %swap3A_996, %swap3A_997] {strides = array<i32>} : memref<4x200x64xf32, #tpu.memory_space<vmem>>, vector<1x1x16xf32>,
        %swap3A_999 = vector.shape_cast %swap3A_998 : vector<1x1x16xf32> to vector<16xf32>
        %swap3A_1000 = vector.shape_cast %add3A_993 : vector<16xf32> to vector<1x1x16xf32>
        tpu.vector_store %arg8[%swap3A_995, %swap3A_996, %swap3A_997], %swap3A_1000 {strides = array<i32>} : memref<4x200x64xf32, #tpu.memory_space<vmem>>, vector<1x1x16xf32>,
        %get3A_1001 = arith.constant 3 : i32
        %get3A_1002 = arith.index_cast %get3A_1001 : i32 to index
        %get3A_1003 = arith.index_cast %add3A_982 : i32 to index
        %get3A_1004 = arith.constant 16 : index
        %get3A_1005 = tpu.vector_load %arg8[%get3A_1002, %get3A_1003, %get3A_1004] {strides = array<i32>} : memref<4x200x64xf32, #tpu.memory_space<vmem>>, vector<1x1x16xf32>,
        %get3A_1006 = vector.shape_cast %get3A_1005 : vector<1x1x16xf32> to vector<16xf32>
        %get3A_1007 = arith.index_cast %add3A_982 : i32 to index
        %get3A_1008 = arith.constant 16 : index
        %get3A_1009 = tpu.vector_load %arg7[%get3A_1007, %get3A_1008] {strides = array<i32>} : memref<200x64xf32, #tpu.memory_space<vmem>>, vector<1x16xf32>,
        %get3A_1010 = vector.shape_cast %get3A_1009 : vector<1x16xf32> to vector<16xf32>
        %add3A_1011 = arith.addf %get3A_1006, %get3A_1010 : vector<16xf32>
        %swap3A_1012 = arith.constant 3 : i32
        %swap3A_1013 = arith.index_cast %swap3A_1012 : i32 to index
        %swap3A_1014 = arith.index_cast %add3A_982 : i32 to index
        %swap3A_1015 = arith.constant 16 : index
        %swap3A_1016 = tpu.vector_load %arg8[%swap3A_1013, %swap3A_1014, %swap3A_1015] {strides = array<i32>} : memref<4x200x64xf32, #tpu.memory_space<vmem>>, vector<1x1x16xf32>,
        %swap3A_1017 = vector.shape_cast %swap3A_1016 : vector<1x1x16xf32> to vector<16xf32>
        %swap3A_1018 = vector.shape_cast %add3A_1011 : vector<16xf32> to vector<1x1x16xf32>
        tpu.vector_store %arg8[%swap3A_1013, %swap3A_1014, %swap3A_1015], %swap3A_1018 {strides = array<i32>} : memref<4x200x64xf32, #tpu.memory_space<vmem>>, vector<1x1x16xf32>,
        %get3A_1019 = arith.constant 3 : i32
        %get3A_1020 = arith.index_cast %get3A_1019 : i32 to index
        %get3A_1021 = arith.index_cast %add3A_982 : i32 to index
        %get3A_1022 = arith.constant 32 : index
        %get3A_1023 = tpu.vector_load %arg8[%get3A_1020, %get3A_1021, %get3A_1022] {strides = array<i32>} : memref<4x200x64xf32, #tpu.memory_space<vmem>>, vector<1x1x16xf32>,
        %get3A_1024 = vector.shape_cast %get3A_1023 : vector<1x1x16xf32> to vector<16xf32>
        %get3A_1025 = arith.index_cast %add3A_982 : i32 to index
        %get3A_1026 = arith.constant 32 : index
        %get3A_1027 = tpu.vector_load %arg7[%get3A_1025, %get3A_1026] {strides = array<i32>} : memref<200x64xf32, #tpu.memory_space<vmem>>, vector<1x16xf32>,
        %get3A_1028 = vector.shape_cast %get3A_1027 : vector<1x16xf32> to vector<16xf32>
        %add3A_1029 = arith.addf %get3A_1024, %get3A_1028 : vector<16xf32>
        %swap3A_1030 = arith.constant 3 : i32
        %swap3A_1031 = arith.index_cast %swap3A_1030 : i32 to index
        %swap3A_1032 = arith.index_cast %add3A_982 : i32 to index
        %swap3A_1033 = arith.constant 32 : index
        %swap3A_1034 = tpu.vector_load %arg8[%swap3A_1031, %swap3A_1032, %swap3A_1033] {strides = array<i32>} : memref<4x200x64xf32, #tpu.memory_space<vmem>>, vector<1x1x16xf32>,
        %swap3A_1035 = vector.shape_cast %swap3A_1034 : vector<1x1x16xf32> to vector<16xf32>
        %swap3A_1036 = vector.shape_cast %add3A_1029 : vector<16xf32> to vector<1x1x16xf32>
        tpu.vector_store %arg8[%swap3A_1031, %swap3A_1032, %swap3A_1033], %swap3A_1036 {strides = array<i32>} : memref<4x200x64xf32, #tpu.memory_space<vmem>>, vector<1x1x16xf32>,
        %get3A_1037 = arith.constant 3 : i32
        %get3A_1038 = arith.index_cast %get3A_1037 : i32 to index
        %get3A_1039 = arith.index_cast %add3A_982 : i32 to index
        %get3A_1040 = arith.constant 48 : index
        %get3A_1041 = tpu.vector_load %arg8[%get3A_1038, %get3A_1039, %get3A_1040] {strides = array<i32>} : memref<4x200x64xf32, #tpu.memory_space<vmem>>, vector<1x1x16xf32>,
        %get3A_1042 = vector.shape_cast %get3A_1041 : vector<1x1x16xf32> to vector<16xf32>
        %get3A_1043 = arith.index_cast %add3A_982 : i32 to index
        %get3A_1044 = arith.constant 48 : index
        %get3A_1045 = tpu.vector_load %arg7[%get3A_1043, %get3A_1044] {strides = array<i32>} : memref<200x64xf32, #tpu.memory_space<vmem>>, vector<1x16xf32>,
        %get3A_1046 = vector.shape_cast %get3A_1045 : vector<1x16xf32> to vector<16xf32>
        %add3A_1047 = arith.addf %get3A_1042, %get3A_1046 : vector<16xf32>
        %swap3A_1048 = arith.constant 3 : i32
        %swap3A_1049 = arith.index_cast %swap3A_1048 : i32 to index
        %swap3A_1050 = arith.index_cast %add3A_982 : i32 to index
        %swap3A_1051 = arith.constant 48 : index
        %swap3A_1052 = tpu.vector_load %arg8[%swap3A_1049, %swap3A_1050, %swap3A_1051] {strides = array<i32>} : memref<4x200x64xf32, #tpu.memory_space<vmem>>, vector<1x1x16xf32>,
        %swap3A_1053 = vector.shape_cast %swap3A_1052 : vector<1x1x16xf32> to vector<16xf32>
        %swap3A_1054 = vector.shape_cast %add3A_1047 : vector<16xf32> to vector<1x1x16xf32>
        tpu.vector_store %arg8[%swap3A_1049, %swap3A_1050, %swap3A_1051], %swap3A_1054 {strides = array<i32>} : memref<4x200x64xf32, #tpu.memory_space<vmem>>, vector<1x1x16xf32>,
        %mul3A_1055 = arith.constant 4 : i32
        %mul3A_1056 = arith.muli %scan3A_828, %mul3A_1055 : i32
        %add3A_1057 = arith.constant 3 : i32
        %add3A_1058 = arith.addi %mul3A_1056, %add3A_1057 : i32
        %get3A_1059 = arith.constant 3 : i32
        %get3A_1060 = arith.index_cast %get3A_1059 : i32 to index
        %get3A_1061 = arith.index_cast %add3A_1058 : i32 to index
        %get3A_1062 = arith.constant 0 : index
        %get3A_1063 = tpu.vector_load %arg8[%get3A_1060, %get3A_1061, %get3A_1062] {strides = array<i32>} : memref<4x200x64xf32, #tpu.memory_space<vmem>>, vector<1x1x16xf32>,
        %get3A_1064 = vector.shape_cast %get3A_1063 : vector<1x1x16xf32> to vector<16xf32>
        %get3A_1065 = arith.index_cast %add3A_1058 : i32 to index
        %get3A_1066 = arith.constant 0 : index
        %get3A_1067 = tpu.vector_load %arg7[%get3A_1065, %get3A_1066] {strides = array<i32>} : memref<200x64xf32, #tpu.memory_space<vmem>>, vector<1x16xf32>,
        %get3A_1068 = vector.shape_cast %get3A_1067 : vector<1x16xf32> to vector<16xf32>
        %add3A_1069 = arith.addf %get3A_1064, %get3A_1068 : vector<16xf32>
        %swap3A_1070 = arith.constant 3 : i32
        %swap3A_1071 = arith.index_cast %swap3A_1070 : i32 to index
        %swap3A_1072 = arith.index_cast %add3A_1058 : i32 to index
        %swap3A_1073 = arith.constant 0 : index
        %swap3A_1074 = tpu.vector_load %arg8[%swap3A_1071, %swap3A_1072, %swap3A_1073] {strides = array<i32>} : memref<4x200x64xf32, #tpu.memory_space<vmem>>, vector<1x1x16xf32>,
        %swap3A_1075 = vector.shape_cast %swap3A_1074 : vector<1x1x16xf32> to vector<16xf32>
        %swap3A_1076 = vector.shape_cast %add3A_1069 : vector<16xf32> to vector<1x1x16xf32>
        tpu.vector_store %arg8[%swap3A_1071, %swap3A_1072, %swap3A_1073], %swap3A_1076 {strides = array<i32>} : memref<4x200x64xf32, #tpu.memory_space<vmem>>, vector<1x1x16xf32>,
        %get3A_1077 = arith.constant 3 : i32
        %get3A_1078 = arith.index_cast %get3A_1077 : i32 to index
        %get3A_1079 = arith.index_cast %add3A_1058 : i32 to index
        %get3A_1080 = arith.constant 16 : index
        %get3A_1081 = tpu.vector_load %arg8[%get3A_1078, %get3A_1079, %get3A_1080] {strides = array<i32>} : memref<4x200x64xf32, #tpu.memory_space<vmem>>, vector<1x1x16xf32>,
        %get3A_1082 = vector.shape_cast %get3A_1081 : vector<1x1x16xf32> to vector<16xf32>
        %get3A_1083 = arith.index_cast %add3A_1058 : i32 to index
        %get3A_1084 = arith.constant 16 : index
        %get3A_1085 = tpu.vector_load %arg7[%get3A_1083, %get3A_1084] {strides = array<i32>} : memref<200x64xf32, #tpu.memory_space<vmem>>, vector<1x16xf32>,
        %get3A_1086 = vector.shape_cast %get3A_1085 : vector<1x16xf32> to vector<16xf32>
        %add3A_1087 = arith.addf %get3A_1082, %get3A_1086 : vector<16xf32>
        %swap3A_1088 = arith.constant 3 : i32
        %swap3A_1089 = arith.index_cast %swap3A_1088 : i32 to index
        %swap3A_1090 = arith.index_cast %add3A_1058 : i32 to index
        %swap3A_1091 = arith.constant 16 : index
        %swap3A_1092 = tpu.vector_load %arg8[%swap3A_1089, %swap3A_1090, %swap3A_1091] {strides = array<i32>} : memref<4x200x64xf32, #tpu.memory_space<vmem>>, vector<1x1x16xf32>,
        %swap3A_1093 = vector.shape_cast %swap3A_1092 : vector<1x1x16xf32> to vector<16xf32>
        %swap3A_1094 = vector.shape_cast %add3A_1087 : vector<16xf32> to vector<1x1x16xf32>
        tpu.vector_store %arg8[%swap3A_1089, %swap3A_1090, %swap3A_1091], %swap3A_1094 {strides = array<i32>} : memref<4x200x64xf32, #tpu.memory_space<vmem>>, vector<1x1x16xf32>,
        %get3A_1095 = arith.constant 3 : i32
        %get3A_1096 = arith.index_cast %get3A_1095 : i32 to index
        %get3A_1097 = arith.index_cast %add3A_1058 : i32 to index
        %get3A_1098 = arith.constant 32 : index
        %get3A_1099 = tpu.vector_load %arg8[%get3A_1096, %get3A_1097, %get3A_1098] {strides = array<i32>} : memref<4x200x64xf32, #tpu.memory_space<vmem>>, vector<1x1x16xf32>,
        %get3A_1100 = vector.shape_cast %get3A_1099 : vector<1x1x16xf32> to vector<16xf32>
        %get3A_1101 = arith.index_cast %add3A_1058 : i32 to index
        %get3A_1102 = arith.constant 32 : index
        %get3A_1103 = tpu.vector_load %arg7[%get3A_1101, %get3A_1102] {strides = array<i32>} : memref<200x64xf32, #tpu.memory_space<vmem>>, vector<1x16xf32>,
        %get3A_1104 = vector.shape_cast %get3A_1103 : vector<1x16xf32> to vector<16xf32>
        %add3A_1105 = arith.addf %get3A_1100, %get3A_1104 : vector<16xf32>
        %swap3A_1106 = arith.constant 3 : i32
        %swap3A_1107 = arith.index_cast %swap3A_1106 : i32 to index
        %swap3A_1108 = arith.index_cast %add3A_1058 : i32 to index
        %swap3A_1109 = arith.constant 32 : index
        %swap3A_1110 = tpu.vector_load %arg8[%swap3A_1107, %swap3A_1108, %swap3A_1109] {strides = array<i32>} : memref<4x200x64xf32, #tpu.memory_space<vmem>>, vector<1x1x16xf32>,
        %swap3A_1111 = vector.shape_cast %swap3A_1110 : vector<1x1x16xf32> to vector<16xf32>
        %swap3A_1112 = vector.shape_cast %add3A_1105 : vector<16xf32> to vector<1x1x16xf32>
        tpu.vector_store %arg8[%swap3A_1107, %swap3A_1108, %swap3A_1109], %swap3A_1112 {strides = array<i32>} : memref<4x200x64xf32, #tpu.memory_space<vmem>>, vector<1x1x16xf32>,
        %get3A_1113 = arith.constant 3 : i32
        %get3A_1114 = arith.index_cast %get3A_1113 : i32 to index
        %get3A_1115 = arith.index_cast %add3A_1058 : i32 to index
        %get3A_1116 = arith.constant 48 : index
        %get3A_1117 = tpu.vector_load %arg8[%get3A_1114, %get3A_1115, %get3A_1116] {strides = array<i32>} : memref<4x200x64xf32, #tpu.memory_space<vmem>>, vector<1x1x16xf32>,
        %get3A_1118 = vector.shape_cast %get3A_1117 : vector<1x1x16xf32> to vector<16xf32>
        %get3A_1119 = arith.index_cast %add3A_1058 : i32 to index
        %get3A_1120 = arith.constant 48 : index
        %get3A_1121 = tpu.vector_load %arg7[%get3A_1119, %get3A_1120] {strides = array<i32>} : memref<200x64xf32, #tpu.memory_space<vmem>>, vector<1x16xf32>,
        %get3A_1122 = vector.shape_cast %get3A_1121 : vector<1x16xf32> to vector<16xf32>
        %add3A_1123 = arith.addf %get3A_1118, %get3A_1122 : vector<16xf32>
        %swap3A_1124 = arith.constant 3 : i32
        %swap3A_1125 = arith.index_cast %swap3A_1124 : i32 to index
        %swap3A_1126 = arith.index_cast %add3A_1058 : i32 to index
        %swap3A_1127 = arith.constant 48 : index
        %swap3A_1128 = tpu.vector_load %arg8[%swap3A_1125, %swap3A_1126, %swap3A_1127] {strides = array<i32>} : memref<4x200x64xf32, #tpu.memory_space<vmem>>, vector<1x1x16xf32>,
        %swap3A_1129 = vector.shape_cast %swap3A_1128 : vector<1x1x16xf32> to vector<16xf32>
        %swap3A_1130 = vector.shape_cast %add3A_1123 : vector<16xf32> to vector<1x1x16xf32>
        tpu.vector_store %arg8[%swap3A_1125, %swap3A_1126, %swap3A_1127], %swap3A_1130 {strides = array<i32>} : memref<4x200x64xf32, #tpu.memory_space<vmem>>, vector<1x1x16xf32>,
      }
      %scan3A_806 = arith.constant 50 : i32
      %add3A_807 = arith.addi %mul3A_2, %add3A_763 : i32
      %dma_start3A_808 = arith.constant 3 : i32
      %dma_start3A_809 = arith.constant 3 : i32
      %dma_start3A_810 = arith.constant 0 : i32
      %dma_start3A_811 = arith.constant 0 : i32
      %dma_start3A_812 = tpu.memref_slice %arg8[%dma_start3A_808, %dma_start3A_810, %dma_start3A_811] : memref<4x200x64xf32, #tpu.memory_space<vmem>> -> memref<1x200x64xf32, #tpu.memory_space<vmem>>
      %dma_start3A_813 = tpu.memref_squeeze %dma_start3A_812 : memref<1x200x64xf32, #tpu.memory_space<vmem>> -> memref<200x64xf32, #tpu.memory_space<vmem>>
      %dma_start3A_814 = arith.constant 0 : i32
      %dma_start3A_815 = arith.constant 0 : i32
      %dma_start3A_816 = tpu.memref_slice %arg5[%add3A_807, %dma_start3A_814, %dma_start3A_815] : memref<4096x200x64xf32, #tpu.memory_space<hbm>> -> memref<1x200x64xf32, #tpu.memory_space<hbm>>
      %dma_start3A_817 = tpu.memref_squeeze %dma_start3A_816 : memref<1x200x64xf32, #tpu.memory_space<hbm>> -> memref<200x64xf32, #tpu.memory_space<hbm>>
      %dma_start3A_818 = tpu.memref_slice %arg10[%dma_start3A_809] : memref<4x!tpu.dma_semaphore, #tpu.memory_space<semaphore_mem>> -> memref<1x!tpu.dma_semaphore, #tpu.memory_space<semaphore_mem>>
      %dma_start3A_819 = tpu.memref_squeeze %dma_start3A_818 : memref<1x!tpu.dma_semaphore, #tpu.memory_space<semaphore_mem>> -> memref<!tpu.dma_semaphore, #tpu.memory_space<semaphore_mem>>
      %dma_start3A_820 = arith.constant 0 : i32
      %dma_start3A_821 = arith.constant 0 : i32
      %dma_start3A_822 = tpu.memref_slice %arg5[%add3A_807, %dma_start3A_820, %dma_start3A_821] : memref<4096x200x64xf32, #tpu.memory_space<hbm>> -> memref<1x200x64xf32, #tpu.memory_space<hbm>>
      %dma_start3A_823 = tpu.memref_squeeze %dma_start3A_822 : memref<1x200x64xf32, #tpu.memory_space<hbm>> -> memref<200x64xf32, #tpu.memory_space<hbm>>
      %dma_start3A_824 = arith.constant 0 : i32
      %dma_start3A_825 = arith.constant 0 : i32
      %dma_start3A_826 = tpu.memref_slice %arg8[%dma_start3A_808, %dma_start3A_824, %dma_start3A_825] : memref<4x200x64xf32, #tpu.memory_space<vmem>> -> memref<1x200x64xf32, #tpu.memory_space<vmem>>
      %dma_start3A_827 = tpu.memref_squeeze %dma_start3A_826 : memref<1x200x64xf32, #tpu.memory_space<vmem>> -> memref<200x64xf32, #tpu.memory_space<vmem>>
      tpu.enqueue_dma source(%dma_start3A_827 : memref<200x64xf32, #tpu.memory_space<vmem>>) target(%dma_start3A_823 : memref<200x64xf32, #tpu.memory_space<hbm>>) target_semaphore(%dma_start3A_819 : memref<!tpu.dma_semaphore, #tpu.memory_space<semaphore_mem>>)
    }
    %scan3A_477 = arith.constant 31 : i32
    %dma_wait3A_478 = arith.constant 0 : i32
    %dma_wait3A_479 = arith.constant 0 : i32
    %dma_wait3A_480 = arith.constant 0 : i32
    %dma_wait3A_481 = arith.constant 0 : i32
    %dma_wait3A_482 = tpu.memref_slice %arg8[%dma_wait3A_478, %dma_wait3A_480, %dma_wait3A_481] : memref<4x200x64xf32, #tpu.memory_space<vmem>> -> memref<1x200x64xf32, #tpu.memory_space<vmem>>
    %dma_wait3A_483 = tpu.memref_squeeze %dma_wait3A_482 : memref<1x200x64xf32, #tpu.memory_space<vmem>> -> memref<200x64xf32, #tpu.memory_space<vmem>>
    %dma_wait3A_484 = arith.constant 0 : i32
    %dma_wait3A_485 = arith.constant 0 : i32
    %dma_wait3A_486 = tpu.memref_slice %arg5[%mul3A_2, %dma_wait3A_484, %dma_wait3A_485] : memref<4096x200x64xf32, #tpu.memory_space<hbm>> -> memref<1x200x64xf32, #tpu.memory_space<hbm>>
    %dma_wait3A_487 = tpu.memref_squeeze %dma_wait3A_486 : memref<1x200x64xf32, #tpu.memory_space<hbm>> -> memref<200x64xf32, #tpu.memory_space<hbm>>
    %dma_wait3A_488 = tpu.memref_slice %arg10[%dma_wait3A_479] : memref<4x!tpu.dma_semaphore, #tpu.memory_space<semaphore_mem>> -> memref<1x!tpu.dma_semaphore, #tpu.memory_space<semaphore_mem>>
    %dma_wait3A_489 = tpu.memref_squeeze %dma_wait3A_488 : memref<1x!tpu.dma_semaphore, #tpu.memory_space<semaphore_mem>> -> memref<!tpu.dma_semaphore, #tpu.memory_space<semaphore_mem>>
    %dma_wait3A_490 = arith.constant 0 : i32
    %dma_wait3A_491 = arith.constant 0 : i32
    %dma_wait3A_492 = tpu.memref_slice %arg5[%mul3A_2, %dma_wait3A_490, %dma_wait3A_491] : memref<4096x200x64xf32, #tpu.memory_space<hbm>> -> memref<1x200x64xf32, #tpu.memory_space<hbm>>
    %dma_wait3A_493 = tpu.memref_squeeze %dma_wait3A_492 : memref<1x200x64xf32, #tpu.memory_space<hbm>> -> memref<200x64xf32, #tpu.memory_space<hbm>>
    %dma_wait3A_494 = arith.constant 0 : i32
    %dma_wait3A_495 = arith.constant 0 : i32
    %dma_wait3A_496 = tpu.memref_slice %arg8[%dma_wait3A_478, %dma_wait3A_494, %dma_wait3A_495] : memref<4x200x64xf32, #tpu.memory_space<vmem>> -> memref<1x200x64xf32, #tpu.memory_space<vmem>>
    %dma_wait3A_497 = tpu.memref_squeeze %dma_wait3A_496 : memref<1x200x64xf32, #tpu.memory_space<vmem>> -> memref<200x64xf32, #tpu.memory_space<vmem>>
    tpu.wait_dma2 semaphore(%dma_wait3A_489 : memref<!tpu.dma_semaphore, #tpu.memory_space<semaphore_mem>>) src(%dma_wait3A_497 : memref<200x64xf32, #tpu.memory_space<vmem>>) dst(%dma_wait3A_493 : memref<200x64xf32, #tpu.memory_space<hbm>>)
    %dma_wait3A_498 = arith.constant 1 : i32
    %dma_wait3A_499 = arith.constant 1 : i32
    %dma_wait3A_500 = arith.constant 0 : i32
    %dma_wait3A_501 = arith.constant 0 : i32
    %dma_wait3A_502 = tpu.memref_slice %arg8[%dma_wait3A_498, %dma_wait3A_500, %dma_wait3A_501] : memref<4x200x64xf32, #tpu.memory_space<vmem>> -> memref<1x200x64xf32, #tpu.memory_space<vmem>>
    %dma_wait3A_503 = tpu.memref_squeeze %dma_wait3A_502 : memref<1x200x64xf32, #tpu.memory_space<vmem>> -> memref<200x64xf32, #tpu.memory_space<vmem>>
    %dma_wait3A_504 = arith.constant 0 : i32
    %dma_wait3A_505 = arith.constant 0 : i32
    %dma_wait3A_506 = tpu.memref_slice %arg5[%mul3A_2, %dma_wait3A_504, %dma_wait3A_505] : memref<4096x200x64xf32, #tpu.memory_space<hbm>> -> memref<1x200x64xf32, #tpu.memory_space<hbm>>
    %dma_wait3A_507 = tpu.memref_squeeze %dma_wait3A_506 : memref<1x200x64xf32, #tpu.memory_space<hbm>> -> memref<200x64xf32, #tpu.memory_space<hbm>>
    %dma_wait3A_508 = tpu.memref_slice %arg10[%dma_wait3A_499] : memref<4x!tpu.dma_semaphore, #tpu.memory_space<semaphore_mem>> -> memref<1x!tpu.dma_semaphore, #tpu.memory_space<semaphore_mem>>
    %dma_wait3A_509 = tpu.memref_squeeze %dma_wait3A_508 : memref<1x!tpu.dma_semaphore, #tpu.memory_space<semaphore_mem>> -> memref<!tpu.dma_semaphore, #tpu.memory_space<semaphore_mem>>
    %dma_wait3A_510 = arith.constant 0 : i32
    %dma_wait3A_511 = arith.constant 0 : i32
    %dma_wait3A_512 = tpu.memref_slice %arg5[%mul3A_2, %dma_wait3A_510, %dma_wait3A_511] : memref<4096x200x64xf32, #tpu.memory_space<hbm>> -> memref<1x200x64xf32, #tpu.memory_space<hbm>>
    %dma_wait3A_513 = tpu.memref_squeeze %dma_wait3A_512 : memref<1x200x64xf32, #tpu.memory_space<hbm>> -> memref<200x64xf32, #tpu.memory_space<hbm>>
    %dma_wait3A_514 = arith.constant 0 : i32
    %dma_wait3A_515 = arith.constant 0 : i32
    %dma_wait3A_516 = tpu.memref_slice %arg8[%dma_wait3A_498, %dma_wait3A_514, %dma_wait3A_515] : memref<4x200x64xf32, #tpu.memory_space<vmem>> -> memref<1x200x64xf32, #tpu.memory_space<vmem>>
    %dma_wait3A_517 = tpu.memref_squeeze %dma_wait3A_516 : memref<1x200x64xf32, #tpu.memory_space<vmem>> -> memref<200x64xf32, #tpu.memory_space<vmem>>
    tpu.wait_dma2 semaphore(%dma_wait3A_509 : memref<!tpu.dma_semaphore, #tpu.memory_space<semaphore_mem>>) src(%dma_wait3A_517 : memref<200x64xf32, #tpu.memory_space<vmem>>) dst(%dma_wait3A_513 : memref<200x64xf32, #tpu.memory_space<hbm>>)
    %dma_wait3A_518 = arith.constant 2 : i32
    %dma_wait3A_519 = arith.constant 2 : i32
    %dma_wait3A_520 = arith.constant 0 : i32
    %dma_wait3A_521 = arith.constant 0 : i32
    %dma_wait3A_522 = tpu.memref_slice %arg8[%dma_wait3A_518, %dma_wait3A_520, %dma_wait3A_521] : memref<4x200x64xf32, #tpu.memory_space<vmem>> -> memref<1x200x64xf32, #tpu.memory_space<vmem>>
    %dma_wait3A_523 = tpu.memref_squeeze %dma_wait3A_522 : memref<1x200x64xf32, #tpu.memory_space<vmem>> -> memref<200x64xf32, #tpu.memory_space<vmem>>
    %dma_wait3A_524 = arith.constant 0 : i32
    %dma_wait3A_525 = arith.constant 0 : i32
    %dma_wait3A_526 = tpu.memref_slice %arg5[%mul3A_2, %dma_wait3A_524, %dma_wait3A_525] : memref<4096x200x64xf32, #tpu.memory_space<hbm>> -> memref<1x200x64xf32, #tpu.memory_space<hbm>>
    %dma_wait3A_527 = tpu.memref_squeeze %dma_wait3A_526 : memref<1x200x64xf32, #tpu.memory_space<hbm>> -> memref<200x64xf32, #tpu.memory_space<hbm>>
    %dma_wait3A_528 = tpu.memref_slice %arg10[%dma_wait3A_519] : memref<4x!tpu.dma_semaphore, #tpu.memory_space<semaphore_mem>> -> memref<1x!tpu.dma_semaphore, #tpu.memory_space<semaphore_mem>>
    %dma_wait3A_529 = tpu.memref_squeeze %dma_wait3A_528 : memref<1x!tpu.dma_semaphore, #tpu.memory_space<semaphore_mem>> -> memref<!tpu.dma_semaphore, #tpu.memory_space<semaphore_mem>>
    %dma_wait3A_530 = arith.constant 0 : i32
    %dma_wait3A_531 = arith.constant 0 : i32
    %dma_wait3A_532 = tpu.memref_slice %arg5[%mul3A_2, %dma_wait3A_530, %dma_wait3A_531] : memref<4096x200x64xf32, #tpu.memory_space<hbm>> -> memref<1x200x64xf32, #tpu.memory_space<hbm>>
    %dma_wait3A_533 = tpu.memref_squeeze %dma_wait3A_532 : memref<1x200x64xf32, #tpu.memory_space<hbm>> -> memref<200x64xf32, #tpu.memory_space<hbm>>
    %dma_wait3A_534 = arith.constant 0 : i32
    %dma_wait3A_535 = arith.constant 0 : i32
    %dma_wait3A_536 = tpu.memref_slice %arg8[%dma_wait3A_518, %dma_wait3A_534, %dma_wait3A_535] : memref<4x200x64xf32, #tpu.memory_space<vmem>> -> memref<1x200x64xf32, #tpu.memory_space<vmem>>
    %dma_wait3A_537 = tpu.memref_squeeze %dma_wait3A_536 : memref<1x200x64xf32, #tpu.memory_space<vmem>> -> memref<200x64xf32, #tpu.memory_space<vmem>>
    tpu.wait_dma2 semaphore(%dma_wait3A_529 : memref<!tpu.dma_semaphore, #tpu.memory_space<semaphore_mem>>) src(%dma_wait3A_537 : memref<200x64xf32, #tpu.memory_space<vmem>>) dst(%dma_wait3A_533 : memref<200x64xf32, #tpu.memory_space<hbm>>)
    %dma_wait3A_538 = arith.constant 3 : i32
    %dma_wait3A_539 = arith.constant 3 : i32
    %dma_wait3A_540 = arith.constant 0 : i32
    %dma_wait3A_541 = arith.constant 0 : i32
    %dma_wait3A_542 = tpu.memref_slice %arg8[%dma_wait3A_538, %dma_wait3A_540, %dma_wait3A_541] : memref<4x200x64xf32, #tpu.memory_space<vmem>> -> memref<1x200x64xf32, #tpu.memory_space<vmem>>
    %dma_wait3A_543 = tpu.memref_squeeze %dma_wait3A_542 : memref<1x200x64xf32, #tpu.memory_space<vmem>> -> memref<200x64xf32, #tpu.memory_space<vmem>>
    %dma_wait3A_544 = arith.constant 0 : i32
    %dma_wait3A_545 = arith.constant 0 : i32
    %dma_wait3A_546 = tpu.memref_slice %arg5[%mul3A_2, %dma_wait3A_544, %dma_wait3A_545] : memref<4096x200x64xf32, #tpu.memory_space<hbm>> -> memref<1x200x64xf32, #tpu.memory_space<hbm>>
    %dma_wait3A_547 = tpu.memref_squeeze %dma_wait3A_546 : memref<1x200x64xf32, #tpu.memory_space<hbm>> -> memref<200x64xf32, #tpu.memory_space<hbm>>
    %dma_wait3A_548 = tpu.memref_slice %arg10[%dma_wait3A_539] : memref<4x!tpu.dma_semaphore, #tpu.memory_space<semaphore_mem>> -> memref<1x!tpu.dma_semaphore, #tpu.memory_space<semaphore_mem>>
    %dma_wait3A_549 = tpu.memref_squeeze %dma_wait3A_548 : memref<1x!tpu.dma_semaphore, #tpu.memory_space<semaphore_mem>> -> memref<!tpu.dma_semaphore, #tpu.memory_space<semaphore_mem>>
    %dma_wait3A_550 = arith.constant 0 : i32
    %dma_wait3A_551 = arith.constant 0 : i32
    %dma_wait3A_552 = tpu.memref_slice %arg5[%mul3A_2, %dma_wait3A_550, %dma_wait3A_551] : memref<4096x200x64xf32, #tpu.memory_space<hbm>> -> memref<1x200x64xf32, #tpu.memory_space<hbm>>
    %dma_wait3A_553 = tpu.memref_squeeze %dma_wait3A_552 : memref<1x200x64xf32, #tpu.memory_space<hbm>> -> memref<200x64xf32, #tpu.memory_space<hbm>>
    %dma_wait3A_554 = arith.constant 0 : i32
    %dma_wait3A_555 = arith.constant 0 : i32
    %dma_wait3A_556 = tpu.memref_slice %arg8[%dma_wait3A_538, %dma_wait3A_554, %dma_wait3A_555] : memref<4x200x64xf32, #tpu.memory_space<vmem>> -> memref<1x200x64xf32, #tpu.memory_space<vmem>>
    %dma_wait3A_557 = tpu.memref_squeeze %dma_wait3A_556 : memref<1x200x64xf32, #tpu.memory_space<vmem>> -> memref<200x64xf32, #tpu.memory_space<vmem>>
    tpu.wait_dma2 semaphore(%dma_wait3A_549 : memref<!tpu.dma_semaphore, #tpu.memory_space<semaphore_mem>>) src(%dma_wait3A_557 : memref<200x64xf32, #tpu.memory_space<vmem>>) dst(%dma_wait3A_553 : memref<200x64xf32, #tpu.memory_space<hbm>>)
    return
  }
}

</mosaic_0001>

<sc_bundles>
// kernel: kernel.3.cloned.1.call-start
scs
__scs_entry_jumppad:
0x0: {  	(pc) =	sbr.rel $0x88, $3  }
0x1: {  	(tag) =	ssettag $0x0;
	lr =	simm.s32 $0x1  }
0x2: {  	[smem:$0x3F9E] =	sst lr;
	_ =	strace $0xD0000000  }
0x3: {  	_ = 	snop  }
0x4: {  	_ = 	snop  }
0x5: {  	_ = 	snop  }
0x6: {  	_ = 	snop  }
0x7: {  	_ = 	snop  }
__scs_overlays_trampoline_lowered:
0x8: {  	[smem:$0x3FAD] =	sst s0  }
0x9: {  	[smem:$0x3FAE] =	sst s1  }
0xa: {  	[smem:$0x3FAF] =	sst s2  }
0xb: {  	[smem:$0x3FB0] =	sst s3  }
0xc: {  	[smem:$0x3FB1] =	sst s4  }
0xd: {  	[smem:$0x3FB2] =	sst s5  }
0xe: {  	[smem:$0x3FB3] =	sst s6  }
0xf: {  	[smem:$0x3FB4] =	sst s7  }
0x10: {  	[smem:$0x3FB5] =	sst s8  }
0x11: {  	[smem:$0x3FB6] =	sst s9;
	s0 =	simm.s32 @!p0 $0x0  }
0x12: {  	s1 =	sld [smem:$0x3F9C];
	s0 =	simm.s32 @p0 $0x1  }
0x13: {  	[smem:$0x3FB7] =	sst s0;
	s0 =	simm.s32 @!p1 $0x0  }
0x14: {  	s2 =	sld [smem:$0x3F9B];
	s0 =	simm.s32 @p1 $0x1  }
0x15: {  	[smem:$0x3FB8] =	sst s0;
	s0 =	simm.s32 @!p2 $0x0  }
0x16: {  	s3 =	sld [smem:$0x3FDB];
	s0 =	simm.s32 @p2 $0x1  }
0x17: {  	s4 =	simm.s32 $0x1BF5;
	[smem:$0x3FBA] =	sst s0  }
0x18: {  	s0 =	sld [smem:$0x3F9D];
	_ =	swait.ge [sflag:s4], $0x0  }
0x19: {  	s7 =	sld [smem:$0x3F9E]  }
0x1a: {  	s8 =	sadd.s32 $0xFFFFE003, lr  }
0x1b: {  	s9 =	sadd.s32 $0xFFFFFEF7, lr;
	s5 =	simm.s32 $0xFFFFFFFF;
	p2 =	slt.u32 s8, $0xFFFFF086  }
0x1c: {  	p1 =	slt.u32 s9, $0xF7A;
	s5 =	simm.s32 @!p2 $0x0  }
0x1d: {  	s5 =	simm.s32 @p1 $0x1;
	p0 =	seq.s32 s7, s2  }
0x1e: {  	s7 =	smul.u32 @!p0 $0xF7A, s2;
	p2 =	seq.s32 @!p0 s5, $0x0  }
0x1f: {  	s9 =	smul.u32 $0xF7A, s1;
	s8 =	simm.s32 @!p0 $0x1BF5;
	p2 =	por !p2, p0  }
0x20: {  	[sflag:s8] =	ssyncset.s32 @!p0 $0xFFFFF086;
	s6 =	sadd.s32 @!p0 s3, s7;
	s7 =	simm.s32 @!p0 $0x108  }
0x21: {  	s3 =	sadd.s32 s3, s9;
	s6 =	sadd.s32 @!p0 $0x88, s6;
	s7 =	simm.s32 @p2 $0x1082  }
0x22: {  	[simem:s7], [sflag:s8] =	dma.local @!p0 [hbm:s6], $0xF7A  }
0x23: {  	s9 =	sor.u32 $0xD0000000, s2;
	s6 =	simm.s32 $0x108;
	_ =	swait.ge @!p0 [sflag:s8], $0x0  }
0x24: {  	s3 =	sadd.s32 $0x88, s3;
	s6 =	simm.s32 @!p1 $0x1082;
	[sflag:s4] =	ssyncset.s32 $0xFFFFF086  }
0x25: {  	[simem:s6], [sflag:s4] =	dma.local [hbm:s3], $0xF7A  }
0x26: {  	[smem:$0x3F9E] =	sst s1;
	(tag) =	ssettag s2;
	_ =	strace s9  }
0x27: {  	s1 =	sld [smem:$0x3FAE]  }
0x28: {  	s2 =	sld [smem:$0x3FAF]  }
0x29: {  	s4 =	sld [smem:$0x3FB1]  }
0x2a: {  	p0 =	seq.s32 s5, $0x0;
	s5 =	sld [smem:$0x3FB2]  }
0x2b: {  	s6 =	sld [smem:$0x3FB3]  }
0x2c: {  	s7 =	sld [smem:$0x3FB4]  }
0x2d: {  	s3 =	simm.s32 $0x108;
	s8 =	sld [smem:$0x3FB5]  }
0x2e: {  	s3 =	simm.s32 @!p0 $0x1082;
	s9 =	sld [smem:$0x3FB6]  }
0x2f: {  	lr =	sadd.s32 s0, s3;
	s0 =	sld [smem:$0x3FAD]  }
0x30: {  	s3 =	sld [smem:$0x3FB0]  }
0x31: {  	[smem:$0x3FB9] =	sst s10  }
0x32: {  	s10 =	sld [smem:$0x3FB7];
	_ =	sdelay $0x3  }
0x33: {  	p0 =	seq.s32 s10, $0x1;
	s10 =	sld [smem:$0x3FB9];
	_ =	sdelay $0x3  }
0x34: {  	[smem:$0x3FB9] =	sst s10  }
0x35: {  	s10 =	sld [smem:$0x3FB8];
	_ =	sdelay $0x3  }
0x36: {  	p1 =	seq.s32 s10, $0x1;
	s10 =	sld [smem:$0x3FB9];
	_ =	sdelay $0x3  }
0x37: {  	[smem:$0x3FB9] =	sst s10  }
0x38: {  	s10 =	sld [smem:$0x3FBA]  }
0x39: {  	_ = 	snop;
	(pc) =	sbr.ind lr, $3  }
0x3a: {  	_ = 	snop  }
0x3b: {  	_ = 	snop  }
0x3c: {  	p2 =	seq.s32 s10, $0x1;
	s10 =	sld [smem:$0x3FB9]  }
0x3d: {  	_ =	shalt  }
0x3e: {  	_ =	shalt  }
0x3f: {  	_ =	shalt  }
0x40: {  	_ =	shalt  }
0x41: {  	_ =	shalt  }
0x42: {  	_ =	shalt  }
0x43: {  	_ =	shalt  }
0x44: {  	_ =	shalt  }
0x45: {  	_ =	shalt  }
0x46: {  	_ =	shalt  }
0x47: {  	_ =	shalt  }
0x48: {  	_ =	shalt  }
0x49: {  	_ =	shalt  }
0x4a: {  	_ =	shalt  }
0x4b: {  	_ =	shalt  }
0x4c: {  	_ =	shalt  }
0x4d: {  	_ =	shalt  }
0x4e: {  	_ =	shalt  }
0x4f: {  	_ =	shalt  }
0x50: {  	_ =	shalt  }
0x51: {  	_ =	shalt  }
0x52: {  	_ =	shalt  }
0x53: {  	_ =	shalt  }
0x54: {  	_ =	shalt  }
0x55: {  	_ =	shalt  }
0x56: {  	_ =	shalt  }
0x57: {  	_ =	shalt  }
0x58: {  	_ =	shalt  }
0x59: {  	_ =	shalt  }
0x5a: {  	_ =	shalt  }
0x5b: {  	_ =	shalt  }
0x5c: {  	_ =	shalt  }
0x5d: {  	_ =	shalt  }
0x5e: {  	_ =	shalt  }
0x5f: {  	_ =	shalt  }
0x60: {  	_ =	shalt  }
0x61: {  	_ =	shalt  }
0x62: {  	_ =	shalt  }
0x63: {  	_ =	shalt  }
0x64: {  	_ =	shalt  }
0x65: {  	_ =	shalt  }
0x66: {  	_ =	shalt  }
0x67: {  	_ =	shalt  }
0x68: {  	_ =	shalt  }
0x69: {  	_ =	shalt  }
0x6a: {  	_ =	shalt  }
0x6b: {  	_ =	shalt  }
0x6c: {  	_ =	shalt  }
0x6d: {  	_ =	shalt  }
0x6e: {  	_ =	shalt  }
0x6f: {  	_ =	shalt  }
0x70: {  	_ =	shalt  }
0x71: {  	_ =	shalt  }
0x72: {  	_ =	shalt  }
0x73: {  	_ =	shalt  }
0x74: {  	_ =	shalt  }
0x75: {  	_ =	shalt  }
0x76: {  	_ =	shalt  }
0x77: {  	_ =	shalt  }
0x78: {  	_ =	shalt  }
0x79: {  	_ =	shalt  }
0x7a: {  	_ =	shalt  }
0x7b: {  	_ =	shalt  }
0x7c: {  	_ =	shalt  }
0x7d: {  	_ =	shalt  }
0x7e: {  	_ =	shalt  }
0x7f: {  	_ =	shalt  }
0x80: {  	_ =	shalt  }
0x81: {  	_ =	shalt  }
0x82: {  	_ =	shalt  }
0x83: {  	_ =	shalt  }
0x84: {  	_ =	shalt  }
0x85: {  	_ =	shalt  }
0x86: {  	_ =	shalt  }
0x87: {  	_ =	shalt  }
.Lfunc_end0:
.L_simem_size_0:
called_computation.1_lowered:
.L_overlay_start_0:
0x88: {  	s2 =	sld [smem:$0x3FD9]  }
0x89: {  	s3 =	sld [smem:$0x3FFE];
	_ =	sdelay $0x1  }
0x8a: {  	s1 =	srdreg.scid  }
0x8b: {  	s0 =	sand.u32 $0x1, s1  }
0x8c: {  	s17 =	sshll.u32 s0, $0xA;
	s2 =	sadd.s32 s3, s2  }
0x8d: {  	s2 =	sadd.s32 s2, s17  }
0x8e: {  	[smem:$0x3FC5] =	sst s2  }
0x8f: {  	_ = 	snop  }
0x90: {  	s2 =	sld [smem:$0x3FD0];
	(tm) =	ssettm $0x1  }
0x91: {  	s18 =	sld [smem:$0x3FFB];
	_ =	sdelay $0x3  }
0x92: {  	_ =	strace s18  }
0x93: {  	s3 =	sld [smem:$0x3FFC];
	_ =	sdelay $0x3  }
0x94: {  	_ =	strace s3  }
0x95: {  	s3 =	sld [smem:$0x3FFD];
	_ =	sdelay $0x3  }
0x96: {  	_ =	strace s3  }
0x97: {  	_ =	strace $0x8FFFFFFF  }
0x98: {  	s19 =	sld [smem:$0x3FDB];
	_ =	sdelay $0x1  }
0x99: {  	s4 =	simm.s32 $_scs_section_size  }
0x9a: {  	s5 =	simm.s32 $_size__tile_overlayer_lowered;
	s6 =	simm.s32 $_tile_overlayer_lowered  }
0x9b: {  	s22 =	simm.s32 $0x1BFF;
	s21 =	sshll.u32 s6, $0x1;
	s3 =	sadd.s32 s4, s19  }
0x9c: {  	s7 =	simm.s32 $0x0;
	s20 =	sshll.u32 s5, $0x1;
	s5 =	sadd.s32 s21, s3  }
0x9d: {  	[timem:s7], [sflag:s22] =	dma.local [hbm:s5], s20  }
0x9e: {  	_ =	swait.ge [sflag:s22], s20  }
0x9f: {  	s4 =	ssub.s32 $0x0, s20;
	[sflag:s22] =	ssyncset.done $0x0  }
0xa0: {  	[sflag:s22] =	ssyncadd.s32 s4;
	_ =	sdelay $0x1  }
0xa1: {  	s23 =	simm.s32 $0x1B8B  }
0xa2: {  	_ =	swait.ge [sflag:s23], $0x1  }
0xa3: {  	[sflag:s23] =	ssyncset.done $0x0  }
0xa4: {  	s25 =	simm.s32 $0x1B8E;
	s24 =	sld [smem:$0x3FFE];
	[sflag:s23] =	ssyncadd.s32 $0xFFFFFFFF  }
0xa5: {  	s26 =	simm.s32 $execute0_lowered;
	[smem:$0x3FD2] =	sst s25  }
0xa6: {  	s5 =	sshll.u32 s26, $0x1;
	_ =	strace $0x80000046;
	[dreg:$0x1] =	wrdreg $0xFFFFFFFF  }
0xa7: {  	s28 =	simm.s32 $_size_execute0_lowered;
	s3 =	sadd.s32 s3, s5;
	[dreg:$0x0] =	wrdreg $0x0  }
0xa8: {  	s5 =	sshll.u32 s28, $0x1;
	[dreg:$0x2] =	wrdreg s3  }
0xa9: {  	[dreg:$0x3] =	wrdreg s5  }
0xaa: {  	[dreg:$0x4] =	wrdreg $0xC0  }
0xab: {  	_ =	task [dreg:s7], $0x5FFFF  }
0xac: {  	[dreg:$0x1] =	wrdreg $0xFFFFFFFF  }
0xad: {  	[dreg:$0x0] =	wrdreg $0x60  }
0xae: {  	[dreg:$0x2] =	wrdreg s24  }
0xaf: {  	[dreg:$0x3] =	wrdreg s2  }
0xb0: {  	[dreg:$0x4] =	wrdreg $0x9  }
0xb1: {  	_ =	task.clear_ibuf [dreg:s7], $0x5FFFF;
	_ =	strace $0x90000046  }
0xb2: {  	s29 =	simm.s32 $0x9;
	_ =	strace $0x80000048  }
0xb3: {  	_ =	swait.ge [sflag:s29], $0x1  }
0xb4: {  	[sflag:s29] =	ssyncadd.s32 $0xFFFFFFFF  }
0xb5: {  	_ =	strace $0x90000048  }
0xb6: {  	_ =	sfence  }
0xb7: {  	s30 =	sld [smem:$0x0];
	_ =	sdelay $0x2  }
0xb8: {  	s31 =	sshll.u32 s1, $0xD;
	s1 =	sshrl.u32 s1, $0x2  }
0xb9: {  	s3 =	sand.u32 $0x4000, s31;
	s1 =	sadd.s32 s1, s30  }
0xba: {  	s0 =	sor.u32 s3, s0;
	s1 =	sshll.u32 s1, $0x11  }
0xbb: {  	s0 =	sor.u32 s1, s0  }
0xbc: {  	s0 =	sadd.s32 $0x8F2B, s0  }
0xbd: {  	[sflag:s0] =	ssyncadd.remote.s32 $0x1  }
0xbe: {  	_ =	sfence.sel $0xFFFF  }
0xbf: {  	[dreg:$0x0] =	wrdreg $0xFFFFFFFF;
	(pc) =	sbr.abs _section_cstart, $3  }
0xc0: {  	[dreg:$0x1] =	wrdreg $0xFFFFFFFF  }
0xc1: {  	_ =	task.clear_ibuf [dreg:s7], $0x2FFFF;
	_ =	strace $0x9FFFFFFF  }
0xc2: {  	(tm) =	ssettm $0x7FFFFFFF  }
0xc3: {  	_ =	shalt  }
tec
execute0_lowered:
.L_overlay_start_1:
0x0: {  	(tag) =	ssettag $0x1  }
0x1: {  	s0 =	srdreg.scid  }
0x2: {  	s1 =	rddreg [dreg:$0x0];
	s3 =	stileid.u32  }
0x3: {  	s2 =	rddreg [dreg:$0x1];
	s13 =	simm.s32 $0x9;
	s15 =	simm.s32 $0x64  }
0x4: {  	s16 =	simm.s32 $0x9A00;
	s10 =	simm.s32 $0xB300;
	s20 =	simm.s32 $0xCC00  }
0x5: {  	s18 =	simm.s32 $0xE500;
	s24 =	simm.s32 $0xFE00;
	s28 =	simm.s32 $0x1  }
0x6: {  	s30 =	simm.s32 $0x13000;
	s14 =	simm.s32 $0x5;
	s21 =	simm.s32 $0x3  }
0x7: {  	s23 =	simm.s32 $0x6;
	s31 =	simm.s32 $0x4;
	s17 =	simm.s32 $0x7  }
0x8: {  	s19 =	simm.s32 $0x8;
	s0 =	sand.u32 $0x1, s0;
	s4 =	sshll.u32 s3, $0x8  }
0x9: {  	s3 =	simm.s32 $0x0;
	s5 =	sshll.u32 s0, $0x7;
	s0 =	ssub.s32 $0x2, s0  }
0xa: {  	[smem:$0x7FF] =	sst s3;
	s4 =	sor.u32 s5, s4;
	s7 =	sshrl.u32 s0, $0x1  }
0xb: {  	_ =	strace $0x80000047;
	s5 =	smul.u32 $0x1A, s4;
	s0 =	ssub.s32 s0, s7  }
0xc: {  	s6 =	smul.u32 $0x640, s4;
	s12 =	smax.u32 s0, $0x1;
	s0 =	simm.s32 $0x2  }
0xd: {  	s8 =	sadd.s32 s5, s1;
	s5 =	sadd.s32 $0xF43000, s1;
	s1 =	sadd.s32 $0x1AC00, s1  }
0xe: {  	s7 =	sadd.s32 s2, s6;
	[dreg:$0x3] =	wrdreg s1;
	s25 =	sadd.s32 $0xC00, s8  }
0xf: {  	s26 =	sadd.s32 $0x640, s7;
	s29 =	sadd.s32 $0xC80, s7;
	[dreg:$0x4] =	wrdreg s25  }
0x10: {  	s11 =	sadd.s32 $0x12C0, s7;
	s1 =	simm.s32 $0x14900;
	[dreg:$0x5] =	wrdreg s26  }
0x11: {  	[dreg:$0x6] =	wrdreg s29;
	s26 =	simm.s32 $0x11700;
	s25 =	simm.s32 $0x0  }
.LBB2_1:
0x12: {  	s6 =	rddreg [dreg:$0x4]  }
0x13: {  	[tilespmem:s3], [sflag:$0x9] =	stream.linear.gather [hbm4b:s6+s3], $0x6800, $0x38;
	[tilespmem:$0x16200] =	vst v63  }
0x14: {  	_ =	swait.ge [sflag:s13], $0x6800  }
0x15: {  	[sflag:s13] =	ssyncset.done $0x0  }
0x16: {  	s8 =	simm.s32 $0x6800;
	s22 =	rddreg [dreg:$0x3];
	[sflag:s13] =	ssyncadd.s32 $0xFFFF9800  }
0x17: {  	[tilespmem:s8], [sflag:$0x9] =	stream.linear.gather [hbm4b:s22+s3], $0x3200, $0x38;
	[tilespmem:$0x16200] =	vst v63  }
0x18: {  	_ =	swait.ge [sflag:s13], $0x3200  }
0x19: {  	[sflag:s13] =	ssyncset.done $0x0  }
0x1a: {  	[sflag:s13] =	ssyncadd.s32 $0xFFFFCE00  }
0x1b: {  	[tilespmem:s16], [sflag:$0x1] =	stream.indirect.gather [hbm4b:s5+s15], $0x40, s3, s15, $0xb8;
	[tilespmem:$0x16200] =	vst v63  }
0x1c: {  	s29 =	simm.s32 $0x68  }
0x1d: {  	[tilespmem:s10], [sflag:$0x1] =	stream.indirect.gather [hbm4b:s5+s15], $0x40, s29, s15, $0xb8;
	[tilespmem:$0x16200] =	vst v63  }
0x1e: {  	s8 =	simm.s32 $0xD0  }
0x1f: {  	[tilespmem:s20], [sflag:$0x2] =	stream.indirect.gather [hbm4b:s5+s15], $0x40, s8, s15, $0xb8;
	[tilespmem:$0x16200] =	vst v63  }
0x20: {  	s9 =	simm.s32 $0x138  }
0x21: {  	[tilespmem:s18], [sflag:$0x2] =	stream.indirect.gather [hbm4b:s5+s15], $0x40, s9, s15, $0xb8;
	[tilespmem:$0x16200] =	vst v63  }
0x22: {  	s22 =	simm.s32 $0x1A0  }
0x23: {  	[tilespmem:s24], [sflag:$0x3] =	stream.indirect.gather [hbm4b:s5+s15], $0x40, s22, s15, $0xb8;
	[tilespmem:$0x16200] =	vst v63  }
0x24: {  	s29 =	simm.s32 $0x208  }
0x25: {  	[tilespmem:s26], [sflag:$0x3] =	stream.indirect.gather [hbm4b:s5+s15], $0x40, s29, s15, $0xb8;
	[tilespmem:$0x16200] =	vst v63  }
0x26: {  	_ =	swait.ge [sflag:s28], $0x1900  }
0x27: {  	[sflag:s28] =	ssyncset.done $0x0  }
0x28: {  	[sflag:s28] =	ssyncadd.s32 $0xFFFFE700  }
0x29: {  	_ =	swait.ge [sflag:s28], $0x1900  }
0x2a: {  	[sflag:s28] =	ssyncset.done $0x0  }
0x2b: {  	s6 =	simm.s32 $0x0;
	[sflag:s28] =	ssyncadd.s32 $0xFFFFE700  }
0x2c: {  	v6 =	vld [tilespmem:s6+$0x6800]  }
0x2d: {  	v7 =	vld [tilespmem:s6+$0x6810]  }
0x2e: {  	v8 =	vld [tilespmem:s6+$0x6820]  }
0x2f: {  	v9 =	vld [tilespmem:s6+$0x6830]  }
0x30: {  	v10 =	vld [tilespmem:s6+$0x6840]  }
0x31: {  	v11 =	vld [tilespmem:s6+$0x6850]  }
0x32: {  	v12 =	vld [tilespmem:s6+$0x6860]  }
0x33: {  	v13 =	vld [tilespmem:s6+$0x6870]  }
0x34: {  	v14 =	vld [tilespmem:s6+$0x6880]  }
0x35: {  	v15 =	vld [tilespmem:s6+$0x6890]  }
0x36: {  	v5 =	vld [tilespmem:s6+$0x68A0]  }
0x37: {  	v4 =	vld [tilespmem:s6+$0x68B0]  }
0x38: {  	v3 =	vld [tilespmem:s6+$0x68C0]  }
0x39: {  	v2 =	vld [tilespmem:s6+$0x68D0]  }
0x3a: {  	v1 =	vld [tilespmem:s6+$0x68E0]  }
0x3b: {  	v0 =	vld [tilespmem:s6+$0x68F0]  }
0x3c: {  	v16 =	vld [tilespmem:s6+$0x9A00]  }
0x3d: {  	v17 =	vld [tilespmem:s6+$0x9A10]  }
0x3e: {  	v18 =	vld [tilespmem:s6+$0x9A20]  }
0x3f: {  	v19 =	vld [tilespmem:s6+$0x9A30]  }
0x40: {  	v20 =	vld [tilespmem:s6+$0x9A40]  }
0x41: {  	v60 =	vld [tilespmem:s6+$0x9A50];
	v6 =	vadd.f32 v6, v16  }
0x42: {  	v21 =	vld [tilespmem:s6+$0x9A60];
	v7 =	vadd.f32 v7, v17  }
0x43: {  	v61 =	vld [tilespmem:s6+$0x9A70];
	[tilespmem:s6+$0x9A00] =	vst v6;
	v6 =	vadd.f32 v8, v18  }
0x44: {  	v62 =	vld [tilespmem:s6+$0x9A80];
	[tilespmem:s6+$0x9A10] =	vst v7;
	v7 =	vadd.f32 v9, v19  }
0x45: {  	v63 =	vld [tilespmem:s6+$0x9A90];
	[tilespmem:s6+$0x9A20] =	vst v6;
	v6 =	vadd.f32 v10, v20  }
0x46: {  	v8 =	vadd.f32 v11, v60;
	[tilespmem:s6+$0x9A30] =	vst v7;
	v7 =	vld [tilespmem:s6+$0x9AA0]  }
0x47: {  	v9 =	vadd.f32 v12, v21;
	[tilespmem:s6+$0x9A40] =	vst v6;
	v6 =	vld [tilespmem:s6+$0x9AB0]  }
0x48: {  	[tilespmem:s6+$0x9A50] =	vst v8;
	v8 =	vld [tilespmem:s6+$0x9AC0];
	v10 =	vadd.f32 v13, v61  }
0x49: {  	v12 =	vadd.f32 v14, v62;
	[tilespmem:s6+$0x9A60] =	vst v9;
	v9 =	vld [tilespmem:s6+$0x9AD0]  }
0x4a: {  	s8 =	simm.s32 $0x400;
	v11 =	vadd.f32 v15, v63;
	[tilespmem:s6+$0x9A70] =	vst v10;
	v10 =	vld [tilespmem:s6+$0x9AE0]  }
.LBB2_2:
0x4b: {  	s9 =	sshra.s32 s8, $0x2;
	p0 =	sne.s32 s8, $0xC400;
	[tilespmem:s6+$0x9A80] =	vst v12;
	v5 =	vadd.f32 v5, v7;
	v7 =	vld [tilespmem:s6+$0x9AF0]  }
0x4c: {  	v12 =	vld [tilespmem:s9+$0x6800];
	[tilespmem:s6+$0x9A90] =	vst v11;
	v4 =	vadd.f32 v4, v6  }
0x4d: {  	v6 =	vld [tilespmem:s9+$0x6810];
	[tilespmem:s6+$0x9AA0] =	vst v5;
	v3 =	vadd.f32 v3, v8  }
0x4e: {  	v8 =	vld [tilespmem:s9+$0x6820];
	[tilespmem:s6+$0x9AB0] =	vst v4;
	v2 =	vadd.f32 v2, v9  }
0x4f: {  	v9 =	vld [tilespmem:s9+$0x6830];
	[tilespmem:s6+$0x9AC0] =	vst v3;
	v1 =	vadd.f32 v1, v10  }
0x50: {  	v10 =	vld [tilespmem:s9+$0x6840];
	[tilespmem:s6+$0x9AD0] =	vst v2;
	v0 =	vadd.f32 v0, v7  }
0x51: {  	v7 =	vld [tilespmem:s9+$0x6850];
	[tilespmem:s6+$0x9AE0] =	vst v1  }
0x52: {  	v11 =	vld [tilespmem:s9+$0x6860];
	[tilespmem:s6+$0x9AF0] =	vst v0;
	s6 =	smov.u32 s9  }
0x53: {  	v13 =	vld [tilespmem:s6+$0x6870]  }
0x54: {  	v14 =	vld [tilespmem:s6+$0x6880]  }
0x55: {  	v15 =	vld [tilespmem:s6+$0x6890]  }
0x56: {  	v5 =	vld [tilespmem:s6+$0x68A0]  }
0x57: {  	v4 =	vld [tilespmem:s6+$0x68B0]  }
0x58: {  	v3 =	vld [tilespmem:s6+$0x68C0]  }
0x59: {  	v2 =	vld [tilespmem:s6+$0x68D0]  }
0x5a: {  	v1 =	vld [tilespmem:s6+$0x68E0]  }
0x5b: {  	v0 =	vld [tilespmem:s6+$0x68F0]  }
0x5c: {  	v16 =	vld [tilespmem:s6+$0x9A00]  }
0x5d: {  	v17 =	vld [tilespmem:s6+$0x9A10]  }
0x5e: {  	v18 =	vld [tilespmem:s6+$0x9A20]  }
0x5f: {  	v19 =	vld [tilespmem:s6+$0x9A30]  }
0x60: {  	v20 =	vld [tilespmem:s6+$0x9A40]  }
0x61: {  	v12 =	vadd.f32 v12, v16;
	v16 =	vld [tilespmem:s6+$0x9A50]  }
0x62: {  	v6 =	vadd.f32 v6, v17;
	v17 =	vld [tilespmem:s6+$0x9A60]  }
0x63: {  	[tilespmem:s6+$0x9A00] =	vst v12;
	v8 =	vadd.f32 v8, v18;
	v12 =	vld [tilespmem:s6+$0x9A70]  }
0x64: {  	[tilespmem:s6+$0x9A10] =	vst v6;
	v6 =	vadd.f32 v9, v19;
	v9 =	vld [tilespmem:s6+$0x9A80]  }
0x65: {  	[tilespmem:s6+$0x9A20] =	vst v8;
	v8 =	vadd.f32 v10, v20;
	v10 =	vld [tilespmem:s6+$0x9A90]  }
.Ltmp0:
0x66: {  	[tilespmem:s6+$0x9A30] =	vst v6;
	v16 =	vadd.f32 v7, v16;
	v7 =	vld [tilespmem:s6+$0x9AA0];
	(pc) =	sbr.rel @p0 .LBB2_2-.Ltmp0, $4  }
0x67: {  	[tilespmem:s6+$0x9A40] =	vst v8;
	v11 =	vadd.f32 v11, v17;
	v6 =	vld [tilespmem:s6+$0x9AB0]  }
0x68: {  	[tilespmem:s6+$0x9A50] =	vst v16;
	v13 =	vadd.f32 v13, v12;
	v8 =	vld [tilespmem:s6+$0x9AC0]  }
0x69: {  	[tilespmem:s6+$0x9A60] =	vst v11;
	v12 =	vadd.f32 v14, v9;
	v9 =	vld [tilespmem:s6+$0x9AD0]  }
0x6a: {  	s8 =	sadd.s32 $0x400, s8;
	[tilespmem:s6+$0x9A70] =	vst v13;
	v11 =	vadd.f32 v15, v10;
	v10 =	vld [tilespmem:s6+$0x9AE0]  }
0x6b: {  	[tilespmem:s6+$0x9A80] =	vst v12;
	v5 =	vadd.f32 v5, v7;
	v7 =	vld [tilespmem:s6+$0x9AF0]  }
0x6c: {  	[tilespmem:s6+$0x9A90] =	vst v11;
	v4 =	vadd.f32 v4, v6  }
0x6d: {  	[tilespmem:s6+$0x9AA0] =	vst v5;
	v3 =	vadd.f32 v3, v8  }
0x6e: {  	[tilespmem:s6+$0x9AB0] =	vst v4;
	v2 =	vadd.f32 v2, v9  }
0x6f: {  	[tilespmem:s6+$0x9AC0] =	vst v3;
	v1 =	vadd.f32 v1, v10  }
0x70: {  	[tilespmem:s6+$0x9AD0] =	vst v2;
	v0 =	vadd.f32 v0, v7  }
0x71: {  	[tilespmem:s6+$0x9AE0] =	vst v1  }
0x72: {  	s9 =	simm.s32 $0x0;
	[tilespmem:s6+$0x9AF0] =	vst v0  }
0x73: {  	[hbm4b:s7+s9] =	stream.linear.scatter [tilespmem:s16], [sflag:$0x5], $0x3200, $0x38;
	[tilespmem:$0x16200] =	vst v63  }
0x74: {  	s22 =	simm.s32 $0x270  }
0x75: {  	[tilespmem:s30], [sflag:$0x4] =	stream.indirect.gather [hbm4b:s5+s15], $0x40, s22, s15, $0xb8;
	[tilespmem:$0x16200] =	vst v63  }
0x76: {  	s29 =	simm.s32 $0x2D8  }
0x77: {  	[tilespmem:s1], [sflag:$0x4] =	stream.indirect.gather [hbm4b:s5+s15], $0x40, s29, s15, $0xb8;
	[tilespmem:$0x16200] =	vst v63  }
0x78: {  	_ =	swait.ge [sflag:s0], $0x1900  }
0x79: {  	[sflag:s0] =	ssyncset.done $0x0  }
0x7a: {  	[sflag:s0] =	ssyncadd.s32 $0xFFFFE700  }
0x7b: {  	_ =	swait.ge [sflag:s0], $0x1900  }
0x7c: {  	[sflag:s0] =	ssyncset.done $0x0  }
0x7d: {  	s6 =	simm.s32 $0x0;
	[sflag:s0] =	ssyncadd.s32 $0xFFFFE700  }
0x7e: {  	v6 =	vld [tilespmem:s6+$0x6800]  }
0x7f: {  	v7 =	vld [tilespmem:s6+$0x6810]  }
0x80: {  	v8 =	vld [tilespmem:s6+$0x6820]  }
0x81: {  	v9 =	vld [tilespmem:s6+$0x6830]  }
0x82: {  	v10 =	vld [tilespmem:s6+$0x6840]  }
0x83: {  	v11 =	vld [tilespmem:s6+$0x6850]  }
0x84: {  	v12 =	vld [tilespmem:s6+$0x6860]  }
0x85: {  	v13 =	vld [tilespmem:s6+$0x6870]  }
0x86: {  	v14 =	vld [tilespmem:s6+$0x6880]  }
0x87: {  	v15 =	vld [tilespmem:s6+$0x6890]  }
0x88: {  	v5 =	vld [tilespmem:s6+$0x68A0]  }
0x89: {  	v4 =	vld [tilespmem:s6+$0x68B0]  }
0x8a: {  	v3 =	vld [tilespmem:s6+$0x68C0]  }
0x8b: {  	v2 =	vld [tilespmem:s6+$0x68D0]  }
0x8c: {  	v1 =	vld [tilespmem:s6+$0x68E0]  }
0x8d: {  	v0 =	vld [tilespmem:s6+$0x68F0]  }
0x8e: {  	v16 =	vld [tilespmem:s6+$0xCC00]  }
0x8f: {  	v17 =	vld [tilespmem:s6+$0xCC10]  }
0x90: {  	v18 =	vld [tilespmem:s6+$0xCC20]  }
0x91: {  	v19 =	vld [tilespmem:s6+$0xCC30]  }
0x92: {  	v20 =	vld [tilespmem:s6+$0xCC40]  }
0x93: {  	v60 =	vld [tilespmem:s6+$0xCC50];
	v6 =	vadd.f32 v6, v16  }
0x94: {  	v21 =	vld [tilespmem:s6+$0xCC60];
	v7 =	vadd.f32 v7, v17  }
0x95: {  	v61 =	vld [tilespmem:s6+$0xCC70];
	[tilespmem:s6+$0xCC00] =	vst v6;
	v6 =	vadd.f32 v8, v18  }
0x96: {  	v62 =	vld [tilespmem:s6+$0xCC80];
	[tilespmem:s6+$0xCC10] =	vst v7;
	v7 =	vadd.f32 v9, v19  }
0x97: {  	v63 =	vld [tilespmem:s6+$0xCC90];
	[tilespmem:s6+$0xCC20] =	vst v6;
	v6 =	vadd.f32 v10, v20  }
0x98: {  	v8 =	vadd.f32 v11, v60;
	[tilespmem:s6+$0xCC30] =	vst v7;
	v7 =	vld [tilespmem:s6+$0xCCA0]  }
0x99: {  	v9 =	vadd.f32 v12, v21;
	[tilespmem:s6+$0xCC40] =	vst v6;
	v6 =	vld [tilespmem:s6+$0xCCB0]  }
0x9a: {  	[tilespmem:s6+$0xCC50] =	vst v8;
	v8 =	vld [tilespmem:s6+$0xCCC0];
	v10 =	vadd.f32 v13, v61  }
0x9b: {  	v12 =	vadd.f32 v14, v62;
	[tilespmem:s6+$0xCC60] =	vst v9;
	v9 =	vld [tilespmem:s6+$0xCCD0]  }
0x9c: {  	s8 =	simm.s32 $0x400;
	v11 =	vadd.f32 v15, v63;
	[tilespmem:s6+$0xCC70] =	vst v10;
	v10 =	vld [tilespmem:s6+$0xCCE0]  }
.LBB2_4:
0x9d: {  	s9 =	sshra.s32 s8, $0x2;
	p0 =	sne.s32 s8, $0xC400;
	[tilespmem:s6+$0xCC80] =	vst v12;
	v5 =	vadd.f32 v5, v7;
	v7 =	vld [tilespmem:s6+$0xCCF0]  }
0x9e: {  	v12 =	vld [tilespmem:s9+$0x6800];
	[tilespmem:s6+$0xCC90] =	vst v11;
	v4 =	vadd.f32 v4, v6  }
0x9f: {  	v6 =	vld [tilespmem:s9+$0x6810];
	[tilespmem:s6+$0xCCA0] =	vst v5;
	v3 =	vadd.f32 v3, v8  }
0xa0: {  	v8 =	vld [tilespmem:s9+$0x6820];
	[tilespmem:s6+$0xCCB0] =	vst v4;
	v2 =	vadd.f32 v2, v9  }
0xa1: {  	v9 =	vld [tilespmem:s9+$0x6830];
	[tilespmem:s6+$0xCCC0] =	vst v3;
	v1 =	vadd.f32 v1, v10  }
0xa2: {  	v10 =	vld [tilespmem:s9+$0x6840];
	[tilespmem:s6+$0xCCD0] =	vst v2;
	v0 =	vadd.f32 v0, v7  }
0xa3: {  	v7 =	vld [tilespmem:s9+$0x6850];
	[tilespmem:s6+$0xCCE0] =	vst v1  }
0xa4: {  	v11 =	vld [tilespmem:s9+$0x6860];
	[tilespmem:s6+$0xCCF0] =	vst v0;
	s6 =	smov.u32 s9  }
0xa5: {  	v13 =	vld [tilespmem:s6+$0x6870]  }
0xa6: {  	v14 =	vld [tilespmem:s6+$0x6880]  }
0xa7: {  	v15 =	vld [tilespmem:s6+$0x6890]  }
0xa8: {  	v5 =	vld [tilespmem:s6+$0x68A0]  }
0xa9: {  	v4 =	vld [tilespmem:s6+$0x68B0]  }
0xaa: {  	v3 =	vld [tilespmem:s6+$0x68C0]  }
0xab: {  	v2 =	vld [tilespmem:s6+$0x68D0]  }
0xac: {  	v1 =	vld [tilespmem:s6+$0x68E0]  }
0xad: {  	v0 =	vld [tilespmem:s6+$0x68F0]  }
0xae: {  	v16 =	vld [tilespmem:s6+$0xCC00]  }
0xaf: {  	v17 =	vld [tilespmem:s6+$0xCC10]  }
0xb0: {  	v18 =	vld [tilespmem:s6+$0xCC20]  }
0xb1: {  	v19 =	vld [tilespmem:s6+$0xCC30]  }
0xb2: {  	v20 =	vld [tilespmem:s6+$0xCC40]  }
0xb3: {  	v12 =	vadd.f32 v12, v16;
	v16 =	vld [tilespmem:s6+$0xCC50]  }
0xb4: {  	v6 =	vadd.f32 v6, v17;
	v17 =	vld [tilespmem:s6+$0xCC60]  }
0xb5: {  	[tilespmem:s6+$0xCC00] =	vst v12;
	v8 =	vadd.f32 v8, v18;
	v12 =	vld [tilespmem:s6+$0xCC70]  }
0xb6: {  	[tilespmem:s6+$0xCC10] =	vst v6;
	v6 =	vadd.f32 v9, v19;
	v9 =	vld [tilespmem:s6+$0xCC80]  }
0xb7: {  	[tilespmem:s6+$0xCC20] =	vst v8;
	v8 =	vadd.f32 v10, v20;
	v10 =	vld [tilespmem:s6+$0xCC90]  }
.Ltmp1:
0xb8: {  	[tilespmem:s6+$0xCC30] =	vst v6;
	v16 =	vadd.f32 v7, v16;
	v7 =	vld [tilespmem:s6+$0xCCA0];
	(pc) =	sbr.rel @p0 .LBB2_4-.Ltmp1, $4  }
0xb9: {  	[tilespmem:s6+$0xCC40] =	vst v8;
	v11 =	vadd.f32 v11, v17;
	v6 =	vld [tilespmem:s6+$0xCCB0]  }
0xba: {  	[tilespmem:s6+$0xCC50] =	vst v16;
	v13 =	vadd.f32 v13, v12;
	v8 =	vld [tilespmem:s6+$0xCCC0]  }
0xbb: {  	[tilespmem:s6+$0xCC60] =	vst v11;
	v12 =	vadd.f32 v14, v9;
	v9 =	vld [tilespmem:s6+$0xCCD0]  }
0xbc: {  	s8 =	sadd.s32 $0x400, s8;
	[tilespmem:s6+$0xCC70] =	vst v13;
	v11 =	vadd.f32 v15, v10;
	v10 =	vld [tilespmem:s6+$0xCCE0]  }
0xbd: {  	[tilespmem:s6+$0xCC80] =	vst v12;
	v5 =	vadd.f32 v5, v7;
	v7 =	vld [tilespmem:s6+$0xCCF0]  }
0xbe: {  	[tilespmem:s6+$0xCC90] =	vst v11;
	v4 =	vadd.f32 v4, v6  }
0xbf: {  	[tilespmem:s6+$0xCCA0] =	vst v5;
	v3 =	vadd.f32 v3, v8  }
0xc0: {  	[tilespmem:s6+$0xCCB0] =	vst v4;
	v2 =	vadd.f32 v2, v9  }
0xc1: {  	[tilespmem:s6+$0xCCC0] =	vst v3;
	v1 =	vadd.f32 v1, v10  }
0xc2: {  	[tilespmem:s6+$0xCCD0] =	vst v2;
	v0 =	vadd.f32 v0, v7  }
0xc3: {  	[tilespmem:s6+$0xCCE0] =	vst v1  }
0xc4: {  	s9 =	simm.s32 $0x0;
	s8 =	rddreg [dreg:$0x5];
	[tilespmem:s6+$0xCCF0] =	vst v0  }
0xc5: {  	[hbm4b:s8+s9] =	stream.linear.scatter [tilespmem:s20], [sflag:$0x6], $0x3200, $0x38;
	[tilespmem:$0x16200] =	vst v63  }
0xc6: {  	_ =	swait.ge [sflag:s14], $0x3200  }
0xc7: {  	[sflag:s14] =	ssyncset.done $0x0  }
0xc8: {  	s22 =	simm.s32 $0x340;
	[sflag:s14] =	ssyncadd.s32 $0xFFFFCE00  }
0xc9: {  	[tilespmem:s16], [sflag:$0x1] =	stream.indirect.gather [hbm4b:s5+s15], $0x40, s22, s15, $0xb8;
	[tilespmem:$0x16200] =	vst v63  }
0xca: {  	s29 =	simm.s32 $0x3A8  }
0xcb: {  	[tilespmem:s10], [sflag:$0x1] =	stream.indirect.gather [hbm4b:s5+s15], $0x40, s29, s15, $0xb8;
	[tilespmem:$0x16200] =	vst v63  }
0xcc: {  	_ =	swait.ge [sflag:s21], $0x1900  }
0xcd: {  	[sflag:s21] =	ssyncset.done $0x0  }
0xce: {  	[sflag:s21] =	ssyncadd.s32 $0xFFFFE700  }
0xcf: {  	_ =	swait.ge [sflag:s21], $0x1900  }
0xd0: {  	[sflag:s21] =	ssyncset.done $0x0  }
0xd1: {  	s6 =	simm.s32 $0x0;
	[sflag:s21] =	ssyncadd.s32 $0xFFFFE700  }
0xd2: {  	v6 =	vld [tilespmem:s6+$0x6800]  }
0xd3: {  	v7 =	vld [tilespmem:s6+$0x6810]  }
0xd4: {  	v8 =	vld [tilespmem:s6+$0x6820]  }
0xd5: {  	v9 =	vld [tilespmem:s6+$0x6830]  }
0xd6: {  	v10 =	vld [tilespmem:s6+$0x6840]  }
0xd7: {  	v11 =	vld [tilespmem:s6+$0x6850]  }
0xd8: {  	v12 =	vld [tilespmem:s6+$0x6860]  }
0xd9: {  	v13 =	vld [tilespmem:s6+$0x6870]  }
0xda: {  	v14 =	vld [tilespmem:s6+$0x6880]  }
0xdb: {  	v15 =	vld [tilespmem:s6+$0x6890]  }
0xdc: {  	v5 =	vld [tilespmem:s6+$0x68A0]  }
0xdd: {  	v4 =	vld [tilespmem:s6+$0x68B0]  }
0xde: {  	v3 =	vld [tilespmem:s6+$0x68C0]  }
0xdf: {  	v2 =	vld [tilespmem:s6+$0x68D0]  }
0xe0: {  	v1 =	vld [tilespmem:s6+$0x68E0]  }
0xe1: {  	v0 =	vld [tilespmem:s6+$0x68F0]  }
0xe2: {  	v16 =	vld [tilespmem:s6+$0xFE00]  }
0xe3: {  	v17 =	vld [tilespmem:s6+$0xFE10]  }
0xe4: {  	v18 =	vld [tilespmem:s6+$0xFE20]  }
0xe5: {  	v19 =	vld [tilespmem:s6+$0xFE30]  }
0xe6: {  	v20 =	vld [tilespmem:s6+$0xFE40]  }
0xe7: {  	v60 =	vld [tilespmem:s6+$0xFE50];
	v6 =	vadd.f32 v6, v16  }
0xe8: {  	v21 =	vld [tilespmem:s6+$0xFE60];
	v7 =	vadd.f32 v7, v17  }
0xe9: {  	v61 =	vld [tilespmem:s6+$0xFE70];
	[tilespmem:s6+$0xFE00] =	vst v6;
	v6 =	vadd.f32 v8, v18  }
0xea: {  	v62 =	vld [tilespmem:s6+$0xFE80];
	[tilespmem:s6+$0xFE10] =	vst v7;
	v7 =	vadd.f32 v9, v19  }
0xeb: {  	v63 =	vld [tilespmem:s6+$0xFE90];
	[tilespmem:s6+$0xFE20] =	vst v6;
	v6 =	vadd.f32 v10, v20  }
0xec: {  	v8 =	vadd.f32 v11, v60;
	[tilespmem:s6+$0xFE30] =	vst v7;
	v7 =	vld [tilespmem:s6+$0xFEA0]  }
0xed: {  	v9 =	vadd.f32 v12, v21;
	[tilespmem:s6+$0xFE40] =	vst v6;
	v6 =	vld [tilespmem:s6+$0xFEB0]  }
0xee: {  	[tilespmem:s6+$0xFE50] =	vst v8;
	v8 =	vld [tilespmem:s6+$0xFEC0];
	v10 =	vadd.f32 v13, v61  }
0xef: {  	v12 =	vadd.f32 v14, v62;
	[tilespmem:s6+$0xFE60] =	vst v9;
	v9 =	vld [tilespmem:s6+$0xFED0]  }
0xf0: {  	s8 =	simm.s32 $0x400;
	v11 =	vadd.f32 v15, v63;
	[tilespmem:s6+$0xFE70] =	vst v10;
	v10 =	vld [tilespmem:s6+$0xFEE0]  }
.LBB2_6:
0xf1: {  	s9 =	sshra.s32 s8, $0x2;
	p0 =	sne.s32 s8, $0xC400;
	[tilespmem:s6+$0xFE80] =	vst v12;
	v5 =	vadd.f32 v5, v7;
	v7 =	vld [tilespmem:s6+$0xFEF0]  }
0xf2: {  	v12 =	vld [tilespmem:s9+$0x6800];
	[tilespmem:s6+$0xFE90] =	vst v11;
	v4 =	vadd.f32 v4, v6  }
0xf3: {  	v6 =	vld [tilespmem:s9+$0x6810];
	[tilespmem:s6+$0xFEA0] =	vst v5;
	v3 =	vadd.f32 v3, v8  }
0xf4: {  	v8 =	vld [tilespmem:s9+$0x6820];
	[tilespmem:s6+$0xFEB0] =	vst v4;
	v2 =	vadd.f32 v2, v9  }
0xf5: {  	v9 =	vld [tilespmem:s9+$0x6830];
	[tilespmem:s6+$0xFEC0] =	vst v3;
	v1 =	vadd.f32 v1, v10  }
0xf6: {  	v10 =	vld [tilespmem:s9+$0x6840];
	[tilespmem:s6+$0xFED0] =	vst v2;
	v0 =	vadd.f32 v0, v7  }
0xf7: {  	v7 =	vld [tilespmem:s9+$0x6850];
	[tilespmem:s6+$0xFEE0] =	vst v1  }
0xf8: {  	v11 =	vld [tilespmem:s9+$0x6860];
	[tilespmem:s6+$0xFEF0] =	vst v0;
	s6 =	smov.u32 s9  }
0xf9: {  	v13 =	vld [tilespmem:s6+$0x6870]  }
0xfa: {  	v14 =	vld [tilespmem:s6+$0x6880]  }
0xfb: {  	v15 =	vld [tilespmem:s6+$0x6890]  }
0xfc: {  	v5 =	vld [tilespmem:s6+$0x68A0]  }
0xfd: {  	v4 =	vld [tilespmem:s6+$0x68B0]  }
0xfe: {  	v3 =	vld [tilespmem:s6+$0x68C0]  }
0xff: {  	v2 =	vld [tilespmem:s6+$0x68D0]  }
0x100: {  	v1 =	vld [tilespmem:s6+$0x68E0]  }
0x101: {  	v0 =	vld [tilespmem:s6+$0x68F0]  }
0x102: {  	v16 =	vld [tilespmem:s6+$0xFE00]  }
0x103: {  	v17 =	vld [tilespmem:s6+$0xFE10]  }
0x104: {  	v18 =	vld [tilespmem:s6+$0xFE20]  }
0x105: {  	v19 =	vld [tilespmem:s6+$0xFE30]  }
0x106: {  	v20 =	vld [tilespmem:s6+$0xFE40]  }
0x107: {  	v12 =	vadd.f32 v12, v16;
	v16 =	vld [tilespmem:s6+$0xFE50]  }
0x108: {  	v6 =	vadd.f32 v6, v17;
	v17 =	vld [tilespmem:s6+$0xFE60]  }
0x109: {  	[tilespmem:s6+$0xFE00] =	vst v12;
	v8 =	vadd.f32 v8, v18;
	v12 =	vld [tilespmem:s6+$0xFE70]  }
0x10a: {  	[tilespmem:s6+$0xFE10] =	vst v6;
	v6 =	vadd.f32 v9, v19;
	v9 =	vld [tilespmem:s6+$0xFE80]  }
0x10b: {  	[tilespmem:s6+$0xFE20] =	vst v8;
	v8 =	vadd.f32 v10, v20;
	v10 =	vld [tilespmem:s6+$0xFE90]  }
.Ltmp2:
0x10c: {  	[tilespmem:s6+$0xFE30] =	vst v6;
	v16 =	vadd.f32 v7, v16;
	v7 =	vld [tilespmem:s6+$0xFEA0];
	(pc) =	sbr.rel @p0 .LBB2_6-.Ltmp2, $4  }
0x10d: {  	[tilespmem:s6+$0xFE40] =	vst v8;
	v11 =	vadd.f32 v11, v17;
	v6 =	vld [tilespmem:s6+$0xFEB0]  }
0x10e: {  	[tilespmem:s6+$0xFE50] =	vst v16;
	v13 =	vadd.f32 v13, v12;
	v8 =	vld [tilespmem:s6+$0xFEC0]  }
0x10f: {  	[tilespmem:s6+$0xFE60] =	vst v11;
	v12 =	vadd.f32 v14, v9;
	v9 =	vld [tilespmem:s6+$0xFED0]  }
0x110: {  	s8 =	sadd.s32 $0x400, s8;
	[tilespmem:s6+$0xFE70] =	vst v13;
	v11 =	vadd.f32 v15, v10;
	v10 =	vld [tilespmem:s6+$0xFEE0]  }
0x111: {  	[tilespmem:s6+$0xFE80] =	vst v12;
	v5 =	vadd.f32 v5, v7;
	v7 =	vld [tilespmem:s6+$0xFEF0]  }
0x112: {  	[tilespmem:s6+$0xFE90] =	vst v11;
	v4 =	vadd.f32 v4, v6  }
0x113: {  	[tilespmem:s6+$0xFEA0] =	vst v5;
	v3 =	vadd.f32 v3, v8  }
0x114: {  	[tilespmem:s6+$0xFEB0] =	vst v4;
	v2 =	vadd.f32 v2, v9  }
0x115: {  	[tilespmem:s6+$0xFEC0] =	vst v3;
	v1 =	vadd.f32 v1, v10  }
0x116: {  	[tilespmem:s6+$0xFED0] =	vst v2;
	v0 =	vadd.f32 v0, v7  }
0x117: {  	[tilespmem:s6+$0xFEE0] =	vst v1  }
0x118: {  	s10 =	simm.s32 $0x0;
	s8 =	rddreg [dreg:$0x6];
	[tilespmem:s6+$0xFEF0] =	vst v0  }
0x119: {  	[hbm4b:s8+s10] =	stream.linear.scatter [tilespmem:s24], [sflag:$0x7], $0x3200, $0x38;
	[tilespmem:$0x16200] =	vst v63  }
0x11a: {  	_ =	swait.ge [sflag:s23], $0x3200  }
0x11b: {  	[sflag:s23] =	ssyncset.done $0x0  }
0x11c: {  	s22 =	simm.s32 $0x410;
	[sflag:s23] =	ssyncadd.s32 $0xFFFFCE00  }
0x11d: {  	[tilespmem:s20], [sflag:$0x2] =	stream.indirect.gather [hbm4b:s5+s15], $0x40, s22, s15, $0xb8;
	[tilespmem:$0x16200] =	vst v63  }
0x11e: {  	s29 =	simm.s32 $0x478  }
0x11f: {  	[tilespmem:s18], [sflag:$0x2] =	stream.indirect.gather [hbm4b:s5+s15], $0x40, s29, s15, $0xb8;
	[tilespmem:$0x16200] =	vst v63  }
0x120: {  	_ =	swait.ge [sflag:s31], $0x1900  }
0x121: {  	[sflag:s31] =	ssyncset.done $0x0  }
0x122: {  	[sflag:s31] =	ssyncadd.s32 $0xFFFFE700  }
0x123: {  	_ =	swait.ge [sflag:s31], $0x1900  }
0x124: {  	[sflag:s31] =	ssyncset.done $0x0  }
0x125: {  	s6 =	simm.s32 $0x0;
	[sflag:s31] =	ssyncadd.s32 $0xFFFFE700  }
0x126: {  	v6 =	vld [tilespmem:s6+$0x6800]  }
0x127: {  	v7 =	vld [tilespmem:s6+$0x6810]  }
0x128: {  	v8 =	vld [tilespmem:s6+$0x6820]  }
0x129: {  	v9 =	vld [tilespmem:s6+$0x6830]  }
0x12a: {  	v10 =	vld [tilespmem:s6+$0x6840]  }
0x12b: {  	v11 =	vld [tilespmem:s6+$0x6850]  }
0x12c: {  	v12 =	vld [tilespmem:s6+$0x6860]  }
0x12d: {  	v13 =	vld [tilespmem:s6+$0x6870]  }
0x12e: {  	v14 =	vld [tilespmem:s6+$0x6880]  }
0x12f: {  	v15 =	vld [tilespmem:s6+$0x6890]  }
0x130: {  	v5 =	vld [tilespmem:s6+$0x68A0]  }
0x131: {  	v4 =	vld [tilespmem:s6+$0x68B0]  }
0x132: {  	v3 =	vld [tilespmem:s6+$0x68C0]  }
0x133: {  	v2 =	vld [tilespmem:s6+$0x68D0]  }
0x134: {  	v1 =	vld [tilespmem:s6+$0x68E0]  }
0x135: {  	v0 =	vld [tilespmem:s6+$0x68F0]  }
0x136: {  	v16 =	vld [tilespmem:s6+$0x13000]  }
0x137: {  	v17 =	vld [tilespmem:s6+$0x13010]  }
0x138: {  	v18 =	vld [tilespmem:s6+$0x13020]  }
0x139: {  	v19 =	vld [tilespmem:s6+$0x13030]  }
0x13a: {  	v20 =	vld [tilespmem:s6+$0x13040]  }
0x13b: {  	v60 =	vld [tilespmem:s6+$0x13050];
	v6 =	vadd.f32 v6, v16  }
0x13c: {  	v21 =	vld [tilespmem:s6+$0x13060];
	v7 =	vadd.f32 v7, v17  }
0x13d: {  	v61 =	vld [tilespmem:s6+$0x13070];
	[tilespmem:s6+$0x13000] =	vst v6;
	v6 =	vadd.f32 v8, v18  }
0x13e: {  	v62 =	vld [tilespmem:s6+$0x13080];
	[tilespmem:s6+$0x13010] =	vst v7;
	v7 =	vadd.f32 v9, v19  }
0x13f: {  	v63 =	vld [tilespmem:s6+$0x13090];
	[tilespmem:s6+$0x13020] =	vst v6;
	v6 =	vadd.f32 v10, v20  }
0x140: {  	v8 =	vadd.f32 v11, v60;
	[tilespmem:s6+$0x13030] =	vst v7;
	v7 =	vld [tilespmem:s6+$0x130A0]  }
0x141: {  	v9 =	vadd.f32 v12, v21;
	[tilespmem:s6+$0x13040] =	vst v6;
	v6 =	vld [tilespmem:s6+$0x130B0]  }
0x142: {  	[tilespmem:s6+$0x13050] =	vst v8;
	v8 =	vld [tilespmem:s6+$0x130C0];
	v10 =	vadd.f32 v13, v61  }
0x143: {  	v12 =	vadd.f32 v14, v62;
	[tilespmem:s6+$0x13060] =	vst v9;
	v9 =	vld [tilespmem:s6+$0x130D0]  }
0x144: {  	s8 =	simm.s32 $0x400;
	v11 =	vadd.f32 v15, v63;
	[tilespmem:s6+$0x13070] =	vst v10;
	v10 =	vld [tilespmem:s6+$0x130E0]  }
.LBB2_8:
0x145: {  	s9 =	sshra.s32 s8, $0x2;
	p0 =	sne.s32 s8, $0xC400;
	[tilespmem:s6+$0x13080] =	vst v12;
	v5 =	vadd.f32 v5, v7;
	v7 =	vld [tilespmem:s6+$0x130F0]  }
0x146: {  	v12 =	vld [tilespmem:s9+$0x6800];
	[tilespmem:s6+$0x13090] =	vst v11;
	v4 =	vadd.f32 v4, v6  }
0x147: {  	v6 =	vld [tilespmem:s9+$0x6810];
	[tilespmem:s6+$0x130A0] =	vst v5;
	v3 =	vadd.f32 v3, v8  }
0x148: {  	v8 =	vld [tilespmem:s9+$0x6820];
	[tilespmem:s6+$0x130B0] =	vst v4;
	v2 =	vadd.f32 v2, v9  }
0x149: {  	v9 =	vld [tilespmem:s9+$0x6830];
	[tilespmem:s6+$0x130C0] =	vst v3;
	v1 =	vadd.f32 v1, v10  }
0x14a: {  	v10 =	vld [tilespmem:s9+$0x6840];
	[tilespmem:s6+$0x130D0] =	vst v2;
	v0 =	vadd.f32 v0, v7  }
0x14b: {  	v7 =	vld [tilespmem:s9+$0x6850];
	[tilespmem:s6+$0x130E0] =	vst v1  }
0x14c: {  	v11 =	vld [tilespmem:s9+$0x6860];
	[tilespmem:s6+$0x130F0] =	vst v0;
	s6 =	smov.u32 s9  }
0x14d: {  	v13 =	vld [tilespmem:s6+$0x6870]  }
0x14e: {  	v14 =	vld [tilespmem:s6+$0x6880]  }
0x14f: {  	v15 =	vld [tilespmem:s6+$0x6890]  }
0x150: {  	v5 =	vld [tilespmem:s6+$0x68A0]  }
0x151: {  	v4 =	vld [tilespmem:s6+$0x68B0]  }
0x152: {  	v3 =	vld [tilespmem:s6+$0x68C0]  }
0x153: {  	v2 =	vld [tilespmem:s6+$0x68D0]  }
0x154: {  	v1 =	vld [tilespmem:s6+$0x68E0]  }
0x155: {  	v0 =	vld [tilespmem:s6+$0x68F0]  }
0x156: {  	v16 =	vld [tilespmem:s6+$0x13000]  }
0x157: {  	v17 =	vld [tilespmem:s6+$0x13010]  }
0x158: {  	v18 =	vld [tilespmem:s6+$0x13020]  }
0x159: {  	v19 =	vld [tilespmem:s6+$0x13030]  }
0x15a: {  	v20 =	vld [tilespmem:s6+$0x13040]  }
0x15b: {  	v12 =	vadd.f32 v12, v16;
	v16 =	vld [tilespmem:s6+$0x13050]  }
0x15c: {  	v6 =	vadd.f32 v6, v17;
	v17 =	vld [tilespmem:s6+$0x13060]  }
0x15d: {  	[tilespmem:s6+$0x13000] =	vst v12;
	v8 =	vadd.f32 v8, v18;
	v12 =	vld [tilespmem:s6+$0x13070]  }
0x15e: {  	[tilespmem:s6+$0x13010] =	vst v6;
	v6 =	vadd.f32 v9, v19;
	v9 =	vld [tilespmem:s6+$0x13080]  }
0x15f: {  	[tilespmem:s6+$0x13020] =	vst v8;
	v8 =	vadd.f32 v10, v20;
	v10 =	vld [tilespmem:s6+$0x13090]  }
.Ltmp3:
0x160: {  	[tilespmem:s6+$0x13030] =	vst v6;
	v16 =	vadd.f32 v7, v16;
	v7 =	vld [tilespmem:s6+$0x130A0];
	(pc) =	sbr.rel @p0 .LBB2_8-.Ltmp3, $4  }
0x161: {  	[tilespmem:s6+$0x13040] =	vst v8;
	v11 =	vadd.f32 v11, v17;
	v6 =	vld [tilespmem:s6+$0x130B0]  }
0x162: {  	[tilespmem:s6+$0x13050] =	vst v16;
	v13 =	vadd.f32 v13, v12;
	v8 =	vld [tilespmem:s6+$0x130C0]  }
0x163: {  	[tilespmem:s6+$0x13060] =	vst v11;
	v12 =	vadd.f32 v14, v9;
	v9 =	vld [tilespmem:s6+$0x130D0]  }
0x164: {  	s8 =	sadd.s32 $0x400, s8;
	[tilespmem:s6+$0x13070] =	vst v13;
	v11 =	vadd.f32 v15, v10;
	v10 =	vld [tilespmem:s6+$0x130E0]  }
0x165: {  	[tilespmem:s6+$0x13080] =	vst v12;
	v5 =	vadd.f32 v5, v7;
	v63 =	vld [tilespmem:s6+$0x130F0]  }
0x166: {  	[tilespmem:s6+$0x13090] =	vst v11;
	v4 =	vadd.f32 v4, v6  }
0x167: {  	[tilespmem:s6+$0x130A0] =	vst v5;
	v3 =	vadd.f32 v3, v8  }
0x168: {  	[tilespmem:s6+$0x130B0] =	vst v4;
	v2 =	vadd.f32 v2, v9  }
0x169: {  	[tilespmem:s6+$0x130C0] =	vst v3;
	v1 =	vadd.f32 v1, v10  }
0x16a: {  	[tilespmem:s6+$0x130D0] =	vst v2;
	v0 =	vadd.f32 v0, v63  }
0x16b: {  	[tilespmem:s6+$0x130E0] =	vst v1  }
0x16c: {  	s29 =	simm.s32 $0x1;
	[tilespmem:s6+$0x130F0] =	vst v0  }
0x16d: {  	[hbm4b:s11+s3] =	stream.linear.scatter [tilespmem:s30], [sflag:$0x8], $0x3200, $0x38;
	[tilespmem:$0x16200] =	vst v63  }
.LBB2_10:
0x16e: {  	s6 =	sshll.u32 s29, $0x2  }
0x16f: {  	s22 =	sor.u32 $0x2, s6  }
0x170: {  	_ =	swait.ge [sflag:s17], $0x3200;
	s8 =	smul.u32 $0x340, s22  }
0x171: {  	[sflag:s17] =	ssyncset.done $0x0  }
0x172: {  	[sflag:s17] =	ssyncadd.s32 $0xFFFFCE00;
	s8 =	sshra.s32 s8, $0x2  }
0x173: {  	[tilespmem:s24], [sflag:$0x3] =	stream.indirect.gather [hbm4b:s5+s15], $0x40, s8, s15, $0xb8;
	[tilespmem:$0x16200] =	vst v63  }
0x174: {  	s8 =	sadd.s32 $0x68, s8  }
0x175: {  	[tilespmem:s26], [sflag:$0x3] =	stream.indirect.gather [hbm4b:s5+s15], $0x40, s8, s15, $0xb8;
	[tilespmem:$0x16200] =	vst v63  }
0x176: {  	_ =	swait.ge [sflag:s28], $0x1900  }
0x177: {  	[sflag:s28] =	ssyncset.done $0x0  }
0x178: {  	[sflag:s28] =	ssyncadd.s32 $0xFFFFE700  }
0x179: {  	_ =	swait.ge [sflag:s28], $0x1900  }
0x17a: {  	[sflag:s28] =	ssyncset.done $0x0  }
0x17b: {  	s8 =	simm.s32 $0x0;
	[sflag:s28] =	ssyncadd.s32 $0xFFFFE700  }
0x17c: {  	v6 =	vld [tilespmem:s8+$0x6800]  }
0x17d: {  	v7 =	vld [tilespmem:s8+$0x6810]  }
0x17e: {  	v8 =	vld [tilespmem:s8+$0x6820]  }
0x17f: {  	v9 =	vld [tilespmem:s8+$0x6830]  }
0x180: {  	v10 =	vld [tilespmem:s8+$0x6840]  }
0x181: {  	v11 =	vld [tilespmem:s8+$0x6850]  }
0x182: {  	v12 =	vld [tilespmem:s8+$0x6860]  }
0x183: {  	v13 =	vld [tilespmem:s8+$0x6870]  }
0x184: {  	v14 =	vld [tilespmem:s8+$0x6880]  }
0x185: {  	v15 =	vld [tilespmem:s8+$0x6890]  }
0x186: {  	v5 =	vld [tilespmem:s8+$0x68A0]  }
0x187: {  	v4 =	vld [tilespmem:s8+$0x68B0]  }
0x188: {  	v3 =	vld [tilespmem:s8+$0x68C0]  }
0x189: {  	v2 =	vld [tilespmem:s8+$0x68D0]  }
0x18a: {  	v1 =	vld [tilespmem:s8+$0x68E0]  }
0x18b: {  	v0 =	vld [tilespmem:s8+$0x68F0]  }
0x18c: {  	v16 =	vld [tilespmem:s8+$0x9A00]  }
0x18d: {  	v17 =	vld [tilespmem:s8+$0x9A10]  }
0x18e: {  	v18 =	vld [tilespmem:s8+$0x9A20]  }
0x18f: {  	v19 =	vld [tilespmem:s8+$0x9A30]  }
0x190: {  	v20 =	vld [tilespmem:s8+$0x9A40]  }
0x191: {  	v60 =	vld [tilespmem:s8+$0x9A50];
	v6 =	vadd.f32 v6, v16  }
0x192: {  	v21 =	vld [tilespmem:s8+$0x9A60];
	v7 =	vadd.f32 v7, v17  }
0x193: {  	v61 =	vld [tilespmem:s8+$0x9A70];
	[tilespmem:s8+$0x9A00] =	vst v6;
	v6 =	vadd.f32 v8, v18  }
0x194: {  	v62 =	vld [tilespmem:s8+$0x9A80];
	[tilespmem:s8+$0x9A10] =	vst v7;
	v7 =	vadd.f32 v9, v19  }
0x195: {  	v63 =	vld [tilespmem:s8+$0x9A90];
	[tilespmem:s8+$0x9A20] =	vst v6;
	v6 =	vadd.f32 v10, v20  }
0x196: {  	v8 =	vadd.f32 v11, v60;
	[tilespmem:s8+$0x9A30] =	vst v7;
	v7 =	vld [tilespmem:s8+$0x9AA0]  }
0x197: {  	v9 =	vadd.f32 v12, v21;
	[tilespmem:s8+$0x9A40] =	vst v6;
	v6 =	vld [tilespmem:s8+$0x9AB0]  }
0x198: {  	[tilespmem:s8+$0x9A50] =	vst v8;
	v8 =	vld [tilespmem:s8+$0x9AC0];
	v10 =	vadd.f32 v13, v61  }
0x199: {  	v12 =	vadd.f32 v14, v62;
	[tilespmem:s8+$0x9A60] =	vst v9;
	v9 =	vld [tilespmem:s8+$0x9AD0]  }
0x19a: {  	s18 =	simm.s32 $0x400;
	v11 =	vadd.f32 v15, v63;
	[tilespmem:s8+$0x9A70] =	vst v10;
	v10 =	vld [tilespmem:s8+$0x9AE0]  }
.LBB2_11:
0x19b: {  	s9 =	sshra.s32 s18, $0x2;
	p0 =	sne.s32 s18, $0xC400;
	[tilespmem:s8+$0x9A80] =	vst v12;
	v5 =	vadd.f32 v5, v7;
	v7 =	vld [tilespmem:s8+$0x9AF0]  }
0x19c: {  	v12 =	vld [tilespmem:s9+$0x6800];
	[tilespmem:s8+$0x9A90] =	vst v11;
	v4 =	vadd.f32 v4, v6  }
0x19d: {  	v6 =	vld [tilespmem:s9+$0x6810];
	[tilespmem:s8+$0x9AA0] =	vst v5;
	v3 =	vadd.f32 v3, v8  }
0x19e: {  	v8 =	vld [tilespmem:s9+$0x6820];
	[tilespmem:s8+$0x9AB0] =	vst v4;
	v2 =	vadd.f32 v2, v9  }
0x19f: {  	v9 =	vld [tilespmem:s9+$0x6830];
	[tilespmem:s8+$0x9AC0] =	vst v3;
	v1 =	vadd.f32 v1, v10  }
0x1a0: {  	v10 =	vld [tilespmem:s9+$0x6840];
	[tilespmem:s8+$0x9AD0] =	vst v2;
	v0 =	vadd.f32 v0, v7  }
0x1a1: {  	v7 =	vld [tilespmem:s9+$0x6850];
	[tilespmem:s8+$0x9AE0] =	vst v1  }
0x1a2: {  	v11 =	vld [tilespmem:s9+$0x6860];
	[tilespmem:s8+$0x9AF0] =	vst v0;
	s8 =	smov.u32 s9  }
0x1a3: {  	v13 =	vld [tilespmem:s8+$0x6870]  }
0x1a4: {  	v14 =	vld [tilespmem:s8+$0x6880]  }
0x1a5: {  	v15 =	vld [tilespmem:s8+$0x6890]  }
0x1a6: {  	v5 =	vld [tilespmem:s8+$0x68A0]  }
0x1a7: {  	v4 =	vld [tilespmem:s8+$0x68B0]  }
0x1a8: {  	v3 =	vld [tilespmem:s8+$0x68C0]  }
0x1a9: {  	v2 =	vld [tilespmem:s8+$0x68D0]  }
0x1aa: {  	v1 =	vld [tilespmem:s8+$0x68E0]  }
0x1ab: {  	v0 =	vld [tilespmem:s8+$0x68F0]  }
0x1ac: {  	v16 =	vld [tilespmem:s8+$0x9A00]  }
0x1ad: {  	v17 =	vld [tilespmem:s8+$0x9A10]  }
0x1ae: {  	v18 =	vld [tilespmem:s8+$0x9A20]  }
0x1af: {  	v19 =	vld [tilespmem:s8+$0x9A30]  }
0x1b0: {  	v20 =	vld [tilespmem:s8+$0x9A40]  }
0x1b1: {  	v12 =	vadd.f32 v12, v16;
	v16 =	vld [tilespmem:s8+$0x9A50]  }
0x1b2: {  	v6 =	vadd.f32 v6, v17;
	v17 =	vld [tilespmem:s8+$0x9A60]  }
0x1b3: {  	[tilespmem:s8+$0x9A00] =	vst v12;
	v8 =	vadd.f32 v8, v18;
	v12 =	vld [tilespmem:s8+$0x9A70]  }
0x1b4: {  	[tilespmem:s8+$0x9A10] =	vst v6;
	v6 =	vadd.f32 v9, v19;
	v9 =	vld [tilespmem:s8+$0x9A80]  }
0x1b5: {  	[tilespmem:s8+$0x9A20] =	vst v8;
	v8 =	vadd.f32 v10, v20;
	v10 =	vld [tilespmem:s8+$0x9A90]  }
.Ltmp4:
0x1b6: {  	[tilespmem:s8+$0x9A30] =	vst v6;
	v16 =	vadd.f32 v7, v16;
	v7 =	vld [tilespmem:s8+$0x9AA0];
	(pc) =	sbr.rel @p0 .LBB2_11-.Ltmp4, $4  }
0x1b7: {  	[tilespmem:s8+$0x9A40] =	vst v8;
	v11 =	vadd.f32 v11, v17;
	v6 =	vld [tilespmem:s8+$0x9AB0]  }
0x1b8: {  	[tilespmem:s8+$0x9A50] =	vst v16;
	v13 =	vadd.f32 v13, v12;
	v8 =	vld [tilespmem:s8+$0x9AC0]  }
0x1b9: {  	[tilespmem:s8+$0x9A60] =	vst v11;
	v12 =	vadd.f32 v14, v9;
	v9 =	vld [tilespmem:s8+$0x9AD0]  }
0x1ba: {  	s18 =	sadd.s32 $0x400, s18;
	[tilespmem:s8+$0x9A70] =	vst v13;
	v11 =	vadd.f32 v15, v10;
	v10 =	vld [tilespmem:s8+$0x9AE0]  }
0x1bb: {  	[tilespmem:s8+$0x9A80] =	vst v12;
	v5 =	vadd.f32 v5, v7;
	v7 =	vld [tilespmem:s8+$0x9AF0]  }
0x1bc: {  	[tilespmem:s8+$0x9A90] =	vst v11;
	v4 =	vadd.f32 v4, v6  }
0x1bd: {  	[tilespmem:s8+$0x9AA0] =	vst v5;
	v3 =	vadd.f32 v3, v8  }
0x1be: {  	[tilespmem:s8+$0x9AB0] =	vst v4;
	v2 =	vadd.f32 v2, v9  }
0x1bf: {  	s9 =	sadd.s32 s4, s6;
	[tilespmem:s8+$0x9AC0] =	vst v3;
	v1 =	vadd.f32 v1, v10  }
0x1c0: {  	s9 =	smul.u32 $0x640, s9;
	[tilespmem:s8+$0x9AD0] =	vst v2;
	v0 =	vadd.f32 v0, v7  }
0x1c1: {  	[tilespmem:s8+$0x9AE0] =	vst v1  }
0x1c2: {  	s18 =	simm.s32 $0x0;
	s10 =	sadd.s32 s2, s9;
	[tilespmem:s8+$0x9AF0] =	vst v0  }
0x1c3: {  	[hbm4b:s10+s18] =	stream.linear.scatter [tilespmem:s16], [sflag:$0x5], $0x3200, $0x38;
	[tilespmem:$0x16200] =	vst v63  }
0x1c4: {  	s18 =	sor.u32 $0x3, s6  }
0x1c5: {  	_ =	swait.ge [sflag:s19], $0x3200;
	s10 =	smul.u32 $0x340, s18  }
0x1c6: {  	[sflag:s19] =	ssyncset.done $0x0  }
0x1c7: {  	[sflag:s19] =	ssyncadd.s32 $0xFFFFCE00;
	s8 =	sshra.s32 s10, $0x2  }
0x1c8: {  	[tilespmem:s30], [sflag:$0x4] =	stream.indirect.gather [hbm4b:s5+s15], $0x40, s8, s15, $0xb8;
	[tilespmem:$0x16200] =	vst v63  }
0x1c9: {  	s8 =	sadd.s32 $0x68, s8  }
0x1ca: {  	[tilespmem:s1], [sflag:$0x4] =	stream.indirect.gather [hbm4b:s5+s15], $0x40, s8, s15, $0xb8;
	[tilespmem:$0x16200] =	vst v63  }
0x1cb: {  	_ =	swait.ge [sflag:s0], $0x1900  }
0x1cc: {  	[sflag:s0] =	ssyncset.done $0x0  }
0x1cd: {  	[sflag:s0] =	ssyncadd.s32 $0xFFFFE700  }
0x1ce: {  	_ =	swait.ge [sflag:s0], $0x1900  }
0x1cf: {  	[sflag:s0] =	ssyncset.done $0x0  }
0x1d0: {  	s8 =	simm.s32 $0x0;
	[sflag:s0] =	ssyncadd.s32 $0xFFFFE700  }
0x1d1: {  	v6 =	vld [tilespmem:s8+$0x6800]  }
0x1d2: {  	v7 =	vld [tilespmem:s8+$0x6810]  }
0x1d3: {  	v8 =	vld [tilespmem:s8+$0x6820]  }
0x1d4: {  	v9 =	vld [tilespmem:s8+$0x6830]  }
0x1d5: {  	v10 =	vld [tilespmem:s8+$0x6840]  }
0x1d6: {  	v11 =	vld [tilespmem:s8+$0x6850]  }
0x1d7: {  	v12 =	vld [tilespmem:s8+$0x6860]  }
0x1d8: {  	v13 =	vld [tilespmem:s8+$0x6870]  }
0x1d9: {  	v14 =	vld [tilespmem:s8+$0x6880]  }
0x1da: {  	v15 =	vld [tilespmem:s8+$0x6890]  }
0x1db: {  	v5 =	vld [tilespmem:s8+$0x68A0]  }
0x1dc: {  	v4 =	vld [tilespmem:s8+$0x68B0]  }
0x1dd: {  	v3 =	vld [tilespmem:s8+$0x68C0]  }
0x1de: {  	v2 =	vld [tilespmem:s8+$0x68D0]  }
0x1df: {  	v1 =	vld [tilespmem:s8+$0x68E0]  }
0x1e0: {  	v0 =	vld [tilespmem:s8+$0x68F0]  }
0x1e1: {  	v16 =	vld [tilespmem:s8+$0xCC00]  }
0x1e2: {  	v17 =	vld [tilespmem:s8+$0xCC10]  }
0x1e3: {  	v18 =	vld [tilespmem:s8+$0xCC20]  }
0x1e4: {  	v19 =	vld [tilespmem:s8+$0xCC30]  }
0x1e5: {  	v20 =	vld [tilespmem:s8+$0xCC40]  }
0x1e6: {  	v60 =	vld [tilespmem:s8+$0xCC50];
	v6 =	vadd.f32 v6, v16  }
0x1e7: {  	v21 =	vld [tilespmem:s8+$0xCC60];
	v7 =	vadd.f32 v7, v17  }
0x1e8: {  	v61 =	vld [tilespmem:s8+$0xCC70];
	[tilespmem:s8+$0xCC00] =	vst v6;
	v6 =	vadd.f32 v8, v18  }
0x1e9: {  	v62 =	vld [tilespmem:s8+$0xCC80];
	[tilespmem:s8+$0xCC10] =	vst v7;
	v7 =	vadd.f32 v9, v19  }
0x1ea: {  	v63 =	vld [tilespmem:s8+$0xCC90];
	[tilespmem:s8+$0xCC20] =	vst v6;
	v6 =	vadd.f32 v10, v20  }
0x1eb: {  	v8 =	vadd.f32 v11, v60;
	[tilespmem:s8+$0xCC30] =	vst v7;
	v7 =	vld [tilespmem:s8+$0xCCA0]  }
0x1ec: {  	v9 =	vadd.f32 v12, v21;
	[tilespmem:s8+$0xCC40] =	vst v6;
	v6 =	vld [tilespmem:s8+$0xCCB0]  }
0x1ed: {  	[tilespmem:s8+$0xCC50] =	vst v8;
	v8 =	vld [tilespmem:s8+$0xCCC0];
	v10 =	vadd.f32 v13, v61  }
0x1ee: {  	v12 =	vadd.f32 v14, v62;
	[tilespmem:s8+$0xCC60] =	vst v9;
	v9 =	vld [tilespmem:s8+$0xCCD0]  }
0x1ef: {  	s9 =	simm.s32 $0x400;
	v11 =	vadd.f32 v15, v63;
	[tilespmem:s8+$0xCC70] =	vst v10;
	v10 =	vld [tilespmem:s8+$0xCCE0]  }
.LBB2_13:
0x1f0: {  	s10 =	sshra.s32 s9, $0x2;
	p0 =	sne.s32 s9, $0xC400;
	[tilespmem:s8+$0xCC80] =	vst v12;
	v5 =	vadd.f32 v5, v7;
	v7 =	vld [tilespmem:s8+$0xCCF0]  }
0x1f1: {  	v12 =	vld [tilespmem:s10+$0x6800];
	[tilespmem:s8+$0xCC90] =	vst v11;
	v4 =	vadd.f32 v4, v6  }
0x1f2: {  	v6 =	vld [tilespmem:s10+$0x6810];
	[tilespmem:s8+$0xCCA0] =	vst v5;
	v3 =	vadd.f32 v3, v8  }
0x1f3: {  	v8 =	vld [tilespmem:s10+$0x6820];
	[tilespmem:s8+$0xCCB0] =	vst v4;
	v2 =	vadd.f32 v2, v9  }
0x1f4: {  	v9 =	vld [tilespmem:s10+$0x6830];
	[tilespmem:s8+$0xCCC0] =	vst v3;
	v1 =	vadd.f32 v1, v10  }
0x1f5: {  	v10 =	vld [tilespmem:s10+$0x6840];
	[tilespmem:s8+$0xCCD0] =	vst v2;
	v0 =	vadd.f32 v0, v7  }
0x1f6: {  	v7 =	vld [tilespmem:s10+$0x6850];
	[tilespmem:s8+$0xCCE0] =	vst v1  }
0x1f7: {  	v11 =	vld [tilespmem:s10+$0x6860];
	[tilespmem:s8+$0xCCF0] =	vst v0;
	s8 =	smov.u32 s10  }
0x1f8: {  	v13 =	vld [tilespmem:s8+$0x6870]  }
0x1f9: {  	v14 =	vld [tilespmem:s8+$0x6880]  }
0x1fa: {  	v15 =	vld [tilespmem:s8+$0x6890]  }
0x1fb: {  	v5 =	vld [tilespmem:s8+$0x68A0]  }
0x1fc: {  	v4 =	vld [tilespmem:s8+$0x68B0]  }
0x1fd: {  	v3 =	vld [tilespmem:s8+$0x68C0]  }
0x1fe: {  	v2 =	vld [tilespmem:s8+$0x68D0]  }
0x1ff: {  	v1 =	vld [tilespmem:s8+$0x68E0]  }
0x200: {  	v0 =	vld [tilespmem:s8+$0x68F0]  }
0x201: {  	v16 =	vld [tilespmem:s8+$0xCC00]  }
0x202: {  	v17 =	vld [tilespmem:s8+$0xCC10]  }
0x203: {  	v18 =	vld [tilespmem:s8+$0xCC20]  }
0x204: {  	v19 =	vld [tilespmem:s8+$0xCC30]  }
0x205: {  	v20 =	vld [tilespmem:s8+$0xCC40]  }
0x206: {  	v12 =	vadd.f32 v12, v16;
	v16 =	vld [tilespmem:s8+$0xCC50]  }
0x207: {  	v6 =	vadd.f32 v6, v17;
	v17 =	vld [tilespmem:s8+$0xCC60]  }
0x208: {  	[tilespmem:s8+$0xCC00] =	vst v12;
	v8 =	vadd.f32 v8, v18;
	v12 =	vld [tilespmem:s8+$0xCC70]  }
0x209: {  	[tilespmem:s8+$0xCC10] =	vst v6;
	v6 =	vadd.f32 v9, v19;
	v9 =	vld [tilespmem:s8+$0xCC80]  }
0x20a: {  	[tilespmem:s8+$0xCC20] =	vst v8;
	v8 =	vadd.f32 v10, v20;
	v10 =	vld [tilespmem:s8+$0xCC90]  }
.Ltmp5:
0x20b: {  	[tilespmem:s8+$0xCC30] =	vst v6;
	v16 =	vadd.f32 v7, v16;
	v7 =	vld [tilespmem:s8+$0xCCA0];
	(pc) =	sbr.rel @p0 .LBB2_13-.Ltmp5, $4  }
0x20c: {  	[tilespmem:s8+$0xCC40] =	vst v8;
	v11 =	vadd.f32 v11, v17;
	v6 =	vld [tilespmem:s8+$0xCCB0]  }
0x20d: {  	[tilespmem:s8+$0xCC50] =	vst v16;
	v13 =	vadd.f32 v13, v12;
	v8 =	vld [tilespmem:s8+$0xCCC0]  }
0x20e: {  	[tilespmem:s8+$0xCC60] =	vst v11;
	v12 =	vadd.f32 v14, v9;
	v9 =	vld [tilespmem:s8+$0xCCD0]  }
0x20f: {  	s9 =	sadd.s32 $0x400, s9;
	[tilespmem:s8+$0xCC70] =	vst v13;
	v11 =	vadd.f32 v15, v10;
	v10 =	vld [tilespmem:s8+$0xCCE0]  }
0x210: {  	[tilespmem:s8+$0xCC80] =	vst v12;
	v5 =	vadd.f32 v5, v7;
	v7 =	vld [tilespmem:s8+$0xCCF0]  }
0x211: {  	[tilespmem:s8+$0xCC90] =	vst v11;
	v4 =	vadd.f32 v4, v6  }
0x212: {  	[tilespmem:s8+$0xCCA0] =	vst v5;
	v3 =	vadd.f32 v3, v8  }
0x213: {  	s6 =	sadd.s32 s6, s4;
	[tilespmem:s8+$0xCCB0] =	vst v4;
	v2 =	vadd.f32 v2, v9  }
0x214: {  	s6 =	smul.u32 $0x640, s6;
	[tilespmem:s8+$0xCCC0] =	vst v3;
	v1 =	vadd.f32 v1, v10  }
0x215: {  	[tilespmem:s8+$0xCCD0] =	vst v2;
	v0 =	vadd.f32 v0, v7  }
0x216: {  	s6 =	sadd.s32 s2, s6;
	[tilespmem:s8+$0xCCE0] =	vst v1  }
0x217: {  	p0 =	seq.s32 s29, $0x1F;
	s6 =	sadd.s32 $0x640, s6;
	[tilespmem:s8+$0xCCF0] =	vst v0  }
0x218: {  	[hbm4b:s6+s3] =	stream.linear.scatter [tilespmem:s20], [sflag:$0x6], $0x3200, $0x38;
	[tilespmem:$0x16200] =	vst v63  }
0x219: {  	s6 =	simm.s32 @!p0 $0x5  }
0x21a: {  	s8 =	smul.u32 @!p0 $0xD00, s29;
	_ =	swait.ge @!p0 [sflag:s6], $0x3200  }
0x21b: {  	[sflag:s6] =	ssyncset.done @!p0 $0x0  }
0x21c: {  	[sflag:s6] =	ssyncadd.s32 @!p0 $0xFFFFCE00;
	s6 =	sshra.s32 @!p0 s8, $0x2  }
0x21d: {  	s9 =	simm.s32 @!p0 $0x64;
	s10 =	simm.s32 @!p0 $0x9A00;
	s8 =	sadd.s32 @!p0 $0x340, s6  }
0x21e: {  	[tilespmem:s10], [sflag:$0x1] =	stream.indirect.gather @!p0 [hbm4b:s5+s9], $0x40, s8, s9, $0xb8;
	[tilespmem:$0x16200] =	vst v63  }
0x21f: {  	s8 =	sadd.s32 @!p0 $0x3A8, s6;
	s10 =	simm.s32 @!p0 $0xB300  }
0x220: {  	[tilespmem:s10], [sflag:$0x1] =	stream.indirect.gather @!p0 [hbm4b:s5+s9], $0x40, s8, s9, $0xb8;
	[tilespmem:$0x16200] =	vst v63  }
0x221: {  	_ =	swait.ge [sflag:s21], $0x1900  }
0x222: {  	[sflag:s21] =	ssyncset.done $0x0  }
0x223: {  	[sflag:s21] =	ssyncadd.s32 $0xFFFFE700  }
0x224: {  	_ =	swait.ge [sflag:s21], $0x1900  }
0x225: {  	[sflag:s21] =	ssyncset.done $0x0  }
0x226: {  	s8 =	simm.s32 $0x0;
	[sflag:s21] =	ssyncadd.s32 $0xFFFFE700  }
0x227: {  	v6 =	vld [tilespmem:s8+$0x6800]  }
0x228: {  	v7 =	vld [tilespmem:s8+$0x6810]  }
0x229: {  	v8 =	vld [tilespmem:s8+$0x6820]  }
0x22a: {  	v9 =	vld [tilespmem:s8+$0x6830]  }
0x22b: {  	v10 =	vld [tilespmem:s8+$0x6840]  }
0x22c: {  	v11 =	vld [tilespmem:s8+$0x6850]  }
0x22d: {  	v12 =	vld [tilespmem:s8+$0x6860]  }
0x22e: {  	v13 =	vld [tilespmem:s8+$0x6870]  }
0x22f: {  	v14 =	vld [tilespmem:s8+$0x6880]  }
0x230: {  	v15 =	vld [tilespmem:s8+$0x6890]  }
0x231: {  	v5 =	vld [tilespmem:s8+$0x68A0]  }
0x232: {  	v4 =	vld [tilespmem:s8+$0x68B0]  }
0x233: {  	v3 =	vld [tilespmem:s8+$0x68C0]  }
0x234: {  	v2 =	vld [tilespmem:s8+$0x68D0]  }
0x235: {  	v1 =	vld [tilespmem:s8+$0x68E0]  }
0x236: {  	v0 =	vld [tilespmem:s8+$0x68F0]  }
0x237: {  	v16 =	vld [tilespmem:s8+$0xFE00]  }
0x238: {  	v17 =	vld [tilespmem:s8+$0xFE10]  }
0x239: {  	v18 =	vld [tilespmem:s8+$0xFE20]  }
0x23a: {  	v19 =	vld [tilespmem:s8+$0xFE30]  }
0x23b: {  	v20 =	vld [tilespmem:s8+$0xFE40]  }
0x23c: {  	v60 =	vld [tilespmem:s8+$0xFE50];
	v6 =	vadd.f32 v6, v16  }
0x23d: {  	v21 =	vld [tilespmem:s8+$0xFE60];
	v7 =	vadd.f32 v7, v17  }
0x23e: {  	v61 =	vld [tilespmem:s8+$0xFE70];
	[tilespmem:s8+$0xFE00] =	vst v6;
	v6 =	vadd.f32 v8, v18  }
0x23f: {  	v62 =	vld [tilespmem:s8+$0xFE80];
	[tilespmem:s8+$0xFE10] =	vst v7;
	v7 =	vadd.f32 v9, v19  }
0x240: {  	v63 =	vld [tilespmem:s8+$0xFE90];
	[tilespmem:s8+$0xFE20] =	vst v6;
	v6 =	vadd.f32 v10, v20  }
0x241: {  	v8 =	vadd.f32 v11, v60;
	[tilespmem:s8+$0xFE30] =	vst v7;
	v7 =	vld [tilespmem:s8+$0xFEA0]  }
0x242: {  	v9 =	vadd.f32 v12, v21;
	[tilespmem:s8+$0xFE40] =	vst v6;
	v6 =	vld [tilespmem:s8+$0xFEB0]  }
0x243: {  	[tilespmem:s8+$0xFE50] =	vst v8;
	v8 =	vld [tilespmem:s8+$0xFEC0];
	v10 =	vadd.f32 v13, v61  }
0x244: {  	v12 =	vadd.f32 v14, v62;
	[tilespmem:s8+$0xFE60] =	vst v9;
	v9 =	vld [tilespmem:s8+$0xFED0]  }
0x245: {  	s9 =	simm.s32 $0x400;
	v11 =	vadd.f32 v15, v63;
	[tilespmem:s8+$0xFE70] =	vst v10;
	v10 =	vld [tilespmem:s8+$0xFEE0]  }
.LBB2_15:
0x246: {  	s10 =	sshra.s32 s9, $0x2;
	p1 =	sne.s32 s9, $0xC400;
	[tilespmem:s8+$0xFE80] =	vst v12;
	v5 =	vadd.f32 v5, v7;
	v7 =	vld [tilespmem:s8+$0xFEF0]  }
0x247: {  	v12 =	vld [tilespmem:s10+$0x6800];
	[tilespmem:s8+$0xFE90] =	vst v11;
	v4 =	vadd.f32 v4, v6  }
0x248: {  	v6 =	vld [tilespmem:s10+$0x6810];
	[tilespmem:s8+$0xFEA0] =	vst v5;
	v3 =	vadd.f32 v3, v8  }
0x249: {  	v8 =	vld [tilespmem:s10+$0x6820];
	[tilespmem:s8+$0xFEB0] =	vst v4;
	v2 =	vadd.f32 v2, v9  }
0x24a: {  	v9 =	vld [tilespmem:s10+$0x6830];
	[tilespmem:s8+$0xFEC0] =	vst v3;
	v1 =	vadd.f32 v1, v10  }
0x24b: {  	v10 =	vld [tilespmem:s10+$0x6840];
	[tilespmem:s8+$0xFED0] =	vst v2;
	v0 =	vadd.f32 v0, v7  }
0x24c: {  	v7 =	vld [tilespmem:s10+$0x6850];
	[tilespmem:s8+$0xFEE0] =	vst v1  }
0x24d: {  	v11 =	vld [tilespmem:s10+$0x6860];
	[tilespmem:s8+$0xFEF0] =	vst v0;
	s8 =	smov.u32 s10  }
0x24e: {  	v13 =	vld [tilespmem:s8+$0x6870]  }
0x24f: {  	v14 =	vld [tilespmem:s8+$0x6880]  }
0x250: {  	v15 =	vld [tilespmem:s8+$0x6890]  }
0x251: {  	v5 =	vld [tilespmem:s8+$0x68A0]  }
0x252: {  	v4 =	vld [tilespmem:s8+$0x68B0]  }
0x253: {  	v3 =	vld [tilespmem:s8+$0x68C0]  }
0x254: {  	v2 =	vld [tilespmem:s8+$0x68D0]  }
0x255: {  	v1 =	vld [tilespmem:s8+$0x68E0]  }
0x256: {  	v0 =	vld [tilespmem:s8+$0x68F0]  }
0x257: {  	v16 =	vld [tilespmem:s8+$0xFE00]  }
0x258: {  	v17 =	vld [tilespmem:s8+$0xFE10]  }
0x259: {  	v18 =	vld [tilespmem:s8+$0xFE20]  }
0x25a: {  	v19 =	vld [tilespmem:s8+$0xFE30]  }
0x25b: {  	v20 =	vld [tilespmem:s8+$0xFE40]  }
0x25c: {  	v12 =	vadd.f32 v12, v16;
	v16 =	vld [tilespmem:s8+$0xFE50]  }
0x25d: {  	v6 =	vadd.f32 v6, v17;
	v17 =	vld [tilespmem:s8+$0xFE60]  }
0x25e: {  	[tilespmem:s8+$0xFE00] =	vst v12;
	v8 =	vadd.f32 v8, v18;
	v12 =	vld [tilespmem:s8+$0xFE70]  }
0x25f: {  	[tilespmem:s8+$0xFE10] =	vst v6;
	v6 =	vadd.f32 v9, v19;
	v9 =	vld [tilespmem:s8+$0xFE80]  }
0x260: {  	[tilespmem:s8+$0xFE20] =	vst v8;
	v8 =	vadd.f32 v10, v20;
	v10 =	vld [tilespmem:s8+$0xFE90]  }
.Ltmp6:
0x261: {  	[tilespmem:s8+$0xFE30] =	vst v6;
	v16 =	vadd.f32 v7, v16;
	v7 =	vld [tilespmem:s8+$0xFEA0];
	(pc) =	sbr.rel @p1 .LBB2_15-.Ltmp6, $4  }
0x262: {  	[tilespmem:s8+$0xFE40] =	vst v8;
	v11 =	vadd.f32 v11, v17;
	v6 =	vld [tilespmem:s8+$0xFEB0]  }
0x263: {  	[tilespmem:s8+$0xFE50] =	vst v16;
	v13 =	vadd.f32 v13, v12;
	v8 =	vld [tilespmem:s8+$0xFEC0]  }
0x264: {  	[tilespmem:s8+$0xFE60] =	vst v11;
	v12 =	vadd.f32 v14, v9;
	v9 =	vld [tilespmem:s8+$0xFED0]  }
0x265: {  	s9 =	sadd.s32 $0x400, s9;
	[tilespmem:s8+$0xFE70] =	vst v13;
	v11 =	vadd.f32 v15, v10;
	v10 =	vld [tilespmem:s8+$0xFEE0]  }
0x266: {  	[tilespmem:s8+$0xFE80] =	vst v12;
	v5 =	vadd.f32 v5, v7;
	v7 =	vld [tilespmem:s8+$0xFEF0]  }
0x267: {  	[tilespmem:s8+$0xFE90] =	vst v11;
	v4 =	vadd.f32 v4, v6  }
0x268: {  	[tilespmem:s8+$0xFEA0] =	vst v5;
	v3 =	vadd.f32 v3, v8  }
0x269: {  	[tilespmem:s8+$0xFEB0] =	vst v4;
	v2 =	vadd.f32 v2, v9  }
0x26a: {  	s9 =	sadd.s32 s4, s22;
	[tilespmem:s8+$0xFEC0] =	vst v3;
	v1 =	vadd.f32 v1, v10  }
0x26b: {  	s9 =	smul.u32 $0x640, s9;
	[tilespmem:s8+$0xFED0] =	vst v2;
	v0 =	vadd.f32 v0, v7  }
0x26c: {  	[tilespmem:s8+$0xFEE0] =	vst v1  }
0x26d: {  	s22 =	sadd.s32 s2, s9;
	[tilespmem:s8+$0xFEF0] =	vst v0;
	s8 =	simm.s32 @!p0 $0x6  }
0x26e: {  	[hbm4b:s22+s3] =	stream.linear.scatter [tilespmem:s24], [sflag:$0x7], $0x3200, $0x38;
	[tilespmem:$0x16200] =	vst v63  }
0x26f: {  	_ =	swait.ge @!p0 [sflag:s8], $0x3200  }
0x270: {  	s10 =	simm.s32 @!p0 $0xCC00;
	[sflag:s8] =	ssyncset.done @!p0 $0x0  }
0x271: {  	s9 =	simm.s32 @!p0 $0x64;
	[sflag:s8] =	ssyncadd.s32 @!p0 $0xFFFFCE00;
	s8 =	sadd.s32 @!p0 $0x410, s6  }
0x272: {  	[tilespmem:s10], [sflag:$0x2] =	stream.indirect.gather @!p0 [hbm4b:s5+s9], $0x40, s8, s9, $0xb8;
	[tilespmem:$0x16200] =	vst v63  }
0x273: {  	s6 =	sadd.s32 @!p0 $0x478, s6;
	s8 =	simm.s32 @!p0 $0xE500  }
0x274: {  	[tilespmem:s8], [sflag:$0x2] =	stream.indirect.gather @!p0 [hbm4b:s5+s9], $0x40, s6, s9, $0xb8;
	[tilespmem:$0x16200] =	vst v63  }
0x275: {  	_ =	swait.ge [sflag:s31], $0x1900  }
0x276: {  	[sflag:s31] =	ssyncset.done $0x0  }
0x277: {  	[sflag:s31] =	ssyncadd.s32 $0xFFFFE700  }
0x278: {  	_ =	swait.ge [sflag:s31], $0x1900  }
0x279: {  	[sflag:s31] =	ssyncset.done $0x0  }
0x27a: {  	s6 =	simm.s32 $0x0;
	[sflag:s31] =	ssyncadd.s32 $0xFFFFE700  }
0x27b: {  	v6 =	vld [tilespmem:s6+$0x6800]  }
0x27c: {  	v7 =	vld [tilespmem:s6+$0x6810]  }
0x27d: {  	v8 =	vld [tilespmem:s6+$0x6820]  }
0x27e: {  	v9 =	vld [tilespmem:s6+$0x6830]  }
0x27f: {  	v10 =	vld [tilespmem:s6+$0x6840]  }
0x280: {  	v11 =	vld [tilespmem:s6+$0x6850]  }
0x281: {  	v12 =	vld [tilespmem:s6+$0x6860]  }
0x282: {  	v13 =	vld [tilespmem:s6+$0x6870]  }
0x283: {  	v14 =	vld [tilespmem:s6+$0x6880]  }
0x284: {  	v15 =	vld [tilespmem:s6+$0x6890]  }
0x285: {  	v5 =	vld [tilespmem:s6+$0x68A0]  }
0x286: {  	v4 =	vld [tilespmem:s6+$0x68B0]  }
0x287: {  	v3 =	vld [tilespmem:s6+$0x68C0]  }
0x288: {  	v2 =	vld [tilespmem:s6+$0x68D0]  }
0x289: {  	v1 =	vld [tilespmem:s6+$0x68E0]  }
0x28a: {  	v0 =	vld [tilespmem:s6+$0x68F0]  }
0x28b: {  	v16 =	vld [tilespmem:s6+$0x13000]  }
0x28c: {  	v17 =	vld [tilespmem:s6+$0x13010]  }
0x28d: {  	v18 =	vld [tilespmem:s6+$0x13020]  }
0x28e: {  	v19 =	vld [tilespmem:s6+$0x13030]  }
0x28f: {  	v20 =	vld [tilespmem:s6+$0x13040]  }
0x290: {  	v60 =	vld [tilespmem:s6+$0x13050];
	v6 =	vadd.f32 v6, v16  }
0x291: {  	v21 =	vld [tilespmem:s6+$0x13060];
	v7 =	vadd.f32 v7, v17  }
0x292: {  	v61 =	vld [tilespmem:s6+$0x13070];
	[tilespmem:s6+$0x13000] =	vst v6;
	v6 =	vadd.f32 v8, v18  }
0x293: {  	v62 =	vld [tilespmem:s6+$0x13080];
	[tilespmem:s6+$0x13010] =	vst v7;
	v7 =	vadd.f32 v9, v19  }
0x294: {  	v63 =	vld [tilespmem:s6+$0x13090];
	[tilespmem:s6+$0x13020] =	vst v6;
	v6 =	vadd.f32 v10, v20  }
0x295: {  	v8 =	vadd.f32 v11, v60;
	[tilespmem:s6+$0x13030] =	vst v7;
	v7 =	vld [tilespmem:s6+$0x130A0]  }
0x296: {  	v9 =	vadd.f32 v12, v21;
	[tilespmem:s6+$0x13040] =	vst v6;
	v6 =	vld [tilespmem:s6+$0x130B0]  }
0x297: {  	[tilespmem:s6+$0x13050] =	vst v8;
	v8 =	vld [tilespmem:s6+$0x130C0];
	v10 =	vadd.f32 v13, v61  }
0x298: {  	v12 =	vadd.f32 v14, v62;
	[tilespmem:s6+$0x13060] =	vst v9;
	v9 =	vld [tilespmem:s6+$0x130D0]  }
0x299: {  	s8 =	simm.s32 $0x400;
	v11 =	vadd.f32 v15, v63;
	[tilespmem:s6+$0x13070] =	vst v10;
	v10 =	vld [tilespmem:s6+$0x130E0]  }
.LBB2_17:
0x29a: {  	s9 =	sshra.s32 s8, $0x2;
	p0 =	sne.s32 s8, $0xC400;
	[tilespmem:s6+$0x13080] =	vst v12;
	v5 =	vadd.f32 v5, v7;
	v7 =	vld [tilespmem:s6+$0x130F0]  }
0x29b: {  	v12 =	vld [tilespmem:s9+$0x6800];
	[tilespmem:s6+$0x13090] =	vst v11;
	v4 =	vadd.f32 v4, v6  }
0x29c: {  	v6 =	vld [tilespmem:s9+$0x6810];
	[tilespmem:s6+$0x130A0] =	vst v5;
	v3 =	vadd.f32 v3, v8  }
0x29d: {  	v8 =	vld [tilespmem:s9+$0x6820];
	[tilespmem:s6+$0x130B0] =	vst v4;
	v2 =	vadd.f32 v2, v9  }
0x29e: {  	v9 =	vld [tilespmem:s9+$0x6830];
	[tilespmem:s6+$0x130C0] =	vst v3;
	v1 =	vadd.f32 v1, v10  }
0x29f: {  	v10 =	vld [tilespmem:s9+$0x6840];
	[tilespmem:s6+$0x130D0] =	vst v2;
	v0 =	vadd.f32 v0, v7  }
0x2a0: {  	v7 =	vld [tilespmem:s9+$0x6850];
	[tilespmem:s6+$0x130E0] =	vst v1  }
0x2a1: {  	v11 =	vld [tilespmem:s9+$0x6860];
	[tilespmem:s6+$0x130F0] =	vst v0;
	s6 =	smov.u32 s9  }
0x2a2: {  	v13 =	vld [tilespmem:s6+$0x6870]  }
0x2a3: {  	v14 =	vld [tilespmem:s6+$0x6880]  }
0x2a4: {  	v15 =	vld [tilespmem:s6+$0x6890]  }
0x2a5: {  	v5 =	vld [tilespmem:s6+$0x68A0]  }
0x2a6: {  	v4 =	vld [tilespmem:s6+$0x68B0]  }
0x2a7: {  	v3 =	vld [tilespmem:s6+$0x68C0]  }
0x2a8: {  	v2 =	vld [tilespmem:s6+$0x68D0]  }
0x2a9: {  	v1 =	vld [tilespmem:s6+$0x68E0]  }
0x2aa: {  	v0 =	vld [tilespmem:s6+$0x68F0]  }
0x2ab: {  	v16 =	vld [tilespmem:s6+$0x13000]  }
0x2ac: {  	v17 =	vld [tilespmem:s6+$0x13010]  }
0x2ad: {  	v18 =	vld [tilespmem:s6+$0x13020]  }
0x2ae: {  	v19 =	vld [tilespmem:s6+$0x13030]  }
0x2af: {  	v20 =	vld [tilespmem:s6+$0x13040]  }
0x2b0: {  	v12 =	vadd.f32 v12, v16;
	v16 =	vld [tilespmem:s6+$0x13050]  }
0x2b1: {  	v6 =	vadd.f32 v6, v17;
	v17 =	vld [tilespmem:s6+$0x13060]  }
0x2b2: {  	[tilespmem:s6+$0x13000] =	vst v12;
	v8 =	vadd.f32 v8, v18;
	v12 =	vld [tilespmem:s6+$0x13070]  }
0x2b3: {  	[tilespmem:s6+$0x13010] =	vst v6;
	v6 =	vadd.f32 v9, v19;
	v9 =	vld [tilespmem:s6+$0x13080]  }
0x2b4: {  	[tilespmem:s6+$0x13020] =	vst v8;
	v8 =	vadd.f32 v10, v20;
	v10 =	vld [tilespmem:s6+$0x13090]  }
.Ltmp7:
0x2b5: {  	[tilespmem:s6+$0x13030] =	vst v6;
	v16 =	vadd.f32 v7, v16;
	v7 =	vld [tilespmem:s6+$0x130A0];
	(pc) =	sbr.rel @p0 .LBB2_17-.Ltmp7, $4  }
0x2b6: {  	[tilespmem:s6+$0x13040] =	vst v8;
	v11 =	vadd.f32 v11, v17;
	v6 =	vld [tilespmem:s6+$0x130B0]  }
0x2b7: {  	[tilespmem:s6+$0x13050] =	vst v16;
	v13 =	vadd.f32 v13, v12;
	v8 =	vld [tilespmem:s6+$0x130C0]  }
0x2b8: {  	[tilespmem:s6+$0x13060] =	vst v11;
	v12 =	vadd.f32 v14, v9;
	v9 =	vld [tilespmem:s6+$0x130D0]  }
0x2b9: {  	s8 =	sadd.s32 $0x400, s8;
	[tilespmem:s6+$0x13070] =	vst v13;
	v11 =	vadd.f32 v15, v10;
	v10 =	vld [tilespmem:s6+$0x130E0]  }
0x2ba: {  	[tilespmem:s6+$0x13080] =	vst v12;
	v5 =	vadd.f32 v5, v7;
	v63 =	vld [tilespmem:s6+$0x130F0]  }
0x2bb: {  	[tilespmem:s6+$0x13090] =	vst v11;
	v4 =	vadd.f32 v4, v6  }
0x2bc: {  	s29 =	sadd.s32 $0x1, s29;
	[tilespmem:s6+$0x130A0] =	vst v5;
	v3 =	vadd.f32 v3, v8  }
0x2bd: {  	p0 =	sne.s32 s29, $0x20;
	[tilespmem:s6+$0x130B0] =	vst v4;
	v2 =	vadd.f32 v2, v9  }
.Ltmp8:
0x2be: {  	s8 =	sadd.s32 s4, s18;
	[tilespmem:s6+$0x130C0] =	vst v3;
	v1 =	vadd.f32 v1, v10;
	(pc) =	sbr.rel @p0 .LBB2_10-.Ltmp8, $4  }
0x2bf: {  	s8 =	smul.u32 $0x640, s8;
	[tilespmem:s6+$0x130D0] =	vst v2;
	v0 =	vadd.f32 v0, v63  }
0x2c0: {  	[tilespmem:s6+$0x130E0] =	vst v1  }
0x2c1: {  	s22 =	sadd.s32 s2, s8;
	[tilespmem:s6+$0x130F0] =	vst v0  }
0x2c2: {  	[hbm4b:s22+s3] =	stream.linear.scatter [tilespmem:s30], [sflag:$0x8], $0x3200, $0x38;
	[tilespmem:$0x16200] =	vst v63  }
0x2c3: {  	_ =	swait.ge [sflag:s14], $0x3200  }
0x2c4: {  	[sflag:s14] =	ssyncset.done $0x0  }
0x2c5: {  	[sflag:s14] =	ssyncadd.s32 $0xFFFFCE00  }
0x2c6: {  	_ =	swait.ge [sflag:s23], $0x3200  }
0x2c7: {  	[sflag:s23] =	ssyncset.done $0x0  }
0x2c8: {  	s25 =	sadd.s32 $0x1, s25;
	[sflag:s23] =	ssyncadd.s32 $0xFFFFCE00  }
0x2c9: {  	p0 =	sne.s32 s25, s12;
	_ =	swait.ge [sflag:s17], $0x3200  }
.Ltmp9:
0x2ca: {  	[sflag:s17] =	ssyncset.done $0x0;
	(pc) =	sbr.rel @p0 .LBB2_1-.Ltmp9, $4  }
0x2cb: {  	[sflag:s17] =	ssyncadd.s32 $0xFFFFCE00  }
0x2cc: {  	_ =	swait.ge [sflag:s19], $0x3200  }
0x2cd: {  	[sflag:s19] =	ssyncset.done $0x0  }
0x2ce: {  	s10 =	simm.s32 $0xB300;
	s18 =	simm.s32 $0xE500;
	[sflag:s19] =	ssyncadd.s32 $0xFFFFCE00  }
0x2cf: {  	_ =	sfence.sel $0x180000  }
0x2d0: {  	[bflag:$0x0] =	sbarrier.arrive $0xFFFF  }
0x2d1: {  	_ =	strace $0x90000047  }
0x2d2: {  	s0 =	stileid.u32;
	[bflag:$0x2] =	sbarrier.arrive $0xFFFF  }
0x2d3: {  	p0 =	sne.s32 s0, $0x0;
	s0 =	rddreg [dreg:$0x2]  }
0x2d4: {  	s0 =	sadd.s32 @!p0 $0x100000, s0  }
0x2d5: {  	[sflag:s0] =	ssyncadd.tile.s32 @!p0 $0x1;
	_ =	shalt  }
.Lfunc_end2:
_tile_overlayer_lowered:
.L_overlay_start_2:
0x2d6: {  	(tag) =	ssettag $0x2  }
0x2d7: {  	s0 =	rddreg [dreg:$0x0];
	s2 =	stileid.u32  }
0x2d8: {  	s1 =	rddreg [dreg:$0x1];
	p0 =	sne.s32 s2, $0x0  }
0x2d9: {  	s3 =	rddreg [dreg:$0x2];
	[bflag:$0x3] =	sbarrier.arrive $0xFFFF;
	s2 =	simm.s32 @!p0 $0x1C09  }
0x2da: {  	[timem:s3], [sflag:s2] =	dma.local @!p0 [hbm:s0], s1  }
0x2db: {  	s0 =	simm.s32 @!p0 $0x9  }
0x2dc: {  	_ =	swait.ge @!p0 [sflag:s0], s1  }
0x2dd: {  	s1 =	ssub.s32 @!p0 $0x0, s1;
	[sflag:s0] =	ssyncset.done @!p0 $0x0  }
0x2de: {  	[sflag:s0] =	ssyncadd.s32 @!p0 s1  }
0x2df: {  	[bflag:$0x3] =	sbarrier.arrive $0xFFFF  }
0x2e0: {  	_ =	shalt  }

// kernel: sparse-core-data-format-call.cloned.1.call-start
scs
called_computation_lowered:
.L_overlay_start_0:
0x0: {  	s2 =	sld [smem:$0x3FD9]  }
0x1: {  	s3 =	sld [smem:$0x3FFE];
	_ =	sdelay $0x1  }
0x2: {  	s1 =	srdreg.scid  }
0x3: {  	s0 =	sand.u32 $0x1, s1  }
0x4: {  	s18 =	sshll.u32 s0, $0xA;
	s2 =	sadd.s32 s3, s2  }
0x5: {  	s2 =	sadd.s32 s2, s18  }
0x6: {  	[smem:$0x3FC5] =	sst s2  }
0x7: {  	_ = 	snop  }
0x8: {  	s2 =	sld [smem:$0x3FD0];
	(tm) =	ssettm $0x1  }
0x9: {  	s19 =	sld [smem:$0x3FFB];
	_ =	sdelay $0x3  }
0xa: {  	_ =	strace s19  }
0xb: {  	s3 =	sld [smem:$0x3FFC];
	_ =	sdelay $0x3  }
0xc: {  	_ =	strace s3  }
0xd: {  	s3 =	sld [smem:$0x3FFD];
	_ =	sdelay $0x3  }
0xe: {  	_ =	strace s3  }
0xf: {  	_ =	strace $0x8FFFFFFF  }
0x10: {  	s20 =	sld [smem:$0x3FDB];
	_ =	sdelay $0x1  }
0x11: {  	s4 =	simm.s32 $_scs_section_size  }
0x12: {  	s5 =	simm.s32 $_size__tile_overlayer_lowered;
	s6 =	simm.s32 $_tile_overlayer_lowered  }
0x13: {  	s23 =	simm.s32 $0x1BFF;
	s22 =	sshll.u32 s6, $0x1;
	s3 =	sadd.s32 s4, s20  }
0x14: {  	s7 =	simm.s32 $0x0;
	s21 =	sshll.u32 s5, $0x1;
	s5 =	sadd.s32 s22, s3  }
0x15: {  	[timem:s7], [sflag:s23] =	dma.local [hbm:s5], s21  }
0x16: {  	_ =	swait.ge [sflag:s23], s21  }
0x17: {  	s4 =	ssub.s32 $0x0, s21;
	[sflag:s23] =	ssyncset.done $0x0  }
0x18: {  	[sflag:s23] =	ssyncadd.s32 s4;
	_ =	sdelay $0x1  }
0x19: {  	s24 =	simm.s32 $0x1B8B  }
0x1a: {  	_ =	swait.ge [sflag:s24], $0x1  }
0x1b: {  	[sflag:s24] =	ssyncset.done $0x0  }
0x1c: {  	s26 =	simm.s32 $0x1B8E;
	s25 =	sld [smem:$0x3FFE];
	[sflag:s24] =	ssyncadd.s32 $0xFFFFFFFF  }
0x1d: {  	s27 =	simm.s32 $execute0_lowered;
	[smem:$0x3FD2] =	sst s26  }
0x1e: {  	s5 =	sshll.u32 s27, $0x1;
	_ =	strace $0x80000049;
	[dreg:$0x1] =	wrdreg $0xFFFFFFFF  }
0x1f: {  	s28 =	simm.s32 $_size_execute0_lowered;
	s3 =	sadd.s32 s3, s5;
	[dreg:$0x0] =	wrdreg $0x0  }
0x20: {  	s5 =	sshll.u32 s28, $0x1;
	[dreg:$0x2] =	wrdreg s3  }
0x21: {  	[dreg:$0x3] =	wrdreg s5  }
0x22: {  	[dreg:$0x4] =	wrdreg $0xC0  }
0x23: {  	_ =	task [dreg:s7], $0x5FFFF  }
0x24: {  	[dreg:$0x1] =	wrdreg $0xFFFFFFFF  }
0x25: {  	[dreg:$0x0] =	wrdreg $0x60  }
0x26: {  	[dreg:$0x2] =	wrdreg s25  }
0x27: {  	[dreg:$0x3] =	wrdreg s2  }
0x28: {  	[dreg:$0x4] =	wrdreg $0x9  }
0x29: {  	_ =	task.clear_ibuf [dreg:s7], $0x5FFFF;
	_ =	strace $0x90000049  }
0x2a: {  	s29 =	simm.s32 $0x9;
	_ =	strace $0x8000004B  }
0x2b: {  	_ =	swait.ge [sflag:s29], $0x1  }
0x2c: {  	[sflag:s29] =	ssyncadd.s32 $0xFFFFFFFF  }
0x2d: {  	_ =	strace $0x9000004B  }
0x2e: {  	_ =	sfence  }
0x2f: {  	s30 =	sld [smem:$0x0];
	_ =	sdelay $0x2  }
0x30: {  	s31 =	sshll.u32 s1, $0xD;
	s1 =	sshrl.u32 s1, $0x2  }
0x31: {  	s3 =	sand.u32 $0x4000, s31;
	s1 =	sadd.s32 s1, s30  }
0x32: {  	s0 =	sor.u32 s3, s0;
	s1 =	sshll.u32 s1, $0x11  }
0x33: {  	s0 =	sor.u32 s1, s0  }
0x34: {  	s0 =	sadd.s32 $0x8F2B, s0  }
0x35: {  	[sflag:s0] =	ssyncadd.remote.s32 $0x1  }
0x36: {  	_ =	sfence.sel $0xFFFF  }
0x37: {  	[dreg:$0x0] =	wrdreg $0xFFFFFFFF;
	(pc) =	sbr.abs _section_cstart, $3  }
0x38: {  	[dreg:$0x1] =	wrdreg $0xFFFFFFFF  }
0x39: {  	_ =	task.clear_ibuf [dreg:s7], $0x2FFFF;
	_ =	strace $0x9FFFFFFF  }
0x3a: {  	(tm) =	ssettm $0x7FFFFFFF  }
0x3b: {  	_ =	shalt  }
tec
execute0_lowered:
.L_overlay_start_1:
0x0: {  	(tag) =	ssettag $0x1  }
0x1: {  	s0 =	srdreg.scid  }
0x2: {  	s1 =	sshll.u32 s0, $0x4  }
0x3: {  	s0 =	stileid.u32;
	s1 =	sand.u32 $0x10, s1  }
0x4: {  	s1 =	sor.u32 s0, s1  }
0x5: {  	s6 =	rddreg [dreg:$0x0];
	s4 =	simm.s32 $0x1;
	s2 =	sshll.u32 s1, $0x7  }
0x6: {  	s7 =	simm.s32 $0x2;
	s12 =	simm.s32 $0x0;
	s1 =	ssub.s32 $0x1000, s2  }
0x7: {  	s8 =	simm.s32 $0x8000;
	s13 =	simm.s32 $0x0;
	s3 =	sand.u32 $0xF80, s1  }
0x8: {  	s9 =	simm.s32 $0x0;
	s5 =	sshrl.u32 s1, $0xC;
	p0 =	sne.s32 s3, $0x0  }
.Ltmp0:
0x9: {  	s1 =	rddreg [dreg:$0x2];
	s4 =	simm.s32 @!p0 $0x0;
	(pc) =	sbr.rel .LBB1_1-.Ltmp0, $4  }
0xa: {  	s11 =	simm.s32 $0x0;
	s3 =	rddreg [dreg:$0x1];
	s5 =	sadd.s32 s4, s5  }
0xb: {  	_ =	strace $0x8000004A;
	s4 =	simm.s32 $0x1;
	s5 =	smul.u32 $0xC8, s5  }
0xc: {  	s6 =	sadd.s32 $0xC00, s6;
	s10 =	smov.u32 s2;
	[sflag:s4] =	ssyncpa.u1 $0x0  }
0xd: {  	p0 =	por $0x0, $0x0;
	[sflag:s7] =	ssyncpa.u1 $0x0;
	s7 =	sor.u32 $0x1, s5  }
.LBB1_4:
0xe: {  	s16 =	sshll.u32 s13, $0x3;
	s17 =	sand.u32 $0x78, s13  }
0xf: {  	s30 =	sand.u32 $0x7E00, s13;
	s12 =	sshll.u32 s12, $0xF;
	s16 =	sand.u32 $0xC00, s16  }
0x10: {  	[tilespmem:s15+$0x810 ss:$0x81] =	vst.msk $0xffff, v2;
	s31 =	sand.u32 $0x7, s13;
	s16 =	sor.u32 s17, s16;
	s17 =	sadd.s32 s3, s30  }
0x11: {  	[tilespmem:s15+$0x1020 ss:$0x81] =	vst.msk $0xffff, v0;
	s13 =	sshll.u32 s31, $0x12;
	s12 =	sadd.s32 s12, s17;
	s16 =	sshrl.u32 s16, $0x3  }
0x12: {  	[tilespmem:s15+$0x0 ss:$0x81] =	vst.msk $0xffff, v1;
	s13 =	sor.u32 $0x400, s13;
	s12 =	sadd.s32 s16, s12  }
0x13: {  	[hbm4b:s12+s13] =	stream.strided.scatter [tilespmem:s14], [sflag:$0x2], $0x2000, s8, s13, $0x20;
	[tilespmem:$0x8080] =	vst v63  }
.LBB1_5:
0x14: {  	s14 =	sadd.s32 $0x1, s9  }
0x15: {  	s12 =	sadd.s32 $0x1000, s10;
	s16 =	smov.u32 s10;
	p2 =	sgt.s32 s14, $0xC7  }
0x16: {  	s16 =	smov.u32 @p2 s12  }
0x17: {  	s14 =	simm.s32 @p2 $0x0;
	p2 =	sgt.s32 s16, $0xFFF  }
0x18: {  	s16 =	smov.u32 @p2 s2;
	p2 =	sne.s32 s11, s7  }
.Ltmp1:
0x19: {  	p1 =	slt.u32 s11, $0x2;
	(pc) =	sbr.rel @!p2 .LBB1_6-.Ltmp1, $4  }
0x1a: {  	s15 =	simm.s32 @!p1 $0x2  }
0x1b: {  	s13 =	smov.u32 s10;
	p0 =	por !p0, !p0;
	_ =	swait.ge @!p1 [sflag:s15], $0x2000  }
0x1c: {  	s12 =	smov.u32 s9;
	[sflag:s15] =	ssyncset.done @!p1 $0x0;
	s9 =	smov.u32 s14  }
0x1d: {  	s11 =	sadd.s32 $0x1, s11;
	[sflag:s15] =	ssyncadd.s32 @!p1 $0xFFFFE000;
	s10 =	smov.u32 s16  }
.LBB1_1:
0x1e: {  	p1 =	sge.u32 s11, s5  }
0x1f: {  	s14 =	sand.u32 @!p1 $0x1FFFFFF, s9  }
0x20: {  	s15 =	smulhi.u32 @!p1 $0x147AE15, s14;
	_ =	sdelay $0x1  }
0x21: {  	s15 =	smul.u32 @!p1 $0xC8, s15  }
0x22: {  	s16 =	sxor.u32 @!p1 $0xFFFFFFFF, s11;
	s17 =	smul.u32 @!p1 $0xC80, s10  }
0x23: {  	s31 =	sadd.s32 $0xFFFFFFFF, s11;
	s16 =	sshll.u32 @!p1 s16, $0xD;
	s14 =	ssub.s32 @!p1 s14, s15  }
0x24: {  	s15 =	sand.u32 @!p1 $0x2000, s16;
	s16 =	sadd.s32 @!p1 s6, s17;
	s14 =	sshll.u32 @!p1 s14, $0x4  }
0x25: {  	s17 =	simm.s32 @!p1 $0x6400;
	s14 =	sadd.s32 @!p1 s14, s16;
	s16 =	simm.s32 @!p1 $0x40  }
0x26: {  	[tilespmem:s15], [sflag:$0x1] =	stream.strided.gather @!p1 [hbm4b:s14+s16], $0x2000, s17, s16, $0x38;
	[tilespmem:$0x8080] =	vst v63  }
0x27: {  	p1 =	sge.u32 s31, s5  }
.Ltmp2:
0x28: {  	_ = 	snop;
	(pc) =	sbr.rel @p1 .LBB1_5-.Ltmp2, $1  }
0x29: {  	_ =	sdelay $0x3  }
0x2a: {  	s14 =	simm.s32 $0x1  }
0x2b: {  	_ =	swait.ge [sflag:s4], $0x2000;
	s14 =	simm.s32 @!p0 $0x0  }
0x2c: {  	[sflag:s4] =	ssyncset.done $0x0;
	s15 =	sshll.u32 s14, $0xD  }
0x2d: {  	[sflag:s4] =	ssyncadd.s32 $0xFFFFE000;
	s18 =	sor.u32 $0x20, s15  }
0x2e: {  	s14 =	smul.u32 $0x8100, s14;
	v3 =	vld [tilespmem:s18+$0x10]  }
0x2f: {  	s30 =	sand.u32 $0x1, s11;
	v2 =	vld [tilespmem:s18+$0xFFFFFFF0]  }
0x30: {  	s15 =	smul.u32 $0x8100, s30;
	s14 =	sshrl.u32 s14, $0x2;
	v0 =	vld [tilespmem:s18+$0x0]  }
0x31: {  	v1 =	vld [tilespmem:s18+$0xFFFFFFE0];
	s16 =	sor.u32 $0x4000, s14  }
0x32: {  	s31 =	sshrl.u32 s15, $0x2;
	s15 =	sadd.s32 $0x0, s16  }
0x33: {  	s17 =	simm.s32 $0x4;
	s18 =	sadd.s32 $0x40, s18;
	s14 =	sor.u32 $0x4000, s31;
	[tilespmem:s15+$0x1830 ss:$0x81] =	vst.msk $0xffff, v3  }
.LBB1_3:
0x34: {  	v3 =	vld [tilespmem:s18+$0x10];
	p1 =	sne.s32 s17, $0x1FC;
	[tilespmem:s15+$0x810 ss:$0x81] =	vst.msk $0xffff, v2;
	s19 =	smov.u32 s17;
	s17 =	sadd.s32 $0x4, s17  }
.Ltmp3:
0x35: {  	v2 =	vld [tilespmem:s18+$0xFFFFFFF0];
	[tilespmem:s15+$0x1020 ss:$0x81] =	vst.msk $0xffff, v0;
	(pc) =	sbr.rel @p1 .LBB1_3-.Ltmp3, $4  }
0x36: {  	v0 =	vld [tilespmem:s18+$0x0];
	[tilespmem:s15+$0x0 ss:$0x81] =	vst.msk $0xffff, v1  }
0x37: {  	s15 =	sshra.s32 s19, $0x2;
	v1 =	vld [tilespmem:s18+$0xFFFFFFE0]  }
0x38: {  	s15 =	sadd.s32 s15, s16  }
0x39: {  	s18 =	sadd.s32 $0x40, s18;
	[tilespmem:s15+$0x1830 ss:$0x81] =	vst.msk $0xffff, v3  }
.Ltmp4:
0x3a: {  	_ = 	snop;
	(pc) =	sbr.rel .LBB1_4-.Ltmp4, $1  }
0x3b: {  	_ =	sdelay $0x3  }
.LBB1_6:
0x3c: {  	_ =	sfence.sel $0x180000  }
0x3d: {  	s2 =	simm.s32 $0x1;
	[bflag:$0x0] =	sbarrier.arrive $0xFFFF  }
0x3e: {  	s31 =	simm.s32 $0x2;
	[sflag:s2] =	ssyncpa.u1 $0x1  }
0x3f: {  	[sflag:s31] =	ssyncpa.u1 $0x1  }
0x40: {  	p0 =	sne.s32 s0, $0x0;
	_ =	strace $0x9000004A  }
0x41: {  	s0 =	sadd.s32 @!p0 $0x100000, s1;
	[bflag:$0x2] =	sbarrier.arrive $0xFFFF  }
0x42: {  	[sflag:s0] =	ssyncadd.tile.s32 @!p0 $0x1;
	_ =	shalt  }
.Lfunc_end1:
_tile_overlayer_lowered:
.L_overlay_start_2:
0x43: {  	(tag) =	ssettag $0x2  }
0x44: {  	s0 =	rddreg [dreg:$0x0];
	s2 =	stileid.u32  }
0x45: {  	s1 =	rddreg [dreg:$0x1];
	p0 =	sne.s32 s2, $0x0  }
0x46: {  	s3 =	rddreg [dreg:$0x2];
	[bflag:$0x3] =	sbarrier.arrive $0xFFFF;
	s2 =	simm.s32 @!p0 $0x1C01  }
0x47: {  	[timem:s3], [sflag:s2] =	dma.local @!p0 [hbm:s0], s1  }
0x48: {  	s0 =	simm.s32 @!p0 $0x1  }
0x49: {  	_ =	swait.ge @!p0 [sflag:s0], s1  }
0x4a: {  	s1 =	ssub.s32 @!p0 $0x0, s1;
	[sflag:s0] =	ssyncset.done @!p0 $0x0  }
0x4b: {  	[sflag:s0] =	ssyncadd.s32 @!p0 s1  }
0x4c: {  	[bflag:$0x3] =	sbarrier.arrive $0xFFFF  }
0x4d: {  	_ =	shalt  }

</sc_bundles>
